<compile_context>
chip_gen: v7x
topology: tpu7x:2x2x1
jax: 0.10.2.dev20260603
libtpu: 0.0.44.dev20260713+nightly
codegen_flags: <defaults>
</compile_context>

<pallas_src>
import functools

import jax
import jax.numpy as jnp
from jax import lax
from jax.experimental import pallas as pl
from jax.experimental.pallas import tpu as pltpu
from jax.experimental.pallas import tpu_sc as plsc

HZ_ = 100
BS_ = 16
SLEN_ = 30000
CH_ = 12
CHH_ = CH_ // 2
NSEG_ = SLEN_ // HZ_
NCH_ = CH_ * HZ_
NVREG_ = NCH_ // 16
WIN_ = 256
SK_ = 129
BSTR_ = CH_ * SK_
NCHUNK_ = 8
SROUNDS_ = 10


def _sc_body(x_hbm, sl_hbm, pidx_hbm, out_hbm, osl_hbm,
             buf, ts_flat, ts_out, pidx_v, sl_v, rsem_a, rsem_b, wsem):
    info = plsc.get_sparse_core_info()
    nworkers = info.num_cores * info.num_subcores
    wid = lax.axis_index("s") * info.num_cores + lax.axis_index("c")
    iota = lax.iota(jnp.int32, 16)

    pltpu.sync_copy(pidx_hbm, pidx_v)

    @pl.when(wid == 0)
    def _():
        pltpu.sync_copy(sl_hbm, sl_v)
        sl_v[...] = lax.div(sl_v[...], iota * 0 + HZ_)
        pltpu.sync_copy(sl_v, osl_hbm)

    def _a0(s):
        return pl.multiple_of(((s * HZ_) // 128) * 128, 128)

    def _read_copy(s, half, sem):
        return pltpu.make_async_copy(
            x_hbm.at[pl.ds(half * CHH_, CHH_), :, pl.ds(_a0(s), WIN_)],
            buf.at[pl.ds(half * CHH_, CHH_)],
            sem,
        )

    _read_copy(wid, 0, rsem_a).start()
    _read_copy(wid, 1, rsem_b).start()

    def _stage2(c0, clo):
        def _cstep(c, carry2):
            coff = c * SK_
            for b in range(BS_):
                gs = [
                    buf[c, b, pl.ds(c0 + 16 * m, 16)] for m in range(NCHUNK_)
                ]
                for m in range(NCHUNK_):
                    ts_flat[pl.ds(b * BSTR_ + coff + 16 * m, 16)] = gs[m]
            return carry2

        lax.fori_loop(clo, clo + CHH_, _cstep, 0)

    def _seg(k, carry):
        s = wid + nworkers * k

        @pl.when(s < NSEG_)
        def _():
            t0 = s * HZ_
            off = t0 - _a0(s)
            c0 = pl.multiple_of((off // 16) * 16, 16)
            off2 = off - c0
            s_nxt = s + nworkers

            _read_copy(s, 0, rsem_a).wait()
            _stage2(c0, 0)

            @pl.when(s_nxt < NSEG_)
            def _():
                _read_copy(s_nxt, 0, rsem_a).start()

            _read_copy(s, 1, rsem_b).wait()
            _stage2(c0, CHH_)

            @pl.when(s_nxt < NSEG_)
            def _():
                _read_copy(s_nxt, 1, rsem_b).start()

            @pl.when(s >= nworkers)
            def _():
                pltpu.make_async_copy(ts_out, out_hbm.at[s - nworkers], wsem).wait()

            off2v = iota * 0 + off2

            def _vstep(v, carry2):
                base = pidx_v[pl.ds(16 * v, 16)] + off2v
                gs = [
                    plsc.load_gather(ts_flat, [base + (b * BSTR_)])
                    for b in range(BS_)
                ]
                for b in range(BS_):
                    ts_out[b, pl.ds(16 * v, 16)] = gs[b]
                return carry2

            lax.fori_loop(0, NVREG_, _vstep, 0)
            pltpu.make_async_copy(ts_out, out_hbm.at[s], wsem).start()

        return carry

    lax.fori_loop(0, SROUNDS_, _seg, 0)

    s_last = wid + nworkers * ((NSEG_ - 1 - wid) // nworkers)
    pltpu.make_async_copy(ts_out, out_hbm.at[s_last], wsem).wait()


def kernel(x, seq_lens):
    xt = jnp.transpose(x, (2, 0, 1))
    sl = seq_lens.astype(jnp.int32)
    didx = jnp.arange(NCH_, dtype=jnp.int32)
    pidx = (didx % CH_) * SK_ + didx // CH_
    mesh = plsc.VectorSubcoreMesh(core_axis_name="c", subcore_axis_name="s")
    sc = functools.partial(
        pl.kernel,
        out_type=[
            jax.ShapeDtypeStruct((NSEG_, BS_, NCH_), x.dtype),
            jax.ShapeDtypeStruct((BS_,), jnp.int32),
        ],
        scratch_types=[
            pltpu.VMEM((CH_, BS_, WIN_), jnp.float32),
            pltpu.VMEM((BS_ * BSTR_,), jnp.float32),
            pltpu.VMEM((BS_, NCH_), jnp.float32),
            pltpu.VMEM((NCH_,), jnp.int32),
            pltpu.VMEM((BS_,), jnp.int32),
            pltpu.SemaphoreType.DMA,
            pltpu.SemaphoreType.DMA,
            pltpu.SemaphoreType.DMA,
        ],
        mesh=mesh,
        compiler_params=pltpu.CompilerParams(needs_layout_passes=False),
    )(_sc_body)
    out_t, osl = sc(xt, sl, pidx)
    return jnp.transpose(out_t, (1, 0, 2)), osl.astype(seq_lens.dtype)

# --- scband reference (transcript-rebuilt; emitter-appended) ---
"""Pipeline reference for scband-segmentation-86079734547181 (READ-ONLY COPY).

The authoritative reference and input builder live on the scoring server;
editing this copy changes nothing except your own understanding.
"""

import jax, jax.numpy as jnp
import numpy as np

HZ = 100

def setup_inputs(seed: int = 0) -> dict:
    key = jax.random.key(seed)
    k1, k2 = jax.random.split(key)
    x = jax.random.normal(k1, (16, 30000, 12), dtype=jnp.float32)
    seq_lens = jax.random.randint(k2, (16,), 0, 30000).astype(jnp.int64)
    return {"x": x, "seq_lens": seq_lens}

def reference(x, seq_lens):
    # seg_ways='fix' path: reshape [bs, slen, ch] -> [bs, slen/hz, ch*hz]
    bs, slen, ch = x.shape
    new_len = slen // HZ
    new_ch = ch * HZ
    tmp_x = x.reshape(bs, new_len, new_ch)
    # torch: (seq_lens / hz).long() truncates toward zero; seq_lens >= 0 so // matches
    new_seq_lens = (seq_lens // HZ).astype(jnp.int64)
    return (tmp_x, new_seq_lens)

if __name__ == "__main__":
    import jax
    _d = setup_inputs()
    print(jax.jit(kernel)(*tuple(_d.values())))

</pallas_src>

<mosaic_0001>
#map = affine_map<(d0, d1) -> (0, 0, 0)>
#map1 = affine_map<(d0, d1) -> (0)>
module attributes {stable_mosaic.version = 14 : i64} {
  func.func @_sc_body(%arg0: i32, %arg1: i32, %arg2: memref<12x16x30000xf32, #tpu.memory_space<hbm>>, %arg3: memref<16xi32, #tpu.memory_space<hbm>>, %arg4: memref<1200xi32, #tpu.memory_space<hbm>>, %arg5: memref<300x16x1200xf32, #tpu.memory_space<hbm>>, %arg6: memref<16xi32, #tpu.memory_space<hbm>>, %arg7: memref<12x16x256xf32, #tpu.memory_space<vmem>>, %arg8: memref<24768xf32, #tpu.memory_space<vmem>>, %arg9: memref<16x1200xf32, #tpu.memory_space<vmem>>, %arg10: memref<1200xi32, #tpu.memory_space<vmem>>, %arg11: memref<16xi32, #tpu.memory_space<vmem>>, %arg12: memref<!tpu.dma_semaphore, #tpu.memory_space<semaphore_mem>>, %arg13: memref<!tpu.dma_semaphore, #tpu.memory_space<semaphore_mem>>, %arg14: memref<!tpu.dma_semaphore, #tpu.memory_space<semaphore_mem>>) attributes {dimension_semantics = [#tpu.dimension_semantics<core_parallel>, #tpu.dimension_semantics<subcore_parallel>], iteration_bounds = array<i64: 2, 16>, scalar_prefetch = 0 : i64, scratch_operands = 8 : i64, tpu.core_type = #tpu.core_type<sc_vector_subcore>, window_params = [{transform_indices = #map}, {transform_indices = #map1}, {transform_indices = #map1}, {transform_indices = #map}, {transform_indices = #map1}]} {
    %mul3A = arith.constant 2 : i32
    %mul3A_0 = arith.muli %arg1, %mul3A : i32
    %add3A = arith.addi %mul3A_0, %arg0 : i32
    %iota3A = tpu.iota {dimensions = array<i32: 0>} : vector<16xi32>
    "tpu.region"() ({
      %run_scoped3A = tpu.sem_alloc : memref<!tpu.dma_semaphore, #tpu.memory_space<semaphore_mem>>
      tpu.enqueue_dma source(%arg4 : memref<1200xi32, #tpu.memory_space<hbm>>) target(%arg10 : memref<1200xi32, #tpu.memory_space<vmem>>) target_semaphore(%run_scoped3A : memref<!tpu.dma_semaphore, #tpu.memory_space<semaphore_mem>>)
      tpu.wait_dma2 semaphore(%run_scoped3A : memref<!tpu.dma_semaphore, #tpu.memory_space<semaphore_mem>>) src(%arg4 : memref<1200xi32, #tpu.memory_space<hbm>>) dst(%arg10 : memref<1200xi32, #tpu.memory_space<vmem>>)
      tpu.yield
    }) : () -> ()
    %eq3A = arith.constant 0 : i32
    %eq3A_1 = arith.cmpi eq, %add3A, %eq3A : i32
    %convert_element_type3A = arith.extui %eq3A_1 : i1 to i32
    %cond3A = arith.constant 0 : i32
    %cond3A_2 = arith.cmpi ne, %convert_element_type3A, %cond3A : i32
    scf.if %cond3A_2 {
      "tpu.region"() ({
        %run_scoped3A = tpu.sem_alloc : memref<!tpu.dma_semaphore, #tpu.memory_space<semaphore_mem>>
        tpu.enqueue_dma source(%arg3 : memref<16xi32, #tpu.memory_space<hbm>>) target(%arg11 : memref<16xi32, #tpu.memory_space<vmem>>) target_semaphore(%run_scoped3A : memref<!tpu.dma_semaphore, #tpu.memory_space<semaphore_mem>>)
        tpu.wait_dma2 semaphore(%run_scoped3A : memref<!tpu.dma_semaphore, #tpu.memory_space<semaphore_mem>>) src(%arg3 : memref<16xi32, #tpu.memory_space<hbm>>) dst(%arg11 : memref<16xi32, #tpu.memory_space<vmem>>)
        tpu.yield
      }) : () -> ()
      %get3A = arith.constant 0 : index
      %get3A_120 = tpu.vector_load %arg11[%get3A] {strides = array<i32>} : memref<16xi32, #tpu.memory_space<vmem>>, vector<16xi32>,
      %mul3A_121 = arith.constant 0 : i32
      %mul3A_122 = vector.broadcast %mul3A_121 : i32 to vector<16xi32>
      %mul3A_123 = arith.muli %iota3A, %mul3A_122 : vector<16xi32>
      %add3A_124 = arith.constant 100 : i32
      %add3A_125 = vector.broadcast %add3A_124 : i32 to vector<16xi32>
      %add3A_126 = arith.addi %mul3A_123, %add3A_125 : vector<16xi32>
      %div3A_127 = arith.divsi %get3A_120, %add3A_126 : vector<16xi32>
      %swap3A = arith.constant 0 : index
      %swap3A_128 = tpu.vector_load %arg11[%swap3A] {strides = array<i32>} : memref<16xi32, #tpu.memory_space<vmem>>, vector<16xi32>,
      tpu.vector_store %arg11[%swap3A], %div3A_127 {strides = array<i32>} : memref<16xi32, #tpu.memory_space<vmem>>, vector<16xi32>,
      "tpu.region"() ({
        %run_scoped3A = tpu.sem_alloc : memref<!tpu.dma_semaphore, #tpu.memory_space<semaphore_mem>>
        tpu.enqueue_dma source(%arg11 : memref<16xi32, #tpu.memory_space<vmem>>) target(%arg6 : memref<16xi32, #tpu.memory_space<hbm>>) target_semaphore(%run_scoped3A : memref<!tpu.dma_semaphore, #tpu.memory_space<semaphore_mem>>)
        tpu.wait_dma2 semaphore(%run_scoped3A : memref<!tpu.dma_semaphore, #tpu.memory_space<semaphore_mem>>) src(%arg11 : memref<16xi32, #tpu.memory_space<vmem>>) dst(%arg6 : memref<16xi32, #tpu.memory_space<hbm>>)
        tpu.yield
      }) : () -> ()
    } else {
    }
    %mul3A_3 = arith.constant 100 : i32
    %mul3A_4 = arith.muli %add3A, %mul3A_3 : i32
    %jit3A = arith.constant 128 : i32
    %div3A = arith.divsi %mul3A_4, %jit3A : i32
    %sign3A = arith.constant 0 : i32
    %sign3A_5 = arith.cmpi sgt, %mul3A_4, %sign3A : i32
    %sign3A_6 = arith.extui %sign3A_5 : i1 to i32
    %sign3A_7 = arith.constant 0 : i32
    %sign3A_8 = arith.cmpi slt, %mul3A_4, %sign3A_7 : i32
    %sign3A_9 = arith.extui %sign3A_8 : i1 to i32
    %sign3A_10 = arith.subi %sign3A_6, %sign3A_9 : i32
    %sign3A_11 = arith.constant 0 : i32
    %sign3A_12 = arith.cmpi sgt, %jit3A, %sign3A_11 : i32
    %sign3A_13 = arith.extui %sign3A_12 : i1 to i32
    %sign3A_14 = arith.constant 0 : i32
    %sign3A_15 = arith.cmpi slt, %jit3A, %sign3A_14 : i32
    %sign3A_16 = arith.extui %sign3A_15 : i1 to i32
    %sign3A_17 = arith.subi %sign3A_13, %sign3A_16 : i32
    %ne3A = arith.cmpi ne, %sign3A_10, %sign3A_17 : i32
    %rem3A = arith.remsi %mul3A_4, %jit3A : i32
    %ne3A_18 = arith.constant 0 : i32
    %ne3A_19 = arith.cmpi ne, %rem3A, %ne3A_18 : i32
    %and3A = arith.andi %ne3A, %ne3A_19 : i1
    %sub3A = arith.constant 1 : i32
    %sub3A_20 = arith.subi %div3A, %sub3A : i32
    %select_n3A = arith.select %and3A, %sub3A_20, %div3A : i32
    %mul3A_21 = arith.constant 128 : i32
    %mul3A_22 = arith.muli %select_n3A, %mul3A_21 : i32
    %multiple_of3A = tpu.assume_multiple %mul3A_22, 128 : i32
    %dma_start3A = arith.constant 0 : i32
    %dma_start3A_23 = arith.constant 0 : i32
    %dma_start3A_24 = arith.constant 0 : i32
    %dma_start3A_25 = tpu.memref_slice %arg7[%dma_start3A, %dma_start3A_23, %dma_start3A_24] : memref<12x16x256xf32, #tpu.memory_space<vmem>> -> memref<6x16x256xf32, #tpu.memory_space<vmem>>
    %dma_start3A_26 = arith.constant 0 : i32
    %dma_start3A_27 = arith.constant 0 : i32
    %dma_start3A_28 = tpu.memref_slice %arg2[%dma_start3A_26, %dma_start3A_27, %multiple_of3A] : memref<12x16x30000xf32, #tpu.memory_space<hbm>> -> memref<6x16x256xf32, #tpu.memory_space<hbm>>
    %dma_start3A_29 = arith.constant 0 : i32
    %dma_start3A_30 = arith.constant 0 : i32
    %dma_start3A_31 = arith.constant 0 : i32
    %dma_start3A_32 = tpu.memref_slice %arg7[%dma_start3A_29, %dma_start3A_30, %dma_start3A_31] : memref<12x16x256xf32, #tpu.memory_space<vmem>> -> memref<6x16x256xf32, #tpu.memory_space<vmem>>
    %dma_start3A_33 = arith.constant 0 : i32
    %dma_start3A_34 = arith.constant 0 : i32
    %dma_start3A_35 = tpu.memref_slice %arg2[%dma_start3A_33, %dma_start3A_34, %multiple_of3A] : memref<12x16x30000xf32, #tpu.memory_space<hbm>> -> memref<6x16x256xf32, #tpu.memory_space<hbm>>
    tpu.enqueue_dma source(%dma_start3A_35 : memref<6x16x256xf32, #tpu.memory_space<hbm>>) target(%dma_start3A_32 : memref<6x16x256xf32, #tpu.memory_space<vmem>>) target_semaphore(%arg12 : memref<!tpu.dma_semaphore, #tpu.memory_space<semaphore_mem>>)
    %mul3A_36 = arith.constant 100 : i32
    %mul3A_37 = arith.muli %add3A, %mul3A_36 : i32
    %jit3A_38 = arith.constant 128 : i32
    %div3A_39 = arith.divsi %mul3A_37, %jit3A_38 : i32
    %sign3A_40 = arith.constant 0 : i32
    %sign3A_41 = arith.cmpi sgt, %mul3A_37, %sign3A_40 : i32
    %sign3A_42 = arith.extui %sign3A_41 : i1 to i32
    %sign3A_43 = arith.constant 0 : i32
    %sign3A_44 = arith.cmpi slt, %mul3A_37, %sign3A_43 : i32
    %sign3A_45 = arith.extui %sign3A_44 : i1 to i32
    %sign3A_46 = arith.subi %sign3A_42, %sign3A_45 : i32
    %sign3A_47 = arith.constant 0 : i32
    %sign3A_48 = arith.cmpi sgt, %jit3A_38, %sign3A_47 : i32
    %sign3A_49 = arith.extui %sign3A_48 : i1 to i32
    %sign3A_50 = arith.constant 0 : i32
    %sign3A_51 = arith.cmpi slt, %jit3A_38, %sign3A_50 : i32
    %sign3A_52 = arith.extui %sign3A_51 : i1 to i32
    %sign3A_53 = arith.subi %sign3A_49, %sign3A_52 : i32
    %ne3A_54 = arith.cmpi ne, %sign3A_46, %sign3A_53 : i32
    %rem3A_55 = arith.remsi %mul3A_37, %jit3A_38 : i32
    %ne3A_56 = arith.constant 0 : i32
    %ne3A_57 = arith.cmpi ne, %rem3A_55, %ne3A_56 : i32
    %and3A_58 = arith.andi %ne3A_54, %ne3A_57 : i1
    %sub3A_59 = arith.constant 1 : i32
    %sub3A_60 = arith.subi %div3A_39, %sub3A_59 : i32
    %select_n3A_61 = arith.select %and3A_58, %sub3A_60, %div3A_39 : i32
    %mul3A_62 = arith.constant 128 : i32
    %mul3A_63 = arith.muli %select_n3A_61, %mul3A_62 : i32
    %multiple_of3A_64 = tpu.assume_multiple %mul3A_63, 128 : i32
    %dma_start3A_65 = arith.constant 6 : i32
    %dma_start3A_66 = arith.constant 0 : i32
    %dma_start3A_67 = arith.constant 0 : i32
    %dma_start3A_68 = tpu.memref_slice %arg7[%dma_start3A_65, %dma_start3A_66, %dma_start3A_67] : memref<12x16x256xf32, #tpu.memory_space<vmem>> -> memref<6x16x256xf32, #tpu.memory_space<vmem>>
    %dma_start3A_69 = arith.constant 6 : i32
    %dma_start3A_70 = arith.constant 0 : i32
    %dma_start3A_71 = tpu.memref_slice %arg2[%dma_start3A_69, %dma_start3A_70, %multiple_of3A_64] : memref<12x16x30000xf32, #tpu.memory_space<hbm>> -> memref<6x16x256xf32, #tpu.memory_space<hbm>>
    %dma_start3A_72 = arith.constant 6 : i32
    %dma_start3A_73 = arith.constant 0 : i32
    %dma_start3A_74 = arith.constant 0 : i32
    %dma_start3A_75 = tpu.memref_slice %arg7[%dma_start3A_72, %dma_start3A_73, %dma_start3A_74] : memref<12x16x256xf32, #tpu.memory_space<vmem>> -> memref<6x16x256xf32, #tpu.memory_space<vmem>>
    %dma_start3A_76 = arith.constant 6 : i32
    %dma_start3A_77 = arith.constant 0 : i32
    %dma_start3A_78 = tpu.memref_slice %arg2[%dma_start3A_76, %dma_start3A_77, %multiple_of3A_64] : memref<12x16x30000xf32, #tpu.memory_space<hbm>> -> memref<6x16x256xf32, #tpu.memory_space<hbm>>
    tpu.enqueue_dma source(%dma_start3A_78 : memref<6x16x256xf32, #tpu.memory_space<hbm>>) target(%dma_start3A_75 : memref<6x16x256xf32, #tpu.memory_space<vmem>>) target_semaphore(%arg13 : memref<!tpu.dma_semaphore, #tpu.memory_space<semaphore_mem>>)
    %scan3A = arith.constant 0 : i32
    %scan3A_79 = arith.constant 0 : i32
    %scan3A_80 = arith.constant 10 : i32
    %scan3A_81 = arith.addi %scan3A_79, %scan3A_80 : i32
    %scan3A_82 = arith.constant 1 : i32
    scf.for %scan3A_120 = %scan3A_79 to %scan3A_81 step %scan3A_82  : i32 {
      %mul3A_121 = arith.constant 32 : i32
      %mul3A_122 = arith.muli %mul3A_121, %scan3A_120 : i32
      %add3A_123 = arith.addi %add3A, %mul3A_122 : i32
      %lt3A = arith.constant 300 : i32
      %lt3A_124 = arith.cmpi slt, %add3A_123, %lt3A : i32
      %convert_element_type3A_125 = arith.extui %lt3A_124 : i1 to i32
      %cond3A_126 = arith.constant 0 : i32
      %cond3A_127 = arith.cmpi ne, %convert_element_type3A_125, %cond3A_126 : i32
      scf.if %cond3A_127 {
        %mul3A_128 = arith.constant 100 : i32
        %mul3A_129 = arith.muli %add3A_123, %mul3A_128 : i32
        %mul3A_130 = arith.constant 100 : i32
        %mul3A_131 = arith.muli %add3A_123, %mul3A_130 : i32
        %jit3A_132 = arith.constant 128 : i32
        %div3A_133 = arith.divsi %mul3A_131, %jit3A_132 : i32
        %sign3A_134 = arith.constant 0 : i32
        %sign3A_135 = arith.cmpi sgt, %mul3A_131, %sign3A_134 : i32
        %sign3A_136 = arith.extui %sign3A_135 : i1 to i32
        %sign3A_137 = arith.constant 0 : i32
        %sign3A_138 = arith.cmpi slt, %mul3A_131, %sign3A_137 : i32
        %sign3A_139 = arith.extui %sign3A_138 : i1 to i32
        %sign3A_140 = arith.subi %sign3A_136, %sign3A_139 : i32
        %sign3A_141 = arith.constant 0 : i32
        %sign3A_142 = arith.cmpi sgt, %jit3A_132, %sign3A_141 : i32
        %sign3A_143 = arith.extui %sign3A_142 : i1 to i32
        %sign3A_144 = arith.constant 0 : i32
        %sign3A_145 = arith.cmpi slt, %jit3A_132, %sign3A_144 : i32
        %sign3A_146 = arith.extui %sign3A_145 : i1 to i32
        %sign3A_147 = arith.subi %sign3A_143, %sign3A_146 : i32
        %ne3A_148 = arith.cmpi ne, %sign3A_140, %sign3A_147 : i32
        %rem3A_149 = arith.remsi %mul3A_131, %jit3A_132 : i32
        %ne3A_150 = arith.constant 0 : i32
        %ne3A_151 = arith.cmpi ne, %rem3A_149, %ne3A_150 : i32
        %and3A_152 = arith.andi %ne3A_148, %ne3A_151 : i1
        %sub3A_153 = arith.constant 1 : i32
        %sub3A_154 = arith.subi %div3A_133, %sub3A_153 : i32
        %select_n3A_155 = arith.select %and3A_152, %sub3A_154, %div3A_133 : i32
        %mul3A_156 = arith.constant 128 : i32
        %mul3A_157 = arith.muli %select_n3A_155, %mul3A_156 : i32
        %multiple_of3A_158 = tpu.assume_multiple %mul3A_157, 128 : i32
        %sub3A_159 = arith.subi %mul3A_129, %multiple_of3A_158 : i32
        %jit3A_160 = arith.constant 16 : i32
        %div3A_161 = arith.divsi %sub3A_159, %jit3A_160 : i32
        %sign3A_162 = arith.constant 0 : i32
        %sign3A_163 = arith.cmpi sgt, %sub3A_159, %sign3A_162 : i32
        %sign3A_164 = arith.extui %sign3A_163 : i1 to i32
        %sign3A_165 = arith.constant 0 : i32
        %sign3A_166 = arith.cmpi slt, %sub3A_159, %sign3A_165 : i32
        %sign3A_167 = arith.extui %sign3A_166 : i1 to i32
        %sign3A_168 = arith.subi %sign3A_164, %sign3A_167 : i32
        %sign3A_169 = arith.constant 0 : i32
        %sign3A_170 = arith.cmpi sgt, %jit3A_160, %sign3A_169 : i32
        %sign3A_171 = arith.extui %sign3A_170 : i1 to i32
        %sign3A_172 = arith.constant 0 : i32
        %sign3A_173 = arith.cmpi slt, %jit3A_160, %sign3A_172 : i32
        %sign3A_174 = arith.extui %sign3A_173 : i1 to i32
        %sign3A_175 = arith.subi %sign3A_171, %sign3A_174 : i32
        %ne3A_176 = arith.cmpi ne, %sign3A_168, %sign3A_175 : i32
        %rem3A_177 = arith.remsi %sub3A_159, %jit3A_160 : i32
        %ne3A_178 = arith.constant 0 : i32
        %ne3A_179 = arith.cmpi ne, %rem3A_177, %ne3A_178 : i32
        %and3A_180 = arith.andi %ne3A_176, %ne3A_179 : i1
        %sub3A_181 = arith.constant 1 : i32
        %sub3A_182 = arith.subi %div3A_161, %sub3A_181 : i32
        %select_n3A_183 = arith.select %and3A_180, %sub3A_182, %div3A_161 : i32
        %mul3A_184 = arith.constant 16 : i32
        %mul3A_185 = arith.muli %select_n3A_183, %mul3A_184 : i32
        %multiple_of3A_186 = tpu.assume_multiple %mul3A_185, 16 : i32
        %sub3A_187 = arith.subi %sub3A_159, %multiple_of3A_186 : i32
        %add3A_188 = arith.constant 32 : i32
        %add3A_189 = arith.addi %add3A_123, %add3A_188 : i32
        %mul3A_190 = arith.constant 100 : i32
        %mul3A_191 = arith.muli %add3A_123, %mul3A_190 : i32
        %jit3A_192 = arith.constant 128 : i32
        %div3A_193 = arith.divsi %mul3A_191, %jit3A_192 : i32
        %sign3A_194 = arith.constant 0 : i32
        %sign3A_195 = arith.cmpi sgt, %mul3A_191, %sign3A_194 : i32
        %sign3A_196 = arith.extui %sign3A_195 : i1 to i32
        %sign3A_197 = arith.constant 0 : i32
        %sign3A_198 = arith.cmpi slt, %mul3A_191, %sign3A_197 : i32
        %sign3A_199 = arith.extui %sign3A_198 : i1 to i32
        %sign3A_200 = arith.subi %sign3A_196, %sign3A_199 : i32
        %sign3A_201 = arith.constant 0 : i32
        %sign3A_202 = arith.cmpi sgt, %jit3A_192, %sign3A_201 : i32
        %sign3A_203 = arith.extui %sign3A_202 : i1 to i32
        %sign3A_204 = arith.constant 0 : i32
        %sign3A_205 = arith.cmpi slt, %jit3A_192, %sign3A_204 : i32
        %sign3A_206 = arith.extui %sign3A_205 : i1 to i32
        %sign3A_207 = arith.subi %sign3A_203, %sign3A_206 : i32
        %ne3A_208 = arith.cmpi ne, %sign3A_200, %sign3A_207 : i32
        %rem3A_209 = arith.remsi %mul3A_191, %jit3A_192 : i32
        %ne3A_210 = arith.constant 0 : i32
        %ne3A_211 = arith.cmpi ne, %rem3A_209, %ne3A_210 : i32
        %and3A_212 = arith.andi %ne3A_208, %ne3A_211 : i1
        %sub3A_213 = arith.constant 1 : i32
        %sub3A_214 = arith.subi %div3A_193, %sub3A_213 : i32
        %select_n3A_215 = arith.select %and3A_212, %sub3A_214, %div3A_193 : i32
        %mul3A_216 = arith.constant 128 : i32
        %mul3A_217 = arith.muli %select_n3A_215, %mul3A_216 : i32
        %multiple_of3A_218 = tpu.assume_multiple %mul3A_217, 128 : i32
        %dma_wait3A_219 = arith.constant 0 : i32
        %dma_wait3A_220 = arith.constant 0 : i32
        %dma_wait3A_221 = arith.constant 0 : i32
        %dma_wait3A_222 = tpu.memref_slice %arg7[%dma_wait3A_219, %dma_wait3A_220, %dma_wait3A_221] : memref<12x16x256xf32, #tpu.memory_space<vmem>> -> memref<6x16x256xf32, #tpu.memory_space<vmem>>
        %dma_wait3A_223 = arith.constant 0 : i32
        %dma_wait3A_224 = arith.constant 0 : i32
        %dma_wait3A_225 = tpu.memref_slice %arg2[%dma_wait3A_223, %dma_wait3A_224, %multiple_of3A_218] : memref<12x16x30000xf32, #tpu.memory_space<hbm>> -> memref<6x16x256xf32, #tpu.memory_space<hbm>>
        %dma_wait3A_226 = arith.constant 0 : i32
        %dma_wait3A_227 = arith.constant 0 : i32
        %dma_wait3A_228 = arith.constant 0 : i32
        %dma_wait3A_229 = tpu.memref_slice %arg7[%dma_wait3A_226, %dma_wait3A_227, %dma_wait3A_228] : memref<12x16x256xf32, #tpu.memory_space<vmem>> -> memref<6x16x256xf32, #tpu.memory_space<vmem>>
        %dma_wait3A_230 = arith.constant 0 : i32
        %dma_wait3A_231 = arith.constant 0 : i32
        %dma_wait3A_232 = tpu.memref_slice %arg2[%dma_wait3A_230, %dma_wait3A_231, %multiple_of3A_218] : memref<12x16x30000xf32, #tpu.memory_space<hbm>> -> memref<6x16x256xf32, #tpu.memory_space<hbm>>
        tpu.wait_dma2 semaphore(%arg12 : memref<!tpu.dma_semaphore, #tpu.memory_space<semaphore_mem>>) src(%dma_wait3A_232 : memref<6x16x256xf32, #tpu.memory_space<hbm>>) dst(%dma_wait3A_229 : memref<6x16x256xf32, #tpu.memory_space<vmem>>)
        %scan3A_233 = arith.constant 0 : i32
        %scan3A_234 = arith.constant 0 : i32
        %scan3A_235 = arith.constant 6 : i32
        %scan3A_236 = arith.addi %scan3A_234, %scan3A_235 : i32
        %scan3A_237 = arith.constant 1 : i32
        scf.for %scan3A_321 = %scan3A_234 to %scan3A_236 step %scan3A_237  : i32 {
          %mul3A_322 = arith.constant 129 : i32
          %mul3A_323 = arith.muli %scan3A_321, %mul3A_322 : i32
          %add3A_324 = arith.constant 0 : i32
          %add3A_325 = arith.addi %multiple_of3A_186, %add3A_324 : i32
          %get3A = arith.constant 0 : i32
          %get3A_326 = arith.index_cast %scan3A_321 : i32 to index
          %get3A_327 = arith.index_cast %get3A : i32 to index
          %get3A_328 = arith.index_cast %add3A_325 : i32 to index
          %get3A_329 = tpu.vector_load %arg7[%get3A_326, %get3A_327, %get3A_328] {strides = array<i32>} : memref<12x16x256xf32, #tpu.memory_space<vmem>>, vector<16xf32>,
          %add3A_330 = arith.constant 16 : i32
          %add3A_331 = arith.addi %multiple_of3A_186, %add3A_330 : i32
          %get3A_332 = arith.constant 0 : i32
          %get3A_333 = arith.index_cast %scan3A_321 : i32 to index
          %get3A_334 = arith.index_cast %get3A_332 : i32 to index
          %get3A_335 = arith.index_cast %add3A_331 : i32 to index
          %get3A_336 = tpu.vector_load %arg7[%get3A_333, %get3A_334, %get3A_335] {strides = array<i32>} : memref<12x16x256xf32, #tpu.memory_space<vmem>>, vector<16xf32>,
          %add3A_337 = arith.constant 32 : i32
          %add3A_338 = arith.addi %multiple_of3A_186, %add3A_337 : i32
          %get3A_339 = arith.constant 0 : i32
          %get3A_340 = arith.index_cast %scan3A_321 : i32 to index
          %get3A_341 = arith.index_cast %get3A_339 : i32 to index
          %get3A_342 = arith.index_cast %add3A_338 : i32 to index
          %get3A_343 = tpu.vector_load %arg7[%get3A_340, %get3A_341, %get3A_342] {strides = array<i32>} : memref<12x16x256xf32, #tpu.memory_space<vmem>>, vector<16xf32>,
          %add3A_344 = arith.constant 48 : i32
          %add3A_345 = arith.addi %multiple_of3A_186, %add3A_344 : i32
          %get3A_346 = arith.constant 0 : i32
          %get3A_347 = arith.index_cast %scan3A_321 : i32 to index
          %get3A_348 = arith.index_cast %get3A_346 : i32 to index
          %get3A_349 = arith.index_cast %add3A_345 : i32 to index
          %get3A_350 = tpu.vector_load %arg7[%get3A_347, %get3A_348, %get3A_349] {strides = array<i32>} : memref<12x16x256xf32, #tpu.memory_space<vmem>>, vector<16xf32>,
          %add3A_351 = arith.constant 64 : i32
          %add3A_352 = arith.addi %multiple_of3A_186, %add3A_351 : i32
          %get3A_353 = arith.constant 0 : i32
          %get3A_354 = arith.index_cast %scan3A_321 : i32 to index
          %get3A_355 = arith.index_cast %get3A_353 : i32 to index
          %get3A_356 = arith.index_cast %add3A_352 : i32 to index
          %get3A_357 = tpu.vector_load %arg7[%get3A_354, %get3A_355, %get3A_356] {strides = array<i32>} : memref<12x16x256xf32, #tpu.memory_space<vmem>>, vector<16xf32>,
          %add3A_358 = arith.constant 80 : i32
          %add3A_359 = arith.addi %multiple_of3A_186, %add3A_358 : i32
          %get3A_360 = arith.constant 0 : i32
          %get3A_361 = arith.index_cast %scan3A_321 : i32 to index
          %get3A_362 = arith.index_cast %get3A_360 : i32 to index
          %get3A_363 = arith.index_cast %add3A_359 : i32 to index
          %get3A_364 = tpu.vector_load %arg7[%get3A_361, %get3A_362, %get3A_363] {strides = array<i32>} : memref<12x16x256xf32, #tpu.memory_space<vmem>>, vector<16xf32>,
          %add3A_365 = arith.constant 96 : i32
          %add3A_366 = arith.addi %multiple_of3A_186, %add3A_365 : i32
          %get3A_367 = arith.constant 0 : i32
          %get3A_368 = arith.index_cast %scan3A_321 : i32 to index
          %get3A_369 = arith.index_cast %get3A_367 : i32 to index
          %get3A_370 = arith.index_cast %add3A_366 : i32 to index
          %get3A_371 = tpu.vector_load %arg7[%get3A_368, %get3A_369, %get3A_370] {strides = array<i32>} : memref<12x16x256xf32, #tpu.memory_space<vmem>>, vector<16xf32>,
          %add3A_372 = arith.constant 112 : i32
          %add3A_373 = arith.addi %multiple_of3A_186, %add3A_372 : i32
          %get3A_374 = arith.constant 0 : i32
          %get3A_375 = arith.index_cast %scan3A_321 : i32 to index
          %get3A_376 = arith.index_cast %get3A_374 : i32 to index
          %get3A_377 = arith.index_cast %add3A_373 : i32 to index
          %get3A_378 = tpu.vector_load %arg7[%get3A_375, %get3A_376, %get3A_377] {strides = array<i32>} : memref<12x16x256xf32, #tpu.memory_space<vmem>>, vector<16xf32>,
          %add3A_379 = arith.constant 0 : i32
          %add3A_380 = arith.addi %add3A_379, %mul3A_323 : i32
          %add3A_381 = arith.constant 0 : i32
          %add3A_382 = arith.addi %add3A_380, %add3A_381 : i32
          %swap3A = arith.index_cast %add3A_382 : i32 to index
          %swap3A_383 = tpu.vector_load %arg8[%swap3A] {strides = array<i32>} : memref<24768xf32, #tpu.memory_space<vmem>>, vector<16xf32>,
          tpu.vector_store %arg8[%swap3A], %get3A_329 {strides = array<i32>} : memref<24768xf32, #tpu.memory_space<vmem>>, vector<16xf32>,
          %add3A_384 = arith.constant 0 : i32
          %add3A_385 = arith.addi %add3A_384, %mul3A_323 : i32
          %add3A_386 = arith.constant 16 : i32
          %add3A_387 = arith.addi %add3A_385, %add3A_386 : i32
          %swap3A_388 = arith.index_cast %add3A_387 : i32 to index
          %swap3A_389 = tpu.vector_load %arg8[%swap3A_388] {strides = array<i32>} : memref<24768xf32, #tpu.memory_space<vmem>>, vector<16xf32>,
          tpu.vector_store %arg8[%swap3A_388], %get3A_336 {strides = array<i32>} : memref<24768xf32, #tpu.memory_space<vmem>>, vector<16xf32>,
          %add3A_390 = arith.constant 0 : i32
          %add3A_391 = arith.addi %add3A_390, %mul3A_323 : i32
          %add3A_392 = arith.constant 32 : i32
          %add3A_393 = arith.addi %add3A_391, %add3A_392 : i32
          %swap3A_394 = arith.index_cast %add3A_393 : i32 to index
          %swap3A_395 = tpu.vector_load %arg8[%swap3A_394] {strides = array<i32>} : memref<24768xf32, #tpu.memory_space<vmem>>, vector<16xf32>,
          tpu.vector_store %arg8[%swap3A_394], %get3A_343 {strides = array<i32>} : memref<24768xf32, #tpu.memory_space<vmem>>, vector<16xf32>,
          %add3A_396 = arith.constant 0 : i32
          %add3A_397 = arith.addi %add3A_396, %mul3A_323 : i32
          %add3A_398 = arith.constant 48 : i32
          %add3A_399 = arith.addi %add3A_397, %add3A_398 : i32
          %swap3A_400 = arith.index_cast %add3A_399 : i32 to index
          %swap3A_401 = tpu.vector_load %arg8[%swap3A_400] {strides = array<i32>} : memref<24768xf32, #tpu.memory_space<vmem>>, vector<16xf32>,
          tpu.vector_store %arg8[%swap3A_400], %get3A_350 {strides = array<i32>} : memref<24768xf32, #tpu.memory_space<vmem>>, vector<16xf32>,
          %add3A_402 = arith.constant 0 : i32
          %add3A_403 = arith.addi %add3A_402, %mul3A_323 : i32
          %add3A_404 = arith.constant 64 : i32
          %add3A_405 = arith.addi %add3A_403, %add3A_404 : i32
          %swap3A_406 = arith.index_cast %add3A_405 : i32 to index
          %swap3A_407 = tpu.vector_load %arg8[%swap3A_406] {strides = array<i32>} : memref<24768xf32, #tpu.memory_space<vmem>>, vector<16xf32>,
          tpu.vector_store %arg8[%swap3A_406], %get3A_357 {strides = array<i32>} : memref<24768xf32, #tpu.memory_space<vmem>>, vector<16xf32>,
          %add3A_408 = arith.constant 0 : i32
          %add3A_409 = arith.addi %add3A_408, %mul3A_323 : i32
          %add3A_410 = arith.constant 80 : i32
          %add3A_411 = arith.addi %add3A_409, %add3A_410 : i32
          %swap3A_412 = arith.index_cast %add3A_411 : i32 to index
          %swap3A_413 = tpu.vector_load %arg8[%swap3A_412] {strides = array<i32>} : memref<24768xf32, #tpu.memory_space<vmem>>, vector<16xf32>,
          tpu.vector_store %arg8[%swap3A_412], %get3A_364 {strides = array<i32>} : memref<24768xf32, #tpu.memory_space<vmem>>, vector<16xf32>,
          %add3A_414 = arith.constant 0 : i32
          %add3A_415 = arith.addi %add3A_414, %mul3A_323 : i32
          %add3A_416 = arith.constant 96 : i32
          %add3A_417 = arith.addi %add3A_415, %add3A_416 : i32
          %swap3A_418 = arith.index_cast %add3A_417 : i32 to index
          %swap3A_419 = tpu.vector_load %arg8[%swap3A_418] {strides = array<i32>} : memref<24768xf32, #tpu.memory_space<vmem>>, vector<16xf32>,
          tpu.vector_store %arg8[%swap3A_418], %get3A_371 {strides = array<i32>} : memref<24768xf32, #tpu.memory_space<vmem>>, vector<16xf32>,
          %add3A_420 = arith.constant 0 : i32
          %add3A_421 = arith.addi %add3A_420, %mul3A_323 : i32
          %add3A_422 = arith.constant 112 : i32
          %add3A_423 = arith.addi %add3A_421, %add3A_422 : i32
          %swap3A_424 = arith.index_cast %add3A_423 : i32 to index
          %swap3A_425 = tpu.vector_load %arg8[%swap3A_424] {strides = array<i32>} : memref<24768xf32, #tpu.memory_space<vmem>>, vector<16xf32>,
          tpu.vector_store %arg8[%swap3A_424], %get3A_378 {strides = array<i32>} : memref<24768xf32, #tpu.memory_space<vmem>>, vector<16xf32>,
          %add3A_426 = arith.constant 0 : i32
          %add3A_427 = arith.addi %multiple_of3A_186, %add3A_426 : i32
          %get3A_428 = arith.constant 1 : i32
          %get3A_429 = arith.index_cast %scan3A_321 : i32 to index
          %get3A_430 = arith.index_cast %get3A_428 : i32 to index
          %get3A_431 = arith.index_cast %add3A_427 : i32 to index
          %get3A_432 = tpu.vector_load %arg7[%get3A_429, %get3A_430, %get3A_431] {strides = array<i32>} : memref<12x16x256xf32, #tpu.memory_space<vmem>>, vector<16xf32>,
          %add3A_433 = arith.constant 16 : i32
          %add3A_434 = arith.addi %multiple_of3A_186, %add3A_433 : i32
          %get3A_435 = arith.constant 1 : i32
          %get3A_436 = arith.index_cast %scan3A_321 : i32 to index
          %get3A_437 = arith.index_cast %get3A_435 : i32 to index
          %get3A_438 = arith.index_cast %add3A_434 : i32 to index
          %get3A_439 = tpu.vector_load %arg7[%get3A_436, %get3A_437, %get3A_438] {strides = array<i32>} : memref<12x16x256xf32, #tpu.memory_space<vmem>>, vector<16xf32>,
          %add3A_440 = arith.constant 32 : i32
          %add3A_441 = arith.addi %multiple_of3A_186, %add3A_440 : i32
          %get3A_442 = arith.constant 1 : i32
          %get3A_443 = arith.index_cast %scan3A_321 : i32 to index
          %get3A_444 = arith.index_cast %get3A_442 : i32 to index
          %get3A_445 = arith.index_cast %add3A_441 : i32 to index
          %get3A_446 = tpu.vector_load %arg7[%get3A_443, %get3A_444, %get3A_445] {strides = array<i32>} : memref<12x16x256xf32, #tpu.memory_space<vmem>>, vector<16xf32>,
          %add3A_447 = arith.constant 48 : i32
          %add3A_448 = arith.addi %multiple_of3A_186, %add3A_447 : i32
          %get3A_449 = arith.constant 1 : i32
          %get3A_450 = arith.index_cast %scan3A_321 : i32 to index
          %get3A_451 = arith.index_cast %get3A_449 : i32 to index
          %get3A_452 = arith.index_cast %add3A_448 : i32 to index
          %get3A_453 = tpu.vector_load %arg7[%get3A_450, %get3A_451, %get3A_452] {strides = array<i32>} : memref<12x16x256xf32, #tpu.memory_space<vmem>>, vector<16xf32>,
          %add3A_454 = arith.constant 64 : i32
          %add3A_455 = arith.addi %multiple_of3A_186, %add3A_454 : i32
          %get3A_456 = arith.constant 1 : i32
          %get3A_457 = arith.index_cast %scan3A_321 : i32 to index
          %get3A_458 = arith.index_cast %get3A_456 : i32 to index
          %get3A_459 = arith.index_cast %add3A_455 : i32 to index
          %get3A_460 = tpu.vector_load %arg7[%get3A_457, %get3A_458, %get3A_459] {strides = array<i32>} : memref<12x16x256xf32, #tpu.memory_space<vmem>>, vector<16xf32>,
          %add3A_461 = arith.constant 80 : i32
          %add3A_462 = arith.addi %multiple_of3A_186, %add3A_461 : i32
          %get3A_463 = arith.constant 1 : i32
          %get3A_464 = arith.index_cast %scan3A_321 : i32 to index
          %get3A_465 = arith.index_cast %get3A_463 : i32 to index
          %get3A_466 = arith.index_cast %add3A_462 : i32 to index
          %get3A_467 = tpu.vector_load %arg7[%get3A_464, %get3A_465, %get3A_466] {strides = array<i32>} : memref<12x16x256xf32, #tpu.memory_space<vmem>>, vector<16xf32>,
          %add3A_468 = arith.constant 96 : i32
          %add3A_469 = arith.addi %multiple_of3A_186, %add3A_468 : i32
          %get3A_470 = arith.constant 1 : i32
          %get3A_471 = arith.index_cast %scan3A_321 : i32 to index
          %get3A_472 = arith.index_cast %get3A_470 : i32 to index
          %get3A_473 = arith.index_cast %add3A_469 : i32 to index
          %get3A_474 = tpu.vector_load %arg7[%get3A_471, %get3A_472, %get3A_473] {strides = array<i32>} : memref<12x16x256xf32, #tpu.memory_space<vmem>>, vector<16xf32>,
          %add3A_475 = arith.constant 112 : i32
          %add3A_476 = arith.addi %multiple_of3A_186, %add3A_475 : i32
          %get3A_477 = arith.constant 1 : i32
          %get3A_478 = arith.index_cast %scan3A_321 : i32 to index
          %get3A_479 = arith.index_cast %get3A_477 : i32 to index
          %get3A_480 = arith.index_cast %add3A_476 : i32 to index
          %get3A_481 = tpu.vector_load %arg7[%get3A_478, %get3A_479, %get3A_480] {strides = array<i32>} : memref<12x16x256xf32, #tpu.memory_space<vmem>>, vector<16xf32>,
          %add3A_482 = arith.constant 1548 : i32
          %add3A_483 = arith.addi %add3A_482, %mul3A_323 : i32
          %add3A_484 = arith.constant 0 : i32
          %add3A_485 = arith.addi %add3A_483, %add3A_484 : i32
          %swap3A_486 = arith.index_cast %add3A_485 : i32 to index
          %swap3A_487 = tpu.vector_load %arg8[%swap3A_486] {strides = array<i32>} : memref<24768xf32, #tpu.memory_space<vmem>>, vector<16xf32>,
          tpu.vector_store %arg8[%swap3A_486], %get3A_432 {strides = array<i32>} : memref<24768xf32, #tpu.memory_space<vmem>>, vector<16xf32>,
          %add3A_488 = arith.constant 1548 : i32
          %add3A_489 = arith.addi %add3A_488, %mul3A_323 : i32
          %add3A_490 = arith.constant 16 : i32
          %add3A_491 = arith.addi %add3A_489, %add3A_490 : i32
          %swap3A_492 = arith.index_cast %add3A_491 : i32 to index
          %swap3A_493 = tpu.vector_load %arg8[%swap3A_492] {strides = array<i32>} : memref<24768xf32, #tpu.memory_space<vmem>>, vector<16xf32>,
          tpu.vector_store %arg8[%swap3A_492], %get3A_439 {strides = array<i32>} : memref<24768xf32, #tpu.memory_space<vmem>>, vector<16xf32>,
          %add3A_494 = arith.constant 1548 : i32
          %add3A_495 = arith.addi %add3A_494, %mul3A_323 : i32
          %add3A_496 = arith.constant 32 : i32
          %add3A_497 = arith.addi %add3A_495, %add3A_496 : i32
          %swap3A_498 = arith.index_cast %add3A_497 : i32 to index
          %swap3A_499 = tpu.vector_load %arg8[%swap3A_498] {strides = array<i32>} : memref<24768xf32, #tpu.memory_space<vmem>>, vector<16xf32>,
          tpu.vector_store %arg8[%swap3A_498], %get3A_446 {strides = array<i32>} : memref<24768xf32, #tpu.memory_space<vmem>>, vector<16xf32>,
          %add3A_500 = arith.constant 1548 : i32
          %add3A_501 = arith.addi %add3A_500, %mul3A_323 : i32
          %add3A_502 = arith.constant 48 : i32
          %add3A_503 = arith.addi %add3A_501, %add3A_502 : i32
          %swap3A_504 = arith.index_cast %add3A_503 : i32 to index
          %swap3A_505 = tpu.vector_load %arg8[%swap3A_504] {strides = array<i32>} : memref<24768xf32, #tpu.memory_space<vmem>>, vector<16xf32>,
          tpu.vector_store %arg8[%swap3A_504], %get3A_453 {strides = array<i32>} : memref<24768xf32, #tpu.memory_space<vmem>>, vector<16xf32>,
          %add3A_506 = arith.constant 1548 : i32
          %add3A_507 = arith.addi %add3A_506, %mul3A_323 : i32
          %add3A_508 = arith.constant 64 : i32
          %add3A_509 = arith.addi %add3A_507, %add3A_508 : i32
          %swap3A_510 = arith.index_cast %add3A_509 : i32 to index
          %swap3A_511 = tpu.vector_load %arg8[%swap3A_510] {strides = array<i32>} : memref<24768xf32, #tpu.memory_space<vmem>>, vector<16xf32>,
          tpu.vector_store %arg8[%swap3A_510], %get3A_460 {strides = array<i32>} : memref<24768xf32, #tpu.memory_space<vmem>>, vector<16xf32>,
          %add3A_512 = arith.constant 1548 : i32
          %add3A_513 = arith.addi %add3A_512, %mul3A_323 : i32
          %add3A_514 = arith.constant 80 : i32
          %add3A_515 = arith.addi %add3A_513, %add3A_514 : i32
          %swap3A_516 = arith.index_cast %add3A_515 : i32 to index
          %swap3A_517 = tpu.vector_load %arg8[%swap3A_516] {strides = array<i32>} : memref<24768xf32, #tpu.memory_space<vmem>>, vector<16xf32>,
          tpu.vector_store %arg8[%swap3A_516], %get3A_467 {strides = array<i32>} : memref<24768xf32, #tpu.memory_space<vmem>>, vector<16xf32>,
          %add3A_518 = arith.constant 1548 : i32
          %add3A_519 = arith.addi %add3A_518, %mul3A_323 : i32
          %add3A_520 = arith.constant 96 : i32
          %add3A_521 = arith.addi %add3A_519, %add3A_520 : i32
          %swap3A_522 = arith.index_cast %add3A_521 : i32 to index
          %swap3A_523 = tpu.vector_load %arg8[%swap3A_522] {strides = array<i32>} : memref<24768xf32, #tpu.memory_space<vmem>>, vector<16xf32>,
          tpu.vector_store %arg8[%swap3A_522], %get3A_474 {strides = array<i32>} : memref<24768xf32, #tpu.memory_space<vmem>>, vector<16xf32>,
          %add3A_524 = arith.constant 1548 : i32
          %add3A_525 = arith.addi %add3A_524, %mul3A_323 : i32
          %add3A_526 = arith.constant 112 : i32
          %add3A_527 = arith.addi %add3A_525, %add3A_526 : i32
          %swap3A_528 = arith.index_cast %add3A_527 : i32 to index
          %swap3A_529 = tpu.vector_load %arg8[%swap3A_528] {strides = array<i32>} : memref<24768xf32, #tpu.memory_space<vmem>>, vector<16xf32>,
          tpu.vector_store %arg8[%swap3A_528], %get3A_481 {strides = array<i32>} : memref<24768xf32, #tpu.memory_space<vmem>>, vector<16xf32>,
          %add3A_530 = arith.constant 0 : i32
          %add3A_531 = arith.addi %multiple_of3A_186, %add3A_530 : i32
          %get3A_532 = arith.constant 2 : i32
          %get3A_533 = arith.index_cast %scan3A_321 : i32 to index
          %get3A_534 = arith.index_cast %get3A_532 : i32 to index
          %get3A_535 = arith.index_cast %add3A_531 : i32 to index
          %get3A_536 = tpu.vector_load %arg7[%get3A_533, %get3A_534, %get3A_535] {strides = array<i32>} : memref<12x16x256xf32, #tpu.memory_space<vmem>>, vector<16xf32>,
          %add3A_537 = arith.constant 16 : i32
          %add3A_538 = arith.addi %multiple_of3A_186, %add3A_537 : i32
          %get3A_539 = arith.constant 2 : i32
          %get3A_540 = arith.index_cast %scan3A_321 : i32 to index
          %get3A_541 = arith.index_cast %get3A_539 : i32 to index
          %get3A_542 = arith.index_cast %add3A_538 : i32 to index
          %get3A_543 = tpu.vector_load %arg7[%get3A_540, %get3A_541, %get3A_542] {strides = array<i32>} : memref<12x16x256xf32, #tpu.memory_space<vmem>>, vector<16xf32>,
          %add3A_544 = arith.constant 32 : i32
          %add3A_545 = arith.addi %multiple_of3A_186, %add3A_544 : i32
          %get3A_546 = arith.constant 2 : i32
          %get3A_547 = arith.index_cast %scan3A_321 : i32 to index
          %get3A_548 = arith.index_cast %get3A_546 : i32 to index
          %get3A_549 = arith.index_cast %add3A_545 : i32 to index
          %get3A_550 = tpu.vector_load %arg7[%get3A_547, %get3A_548, %get3A_549] {strides = array<i32>} : memref<12x16x256xf32, #tpu.memory_space<vmem>>, vector<16xf32>,
          %add3A_551 = arith.constant 48 : i32
          %add3A_552 = arith.addi %multiple_of3A_186, %add3A_551 : i32
          %get3A_553 = arith.constant 2 : i32
          %get3A_554 = arith.index_cast %scan3A_321 : i32 to index
          %get3A_555 = arith.index_cast %get3A_553 : i32 to index
          %get3A_556 = arith.index_cast %add3A_552 : i32 to index
          %get3A_557 = tpu.vector_load %arg7[%get3A_554, %get3A_555, %get3A_556] {strides = array<i32>} : memref<12x16x256xf32, #tpu.memory_space<vmem>>, vector<16xf32>,
          %add3A_558 = arith.constant 64 : i32
          %add3A_559 = arith.addi %multiple_of3A_186, %add3A_558 : i32
          %get3A_560 = arith.constant 2 : i32
          %get3A_561 = arith.index_cast %scan3A_321 : i32 to index
          %get3A_562 = arith.index_cast %get3A_560 : i32 to index
          %get3A_563 = arith.index_cast %add3A_559 : i32 to index
          %get3A_564 = tpu.vector_load %arg7[%get3A_561, %get3A_562, %get3A_563] {strides = array<i32>} : memref<12x16x256xf32, #tpu.memory_space<vmem>>, vector<16xf32>,
          %add3A_565 = arith.constant 80 : i32
          %add3A_566 = arith.addi %multiple_of3A_186, %add3A_565 : i32
          %get3A_567 = arith.constant 2 : i32
          %get3A_568 = arith.index_cast %scan3A_321 : i32 to index
          %get3A_569 = arith.index_cast %get3A_567 : i32 to index
          %get3A_570 = arith.index_cast %add3A_566 : i32 to index
          %get3A_571 = tpu.vector_load %arg7[%get3A_568, %get3A_569, %get3A_570] {strides = array<i32>} : memref<12x16x256xf32, #tpu.memory_space<vmem>>, vector<16xf32>,
          %add3A_572 = arith.constant 96 : i32
          %add3A_573 = arith.addi %multiple_of3A_186, %add3A_572 : i32
          %get3A_574 = arith.constant 2 : i32
          %get3A_575 = arith.index_cast %scan3A_321 : i32 to index
          %get3A_576 = arith.index_cast %get3A_574 : i32 to index
          %get3A_577 = arith.index_cast %add3A_573 : i32 to index
          %get3A_578 = tpu.vector_load %arg7[%get3A_575, %get3A_576, %get3A_577] {strides = array<i32>} : memref<12x16x256xf32, #tpu.memory_space<vmem>>, vector<16xf32>,
          %add3A_579 = arith.constant 112 : i32
          %add3A_580 = arith.addi %multiple_of3A_186, %add3A_579 : i32
          %get3A_581 = arith.constant 2 : i32
          %get3A_582 = arith.index_cast %scan3A_321 : i32 to index
          %get3A_583 = arith.index_cast %get3A_581 : i32 to index
          %get3A_584 = arith.index_cast %add3A_580 : i32 to index
          %get3A_585 = tpu.vector_load %arg7[%get3A_582, %get3A_583, %get3A_584] {strides = array<i32>} : memref<12x16x256xf32, #tpu.memory_space<vmem>>, vector<16xf32>,
          %add3A_586 = arith.constant 3096 : i32
          %add3A_587 = arith.addi %add3A_586, %mul3A_323 : i32
          %add3A_588 = arith.constant 0 : i32
          %add3A_589 = arith.addi %add3A_587, %add3A_588 : i32
          %swap3A_590 = arith.index_cast %add3A_589 : i32 to index
          %swap3A_591 = tpu.vector_load %arg8[%swap3A_590] {strides = array<i32>} : memref<24768xf32, #tpu.memory_space<vmem>>, vector<16xf32>,
          tpu.vector_store %arg8[%swap3A_590], %get3A_536 {strides = array<i32>} : memref<24768xf32, #tpu.memory_space<vmem>>, vector<16xf32>,
          %add3A_592 = arith.constant 3096 : i32
          %add3A_593 = arith.addi %add3A_592, %mul3A_323 : i32
          %add3A_594 = arith.constant 16 : i32
          %add3A_595 = arith.addi %add3A_593, %add3A_594 : i32
          %swap3A_596 = arith.index_cast %add3A_595 : i32 to index
          %swap3A_597 = tpu.vector_load %arg8[%swap3A_596] {strides = array<i32>} : memref<24768xf32, #tpu.memory_space<vmem>>, vector<16xf32>,
          tpu.vector_store %arg8[%swap3A_596], %get3A_543 {strides = array<i32>} : memref<24768xf32, #tpu.memory_space<vmem>>, vector<16xf32>,
          %add3A_598 = arith.constant 3096 : i32
          %add3A_599 = arith.addi %add3A_598, %mul3A_323 : i32
          %add3A_600 = arith.constant 32 : i32
          %add3A_601 = arith.addi %add3A_599, %add3A_600 : i32
          %swap3A_602 = arith.index_cast %add3A_601 : i32 to index
          %swap3A_603 = tpu.vector_load %arg8[%swap3A_602] {strides = array<i32>} : memref<24768xf32, #tpu.memory_space<vmem>>, vector<16xf32>,
          tpu.vector_store %arg8[%swap3A_602], %get3A_550 {strides = array<i32>} : memref<24768xf32, #tpu.memory_space<vmem>>, vector<16xf32>,
          %add3A_604 = arith.constant 3096 : i32
          %add3A_605 = arith.addi %add3A_604, %mul3A_323 : i32
          %add3A_606 = arith.constant 48 : i32
          %add3A_607 = arith.addi %add3A_605, %add3A_606 : i32
          %swap3A_608 = arith.index_cast %add3A_607 : i32 to index
          %swap3A_609 = tpu.vector_load %arg8[%swap3A_608] {strides = array<i32>} : memref<24768xf32, #tpu.memory_space<vmem>>, vector<16xf32>,
          tpu.vector_store %arg8[%swap3A_608], %get3A_557 {strides = array<i32>} : memref<24768xf32, #tpu.memory_space<vmem>>, vector<16xf32>,
          %add3A_610 = arith.constant 3096 : i32
          %add3A_611 = arith.addi %add3A_610, %mul3A_323 : i32
          %add3A_612 = arith.constant 64 : i32
          %add3A_613 = arith.addi %add3A_611, %add3A_612 : i32
          %swap3A_614 = arith.index_cast %add3A_613 : i32 to index
          %swap3A_615 = tpu.vector_load %arg8[%swap3A_614] {strides = array<i32>} : memref<24768xf32, #tpu.memory_space<vmem>>, vector<16xf32>,
          tpu.vector_store %arg8[%swap3A_614], %get3A_564 {strides = array<i32>} : memref<24768xf32, #tpu.memory_space<vmem>>, vector<16xf32>,
          %add3A_616 = arith.constant 3096 : i32
          %add3A_617 = arith.addi %add3A_616, %mul3A_323 : i32
          %add3A_618 = arith.constant 80 : i32
          %add3A_619 = arith.addi %add3A_617, %add3A_618 : i32
          %swap3A_620 = arith.index_cast %add3A_619 : i32 to index
          %swap3A_621 = tpu.vector_load %arg8[%swap3A_620] {strides = array<i32>} : memref<24768xf32, #tpu.memory_space<vmem>>, vector<16xf32>,
          tpu.vector_store %arg8[%swap3A_620], %get3A_571 {strides = array<i32>} : memref<24768xf32, #tpu.memory_space<vmem>>, vector<16xf32>,
          %add3A_622 = arith.constant 3096 : i32
          %add3A_623 = arith.addi %add3A_622, %mul3A_323 : i32
          %add3A_624 = arith.constant 96 : i32
          %add3A_625 = arith.addi %add3A_623, %add3A_624 : i32
          %swap3A_626 = arith.index_cast %add3A_625 : i32 to index
          %swap3A_627 = tpu.vector_load %arg8[%swap3A_626] {strides = array<i32>} : memref<24768xf32, #tpu.memory_space<vmem>>, vector<16xf32>,
          tpu.vector_store %arg8[%swap3A_626], %get3A_578 {strides = array<i32>} : memref<24768xf32, #tpu.memory_space<vmem>>, vector<16xf32>,
          %add3A_628 = arith.constant 3096 : i32
          %add3A_629 = arith.addi %add3A_628, %mul3A_323 : i32
          %add3A_630 = arith.constant 112 : i32
          %add3A_631 = arith.addi %add3A_629, %add3A_630 : i32
          %swap3A_632 = arith.index_cast %add3A_631 : i32 to index
          %swap3A_633 = tpu.vector_load %arg8[%swap3A_632] {strides = array<i32>} : memref<24768xf32, #tpu.memory_space<vmem>>, vector<16xf32>,
          tpu.vector_store %arg8[%swap3A_632], %get3A_585 {strides = array<i32>} : memref<24768xf32, #tpu.memory_space<vmem>>, vector<16xf32>,
          %add3A_634 = arith.constant 0 : i32
          %add3A_635 = arith.addi %multiple_of3A_186, %add3A_634 : i32
          %get3A_636 = arith.constant 3 : i32
          %get3A_637 = arith.index_cast %scan3A_321 : i32 to index
          %get3A_638 = arith.index_cast %get3A_636 : i32 to index
          %get3A_639 = arith.index_cast %add3A_635 : i32 to index
          %get3A_640 = tpu.vector_load %arg7[%get3A_637, %get3A_638, %get3A_639] {strides = array<i32>} : memref<12x16x256xf32, #tpu.memory_space<vmem>>, vector<16xf32>,
          %add3A_641 = arith.constant 16 : i32
          %add3A_642 = arith.addi %multiple_of3A_186, %add3A_641 : i32
          %get3A_643 = arith.constant 3 : i32
          %get3A_644 = arith.index_cast %scan3A_321 : i32 to index
          %get3A_645 = arith.index_cast %get3A_643 : i32 to index
          %get3A_646 = arith.index_cast %add3A_642 : i32 to index
          %get3A_647 = tpu.vector_load %arg7[%get3A_644, %get3A_645, %get3A_646] {strides = array<i32>} : memref<12x16x256xf32, #tpu.memory_space<vmem>>, vector<16xf32>,
          %add3A_648 = arith.constant 32 : i32
          %add3A_649 = arith.addi %multiple_of3A_186, %add3A_648 : i32
          %get3A_650 = arith.constant 3 : i32
          %get3A_651 = arith.index_cast %scan3A_321 : i32 to index
          %get3A_652 = arith.index_cast %get3A_650 : i32 to index
          %get3A_653 = arith.index_cast %add3A_649 : i32 to index
          %get3A_654 = tpu.vector_load %arg7[%get3A_651, %get3A_652, %get3A_653] {strides = array<i32>} : memref<12x16x256xf32, #tpu.memory_space<vmem>>, vector<16xf32>,
          %add3A_655 = arith.constant 48 : i32
          %add3A_656 = arith.addi %multiple_of3A_186, %add3A_655 : i32
          %get3A_657 = arith.constant 3 : i32
          %get3A_658 = arith.index_cast %scan3A_321 : i32 to index
          %get3A_659 = arith.index_cast %get3A_657 : i32 to index
          %get3A_660 = arith.index_cast %add3A_656 : i32 to index
          %get3A_661 = tpu.vector_load %arg7[%get3A_658, %get3A_659, %get3A_660] {strides = array<i32>} : memref<12x16x256xf32, #tpu.memory_space<vmem>>, vector<16xf32>,
          %add3A_662 = arith.constant 64 : i32
          %add3A_663 = arith.addi %multiple_of3A_186, %add3A_662 : i32
          %get3A_664 = arith.constant 3 : i32
          %get3A_665 = arith.index_cast %scan3A_321 : i32 to index
          %get3A_666 = arith.index_cast %get3A_664 : i32 to index
          %get3A_667 = arith.index_cast %add3A_663 : i32 to index
          %get3A_668 = tpu.vector_load %arg7[%get3A_665, %get3A_666, %get3A_667] {strides = array<i32>} : memref<12x16x256xf32, #tpu.memory_space<vmem>>, vector<16xf32>,
          %add3A_669 = arith.constant 80 : i32
          %add3A_670 = arith.addi %multiple_of3A_186, %add3A_669 : i32
          %get3A_671 = arith.constant 3 : i32
          %get3A_672 = arith.index_cast %scan3A_321 : i32 to index
          %get3A_673 = arith.index_cast %get3A_671 : i32 to index
          %get3A_674 = arith.index_cast %add3A_670 : i32 to index
          %get3A_675 = tpu.vector_load %arg7[%get3A_672, %get3A_673, %get3A_674] {strides = array<i32>} : memref<12x16x256xf32, #tpu.memory_space<vmem>>, vector<16xf32>,
          %add3A_676 = arith.constant 96 : i32
          %add3A_677 = arith.addi %multiple_of3A_186, %add3A_676 : i32
          %get3A_678 = arith.constant 3 : i32
          %get3A_679 = arith.index_cast %scan3A_321 : i32 to index
          %get3A_680 = arith.index_cast %get3A_678 : i32 to index
          %get3A_681 = arith.index_cast %add3A_677 : i32 to index
          %get3A_682 = tpu.vector_load %arg7[%get3A_679, %get3A_680, %get3A_681] {strides = array<i32>} : memref<12x16x256xf32, #tpu.memory_space<vmem>>, vector<16xf32>,
          %add3A_683 = arith.constant 112 : i32
          %add3A_684 = arith.addi %multiple_of3A_186, %add3A_683 : i32
          %get3A_685 = arith.constant 3 : i32
          %get3A_686 = arith.index_cast %scan3A_321 : i32 to index
          %get3A_687 = arith.index_cast %get3A_685 : i32 to index
          %get3A_688 = arith.index_cast %add3A_684 : i32 to index
          %get3A_689 = tpu.vector_load %arg7[%get3A_686, %get3A_687, %get3A_688] {strides = array<i32>} : memref<12x16x256xf32, #tpu.memory_space<vmem>>, vector<16xf32>,
          %add3A_690 = arith.constant 4644 : i32
          %add3A_691 = arith.addi %add3A_690, %mul3A_323 : i32
          %add3A_692 = arith.constant 0 : i32
          %add3A_693 = arith.addi %add3A_691, %add3A_692 : i32
          %swap3A_694 = arith.index_cast %add3A_693 : i32 to index
          %swap3A_695 = tpu.vector_load %arg8[%swap3A_694] {strides = array<i32>} : memref<24768xf32, #tpu.memory_space<vmem>>, vector<16xf32>,
          tpu.vector_store %arg8[%swap3A_694], %get3A_640 {strides = array<i32>} : memref<24768xf32, #tpu.memory_space<vmem>>, vector<16xf32>,
          %add3A_696 = arith.constant 4644 : i32
          %add3A_697 = arith.addi %add3A_696, %mul3A_323 : i32
          %add3A_698 = arith.constant 16 : i32
          %add3A_699 = arith.addi %add3A_697, %add3A_698 : i32
          %swap3A_700 = arith.index_cast %add3A_699 : i32 to index
          %swap3A_701 = tpu.vector_load %arg8[%swap3A_700] {strides = array<i32>} : memref<24768xf32, #tpu.memory_space<vmem>>, vector<16xf32>,
          tpu.vector_store %arg8[%swap3A_700], %get3A_647 {strides = array<i32>} : memref<24768xf32, #tpu.memory_space<vmem>>, vector<16xf32>,
          %add3A_702 = arith.constant 4644 : i32
          %add3A_703 = arith.addi %add3A_702, %mul3A_323 : i32
          %add3A_704 = arith.constant 32 : i32
          %add3A_705 = arith.addi %add3A_703, %add3A_704 : i32
          %swap3A_706 = arith.index_cast %add3A_705 : i32 to index
          %swap3A_707 = tpu.vector_load %arg8[%swap3A_706] {strides = array<i32>} : memref<24768xf32, #tpu.memory_space<vmem>>, vector<16xf32>,
          tpu.vector_store %arg8[%swap3A_706], %get3A_654 {strides = array<i32>} : memref<24768xf32, #tpu.memory_space<vmem>>, vector<16xf32>,
          %add3A_708 = arith.constant 4644 : i32
          %add3A_709 = arith.addi %add3A_708, %mul3A_323 : i32
          %add3A_710 = arith.constant 48 : i32
          %add3A_711 = arith.addi %add3A_709, %add3A_710 : i32
          %swap3A_712 = arith.index_cast %add3A_711 : i32 to index
          %swap3A_713 = tpu.vector_load %arg8[%swap3A_712] {strides = array<i32>} : memref<24768xf32, #tpu.memory_space<vmem>>, vector<16xf32>,
          tpu.vector_store %arg8[%swap3A_712], %get3A_661 {strides = array<i32>} : memref<24768xf32, #tpu.memory_space<vmem>>, vector<16xf32>,
          %add3A_714 = arith.constant 4644 : i32
          %add3A_715 = arith.addi %add3A_714, %mul3A_323 : i32
          %add3A_716 = arith.constant 64 : i32
          %add3A_717 = arith.addi %add3A_715, %add3A_716 : i32
          %swap3A_718 = arith.index_cast %add3A_717 : i32 to index
          %swap3A_719 = tpu.vector_load %arg8[%swap3A_718] {strides = array<i32>} : memref<24768xf32, #tpu.memory_space<vmem>>, vector<16xf32>,
          tpu.vector_store %arg8[%swap3A_718], %get3A_668 {strides = array<i32>} : memref<24768xf32, #tpu.memory_space<vmem>>, vector<16xf32>,
          %add3A_720 = arith.constant 4644 : i32
          %add3A_721 = arith.addi %add3A_720, %mul3A_323 : i32
          %add3A_722 = arith.constant 80 : i32
          %add3A_723 = arith.addi %add3A_721, %add3A_722 : i32
          %swap3A_724 = arith.index_cast %add3A_723 : i32 to index
          %swap3A_725 = tpu.vector_load %arg8[%swap3A_724] {strides = array<i32>} : memref<24768xf32, #tpu.memory_space<vmem>>, vector<16xf32>,
          tpu.vector_store %arg8[%swap3A_724], %get3A_675 {strides = array<i32>} : memref<24768xf32, #tpu.memory_space<vmem>>, vector<16xf32>,
          %add3A_726 = arith.constant 4644 : i32
          %add3A_727 = arith.addi %add3A_726, %mul3A_323 : i32
          %add3A_728 = arith.constant 96 : i32
          %add3A_729 = arith.addi %add3A_727, %add3A_728 : i32
          %swap3A_730 = arith.index_cast %add3A_729 : i32 to index
          %swap3A_731 = tpu.vector_load %arg8[%swap3A_730] {strides = array<i32>} : memref<24768xf32, #tpu.memory_space<vmem>>, vector<16xf32>,
          tpu.vector_store %arg8[%swap3A_730], %get3A_682 {strides = array<i32>} : memref<24768xf32, #tpu.memory_space<vmem>>, vector<16xf32>,
          %add3A_732 = arith.constant 4644 : i32
          %add3A_733 = arith.addi %add3A_732, %mul3A_323 : i32
          %add3A_734 = arith.constant 112 : i32
          %add3A_735 = arith.addi %add3A_733, %add3A_734 : i32
          %swap3A_736 = arith.index_cast %add3A_735 : i32 to index
          %swap3A_737 = tpu.vector_load %arg8[%swap3A_736] {strides = array<i32>} : memref<24768xf32, #tpu.memory_space<vmem>>, vector<16xf32>,
          tpu.vector_store %arg8[%swap3A_736], %get3A_689 {strides = array<i32>} : memref<24768xf32, #tpu.memory_space<vmem>>, vector<16xf32>,
          %add3A_738 = arith.constant 0 : i32
          %add3A_739 = arith.addi %multiple_of3A_186, %add3A_738 : i32
          %get3A_740 = arith.constant 4 : i32
          %get3A_741 = arith.index_cast %scan3A_321 : i32 to index
          %get3A_742 = arith.index_cast %get3A_740 : i32 to index
          %get3A_743 = arith.index_cast %add3A_739 : i32 to index
          %get3A_744 = tpu.vector_load %arg7[%get3A_741, %get3A_742, %get3A_743] {strides = array<i32>} : memref<12x16x256xf32, #tpu.memory_space<vmem>>, vector<16xf32>,
          %add3A_745 = arith.constant 16 : i32
          %add3A_746 = arith.addi %multiple_of3A_186, %add3A_745 : i32
          %get3A_747 = arith.constant 4 : i32
          %get3A_748 = arith.index_cast %scan3A_321 : i32 to index
          %get3A_749 = arith.index_cast %get3A_747 : i32 to index
          %get3A_750 = arith.index_cast %add3A_746 : i32 to index
          %get3A_751 = tpu.vector_load %arg7[%get3A_748, %get3A_749, %get3A_750] {strides = array<i32>} : memref<12x16x256xf32, #tpu.memory_space<vmem>>, vector<16xf32>,
          %add3A_752 = arith.constant 32 : i32
          %add3A_753 = arith.addi %multiple_of3A_186, %add3A_752 : i32
          %get3A_754 = arith.constant 4 : i32
          %get3A_755 = arith.index_cast %scan3A_321 : i32 to index
          %get3A_756 = arith.index_cast %get3A_754 : i32 to index
          %get3A_757 = arith.index_cast %add3A_753 : i32 to index
          %get3A_758 = tpu.vector_load %arg7[%get3A_755, %get3A_756, %get3A_757] {strides = array<i32>} : memref<12x16x256xf32, #tpu.memory_space<vmem>>, vector<16xf32>,
          %add3A_759 = arith.constant 48 : i32
          %add3A_760 = arith.addi %multiple_of3A_186, %add3A_759 : i32
          %get3A_761 = arith.constant 4 : i32
          %get3A_762 = arith.index_cast %scan3A_321 : i32 to index
          %get3A_763 = arith.index_cast %get3A_761 : i32 to index
          %get3A_764 = arith.index_cast %add3A_760 : i32 to index
          %get3A_765 = tpu.vector_load %arg7[%get3A_762, %get3A_763, %get3A_764] {strides = array<i32>} : memref<12x16x256xf32, #tpu.memory_space<vmem>>, vector<16xf32>,
          %add3A_766 = arith.constant 64 : i32
          %add3A_767 = arith.addi %multiple_of3A_186, %add3A_766 : i32
          %get3A_768 = arith.constant 4 : i32
          %get3A_769 = arith.index_cast %scan3A_321 : i32 to index
          %get3A_770 = arith.index_cast %get3A_768 : i32 to index
          %get3A_771 = arith.index_cast %add3A_767 : i32 to index
          %get3A_772 = tpu.vector_load %arg7[%get3A_769, %get3A_770, %get3A_771] {strides = array<i32>} : memref<12x16x256xf32, #tpu.memory_space<vmem>>, vector<16xf32>,
          %add3A_773 = arith.constant 80 : i32
          %add3A_774 = arith.addi %multiple_of3A_186, %add3A_773 : i32
          %get3A_775 = arith.constant 4 : i32
          %get3A_776 = arith.index_cast %scan3A_321 : i32 to index
          %get3A_777 = arith.index_cast %get3A_775 : i32 to index
          %get3A_778 = arith.index_cast %add3A_774 : i32 to index
          %get3A_779 = tpu.vector_load %arg7[%get3A_776, %get3A_777, %get3A_778] {strides = array<i32>} : memref<12x16x256xf32, #tpu.memory_space<vmem>>, vector<16xf32>,
          %add3A_780 = arith.constant 96 : i32
          %add3A_781 = arith.addi %multiple_of3A_186, %add3A_780 : i32
          %get3A_782 = arith.constant 4 : i32
          %get3A_783 = arith.index_cast %scan3A_321 : i32 to index
          %get3A_784 = arith.index_cast %get3A_782 : i32 to index
          %get3A_785 = arith.index_cast %add3A_781 : i32 to index
          %get3A_786 = tpu.vector_load %arg7[%get3A_783, %get3A_784, %get3A_785] {strides = array<i32>} : memref<12x16x256xf32, #tpu.memory_space<vmem>>, vector<16xf32>,
          %add3A_787 = arith.constant 112 : i32
          %add3A_788 = arith.addi %multiple_of3A_186, %add3A_787 : i32
          %get3A_789 = arith.constant 4 : i32
          %get3A_790 = arith.index_cast %scan3A_321 : i32 to index
          %get3A_791 = arith.index_cast %get3A_789 : i32 to index
          %get3A_792 = arith.index_cast %add3A_788 : i32 to index
          %get3A_793 = tpu.vector_load %arg7[%get3A_790, %get3A_791, %get3A_792] {strides = array<i32>} : memref<12x16x256xf32, #tpu.memory_space<vmem>>, vector<16xf32>,
          %add3A_794 = arith.constant 6192 : i32
          %add3A_795 = arith.addi %add3A_794, %mul3A_323 : i32
          %add3A_796 = arith.constant 0 : i32
          %add3A_797 = arith.addi %add3A_795, %add3A_796 : i32
          %swap3A_798 = arith.index_cast %add3A_797 : i32 to index
          %swap3A_799 = tpu.vector_load %arg8[%swap3A_798] {strides = array<i32>} : memref<24768xf32, #tpu.memory_space<vmem>>, vector<16xf32>,
          tpu.vector_store %arg8[%swap3A_798], %get3A_744 {strides = array<i32>} : memref<24768xf32, #tpu.memory_space<vmem>>, vector<16xf32>,
          %add3A_800 = arith.constant 6192 : i32
          %add3A_801 = arith.addi %add3A_800, %mul3A_323 : i32
          %add3A_802 = arith.constant 16 : i32
          %add3A_803 = arith.addi %add3A_801, %add3A_802 : i32
          %swap3A_804 = arith.index_cast %add3A_803 : i32 to index
          %swap3A_805 = tpu.vector_load %arg8[%swap3A_804] {strides = array<i32>} : memref<24768xf32, #tpu.memory_space<vmem>>, vector<16xf32>,
          tpu.vector_store %arg8[%swap3A_804], %get3A_751 {strides = array<i32>} : memref<24768xf32, #tpu.memory_space<vmem>>, vector<16xf32>,
          %add3A_806 = arith.constant 6192 : i32
          %add3A_807 = arith.addi %add3A_806, %mul3A_323 : i32
          %add3A_808 = arith.constant 32 : i32
          %add3A_809 = arith.addi %add3A_807, %add3A_808 : i32
          %swap3A_810 = arith.index_cast %add3A_809 : i32 to index
          %swap3A_811 = tpu.vector_load %arg8[%swap3A_810] {strides = array<i32>} : memref<24768xf32, #tpu.memory_space<vmem>>, vector<16xf32>,
          tpu.vector_store %arg8[%swap3A_810], %get3A_758 {strides = array<i32>} : memref<24768xf32, #tpu.memory_space<vmem>>, vector<16xf32>,
          %add3A_812 = arith.constant 6192 : i32
          %add3A_813 = arith.addi %add3A_812, %mul3A_323 : i32
          %add3A_814 = arith.constant 48 : i32
          %add3A_815 = arith.addi %add3A_813, %add3A_814 : i32
          %swap3A_816 = arith.index_cast %add3A_815 : i32 to index
          %swap3A_817 = tpu.vector_load %arg8[%swap3A_816] {strides = array<i32>} : memref<24768xf32, #tpu.memory_space<vmem>>, vector<16xf32>,
          tpu.vector_store %arg8[%swap3A_816], %get3A_765 {strides = array<i32>} : memref<24768xf32, #tpu.memory_space<vmem>>, vector<16xf32>,
          %add3A_818 = arith.constant 6192 : i32
          %add3A_819 = arith.addi %add3A_818, %mul3A_323 : i32
          %add3A_820 = arith.constant 64 : i32
          %add3A_821 = arith.addi %add3A_819, %add3A_820 : i32
          %swap3A_822 = arith.index_cast %add3A_821 : i32 to index
          %swap3A_823 = tpu.vector_load %arg8[%swap3A_822] {strides = array<i32>} : memref<24768xf32, #tpu.memory_space<vmem>>, vector<16xf32>,
          tpu.vector_store %arg8[%swap3A_822], %get3A_772 {strides = array<i32>} : memref<24768xf32, #tpu.memory_space<vmem>>, vector<16xf32>,
          %add3A_824 = arith.constant 6192 : i32
          %add3A_825 = arith.addi %add3A_824, %mul3A_323 : i32
          %add3A_826 = arith.constant 80 : i32
          %add3A_827 = arith.addi %add3A_825, %add3A_826 : i32
          %swap3A_828 = arith.index_cast %add3A_827 : i32 to index
          %swap3A_829 = tpu.vector_load %arg8[%swap3A_828] {strides = array<i32>} : memref<24768xf32, #tpu.memory_space<vmem>>, vector<16xf32>,
          tpu.vector_store %arg8[%swap3A_828], %get3A_779 {strides = array<i32>} : memref<24768xf32, #tpu.memory_space<vmem>>, vector<16xf32>,
          %add3A_830 = arith.constant 6192 : i32
          %add3A_831 = arith.addi %add3A_830, %mul3A_323 : i32
          %add3A_832 = arith.constant 96 : i32
          %add3A_833 = arith.addi %add3A_831, %add3A_832 : i32
          %swap3A_834 = arith.index_cast %add3A_833 : i32 to index
          %swap3A_835 = tpu.vector_load %arg8[%swap3A_834] {strides = array<i32>} : memref<24768xf32, #tpu.memory_space<vmem>>, vector<16xf32>,
          tpu.vector_store %arg8[%swap3A_834], %get3A_786 {strides = array<i32>} : memref<24768xf32, #tpu.memory_space<vmem>>, vector<16xf32>,
          %add3A_836 = arith.constant 6192 : i32
          %add3A_837 = arith.addi %add3A_836, %mul3A_323 : i32
          %add3A_838 = arith.constant 112 : i32
          %add3A_839 = arith.addi %add3A_837, %add3A_838 : i32
          %swap3A_840 = arith.index_cast %add3A_839 : i32 to index
          %swap3A_841 = tpu.vector_load %arg8[%swap3A_840] {strides = array<i32>} : memref<24768xf32, #tpu.memory_space<vmem>>, vector<16xf32>,
          tpu.vector_store %arg8[%swap3A_840], %get3A_793 {strides = array<i32>} : memref<24768xf32, #tpu.memory_space<vmem>>, vector<16xf32>,
          %add3A_842 = arith.constant 0 : i32
          %add3A_843 = arith.addi %multiple_of3A_186, %add3A_842 : i32
          %get3A_844 = arith.constant 5 : i32
          %get3A_845 = arith.index_cast %scan3A_321 : i32 to index
          %get3A_846 = arith.index_cast %get3A_844 : i32 to index
          %get3A_847 = arith.index_cast %add3A_843 : i32 to index
          %get3A_848 = tpu.vector_load %arg7[%get3A_845, %get3A_846, %get3A_847] {strides = array<i32>} : memref<12x16x256xf32, #tpu.memory_space<vmem>>, vector<16xf32>,
          %add3A_849 = arith.constant 16 : i32
          %add3A_850 = arith.addi %multiple_of3A_186, %add3A_849 : i32
          %get3A_851 = arith.constant 5 : i32
          %get3A_852 = arith.index_cast %scan3A_321 : i32 to index
          %get3A_853 = arith.index_cast %get3A_851 : i32 to index
          %get3A_854 = arith.index_cast %add3A_850 : i32 to index
          %get3A_855 = tpu.vector_load %arg7[%get3A_852, %get3A_853, %get3A_854] {strides = array<i32>} : memref<12x16x256xf32, #tpu.memory_space<vmem>>, vector<16xf32>,
          %add3A_856 = arith.constant 32 : i32
          %add3A_857 = arith.addi %multiple_of3A_186, %add3A_856 : i32
          %get3A_858 = arith.constant 5 : i32
          %get3A_859 = arith.index_cast %scan3A_321 : i32 to index
          %get3A_860 = arith.index_cast %get3A_858 : i32 to index
          %get3A_861 = arith.index_cast %add3A_857 : i32 to index
          %get3A_862 = tpu.vector_load %arg7[%get3A_859, %get3A_860, %get3A_861] {strides = array<i32>} : memref<12x16x256xf32, #tpu.memory_space<vmem>>, vector<16xf32>,
          %add3A_863 = arith.constant 48 : i32
          %add3A_864 = arith.addi %multiple_of3A_186, %add3A_863 : i32
          %get3A_865 = arith.constant 5 : i32
          %get3A_866 = arith.index_cast %scan3A_321 : i32 to index
          %get3A_867 = arith.index_cast %get3A_865 : i32 to index
          %get3A_868 = arith.index_cast %add3A_864 : i32 to index
          %get3A_869 = tpu.vector_load %arg7[%get3A_866, %get3A_867, %get3A_868] {strides = array<i32>} : memref<12x16x256xf32, #tpu.memory_space<vmem>>, vector<16xf32>,
          %add3A_870 = arith.constant 64 : i32
          %add3A_871 = arith.addi %multiple_of3A_186, %add3A_870 : i32
          %get3A_872 = arith.constant 5 : i32
          %get3A_873 = arith.index_cast %scan3A_321 : i32 to index
          %get3A_874 = arith.index_cast %get3A_872 : i32 to index
          %get3A_875 = arith.index_cast %add3A_871 : i32 to index
          %get3A_876 = tpu.vector_load %arg7[%get3A_873, %get3A_874, %get3A_875] {strides = array<i32>} : memref<12x16x256xf32, #tpu.memory_space<vmem>>, vector<16xf32>,
          %add3A_877 = arith.constant 80 : i32
          %add3A_878 = arith.addi %multiple_of3A_186, %add3A_877 : i32
          %get3A_879 = arith.constant 5 : i32
          %get3A_880 = arith.index_cast %scan3A_321 : i32 to index
          %get3A_881 = arith.index_cast %get3A_879 : i32 to index
          %get3A_882 = arith.index_cast %add3A_878 : i32 to index
          %get3A_883 = tpu.vector_load %arg7[%get3A_880, %get3A_881, %get3A_882] {strides = array<i32>} : memref<12x16x256xf32, #tpu.memory_space<vmem>>, vector<16xf32>,
          %add3A_884 = arith.constant 96 : i32
          %add3A_885 = arith.addi %multiple_of3A_186, %add3A_884 : i32
          %get3A_886 = arith.constant 5 : i32
          %get3A_887 = arith.index_cast %scan3A_321 : i32 to index
          %get3A_888 = arith.index_cast %get3A_886 : i32 to index
          %get3A_889 = arith.index_cast %add3A_885 : i32 to index
          %get3A_890 = tpu.vector_load %arg7[%get3A_887, %get3A_888, %get3A_889] {strides = array<i32>} : memref<12x16x256xf32, #tpu.memory_space<vmem>>, vector<16xf32>,
          %add3A_891 = arith.constant 112 : i32
          %add3A_892 = arith.addi %multiple_of3A_186, %add3A_891 : i32
          %get3A_893 = arith.constant 5 : i32
          %get3A_894 = arith.index_cast %scan3A_321 : i32 to index
          %get3A_895 = arith.index_cast %get3A_893 : i32 to index
          %get3A_896 = arith.index_cast %add3A_892 : i32 to index
          %get3A_897 = tpu.vector_load %arg7[%get3A_894, %get3A_895, %get3A_896] {strides = array<i32>} : memref<12x16x256xf32, #tpu.memory_space<vmem>>, vector<16xf32>,
          %add3A_898 = arith.constant 7740 : i32
          %add3A_899 = arith.addi %add3A_898, %mul3A_323 : i32
          %add3A_900 = arith.constant 0 : i32
          %add3A_901 = arith.addi %add3A_899, %add3A_900 : i32
          %swap3A_902 = arith.index_cast %add3A_901 : i32 to index
          %swap3A_903 = tpu.vector_load %arg8[%swap3A_902] {strides = array<i32>} : memref<24768xf32, #tpu.memory_space<vmem>>, vector<16xf32>,
          tpu.vector_store %arg8[%swap3A_902], %get3A_848 {strides = array<i32>} : memref<24768xf32, #tpu.memory_space<vmem>>, vector<16xf32>,
          %add3A_904 = arith.constant 7740 : i32
          %add3A_905 = arith.addi %add3A_904, %mul3A_323 : i32
          %add3A_906 = arith.constant 16 : i32
          %add3A_907 = arith.addi %add3A_905, %add3A_906 : i32
          %swap3A_908 = arith.index_cast %add3A_907 : i32 to index
          %swap3A_909 = tpu.vector_load %arg8[%swap3A_908] {strides = array<i32>} : memref<24768xf32, #tpu.memory_space<vmem>>, vector<16xf32>,
          tpu.vector_store %arg8[%swap3A_908], %get3A_855 {strides = array<i32>} : memref<24768xf32, #tpu.memory_space<vmem>>, vector<16xf32>,
          %add3A_910 = arith.constant 7740 : i32
          %add3A_911 = arith.addi %add3A_910, %mul3A_323 : i32
          %add3A_912 = arith.constant 32 : i32
          %add3A_913 = arith.addi %add3A_911, %add3A_912 : i32
          %swap3A_914 = arith.index_cast %add3A_913 : i32 to index
          %swap3A_915 = tpu.vector_load %arg8[%swap3A_914] {strides = array<i32>} : memref<24768xf32, #tpu.memory_space<vmem>>, vector<16xf32>,
          tpu.vector_store %arg8[%swap3A_914], %get3A_862 {strides = array<i32>} : memref<24768xf32, #tpu.memory_space<vmem>>, vector<16xf32>,
          %add3A_916 = arith.constant 7740 : i32
          %add3A_917 = arith.addi %add3A_916, %mul3A_323 : i32
          %add3A_918 = arith.constant 48 : i32
          %add3A_919 = arith.addi %add3A_917, %add3A_918 : i32
          %swap3A_920 = arith.index_cast %add3A_919 : i32 to index
          %swap3A_921 = tpu.vector_load %arg8[%swap3A_920] {strides = array<i32>} : memref<24768xf32, #tpu.memory_space<vmem>>, vector<16xf32>,
          tpu.vector_store %arg8[%swap3A_920], %get3A_869 {strides = array<i32>} : memref<24768xf32, #tpu.memory_space<vmem>>, vector<16xf32>,
          %add3A_922 = arith.constant 7740 : i32
          %add3A_923 = arith.addi %add3A_922, %mul3A_323 : i32
          %add3A_924 = arith.constant 64 : i32
          %add3A_925 = arith.addi %add3A_923, %add3A_924 : i32
          %swap3A_926 = arith.index_cast %add3A_925 : i32 to index
          %swap3A_927 = tpu.vector_load %arg8[%swap3A_926] {strides = array<i32>} : memref<24768xf32, #tpu.memory_space<vmem>>, vector<16xf32>,
          tpu.vector_store %arg8[%swap3A_926], %get3A_876 {strides = array<i32>} : memref<24768xf32, #tpu.memory_space<vmem>>, vector<16xf32>,
          %add3A_928 = arith.constant 7740 : i32
          %add3A_929 = arith.addi %add3A_928, %mul3A_323 : i32
          %add3A_930 = arith.constant 80 : i32
          %add3A_931 = arith.addi %add3A_929, %add3A_930 : i32
          %swap3A_932 = arith.index_cast %add3A_931 : i32 to index
          %swap3A_933 = tpu.vector_load %arg8[%swap3A_932] {strides = array<i32>} : memref<24768xf32, #tpu.memory_space<vmem>>, vector<16xf32>,
          tpu.vector_store %arg8[%swap3A_932], %get3A_883 {strides = array<i32>} : memref<24768xf32, #tpu.memory_space<vmem>>, vector<16xf32>,
          %add3A_934 = arith.constant 7740 : i32
          %add3A_935 = arith.addi %add3A_934, %mul3A_323 : i32
          %add3A_936 = arith.constant 96 : i32
          %add3A_937 = arith.addi %add3A_935, %add3A_936 : i32
          %swap3A_938 = arith.index_cast %add3A_937 : i32 to index
          %swap3A_939 = tpu.vector_load %arg8[%swap3A_938] {strides = array<i32>} : memref<24768xf32, #tpu.memory_space<vmem>>, vector<16xf32>,
          tpu.vector_store %arg8[%swap3A_938], %get3A_890 {strides = array<i32>} : memref<24768xf32, #tpu.memory_space<vmem>>, vector<16xf32>,
          %add3A_940 = arith.constant 7740 : i32
          %add3A_941 = arith.addi %add3A_940, %mul3A_323 : i32
          %add3A_942 = arith.constant 112 : i32
          %add3A_943 = arith.addi %add3A_941, %add3A_942 : i32
          %swap3A_944 = arith.index_cast %add3A_943 : i32 to index
          %swap3A_945 = tpu.vector_load %arg8[%swap3A_944] {strides = array<i32>} : memref<24768xf32, #tpu.memory_space<vmem>>, vector<16xf32>,
          tpu.vector_store %arg8[%swap3A_944], %get3A_897 {strides = array<i32>} : memref<24768xf32, #tpu.memory_space<vmem>>, vector<16xf32>,
          %add3A_946 = arith.constant 0 : i32
          %add3A_947 = arith.addi %multiple_of3A_186, %add3A_946 : i32
          %get3A_948 = arith.constant 6 : i32
          %get3A_949 = arith.index_cast %scan3A_321 : i32 to index
          %get3A_950 = arith.index_cast %get3A_948 : i32 to index
          %get3A_951 = arith.index_cast %add3A_947 : i32 to index
          %get3A_952 = tpu.vector_load %arg7[%get3A_949, %get3A_950, %get3A_951] {strides = array<i32>} : memref<12x16x256xf32, #tpu.memory_space<vmem>>, vector<16xf32>,
          %add3A_953 = arith.constant 16 : i32
          %add3A_954 = arith.addi %multiple_of3A_186, %add3A_953 : i32
          %get3A_955 = arith.constant 6 : i32
          %get3A_956 = arith.index_cast %scan3A_321 : i32 to index
          %get3A_957 = arith.index_cast %get3A_955 : i32 to index
          %get3A_958 = arith.index_cast %add3A_954 : i32 to index
          %get3A_959 = tpu.vector_load %arg7[%get3A_956, %get3A_957, %get3A_958] {strides = array<i32>} : memref<12x16x256xf32, #tpu.memory_space<vmem>>, vector<16xf32>,
          %add3A_960 = arith.constant 32 : i32
          %add3A_961 = arith.addi %multiple_of3A_186, %add3A_960 : i32
          %get3A_962 = arith.constant 6 : i32
          %get3A_963 = arith.index_cast %scan3A_321 : i32 to index
          %get3A_964 = arith.index_cast %get3A_962 : i32 to index
          %get3A_965 = arith.index_cast %add3A_961 : i32 to index
          %get3A_966 = tpu.vector_load %arg7[%get3A_963, %get3A_964, %get3A_965] {strides = array<i32>} : memref<12x16x256xf32, #tpu.memory_space<vmem>>, vector<16xf32>,
          %add3A_967 = arith.constant 48 : i32
          %add3A_968 = arith.addi %multiple_of3A_186, %add3A_967 : i32
          %get3A_969 = arith.constant 6 : i32
          %get3A_970 = arith.index_cast %scan3A_321 : i32 to index
          %get3A_971 = arith.index_cast %get3A_969 : i32 to index
          %get3A_972 = arith.index_cast %add3A_968 : i32 to index
          %get3A_973 = tpu.vector_load %arg7[%get3A_970, %get3A_971, %get3A_972] {strides = array<i32>} : memref<12x16x256xf32, #tpu.memory_space<vmem>>, vector<16xf32>,
          %add3A_974 = arith.constant 64 : i32
          %add3A_975 = arith.addi %multiple_of3A_186, %add3A_974 : i32
          %get3A_976 = arith.constant 6 : i32
          %get3A_977 = arith.index_cast %scan3A_321 : i32 to index
          %get3A_978 = arith.index_cast %get3A_976 : i32 to index
          %get3A_979 = arith.index_cast %add3A_975 : i32 to index
          %get3A_980 = tpu.vector_load %arg7[%get3A_977, %get3A_978, %get3A_979] {strides = array<i32>} : memref<12x16x256xf32, #tpu.memory_space<vmem>>, vector<16xf32>,
          %add3A_981 = arith.constant 80 : i32
          %add3A_982 = arith.addi %multiple_of3A_186, %add3A_981 : i32
          %get3A_983 = arith.constant 6 : i32
          %get3A_984 = arith.index_cast %scan3A_321 : i32 to index
          %get3A_985 = arith.index_cast %get3A_983 : i32 to index
          %get3A_986 = arith.index_cast %add3A_982 : i32 to index
          %get3A_987 = tpu.vector_load %arg7[%get3A_984, %get3A_985, %get3A_986] {strides = array<i32>} : memref<12x16x256xf32, #tpu.memory_space<vmem>>, vector<16xf32>,
          %add3A_988 = arith.constant 96 : i32
          %add3A_989 = arith.addi %multiple_of3A_186, %add3A_988 : i32
          %get3A_990 = arith.constant 6 : i32
          %get3A_991 = arith.index_cast %scan3A_321 : i32 to index
          %get3A_992 = arith.index_cast %get3A_990 : i32 to index
          %get3A_993 = arith.index_cast %add3A_989 : i32 to index
          %get3A_994 = tpu.vector_load %arg7[%get3A_991, %get3A_992, %get3A_993] {strides = array<i32>} : memref<12x16x256xf32, #tpu.memory_space<vmem>>, vector<16xf32>,
          %add3A_995 = arith.constant 112 : i32
          %add3A_996 = arith.addi %multiple_of3A_186, %add3A_995 : i32
          %get3A_997 = arith.constant 6 : i32
          %get3A_998 = arith.index_cast %scan3A_321 : i32 to index
          %get3A_999 = arith.index_cast %get3A_997 : i32 to index
          %get3A_1000 = arith.index_cast %add3A_996 : i32 to index
          %get3A_1001 = tpu.vector_load %arg7[%get3A_998, %get3A_999, %get3A_1000] {strides = array<i32>} : memref<12x16x256xf32, #tpu.memory_space<vmem>>, vector<16xf32>,
          %add3A_1002 = arith.constant 9288 : i32
          %add3A_1003 = arith.addi %add3A_1002, %mul3A_323 : i32
          %add3A_1004 = arith.constant 0 : i32
          %add3A_1005 = arith.addi %add3A_1003, %add3A_1004 : i32
          %swap3A_1006 = arith.index_cast %add3A_1005 : i32 to index
          %swap3A_1007 = tpu.vector_load %arg8[%swap3A_1006] {strides = array<i32>} : memref<24768xf32, #tpu.memory_space<vmem>>, vector<16xf32>,
          tpu.vector_store %arg8[%swap3A_1006], %get3A_952 {strides = array<i32>} : memref<24768xf32, #tpu.memory_space<vmem>>, vector<16xf32>,
          %add3A_1008 = arith.constant 9288 : i32
          %add3A_1009 = arith.addi %add3A_1008, %mul3A_323 : i32
          %add3A_1010 = arith.constant 16 : i32
          %add3A_1011 = arith.addi %add3A_1009, %add3A_1010 : i32
          %swap3A_1012 = arith.index_cast %add3A_1011 : i32 to index
          %swap3A_1013 = tpu.vector_load %arg8[%swap3A_1012] {strides = array<i32>} : memref<24768xf32, #tpu.memory_space<vmem>>, vector<16xf32>,
          tpu.vector_store %arg8[%swap3A_1012], %get3A_959 {strides = array<i32>} : memref<24768xf32, #tpu.memory_space<vmem>>, vector<16xf32>,
          %add3A_1014 = arith.constant 9288 : i32
          %add3A_1015 = arith.addi %add3A_1014, %mul3A_323 : i32
          %add3A_1016 = arith.constant 32 : i32
          %add3A_1017 = arith.addi %add3A_1015, %add3A_1016 : i32
          %swap3A_1018 = arith.index_cast %add3A_1017 : i32 to index
          %swap3A_1019 = tpu.vector_load %arg8[%swap3A_1018] {strides = array<i32>} : memref<24768xf32, #tpu.memory_space<vmem>>, vector<16xf32>,
          tpu.vector_store %arg8[%swap3A_1018], %get3A_966 {strides = array<i32>} : memref<24768xf32, #tpu.memory_space<vmem>>, vector<16xf32>,
          %add3A_1020 = arith.constant 9288 : i32
          %add3A_1021 = arith.addi %add3A_1020, %mul3A_323 : i32
          %add3A_1022 = arith.constant 48 : i32
          %add3A_1023 = arith.addi %add3A_1021, %add3A_1022 : i32
          %swap3A_1024 = arith.index_cast %add3A_1023 : i32 to index
          %swap3A_1025 = tpu.vector_load %arg8[%swap3A_1024] {strides = array<i32>} : memref<24768xf32, #tpu.memory_space<vmem>>, vector<16xf32>,
          tpu.vector_store %arg8[%swap3A_1024], %get3A_973 {strides = array<i32>} : memref<24768xf32, #tpu.memory_space<vmem>>, vector<16xf32>,
          %add3A_1026 = arith.constant 9288 : i32
          %add3A_1027 = arith.addi %add3A_1026, %mul3A_323 : i32
          %add3A_1028 = arith.constant 64 : i32
          %add3A_1029 = arith.addi %add3A_1027, %add3A_1028 : i32
          %swap3A_1030 = arith.index_cast %add3A_1029 : i32 to index
          %swap3A_1031 = tpu.vector_load %arg8[%swap3A_1030] {strides = array<i32>} : memref<24768xf32, #tpu.memory_space<vmem>>, vector<16xf32>,
          tpu.vector_store %arg8[%swap3A_1030], %get3A_980 {strides = array<i32>} : memref<24768xf32, #tpu.memory_space<vmem>>, vector<16xf32>,
          %add3A_1032 = arith.constant 9288 : i32
          %add3A_1033 = arith.addi %add3A_1032, %mul3A_323 : i32
          %add3A_1034 = arith.constant 80 : i32
          %add3A_1035 = arith.addi %add3A_1033, %add3A_1034 : i32
          %swap3A_1036 = arith.index_cast %add3A_1035 : i32 to index
          %swap3A_1037 = tpu.vector_load %arg8[%swap3A_1036] {strides = array<i32>} : memref<24768xf32, #tpu.memory_space<vmem>>, vector<16xf32>,
          tpu.vector_store %arg8[%swap3A_1036], %get3A_987 {strides = array<i32>} : memref<24768xf32, #tpu.memory_space<vmem>>, vector<16xf32>,
          %add3A_1038 = arith.constant 9288 : i32
          %add3A_1039 = arith.addi %add3A_1038, %mul3A_323 : i32
          %add3A_1040 = arith.constant 96 : i32
          %add3A_1041 = arith.addi %add3A_1039, %add3A_1040 : i32
          %swap3A_1042 = arith.index_cast %add3A_1041 : i32 to index
          %swap3A_1043 = tpu.vector_load %arg8[%swap3A_1042] {strides = array<i32>} : memref<24768xf32, #tpu.memory_space<vmem>>, vector<16xf32>,
          tpu.vector_store %arg8[%swap3A_1042], %get3A_994 {strides = array<i32>} : memref<24768xf32, #tpu.memory_space<vmem>>, vector<16xf32>,
          %add3A_1044 = arith.constant 9288 : i32
          %add3A_1045 = arith.addi %add3A_1044, %mul3A_323 : i32
          %add3A_1046 = arith.constant 112 : i32
          %add3A_1047 = arith.addi %add3A_1045, %add3A_1046 : i32
          %swap3A_1048 = arith.index_cast %add3A_1047 : i32 to index
          %swap3A_1049 = tpu.vector_load %arg8[%swap3A_1048] {strides = array<i32>} : memref<24768xf32, #tpu.memory_space<vmem>>, vector<16xf32>,
          tpu.vector_store %arg8[%swap3A_1048], %get3A_1001 {strides = array<i32>} : memref<24768xf32, #tpu.memory_space<vmem>>, vector<16xf32>,
          %add3A_1050 = arith.constant 0 : i32
          %add3A_1051 = arith.addi %multiple_of3A_186, %add3A_1050 : i32
          %get3A_1052 = arith.constant 7 : i32
          %get3A_1053 = arith.index_cast %scan3A_321 : i32 to index
          %get3A_1054 = arith.index_cast %get3A_1052 : i32 to index
          %get3A_1055 = arith.index_cast %add3A_1051 : i32 to index
          %get3A_1056 = tpu.vector_load %arg7[%get3A_1053, %get3A_1054, %get3A_1055] {strides = array<i32>} : memref<12x16x256xf32, #tpu.memory_space<vmem>>, vector<16xf32>,
          %add3A_1057 = arith.constant 16 : i32
          %add3A_1058 = arith.addi %multiple_of3A_186, %add3A_1057 : i32
          %get3A_1059 = arith.constant 7 : i32
          %get3A_1060 = arith.index_cast %scan3A_321 : i32 to index
          %get3A_1061 = arith.index_cast %get3A_1059 : i32 to index
          %get3A_1062 = arith.index_cast %add3A_1058 : i32 to index
          %get3A_1063 = tpu.vector_load %arg7[%get3A_1060, %get3A_1061, %get3A_1062] {strides = array<i32>} : memref<12x16x256xf32, #tpu.memory_space<vmem>>, vector<16xf32>,
          %add3A_1064 = arith.constant 32 : i32
          %add3A_1065 = arith.addi %multiple_of3A_186, %add3A_1064 : i32
          %get3A_1066 = arith.constant 7 : i32
          %get3A_1067 = arith.index_cast %scan3A_321 : i32 to index
          %get3A_1068 = arith.index_cast %get3A_1066 : i32 to index
          %get3A_1069 = arith.index_cast %add3A_1065 : i32 to index
          %get3A_1070 = tpu.vector_load %arg7[%get3A_1067, %get3A_1068, %get3A_1069] {strides = array<i32>} : memref<12x16x256xf32, #tpu.memory_space<vmem>>, vector<16xf32>,
          %add3A_1071 = arith.constant 48 : i32
          %add3A_1072 = arith.addi %multiple_of3A_186, %add3A_1071 : i32
          %get3A_1073 = arith.constant 7 : i32
          %get3A_1074 = arith.index_cast %scan3A_321 : i32 to index
          %get3A_1075 = arith.index_cast %get3A_1073 : i32 to index
          %get3A_1076 = arith.index_cast %add3A_1072 : i32 to index
          %get3A_1077 = tpu.vector_load %arg7[%get3A_1074, %get3A_1075, %get3A_1076] {strides = array<i32>} : memref<12x16x256xf32, #tpu.memory_space<vmem>>, vector<16xf32>,
          %add3A_1078 = arith.constant 64 : i32
          %add3A_1079 = arith.addi %multiple_of3A_186, %add3A_1078 : i32
          %get3A_1080 = arith.constant 7 : i32
          %get3A_1081 = arith.index_cast %scan3A_321 : i32 to index
          %get3A_1082 = arith.index_cast %get3A_1080 : i32 to index
          %get3A_1083 = arith.index_cast %add3A_1079 : i32 to index
          %get3A_1084 = tpu.vector_load %arg7[%get3A_1081, %get3A_1082, %get3A_1083] {strides = array<i32>} : memref<12x16x256xf32, #tpu.memory_space<vmem>>, vector<16xf32>,
          %add3A_1085 = arith.constant 80 : i32
          %add3A_1086 = arith.addi %multiple_of3A_186, %add3A_1085 : i32
          %get3A_1087 = arith.constant 7 : i32
          %get3A_1088 = arith.index_cast %scan3A_321 : i32 to index
          %get3A_1089 = arith.index_cast %get3A_1087 : i32 to index
          %get3A_1090 = arith.index_cast %add3A_1086 : i32 to index
          %get3A_1091 = tpu.vector_load %arg7[%get3A_1088, %get3A_1089, %get3A_1090] {strides = array<i32>} : memref<12x16x256xf32, #tpu.memory_space<vmem>>, vector<16xf32>,
          %add3A_1092 = arith.constant 96 : i32
          %add3A_1093 = arith.addi %multiple_of3A_186, %add3A_1092 : i32
          %get3A_1094 = arith.constant 7 : i32
          %get3A_1095 = arith.index_cast %scan3A_321 : i32 to index
          %get3A_1096 = arith.index_cast %get3A_1094 : i32 to index
          %get3A_1097 = arith.index_cast %add3A_1093 : i32 to index
          %get3A_1098 = tpu.vector_load %arg7[%get3A_1095, %get3A_1096, %get3A_1097] {strides = array<i32>} : memref<12x16x256xf32, #tpu.memory_space<vmem>>, vector<16xf32>,
          %add3A_1099 = arith.constant 112 : i32
          %add3A_1100 = arith.addi %multiple_of3A_186, %add3A_1099 : i32
          %get3A_1101 = arith.constant 7 : i32
          %get3A_1102 = arith.index_cast %scan3A_321 : i32 to index
          %get3A_1103 = arith.index_cast %get3A_1101 : i32 to index
          %get3A_1104 = arith.index_cast %add3A_1100 : i32 to index
          %get3A_1105 = tpu.vector_load %arg7[%get3A_1102, %get3A_1103, %get3A_1104] {strides = array<i32>} : memref<12x16x256xf32, #tpu.memory_space<vmem>>, vector<16xf32>,
          %add3A_1106 = arith.constant 10836 : i32
          %add3A_1107 = arith.addi %add3A_1106, %mul3A_323 : i32
          %add3A_1108 = arith.constant 0 : i32
          %add3A_1109 = arith.addi %add3A_1107, %add3A_1108 : i32
          %swap3A_1110 = arith.index_cast %add3A_1109 : i32 to index
          %swap3A_1111 = tpu.vector_load %arg8[%swap3A_1110] {strides = array<i32>} : memref<24768xf32, #tpu.memory_space<vmem>>, vector<16xf32>,
          tpu.vector_store %arg8[%swap3A_1110], %get3A_1056 {strides = array<i32>} : memref<24768xf32, #tpu.memory_space<vmem>>, vector<16xf32>,
          %add3A_1112 = arith.constant 10836 : i32
          %add3A_1113 = arith.addi %add3A_1112, %mul3A_323 : i32
          %add3A_1114 = arith.constant 16 : i32
          %add3A_1115 = arith.addi %add3A_1113, %add3A_1114 : i32
          %swap3A_1116 = arith.index_cast %add3A_1115 : i32 to index
          %swap3A_1117 = tpu.vector_load %arg8[%swap3A_1116] {strides = array<i32>} : memref<24768xf32, #tpu.memory_space<vmem>>, vector<16xf32>,
          tpu.vector_store %arg8[%swap3A_1116], %get3A_1063 {strides = array<i32>} : memref<24768xf32, #tpu.memory_space<vmem>>, vector<16xf32>,
          %add3A_1118 = arith.constant 10836 : i32
          %add3A_1119 = arith.addi %add3A_1118, %mul3A_323 : i32
          %add3A_1120 = arith.constant 32 : i32
          %add3A_1121 = arith.addi %add3A_1119, %add3A_1120 : i32
          %swap3A_1122 = arith.index_cast %add3A_1121 : i32 to index
          %swap3A_1123 = tpu.vector_load %arg8[%swap3A_1122] {strides = array<i32>} : memref<24768xf32, #tpu.memory_space<vmem>>, vector<16xf32>,
          tpu.vector_store %arg8[%swap3A_1122], %get3A_1070 {strides = array<i32>} : memref<24768xf32, #tpu.memory_space<vmem>>, vector<16xf32>,
          %add3A_1124 = arith.constant 10836 : i32
          %add3A_1125 = arith.addi %add3A_1124, %mul3A_323 : i32
          %add3A_1126 = arith.constant 48 : i32
          %add3A_1127 = arith.addi %add3A_1125, %add3A_1126 : i32
          %swap3A_1128 = arith.index_cast %add3A_1127 : i32 to index
          %swap3A_1129 = tpu.vector_load %arg8[%swap3A_1128] {strides = array<i32>} : memref<24768xf32, #tpu.memory_space<vmem>>, vector<16xf32>,
          tpu.vector_store %arg8[%swap3A_1128], %get3A_1077 {strides = array<i32>} : memref<24768xf32, #tpu.memory_space<vmem>>, vector<16xf32>,
          %add3A_1130 = arith.constant 10836 : i32
          %add3A_1131 = arith.addi %add3A_1130, %mul3A_323 : i32
          %add3A_1132 = arith.constant 64 : i32
          %add3A_1133 = arith.addi %add3A_1131, %add3A_1132 : i32
          %swap3A_1134 = arith.index_cast %add3A_1133 : i32 to index
          %swap3A_1135 = tpu.vector_load %arg8[%swap3A_1134] {strides = array<i32>} : memref<24768xf32, #tpu.memory_space<vmem>>, vector<16xf32>,
          tpu.vector_store %arg8[%swap3A_1134], %get3A_1084 {strides = array<i32>} : memref<24768xf32, #tpu.memory_space<vmem>>, vector<16xf32>,
          %add3A_1136 = arith.constant 10836 : i32
          %add3A_1137 = arith.addi %add3A_1136, %mul3A_323 : i32
          %add3A_1138 = arith.constant 80 : i32
          %add3A_1139 = arith.addi %add3A_1137, %add3A_1138 : i32
          %swap3A_1140 = arith.index_cast %add3A_1139 : i32 to index
          %swap3A_1141 = tpu.vector_load %arg8[%swap3A_1140] {strides = array<i32>} : memref<24768xf32, #tpu.memory_space<vmem>>, vector<16xf32>,
          tpu.vector_store %arg8[%swap3A_1140], %get3A_1091 {strides = array<i32>} : memref<24768xf32, #tpu.memory_space<vmem>>, vector<16xf32>,
          %add3A_1142 = arith.constant 10836 : i32
          %add3A_1143 = arith.addi %add3A_1142, %mul3A_323 : i32
          %add3A_1144 = arith.constant 96 : i32
          %add3A_1145 = arith.addi %add3A_1143, %add3A_1144 : i32
          %swap3A_1146 = arith.index_cast %add3A_1145 : i32 to index
          %swap3A_1147 = tpu.vector_load %arg8[%swap3A_1146] {strides = array<i32>} : memref<24768xf32, #tpu.memory_space<vmem>>, vector<16xf32>,
          tpu.vector_store %arg8[%swap3A_1146], %get3A_1098 {strides = array<i32>} : memref<24768xf32, #tpu.memory_space<vmem>>, vector<16xf32>,
          %add3A_1148 = arith.constant 10836 : i32
          %add3A_1149 = arith.addi %add3A_1148, %mul3A_323 : i32
          %add3A_1150 = arith.constant 112 : i32
          %add3A_1151 = arith.addi %add3A_1149, %add3A_1150 : i32
          %swap3A_1152 = arith.index_cast %add3A_1151 : i32 to index
          %swap3A_1153 = tpu.vector_load %arg8[%swap3A_1152] {strides = array<i32>} : memref<24768xf32, #tpu.memory_space<vmem>>, vector<16xf32>,
          tpu.vector_store %arg8[%swap3A_1152], %get3A_1105 {strides = array<i32>} : memref<24768xf32, #tpu.memory_space<vmem>>, vector<16xf32>,
          %add3A_1154 = arith.constant 0 : i32
          %add3A_1155 = arith.addi %multiple_of3A_186, %add3A_1154 : i32
          %get3A_1156 = arith.constant 8 : i32
          %get3A_1157 = arith.index_cast %scan3A_321 : i32 to index
          %get3A_1158 = arith.index_cast %get3A_1156 : i32 to index
          %get3A_1159 = arith.index_cast %add3A_1155 : i32 to index
          %get3A_1160 = tpu.vector_load %arg7[%get3A_1157, %get3A_1158, %get3A_1159] {strides = array<i32>} : memref<12x16x256xf32, #tpu.memory_space<vmem>>, vector<16xf32>,
          %add3A_1161 = arith.constant 16 : i32
          %add3A_1162 = arith.addi %multiple_of3A_186, %add3A_1161 : i32
          %get3A_1163 = arith.constant 8 : i32
          %get3A_1164 = arith.index_cast %scan3A_321 : i32 to index
          %get3A_1165 = arith.index_cast %get3A_1163 : i32 to index
          %get3A_1166 = arith.index_cast %add3A_1162 : i32 to index
          %get3A_1167 = tpu.vector_load %arg7[%get3A_1164, %get3A_1165, %get3A_1166] {strides = array<i32>} : memref<12x16x256xf32, #tpu.memory_space<vmem>>, vector<16xf32>,
          %add3A_1168 = arith.constant 32 : i32
          %add3A_1169 = arith.addi %multiple_of3A_186, %add3A_1168 : i32
          %get3A_1170 = arith.constant 8 : i32
          %get3A_1171 = arith.index_cast %scan3A_321 : i32 to index
          %get3A_1172 = arith.index_cast %get3A_1170 : i32 to index
          %get3A_1173 = arith.index_cast %add3A_1169 : i32 to index
          %get3A_1174 = tpu.vector_load %arg7[%get3A_1171, %get3A_1172, %get3A_1173] {strides = array<i32>} : memref<12x16x256xf32, #tpu.memory_space<vmem>>, vector<16xf32>,
          %add3A_1175 = arith.constant 48 : i32
          %add3A_1176 = arith.addi %multiple_of3A_186, %add3A_1175 : i32
          %get3A_1177 = arith.constant 8 : i32
          %get3A_1178 = arith.index_cast %scan3A_321 : i32 to index
          %get3A_1179 = arith.index_cast %get3A_1177 : i32 to index
          %get3A_1180 = arith.index_cast %add3A_1176 : i32 to index
          %get3A_1181 = tpu.vector_load %arg7[%get3A_1178, %get3A_1179, %get3A_1180] {strides = array<i32>} : memref<12x16x256xf32, #tpu.memory_space<vmem>>, vector<16xf32>,
          %add3A_1182 = arith.constant 64 : i32
          %add3A_1183 = arith.addi %multiple_of3A_186, %add3A_1182 : i32
          %get3A_1184 = arith.constant 8 : i32
          %get3A_1185 = arith.index_cast %scan3A_321 : i32 to index
          %get3A_1186 = arith.index_cast %get3A_1184 : i32 to index
          %get3A_1187 = arith.index_cast %add3A_1183 : i32 to index
          %get3A_1188 = tpu.vector_load %arg7[%get3A_1185, %get3A_1186, %get3A_1187] {strides = array<i32>} : memref<12x16x256xf32, #tpu.memory_space<vmem>>, vector<16xf32>,
          %add3A_1189 = arith.constant 80 : i32
          %add3A_1190 = arith.addi %multiple_of3A_186, %add3A_1189 : i32
          %get3A_1191 = arith.constant 8 : i32
          %get3A_1192 = arith.index_cast %scan3A_321 : i32 to index
          %get3A_1193 = arith.index_cast %get3A_1191 : i32 to index
          %get3A_1194 = arith.index_cast %add3A_1190 : i32 to index
          %get3A_1195 = tpu.vector_load %arg7[%get3A_1192, %get3A_1193, %get3A_1194] {strides = array<i32>} : memref<12x16x256xf32, #tpu.memory_space<vmem>>, vector<16xf32>,
          %add3A_1196 = arith.constant 96 : i32
          %add3A_1197 = arith.addi %multiple_of3A_186, %add3A_1196 : i32
          %get3A_1198 = arith.constant 8 : i32
          %get3A_1199 = arith.index_cast %scan3A_321 : i32 to index
          %get3A_1200 = arith.index_cast %get3A_1198 : i32 to index
          %get3A_1201 = arith.index_cast %add3A_1197 : i32 to index
          %get3A_1202 = tpu.vector_load %arg7[%get3A_1199, %get3A_1200, %get3A_1201] {strides = array<i32>} : memref<12x16x256xf32, #tpu.memory_space<vmem>>, vector<16xf32>,
          %add3A_1203 = arith.constant 112 : i32
          %add3A_1204 = arith.addi %multiple_of3A_186, %add3A_1203 : i32
          %get3A_1205 = arith.constant 8 : i32
          %get3A_1206 = arith.index_cast %scan3A_321 : i32 to index
          %get3A_1207 = arith.index_cast %get3A_1205 : i32 to index
          %get3A_1208 = arith.index_cast %add3A_1204 : i32 to index
          %get3A_1209 = tpu.vector_load %arg7[%get3A_1206, %get3A_1207, %get3A_1208] {strides = array<i32>} : memref<12x16x256xf32, #tpu.memory_space<vmem>>, vector<16xf32>,
          %add3A_1210 = arith.constant 12384 : i32
          %add3A_1211 = arith.addi %add3A_1210, %mul3A_323 : i32
          %add3A_1212 = arith.constant 0 : i32
          %add3A_1213 = arith.addi %add3A_1211, %add3A_1212 : i32
          %swap3A_1214 = arith.index_cast %add3A_1213 : i32 to index
          %swap3A_1215 = tpu.vector_load %arg8[%swap3A_1214] {strides = array<i32>} : memref<24768xf32, #tpu.memory_space<vmem>>, vector<16xf32>,
          tpu.vector_store %arg8[%swap3A_1214], %get3A_1160 {strides = array<i32>} : memref<24768xf32, #tpu.memory_space<vmem>>, vector<16xf32>,
          %add3A_1216 = arith.constant 12384 : i32
          %add3A_1217 = arith.addi %add3A_1216, %mul3A_323 : i32
          %add3A_1218 = arith.constant 16 : i32
          %add3A_1219 = arith.addi %add3A_1217, %add3A_1218 : i32
          %swap3A_1220 = arith.index_cast %add3A_1219 : i32 to index
          %swap3A_1221 = tpu.vector_load %arg8[%swap3A_1220] {strides = array<i32>} : memref<24768xf32, #tpu.memory_space<vmem>>, vector<16xf32>,
          tpu.vector_store %arg8[%swap3A_1220], %get3A_1167 {strides = array<i32>} : memref<24768xf32, #tpu.memory_space<vmem>>, vector<16xf32>,
          %add3A_1222 = arith.constant 12384 : i32
          %add3A_1223 = arith.addi %add3A_1222, %mul3A_323 : i32
          %add3A_1224 = arith.constant 32 : i32
          %add3A_1225 = arith.addi %add3A_1223, %add3A_1224 : i32
          %swap3A_1226 = arith.index_cast %add3A_1225 : i32 to index
          %swap3A_1227 = tpu.vector_load %arg8[%swap3A_1226] {strides = array<i32>} : memref<24768xf32, #tpu.memory_space<vmem>>, vector<16xf32>,
          tpu.vector_store %arg8[%swap3A_1226], %get3A_1174 {strides = array<i32>} : memref<24768xf32, #tpu.memory_space<vmem>>, vector<16xf32>,
          %add3A_1228 = arith.constant 12384 : i32
          %add3A_1229 = arith.addi %add3A_1228, %mul3A_323 : i32
          %add3A_1230 = arith.constant 48 : i32
          %add3A_1231 = arith.addi %add3A_1229, %add3A_1230 : i32
          %swap3A_1232 = arith.index_cast %add3A_1231 : i32 to index
          %swap3A_1233 = tpu.vector_load %arg8[%swap3A_1232] {strides = array<i32>} : memref<24768xf32, #tpu.memory_space<vmem>>, vector<16xf32>,
          tpu.vector_store %arg8[%swap3A_1232], %get3A_1181 {strides = array<i32>} : memref<24768xf32, #tpu.memory_space<vmem>>, vector<16xf32>,
          %add3A_1234 = arith.constant 12384 : i32
          %add3A_1235 = arith.addi %add3A_1234, %mul3A_323 : i32
          %add3A_1236 = arith.constant 64 : i32
          %add3A_1237 = arith.addi %add3A_1235, %add3A_1236 : i32
          %swap3A_1238 = arith.index_cast %add3A_1237 : i32 to index
          %swap3A_1239 = tpu.vector_load %arg8[%swap3A_1238] {strides = array<i32>} : memref<24768xf32, #tpu.memory_space<vmem>>, vector<16xf32>,
          tpu.vector_store %arg8[%swap3A_1238], %get3A_1188 {strides = array<i32>} : memref<24768xf32, #tpu.memory_space<vmem>>, vector<16xf32>,
          %add3A_1240 = arith.constant 12384 : i32
          %add3A_1241 = arith.addi %add3A_1240, %mul3A_323 : i32
          %add3A_1242 = arith.constant 80 : i32
          %add3A_1243 = arith.addi %add3A_1241, %add3A_1242 : i32
          %swap3A_1244 = arith.index_cast %add3A_1243 : i32 to index
          %swap3A_1245 = tpu.vector_load %arg8[%swap3A_1244] {strides = array<i32>} : memref<24768xf32, #tpu.memory_space<vmem>>, vector<16xf32>,
          tpu.vector_store %arg8[%swap3A_1244], %get3A_1195 {strides = array<i32>} : memref<24768xf32, #tpu.memory_space<vmem>>, vector<16xf32>,
          %add3A_1246 = arith.constant 12384 : i32
          %add3A_1247 = arith.addi %add3A_1246, %mul3A_323 : i32
          %add3A_1248 = arith.constant 96 : i32
          %add3A_1249 = arith.addi %add3A_1247, %add3A_1248 : i32
          %swap3A_1250 = arith.index_cast %add3A_1249 : i32 to index
          %swap3A_1251 = tpu.vector_load %arg8[%swap3A_1250] {strides = array<i32>} : memref<24768xf32, #tpu.memory_space<vmem>>, vector<16xf32>,
          tpu.vector_store %arg8[%swap3A_1250], %get3A_1202 {strides = array<i32>} : memref<24768xf32, #tpu.memory_space<vmem>>, vector<16xf32>,
          %add3A_1252 = arith.constant 12384 : i32
          %add3A_1253 = arith.addi %add3A_1252, %mul3A_323 : i32
          %add3A_1254 = arith.constant 112 : i32
          %add3A_1255 = arith.addi %add3A_1253, %add3A_1254 : i32
          %swap3A_1256 = arith.index_cast %add3A_1255 : i32 to index
          %swap3A_1257 = tpu.vector_load %arg8[%swap3A_1256] {strides = array<i32>} : memref<24768xf32, #tpu.memory_space<vmem>>, vector<16xf32>,
          tpu.vector_store %arg8[%swap3A_1256], %get3A_1209 {strides = array<i32>} : memref<24768xf32, #tpu.memory_space<vmem>>, vector<16xf32>,
          %add3A_1258 = arith.constant 0 : i32
          %add3A_1259 = arith.addi %multiple_of3A_186, %add3A_1258 : i32
          %get3A_1260 = arith.constant 9 : i32
          %get3A_1261 = arith.index_cast %scan3A_321 : i32 to index
          %get3A_1262 = arith.index_cast %get3A_1260 : i32 to index
          %get3A_1263 = arith.index_cast %add3A_1259 : i32 to index
          %get3A_1264 = tpu.vector_load %arg7[%get3A_1261, %get3A_1262, %get3A_1263] {strides = array<i32>} : memref<12x16x256xf32, #tpu.memory_space<vmem>>, vector<16xf32>,
          %add3A_1265 = arith.constant 16 : i32
          %add3A_1266 = arith.addi %multiple_of3A_186, %add3A_1265 : i32
          %get3A_1267 = arith.constant 9 : i32
          %get3A_1268 = arith.index_cast %scan3A_321 : i32 to index
          %get3A_1269 = arith.index_cast %get3A_1267 : i32 to index
          %get3A_1270 = arith.index_cast %add3A_1266 : i32 to index
          %get3A_1271 = tpu.vector_load %arg7[%get3A_1268, %get3A_1269, %get3A_1270] {strides = array<i32>} : memref<12x16x256xf32, #tpu.memory_space<vmem>>, vector<16xf32>,
          %add3A_1272 = arith.constant 32 : i32
          %add3A_1273 = arith.addi %multiple_of3A_186, %add3A_1272 : i32
          %get3A_1274 = arith.constant 9 : i32
          %get3A_1275 = arith.index_cast %scan3A_321 : i32 to index
          %get3A_1276 = arith.index_cast %get3A_1274 : i32 to index
          %get3A_1277 = arith.index_cast %add3A_1273 : i32 to index
          %get3A_1278 = tpu.vector_load %arg7[%get3A_1275, %get3A_1276, %get3A_1277] {strides = array<i32>} : memref<12x16x256xf32, #tpu.memory_space<vmem>>, vector<16xf32>,
          %add3A_1279 = arith.constant 48 : i32
          %add3A_1280 = arith.addi %multiple_of3A_186, %add3A_1279 : i32
          %get3A_1281 = arith.constant 9 : i32
          %get3A_1282 = arith.index_cast %scan3A_321 : i32 to index
          %get3A_1283 = arith.index_cast %get3A_1281 : i32 to index
          %get3A_1284 = arith.index_cast %add3A_1280 : i32 to index
          %get3A_1285 = tpu.vector_load %arg7[%get3A_1282, %get3A_1283, %get3A_1284] {strides = array<i32>} : memref<12x16x256xf32, #tpu.memory_space<vmem>>, vector<16xf32>,
          %add3A_1286 = arith.constant 64 : i32
          %add3A_1287 = arith.addi %multiple_of3A_186, %add3A_1286 : i32
          %get3A_1288 = arith.constant 9 : i32
          %get3A_1289 = arith.index_cast %scan3A_321 : i32 to index
          %get3A_1290 = arith.index_cast %get3A_1288 : i32 to index
          %get3A_1291 = arith.index_cast %add3A_1287 : i32 to index
          %get3A_1292 = tpu.vector_load %arg7[%get3A_1289, %get3A_1290, %get3A_1291] {strides = array<i32>} : memref<12x16x256xf32, #tpu.memory_space<vmem>>, vector<16xf32>,
          %add3A_1293 = arith.constant 80 : i32
          %add3A_1294 = arith.addi %multiple_of3A_186, %add3A_1293 : i32
          %get3A_1295 = arith.constant 9 : i32
          %get3A_1296 = arith.index_cast %scan3A_321 : i32 to index
          %get3A_1297 = arith.index_cast %get3A_1295 : i32 to index
          %get3A_1298 = arith.index_cast %add3A_1294 : i32 to index
          %get3A_1299 = tpu.vector_load %arg7[%get3A_1296, %get3A_1297, %get3A_1298] {strides = array<i32>} : memref<12x16x256xf32, #tpu.memory_space<vmem>>, vector<16xf32>,
          %add3A_1300 = arith.constant 96 : i32
          %add3A_1301 = arith.addi %multiple_of3A_186, %add3A_1300 : i32
          %get3A_1302 = arith.constant 9 : i32
          %get3A_1303 = arith.index_cast %scan3A_321 : i32 to index
          %get3A_1304 = arith.index_cast %get3A_1302 : i32 to index
          %get3A_1305 = arith.index_cast %add3A_1301 : i32 to index
          %get3A_1306 = tpu.vector_load %arg7[%get3A_1303, %get3A_1304, %get3A_1305] {strides = array<i32>} : memref<12x16x256xf32, #tpu.memory_space<vmem>>, vector<16xf32>,
          %add3A_1307 = arith.constant 112 : i32
          %add3A_1308 = arith.addi %multiple_of3A_186, %add3A_1307 : i32
          %get3A_1309 = arith.constant 9 : i32
          %get3A_1310 = arith.index_cast %scan3A_321 : i32 to index
          %get3A_1311 = arith.index_cast %get3A_1309 : i32 to index
          %get3A_1312 = arith.index_cast %add3A_1308 : i32 to index
          %get3A_1313 = tpu.vector_load %arg7[%get3A_1310, %get3A_1311, %get3A_1312] {strides = array<i32>} : memref<12x16x256xf32, #tpu.memory_space<vmem>>, vector<16xf32>,
          %add3A_1314 = arith.constant 13932 : i32
          %add3A_1315 = arith.addi %add3A_1314, %mul3A_323 : i32
          %add3A_1316 = arith.constant 0 : i32
          %add3A_1317 = arith.addi %add3A_1315, %add3A_1316 : i32
          %swap3A_1318 = arith.index_cast %add3A_1317 : i32 to index
          %swap3A_1319 = tpu.vector_load %arg8[%swap3A_1318] {strides = array<i32>} : memref<24768xf32, #tpu.memory_space<vmem>>, vector<16xf32>,
          tpu.vector_store %arg8[%swap3A_1318], %get3A_1264 {strides = array<i32>} : memref<24768xf32, #tpu.memory_space<vmem>>, vector<16xf32>,
          %add3A_1320 = arith.constant 13932 : i32
          %add3A_1321 = arith.addi %add3A_1320, %mul3A_323 : i32
          %add3A_1322 = arith.constant 16 : i32
          %add3A_1323 = arith.addi %add3A_1321, %add3A_1322 : i32
          %swap3A_1324 = arith.index_cast %add3A_1323 : i32 to index
          %swap3A_1325 = tpu.vector_load %arg8[%swap3A_1324] {strides = array<i32>} : memref<24768xf32, #tpu.memory_space<vmem>>, vector<16xf32>,
          tpu.vector_store %arg8[%swap3A_1324], %get3A_1271 {strides = array<i32>} : memref<24768xf32, #tpu.memory_space<vmem>>, vector<16xf32>,
          %add3A_1326 = arith.constant 13932 : i32
          %add3A_1327 = arith.addi %add3A_1326, %mul3A_323 : i32
          %add3A_1328 = arith.constant 32 : i32
          %add3A_1329 = arith.addi %add3A_1327, %add3A_1328 : i32
          %swap3A_1330 = arith.index_cast %add3A_1329 : i32 to index
          %swap3A_1331 = tpu.vector_load %arg8[%swap3A_1330] {strides = array<i32>} : memref<24768xf32, #tpu.memory_space<vmem>>, vector<16xf32>,
          tpu.vector_store %arg8[%swap3A_1330], %get3A_1278 {strides = array<i32>} : memref<24768xf32, #tpu.memory_space<vmem>>, vector<16xf32>,
          %add3A_1332 = arith.constant 13932 : i32
          %add3A_1333 = arith.addi %add3A_1332, %mul3A_323 : i32
          %add3A_1334 = arith.constant 48 : i32
          %add3A_1335 = arith.addi %add3A_1333, %add3A_1334 : i32
          %swap3A_1336 = arith.index_cast %add3A_1335 : i32 to index
          %swap3A_1337 = tpu.vector_load %arg8[%swap3A_1336] {strides = array<i32>} : memref<24768xf32, #tpu.memory_space<vmem>>, vector<16xf32>,
          tpu.vector_store %arg8[%swap3A_1336], %get3A_1285 {strides = array<i32>} : memref<24768xf32, #tpu.memory_space<vmem>>, vector<16xf32>,
          %add3A_1338 = arith.constant 13932 : i32
          %add3A_1339 = arith.addi %add3A_1338, %mul3A_323 : i32
          %add3A_1340 = arith.constant 64 : i32
          %add3A_1341 = arith.addi %add3A_1339, %add3A_1340 : i32
          %swap3A_1342 = arith.index_cast %add3A_1341 : i32 to index
          %swap3A_1343 = tpu.vector_load %arg8[%swap3A_1342] {strides = array<i32>} : memref<24768xf32, #tpu.memory_space<vmem>>, vector<16xf32>,
          tpu.vector_store %arg8[%swap3A_1342], %get3A_1292 {strides = array<i32>} : memref<24768xf32, #tpu.memory_space<vmem>>, vector<16xf32>,
          %add3A_1344 = arith.constant 13932 : i32
          %add3A_1345 = arith.addi %add3A_1344, %mul3A_323 : i32
          %add3A_1346 = arith.constant 80 : i32
          %add3A_1347 = arith.addi %add3A_1345, %add3A_1346 : i32
          %swap3A_1348 = arith.index_cast %add3A_1347 : i32 to index
          %swap3A_1349 = tpu.vector_load %arg8[%swap3A_1348] {strides = array<i32>} : memref<24768xf32, #tpu.memory_space<vmem>>, vector<16xf32>,
          tpu.vector_store %arg8[%swap3A_1348], %get3A_1299 {strides = array<i32>} : memref<24768xf32, #tpu.memory_space<vmem>>, vector<16xf32>,
          %add3A_1350 = arith.constant 13932 : i32
          %add3A_1351 = arith.addi %add3A_1350, %mul3A_323 : i32
          %add3A_1352 = arith.constant 96 : i32
          %add3A_1353 = arith.addi %add3A_1351, %add3A_1352 : i32
          %swap3A_1354 = arith.index_cast %add3A_1353 : i32 to index
          %swap3A_1355 = tpu.vector_load %arg8[%swap3A_1354] {strides = array<i32>} : memref<24768xf32, #tpu.memory_space<vmem>>, vector<16xf32>,
          tpu.vector_store %arg8[%swap3A_1354], %get3A_1306 {strides = array<i32>} : memref<24768xf32, #tpu.memory_space<vmem>>, vector<16xf32>,
          %add3A_1356 = arith.constant 13932 : i32
          %add3A_1357 = arith.addi %add3A_1356, %mul3A_323 : i32
          %add3A_1358 = arith.constant 112 : i32
          %add3A_1359 = arith.addi %add3A_1357, %add3A_1358 : i32
          %swap3A_1360 = arith.index_cast %add3A_1359 : i32 to index
          %swap3A_1361 = tpu.vector_load %arg8[%swap3A_1360] {strides = array<i32>} : memref<24768xf32, #tpu.memory_space<vmem>>, vector<16xf32>,
          tpu.vector_store %arg8[%swap3A_1360], %get3A_1313 {strides = array<i32>} : memref<24768xf32, #tpu.memory_space<vmem>>, vector<16xf32>,
          %add3A_1362 = arith.constant 0 : i32
          %add3A_1363 = arith.addi %multiple_of3A_186, %add3A_1362 : i32
          %get3A_1364 = arith.constant 10 : i32
          %get3A_1365 = arith.index_cast %scan3A_321 : i32 to index
          %get3A_1366 = arith.index_cast %get3A_1364 : i32 to index
          %get3A_1367 = arith.index_cast %add3A_1363 : i32 to index
          %get3A_1368 = tpu.vector_load %arg7[%get3A_1365, %get3A_1366, %get3A_1367] {strides = array<i32>} : memref<12x16x256xf32, #tpu.memory_space<vmem>>, vector<16xf32>,
          %add3A_1369 = arith.constant 16 : i32
          %add3A_1370 = arith.addi %multiple_of3A_186, %add3A_1369 : i32
          %get3A_1371 = arith.constant 10 : i32
          %get3A_1372 = arith.index_cast %scan3A_321 : i32 to index
          %get3A_1373 = arith.index_cast %get3A_1371 : i32 to index
          %get3A_1374 = arith.index_cast %add3A_1370 : i32 to index
          %get3A_1375 = tpu.vector_load %arg7[%get3A_1372, %get3A_1373, %get3A_1374] {strides = array<i32>} : memref<12x16x256xf32, #tpu.memory_space<vmem>>, vector<16xf32>,
          %add3A_1376 = arith.constant 32 : i32
          %add3A_1377 = arith.addi %multiple_of3A_186, %add3A_1376 : i32
          %get3A_1378 = arith.constant 10 : i32
          %get3A_1379 = arith.index_cast %scan3A_321 : i32 to index
          %get3A_1380 = arith.index_cast %get3A_1378 : i32 to index
          %get3A_1381 = arith.index_cast %add3A_1377 : i32 to index
          %get3A_1382 = tpu.vector_load %arg7[%get3A_1379, %get3A_1380, %get3A_1381] {strides = array<i32>} : memref<12x16x256xf32, #tpu.memory_space<vmem>>, vector<16xf32>,
          %add3A_1383 = arith.constant 48 : i32
          %add3A_1384 = arith.addi %multiple_of3A_186, %add3A_1383 : i32
          %get3A_1385 = arith.constant 10 : i32
          %get3A_1386 = arith.index_cast %scan3A_321 : i32 to index
          %get3A_1387 = arith.index_cast %get3A_1385 : i32 to index
          %get3A_1388 = arith.index_cast %add3A_1384 : i32 to index
          %get3A_1389 = tpu.vector_load %arg7[%get3A_1386, %get3A_1387, %get3A_1388] {strides = array<i32>} : memref<12x16x256xf32, #tpu.memory_space<vmem>>, vector<16xf32>,
          %add3A_1390 = arith.constant 64 : i32
          %add3A_1391 = arith.addi %multiple_of3A_186, %add3A_1390 : i32
          %get3A_1392 = arith.constant 10 : i32
          %get3A_1393 = arith.index_cast %scan3A_321 : i32 to index
          %get3A_1394 = arith.index_cast %get3A_1392 : i32 to index
          %get3A_1395 = arith.index_cast %add3A_1391 : i32 to index
          %get3A_1396 = tpu.vector_load %arg7[%get3A_1393, %get3A_1394, %get3A_1395] {strides = array<i32>} : memref<12x16x256xf32, #tpu.memory_space<vmem>>, vector<16xf32>,
          %add3A_1397 = arith.constant 80 : i32
          %add3A_1398 = arith.addi %multiple_of3A_186, %add3A_1397 : i32
          %get3A_1399 = arith.constant 10 : i32
          %get3A_1400 = arith.index_cast %scan3A_321 : i32 to index
          %get3A_1401 = arith.index_cast %get3A_1399 : i32 to index
          %get3A_1402 = arith.index_cast %add3A_1398 : i32 to index
          %get3A_1403 = tpu.vector_load %arg7[%get3A_1400, %get3A_1401, %get3A_1402] {strides = array<i32>} : memref<12x16x256xf32, #tpu.memory_space<vmem>>, vector<16xf32>,
          %add3A_1404 = arith.constant 96 : i32
          %add3A_1405 = arith.addi %multiple_of3A_186, %add3A_1404 : i32
          %get3A_1406 = arith.constant 10 : i32
          %get3A_1407 = arith.index_cast %scan3A_321 : i32 to index
          %get3A_1408 = arith.index_cast %get3A_1406 : i32 to index
          %get3A_1409 = arith.index_cast %add3A_1405 : i32 to index
          %get3A_1410 = tpu.vector_load %arg7[%get3A_1407, %get3A_1408, %get3A_1409] {strides = array<i32>} : memref<12x16x256xf32, #tpu.memory_space<vmem>>, vector<16xf32>,
          %add3A_1411 = arith.constant 112 : i32
          %add3A_1412 = arith.addi %multiple_of3A_186, %add3A_1411 : i32
          %get3A_1413 = arith.constant 10 : i32
          %get3A_1414 = arith.index_cast %scan3A_321 : i32 to index
          %get3A_1415 = arith.index_cast %get3A_1413 : i32 to index
          %get3A_1416 = arith.index_cast %add3A_1412 : i32 to index
          %get3A_1417 = tpu.vector_load %arg7[%get3A_1414, %get3A_1415, %get3A_1416] {strides = array<i32>} : memref<12x16x256xf32, #tpu.memory_space<vmem>>, vector<16xf32>,
          %add3A_1418 = arith.constant 15480 : i32
          %add3A_1419 = arith.addi %add3A_1418, %mul3A_323 : i32
          %add3A_1420 = arith.constant 0 : i32
          %add3A_1421 = arith.addi %add3A_1419, %add3A_1420 : i32
          %swap3A_1422 = arith.index_cast %add3A_1421 : i32 to index
          %swap3A_1423 = tpu.vector_load %arg8[%swap3A_1422] {strides = array<i32>} : memref<24768xf32, #tpu.memory_space<vmem>>, vector<16xf32>,
          tpu.vector_store %arg8[%swap3A_1422], %get3A_1368 {strides = array<i32>} : memref<24768xf32, #tpu.memory_space<vmem>>, vector<16xf32>,
          %add3A_1424 = arith.constant 15480 : i32
          %add3A_1425 = arith.addi %add3A_1424, %mul3A_323 : i32
          %add3A_1426 = arith.constant 16 : i32
          %add3A_1427 = arith.addi %add3A_1425, %add3A_1426 : i32
          %swap3A_1428 = arith.index_cast %add3A_1427 : i32 to index
          %swap3A_1429 = tpu.vector_load %arg8[%swap3A_1428] {strides = array<i32>} : memref<24768xf32, #tpu.memory_space<vmem>>, vector<16xf32>,
          tpu.vector_store %arg8[%swap3A_1428], %get3A_1375 {strides = array<i32>} : memref<24768xf32, #tpu.memory_space<vmem>>, vector<16xf32>,
          %add3A_1430 = arith.constant 15480 : i32
          %add3A_1431 = arith.addi %add3A_1430, %mul3A_323 : i32
          %add3A_1432 = arith.constant 32 : i32
          %add3A_1433 = arith.addi %add3A_1431, %add3A_1432 : i32
          %swap3A_1434 = arith.index_cast %add3A_1433 : i32 to index
          %swap3A_1435 = tpu.vector_load %arg8[%swap3A_1434] {strides = array<i32>} : memref<24768xf32, #tpu.memory_space<vmem>>, vector<16xf32>,
          tpu.vector_store %arg8[%swap3A_1434], %get3A_1382 {strides = array<i32>} : memref<24768xf32, #tpu.memory_space<vmem>>, vector<16xf32>,
          %add3A_1436 = arith.constant 15480 : i32
          %add3A_1437 = arith.addi %add3A_1436, %mul3A_323 : i32
          %add3A_1438 = arith.constant 48 : i32
          %add3A_1439 = arith.addi %add3A_1437, %add3A_1438 : i32
          %swap3A_1440 = arith.index_cast %add3A_1439 : i32 to index
          %swap3A_1441 = tpu.vector_load %arg8[%swap3A_1440] {strides = array<i32>} : memref<24768xf32, #tpu.memory_space<vmem>>, vector<16xf32>,
          tpu.vector_store %arg8[%swap3A_1440], %get3A_1389 {strides = array<i32>} : memref<24768xf32, #tpu.memory_space<vmem>>, vector<16xf32>,
          %add3A_1442 = arith.constant 15480 : i32
          %add3A_1443 = arith.addi %add3A_1442, %mul3A_323 : i32
          %add3A_1444 = arith.constant 64 : i32
          %add3A_1445 = arith.addi %add3A_1443, %add3A_1444 : i32
          %swap3A_1446 = arith.index_cast %add3A_1445 : i32 to index
          %swap3A_1447 = tpu.vector_load %arg8[%swap3A_1446] {strides = array<i32>} : memref<24768xf32, #tpu.memory_space<vmem>>, vector<16xf32>,
          tpu.vector_store %arg8[%swap3A_1446], %get3A_1396 {strides = array<i32>} : memref<24768xf32, #tpu.memory_space<vmem>>, vector<16xf32>,
          %add3A_1448 = arith.constant 15480 : i32
          %add3A_1449 = arith.addi %add3A_1448, %mul3A_323 : i32
          %add3A_1450 = arith.constant 80 : i32
          %add3A_1451 = arith.addi %add3A_1449, %add3A_1450 : i32
          %swap3A_1452 = arith.index_cast %add3A_1451 : i32 to index
          %swap3A_1453 = tpu.vector_load %arg8[%swap3A_1452] {strides = array<i32>} : memref<24768xf32, #tpu.memory_space<vmem>>, vector<16xf32>,
          tpu.vector_store %arg8[%swap3A_1452], %get3A_1403 {strides = array<i32>} : memref<24768xf32, #tpu.memory_space<vmem>>, vector<16xf32>,
          %add3A_1454 = arith.constant 15480 : i32
          %add3A_1455 = arith.addi %add3A_1454, %mul3A_323 : i32
          %add3A_1456 = arith.constant 96 : i32
          %add3A_1457 = arith.addi %add3A_1455, %add3A_1456 : i32
          %swap3A_1458 = arith.index_cast %add3A_1457 : i32 to index
          %swap3A_1459 = tpu.vector_load %arg8[%swap3A_1458] {strides = array<i32>} : memref<24768xf32, #tpu.memory_space<vmem>>, vector<16xf32>,
          tpu.vector_store %arg8[%swap3A_1458], %get3A_1410 {strides = array<i32>} : memref<24768xf32, #tpu.memory_space<vmem>>, vector<16xf32>,
          %add3A_1460 = arith.constant 15480 : i32
          %add3A_1461 = arith.addi %add3A_1460, %mul3A_323 : i32
          %add3A_1462 = arith.constant 112 : i32
          %add3A_1463 = arith.addi %add3A_1461, %add3A_1462 : i32
          %swap3A_1464 = arith.index_cast %add3A_1463 : i32 to index
          %swap3A_1465 = tpu.vector_load %arg8[%swap3A_1464] {strides = array<i32>} : memref<24768xf32, #tpu.memory_space<vmem>>, vector<16xf32>,
          tpu.vector_store %arg8[%swap3A_1464], %get3A_1417 {strides = array<i32>} : memref<24768xf32, #tpu.memory_space<vmem>>, vector<16xf32>,
          %add3A_1466 = arith.constant 0 : i32
          %add3A_1467 = arith.addi %multiple_of3A_186, %add3A_1466 : i32
          %get3A_1468 = arith.constant 11 : i32
          %get3A_1469 = arith.index_cast %scan3A_321 : i32 to index
          %get3A_1470 = arith.index_cast %get3A_1468 : i32 to index
          %get3A_1471 = arith.index_cast %add3A_1467 : i32 to index
          %get3A_1472 = tpu.vector_load %arg7[%get3A_1469, %get3A_1470, %get3A_1471] {strides = array<i32>} : memref<12x16x256xf32, #tpu.memory_space<vmem>>, vector<16xf32>,
          %add3A_1473 = arith.constant 16 : i32
          %add3A_1474 = arith.addi %multiple_of3A_186, %add3A_1473 : i32
          %get3A_1475 = arith.constant 11 : i32
          %get3A_1476 = arith.index_cast %scan3A_321 : i32 to index
          %get3A_1477 = arith.index_cast %get3A_1475 : i32 to index
          %get3A_1478 = arith.index_cast %add3A_1474 : i32 to index
          %get3A_1479 = tpu.vector_load %arg7[%get3A_1476, %get3A_1477, %get3A_1478] {strides = array<i32>} : memref<12x16x256xf32, #tpu.memory_space<vmem>>, vector<16xf32>,
          %add3A_1480 = arith.constant 32 : i32
          %add3A_1481 = arith.addi %multiple_of3A_186, %add3A_1480 : i32
          %get3A_1482 = arith.constant 11 : i32
          %get3A_1483 = arith.index_cast %scan3A_321 : i32 to index
          %get3A_1484 = arith.index_cast %get3A_1482 : i32 to index
          %get3A_1485 = arith.index_cast %add3A_1481 : i32 to index
          %get3A_1486 = tpu.vector_load %arg7[%get3A_1483, %get3A_1484, %get3A_1485] {strides = array<i32>} : memref<12x16x256xf32, #tpu.memory_space<vmem>>, vector<16xf32>,
          %add3A_1487 = arith.constant 48 : i32
          %add3A_1488 = arith.addi %multiple_of3A_186, %add3A_1487 : i32
          %get3A_1489 = arith.constant 11 : i32
          %get3A_1490 = arith.index_cast %scan3A_321 : i32 to index
          %get3A_1491 = arith.index_cast %get3A_1489 : i32 to index
          %get3A_1492 = arith.index_cast %add3A_1488 : i32 to index
          %get3A_1493 = tpu.vector_load %arg7[%get3A_1490, %get3A_1491, %get3A_1492] {strides = array<i32>} : memref<12x16x256xf32, #tpu.memory_space<vmem>>, vector<16xf32>,
          %add3A_1494 = arith.constant 64 : i32
          %add3A_1495 = arith.addi %multiple_of3A_186, %add3A_1494 : i32
          %get3A_1496 = arith.constant 11 : i32
          %get3A_1497 = arith.index_cast %scan3A_321 : i32 to index
          %get3A_1498 = arith.index_cast %get3A_1496 : i32 to index
          %get3A_1499 = arith.index_cast %add3A_1495 : i32 to index
          %get3A_1500 = tpu.vector_load %arg7[%get3A_1497, %get3A_1498, %get3A_1499] {strides = array<i32>} : memref<12x16x256xf32, #tpu.memory_space<vmem>>, vector<16xf32>,
          %add3A_1501 = arith.constant 80 : i32
          %add3A_1502 = arith.addi %multiple_of3A_186, %add3A_1501 : i32
          %get3A_1503 = arith.constant 11 : i32
          %get3A_1504 = arith.index_cast %scan3A_321 : i32 to index
          %get3A_1505 = arith.index_cast %get3A_1503 : i32 to index
          %get3A_1506 = arith.index_cast %add3A_1502 : i32 to index
          %get3A_1507 = tpu.vector_load %arg7[%get3A_1504, %get3A_1505, %get3A_1506] {strides = array<i32>} : memref<12x16x256xf32, #tpu.memory_space<vmem>>, vector<16xf32>,
          %add3A_1508 = arith.constant 96 : i32
          %add3A_1509 = arith.addi %multiple_of3A_186, %add3A_1508 : i32
          %get3A_1510 = arith.constant 11 : i32
          %get3A_1511 = arith.index_cast %scan3A_321 : i32 to index
          %get3A_1512 = arith.index_cast %get3A_1510 : i32 to index
          %get3A_1513 = arith.index_cast %add3A_1509 : i32 to index
          %get3A_1514 = tpu.vector_load %arg7[%get3A_1511, %get3A_1512, %get3A_1513] {strides = array<i32>} : memref<12x16x256xf32, #tpu.memory_space<vmem>>, vector<16xf32>,
          %add3A_1515 = arith.constant 112 : i32
          %add3A_1516 = arith.addi %multiple_of3A_186, %add3A_1515 : i32
          %get3A_1517 = arith.constant 11 : i32
          %get3A_1518 = arith.index_cast %scan3A_321 : i32 to index
          %get3A_1519 = arith.index_cast %get3A_1517 : i32 to index
          %get3A_1520 = arith.index_cast %add3A_1516 : i32 to index
          %get3A_1521 = tpu.vector_load %arg7[%get3A_1518, %get3A_1519, %get3A_1520] {strides = array<i32>} : memref<12x16x256xf32, #tpu.memory_space<vmem>>, vector<16xf32>,
          %add3A_1522 = arith.constant 17028 : i32
          %add3A_1523 = arith.addi %add3A_1522, %mul3A_323 : i32
          %add3A_1524 = arith.constant 0 : i32
          %add3A_1525 = arith.addi %add3A_1523, %add3A_1524 : i32
          %swap3A_1526 = arith.index_cast %add3A_1525 : i32 to index
          %swap3A_1527 = tpu.vector_load %arg8[%swap3A_1526] {strides = array<i32>} : memref<24768xf32, #tpu.memory_space<vmem>>, vector<16xf32>,
          tpu.vector_store %arg8[%swap3A_1526], %get3A_1472 {strides = array<i32>} : memref<24768xf32, #tpu.memory_space<vmem>>, vector<16xf32>,
          %add3A_1528 = arith.constant 17028 : i32
          %add3A_1529 = arith.addi %add3A_1528, %mul3A_323 : i32
          %add3A_1530 = arith.constant 16 : i32
          %add3A_1531 = arith.addi %add3A_1529, %add3A_1530 : i32
          %swap3A_1532 = arith.index_cast %add3A_1531 : i32 to index
          %swap3A_1533 = tpu.vector_load %arg8[%swap3A_1532] {strides = array<i32>} : memref<24768xf32, #tpu.memory_space<vmem>>, vector<16xf32>,
          tpu.vector_store %arg8[%swap3A_1532], %get3A_1479 {strides = array<i32>} : memref<24768xf32, #tpu.memory_space<vmem>>, vector<16xf32>,
          %add3A_1534 = arith.constant 17028 : i32
          %add3A_1535 = arith.addi %add3A_1534, %mul3A_323 : i32
          %add3A_1536 = arith.constant 32 : i32
          %add3A_1537 = arith.addi %add3A_1535, %add3A_1536 : i32
          %swap3A_1538 = arith.index_cast %add3A_1537 : i32 to index
          %swap3A_1539 = tpu.vector_load %arg8[%swap3A_1538] {strides = array<i32>} : memref<24768xf32, #tpu.memory_space<vmem>>, vector<16xf32>,
          tpu.vector_store %arg8[%swap3A_1538], %get3A_1486 {strides = array<i32>} : memref<24768xf32, #tpu.memory_space<vmem>>, vector<16xf32>,
          %add3A_1540 = arith.constant 17028 : i32
          %add3A_1541 = arith.addi %add3A_1540, %mul3A_323 : i32
          %add3A_1542 = arith.constant 48 : i32
          %add3A_1543 = arith.addi %add3A_1541, %add3A_1542 : i32
          %swap3A_1544 = arith.index_cast %add3A_1543 : i32 to index
          %swap3A_1545 = tpu.vector_load %arg8[%swap3A_1544] {strides = array<i32>} : memref<24768xf32, #tpu.memory_space<vmem>>, vector<16xf32>,
          tpu.vector_store %arg8[%swap3A_1544], %get3A_1493 {strides = array<i32>} : memref<24768xf32, #tpu.memory_space<vmem>>, vector<16xf32>,
          %add3A_1546 = arith.constant 17028 : i32
          %add3A_1547 = arith.addi %add3A_1546, %mul3A_323 : i32
          %add3A_1548 = arith.constant 64 : i32
          %add3A_1549 = arith.addi %add3A_1547, %add3A_1548 : i32
          %swap3A_1550 = arith.index_cast %add3A_1549 : i32 to index
          %swap3A_1551 = tpu.vector_load %arg8[%swap3A_1550] {strides = array<i32>} : memref<24768xf32, #tpu.memory_space<vmem>>, vector<16xf32>,
          tpu.vector_store %arg8[%swap3A_1550], %get3A_1500 {strides = array<i32>} : memref<24768xf32, #tpu.memory_space<vmem>>, vector<16xf32>,
          %add3A_1552 = arith.constant 17028 : i32
          %add3A_1553 = arith.addi %add3A_1552, %mul3A_323 : i32
          %add3A_1554 = arith.constant 80 : i32
          %add3A_1555 = arith.addi %add3A_1553, %add3A_1554 : i32
          %swap3A_1556 = arith.index_cast %add3A_1555 : i32 to index
          %swap3A_1557 = tpu.vector_load %arg8[%swap3A_1556] {strides = array<i32>} : memref<24768xf32, #tpu.memory_space<vmem>>, vector<16xf32>,
          tpu.vector_store %arg8[%swap3A_1556], %get3A_1507 {strides = array<i32>} : memref<24768xf32, #tpu.memory_space<vmem>>, vector<16xf32>,
          %add3A_1558 = arith.constant 17028 : i32
          %add3A_1559 = arith.addi %add3A_1558, %mul3A_323 : i32
          %add3A_1560 = arith.constant 96 : i32
          %add3A_1561 = arith.addi %add3A_1559, %add3A_1560 : i32
          %swap3A_1562 = arith.index_cast %add3A_1561 : i32 to index
          %swap3A_1563 = tpu.vector_load %arg8[%swap3A_1562] {strides = array<i32>} : memref<24768xf32, #tpu.memory_space<vmem>>, vector<16xf32>,
          tpu.vector_store %arg8[%swap3A_1562], %get3A_1514 {strides = array<i32>} : memref<24768xf32, #tpu.memory_space<vmem>>, vector<16xf32>,
          %add3A_1564 = arith.constant 17028 : i32
          %add3A_1565 = arith.addi %add3A_1564, %mul3A_323 : i32
          %add3A_1566 = arith.constant 112 : i32
          %add3A_1567 = arith.addi %add3A_1565, %add3A_1566 : i32
          %swap3A_1568 = arith.index_cast %add3A_1567 : i32 to index
          %swap3A_1569 = tpu.vector_load %arg8[%swap3A_1568] {strides = array<i32>} : memref<24768xf32, #tpu.memory_space<vmem>>, vector<16xf32>,
          tpu.vector_store %arg8[%swap3A_1568], %get3A_1521 {strides = array<i32>} : memref<24768xf32, #tpu.memory_space<vmem>>, vector<16xf32>,
          %add3A_1570 = arith.constant 0 : i32
          %add3A_1571 = arith.addi %multiple_of3A_186, %add3A_1570 : i32
          %get3A_1572 = arith.constant 12 : i32
          %get3A_1573 = arith.index_cast %scan3A_321 : i32 to index
          %get3A_1574 = arith.index_cast %get3A_1572 : i32 to index
          %get3A_1575 = arith.index_cast %add3A_1571 : i32 to index
          %get3A_1576 = tpu.vector_load %arg7[%get3A_1573, %get3A_1574, %get3A_1575] {strides = array<i32>} : memref<12x16x256xf32, #tpu.memory_space<vmem>>, vector<16xf32>,
          %add3A_1577 = arith.constant 16 : i32
          %add3A_1578 = arith.addi %multiple_of3A_186, %add3A_1577 : i32
          %get3A_1579 = arith.constant 12 : i32
          %get3A_1580 = arith.index_cast %scan3A_321 : i32 to index
          %get3A_1581 = arith.index_cast %get3A_1579 : i32 to index
          %get3A_1582 = arith.index_cast %add3A_1578 : i32 to index
          %get3A_1583 = tpu.vector_load %arg7[%get3A_1580, %get3A_1581, %get3A_1582] {strides = array<i32>} : memref<12x16x256xf32, #tpu.memory_space<vmem>>, vector<16xf32>,
          %add3A_1584 = arith.constant 32 : i32
          %add3A_1585 = arith.addi %multiple_of3A_186, %add3A_1584 : i32
          %get3A_1586 = arith.constant 12 : i32
          %get3A_1587 = arith.index_cast %scan3A_321 : i32 to index
          %get3A_1588 = arith.index_cast %get3A_1586 : i32 to index
          %get3A_1589 = arith.index_cast %add3A_1585 : i32 to index
          %get3A_1590 = tpu.vector_load %arg7[%get3A_1587, %get3A_1588, %get3A_1589] {strides = array<i32>} : memref<12x16x256xf32, #tpu.memory_space<vmem>>, vector<16xf32>,
          %add3A_1591 = arith.constant 48 : i32
          %add3A_1592 = arith.addi %multiple_of3A_186, %add3A_1591 : i32
          %get3A_1593 = arith.constant 12 : i32
          %get3A_1594 = arith.index_cast %scan3A_321 : i32 to index
          %get3A_1595 = arith.index_cast %get3A_1593 : i32 to index
          %get3A_1596 = arith.index_cast %add3A_1592 : i32 to index
          %get3A_1597 = tpu.vector_load %arg7[%get3A_1594, %get3A_1595, %get3A_1596] {strides = array<i32>} : memref<12x16x256xf32, #tpu.memory_space<vmem>>, vector<16xf32>,
          %add3A_1598 = arith.constant 64 : i32
          %add3A_1599 = arith.addi %multiple_of3A_186, %add3A_1598 : i32
          %get3A_1600 = arith.constant 12 : i32
          %get3A_1601 = arith.index_cast %scan3A_321 : i32 to index
          %get3A_1602 = arith.index_cast %get3A_1600 : i32 to index
          %get3A_1603 = arith.index_cast %add3A_1599 : i32 to index
          %get3A_1604 = tpu.vector_load %arg7[%get3A_1601, %get3A_1602, %get3A_1603] {strides = array<i32>} : memref<12x16x256xf32, #tpu.memory_space<vmem>>, vector<16xf32>,
          %add3A_1605 = arith.constant 80 : i32
          %add3A_1606 = arith.addi %multiple_of3A_186, %add3A_1605 : i32
          %get3A_1607 = arith.constant 12 : i32
          %get3A_1608 = arith.index_cast %scan3A_321 : i32 to index
          %get3A_1609 = arith.index_cast %get3A_1607 : i32 to index
          %get3A_1610 = arith.index_cast %add3A_1606 : i32 to index
          %get3A_1611 = tpu.vector_load %arg7[%get3A_1608, %get3A_1609, %get3A_1610] {strides = array<i32>} : memref<12x16x256xf32, #tpu.memory_space<vmem>>, vector<16xf32>,
          %add3A_1612 = arith.constant 96 : i32
          %add3A_1613 = arith.addi %multiple_of3A_186, %add3A_1612 : i32
          %get3A_1614 = arith.constant 12 : i32
          %get3A_1615 = arith.index_cast %scan3A_321 : i32 to index
          %get3A_1616 = arith.index_cast %get3A_1614 : i32 to index
          %get3A_1617 = arith.index_cast %add3A_1613 : i32 to index
          %get3A_1618 = tpu.vector_load %arg7[%get3A_1615, %get3A_1616, %get3A_1617] {strides = array<i32>} : memref<12x16x256xf32, #tpu.memory_space<vmem>>, vector<16xf32>,
          %add3A_1619 = arith.constant 112 : i32
          %add3A_1620 = arith.addi %multiple_of3A_186, %add3A_1619 : i32
          %get3A_1621 = arith.constant 12 : i32
          %get3A_1622 = arith.index_cast %scan3A_321 : i32 to index
          %get3A_1623 = arith.index_cast %get3A_1621 : i32 to index
          %get3A_1624 = arith.index_cast %add3A_1620 : i32 to index
          %get3A_1625 = tpu.vector_load %arg7[%get3A_1622, %get3A_1623, %get3A_1624] {strides = array<i32>} : memref<12x16x256xf32, #tpu.memory_space<vmem>>, vector<16xf32>,
          %add3A_1626 = arith.constant 18576 : i32
          %add3A_1627 = arith.addi %add3A_1626, %mul3A_323 : i32
          %add3A_1628 = arith.constant 0 : i32
          %add3A_1629 = arith.addi %add3A_1627, %add3A_1628 : i32
          %swap3A_1630 = arith.index_cast %add3A_1629 : i32 to index
          %swap3A_1631 = tpu.vector_load %arg8[%swap3A_1630] {strides = array<i32>} : memref<24768xf32, #tpu.memory_space<vmem>>, vector<16xf32>,
          tpu.vector_store %arg8[%swap3A_1630], %get3A_1576 {strides = array<i32>} : memref<24768xf32, #tpu.memory_space<vmem>>, vector<16xf32>,
          %add3A_1632 = arith.constant 18576 : i32
          %add3A_1633 = arith.addi %add3A_1632, %mul3A_323 : i32
          %add3A_1634 = arith.constant 16 : i32
          %add3A_1635 = arith.addi %add3A_1633, %add3A_1634 : i32
          %swap3A_1636 = arith.index_cast %add3A_1635 : i32 to index
          %swap3A_1637 = tpu.vector_load %arg8[%swap3A_1636] {strides = array<i32>} : memref<24768xf32, #tpu.memory_space<vmem>>, vector<16xf32>,
          tpu.vector_store %arg8[%swap3A_1636], %get3A_1583 {strides = array<i32>} : memref<24768xf32, #tpu.memory_space<vmem>>, vector<16xf32>,
          %add3A_1638 = arith.constant 18576 : i32
          %add3A_1639 = arith.addi %add3A_1638, %mul3A_323 : i32
          %add3A_1640 = arith.constant 32 : i32
          %add3A_1641 = arith.addi %add3A_1639, %add3A_1640 : i32
          %swap3A_1642 = arith.index_cast %add3A_1641 : i32 to index
          %swap3A_1643 = tpu.vector_load %arg8[%swap3A_1642] {strides = array<i32>} : memref<24768xf32, #tpu.memory_space<vmem>>, vector<16xf32>,
          tpu.vector_store %arg8[%swap3A_1642], %get3A_1590 {strides = array<i32>} : memref<24768xf32, #tpu.memory_space<vmem>>, vector<16xf32>,
          %add3A_1644 = arith.constant 18576 : i32
          %add3A_1645 = arith.addi %add3A_1644, %mul3A_323 : i32
          %add3A_1646 = arith.constant 48 : i32
          %add3A_1647 = arith.addi %add3A_1645, %add3A_1646 : i32
          %swap3A_1648 = arith.index_cast %add3A_1647 : i32 to index
          %swap3A_1649 = tpu.vector_load %arg8[%swap3A_1648] {strides = array<i32>} : memref<24768xf32, #tpu.memory_space<vmem>>, vector<16xf32>,
          tpu.vector_store %arg8[%swap3A_1648], %get3A_1597 {strides = array<i32>} : memref<24768xf32, #tpu.memory_space<vmem>>, vector<16xf32>,
          %add3A_1650 = arith.constant 18576 : i32
          %add3A_1651 = arith.addi %add3A_1650, %mul3A_323 : i32
          %add3A_1652 = arith.constant 64 : i32
          %add3A_1653 = arith.addi %add3A_1651, %add3A_1652 : i32
          %swap3A_1654 = arith.index_cast %add3A_1653 : i32 to index
          %swap3A_1655 = tpu.vector_load %arg8[%swap3A_1654] {strides = array<i32>} : memref<24768xf32, #tpu.memory_space<vmem>>, vector<16xf32>,
          tpu.vector_store %arg8[%swap3A_1654], %get3A_1604 {strides = array<i32>} : memref<24768xf32, #tpu.memory_space<vmem>>, vector<16xf32>,
          %add3A_1656 = arith.constant 18576 : i32
          %add3A_1657 = arith.addi %add3A_1656, %mul3A_323 : i32
          %add3A_1658 = arith.constant 80 : i32
          %add3A_1659 = arith.addi %add3A_1657, %add3A_1658 : i32
          %swap3A_1660 = arith.index_cast %add3A_1659 : i32 to index
          %swap3A_1661 = tpu.vector_load %arg8[%swap3A_1660] {strides = array<i32>} : memref<24768xf32, #tpu.memory_space<vmem>>, vector<16xf32>,
          tpu.vector_store %arg8[%swap3A_1660], %get3A_1611 {strides = array<i32>} : memref<24768xf32, #tpu.memory_space<vmem>>, vector<16xf32>,
          %add3A_1662 = arith.constant 18576 : i32
          %add3A_1663 = arith.addi %add3A_1662, %mul3A_323 : i32
          %add3A_1664 = arith.constant 96 : i32
          %add3A_1665 = arith.addi %add3A_1663, %add3A_1664 : i32
          %swap3A_1666 = arith.index_cast %add3A_1665 : i32 to index
          %swap3A_1667 = tpu.vector_load %arg8[%swap3A_1666] {strides = array<i32>} : memref<24768xf32, #tpu.memory_space<vmem>>, vector<16xf32>,
          tpu.vector_store %arg8[%swap3A_1666], %get3A_1618 {strides = array<i32>} : memref<24768xf32, #tpu.memory_space<vmem>>, vector<16xf32>,
          %add3A_1668 = arith.constant 18576 : i32
          %add3A_1669 = arith.addi %add3A_1668, %mul3A_323 : i32
          %add3A_1670 = arith.constant 112 : i32
          %add3A_1671 = arith.addi %add3A_1669, %add3A_1670 : i32
          %swap3A_1672 = arith.index_cast %add3A_1671 : i32 to index
          %swap3A_1673 = tpu.vector_load %arg8[%swap3A_1672] {strides = array<i32>} : memref<24768xf32, #tpu.memory_space<vmem>>, vector<16xf32>,
          tpu.vector_store %arg8[%swap3A_1672], %get3A_1625 {strides = array<i32>} : memref<24768xf32, #tpu.memory_space<vmem>>, vector<16xf32>,
          %add3A_1674 = arith.constant 0 : i32
          %add3A_1675 = arith.addi %multiple_of3A_186, %add3A_1674 : i32
          %get3A_1676 = arith.constant 13 : i32
          %get3A_1677 = arith.index_cast %scan3A_321 : i32 to index
          %get3A_1678 = arith.index_cast %get3A_1676 : i32 to index
          %get3A_1679 = arith.index_cast %add3A_1675 : i32 to index
          %get3A_1680 = tpu.vector_load %arg7[%get3A_1677, %get3A_1678, %get3A_1679] {strides = array<i32>} : memref<12x16x256xf32, #tpu.memory_space<vmem>>, vector<16xf32>,
          %add3A_1681 = arith.constant 16 : i32
          %add3A_1682 = arith.addi %multiple_of3A_186, %add3A_1681 : i32
          %get3A_1683 = arith.constant 13 : i32
          %get3A_1684 = arith.index_cast %scan3A_321 : i32 to index
          %get3A_1685 = arith.index_cast %get3A_1683 : i32 to index
          %get3A_1686 = arith.index_cast %add3A_1682 : i32 to index
          %get3A_1687 = tpu.vector_load %arg7[%get3A_1684, %get3A_1685, %get3A_1686] {strides = array<i32>} : memref<12x16x256xf32, #tpu.memory_space<vmem>>, vector<16xf32>,
          %add3A_1688 = arith.constant 32 : i32
          %add3A_1689 = arith.addi %multiple_of3A_186, %add3A_1688 : i32
          %get3A_1690 = arith.constant 13 : i32
          %get3A_1691 = arith.index_cast %scan3A_321 : i32 to index
          %get3A_1692 = arith.index_cast %get3A_1690 : i32 to index
          %get3A_1693 = arith.index_cast %add3A_1689 : i32 to index
          %get3A_1694 = tpu.vector_load %arg7[%get3A_1691, %get3A_1692, %get3A_1693] {strides = array<i32>} : memref<12x16x256xf32, #tpu.memory_space<vmem>>, vector<16xf32>,
          %add3A_1695 = arith.constant 48 : i32
          %add3A_1696 = arith.addi %multiple_of3A_186, %add3A_1695 : i32
          %get3A_1697 = arith.constant 13 : i32
          %get3A_1698 = arith.index_cast %scan3A_321 : i32 to index
          %get3A_1699 = arith.index_cast %get3A_1697 : i32 to index
          %get3A_1700 = arith.index_cast %add3A_1696 : i32 to index
          %get3A_1701 = tpu.vector_load %arg7[%get3A_1698, %get3A_1699, %get3A_1700] {strides = array<i32>} : memref<12x16x256xf32, #tpu.memory_space<vmem>>, vector<16xf32>,
          %add3A_1702 = arith.constant 64 : i32
          %add3A_1703 = arith.addi %multiple_of3A_186, %add3A_1702 : i32
          %get3A_1704 = arith.constant 13 : i32
          %get3A_1705 = arith.index_cast %scan3A_321 : i32 to index
          %get3A_1706 = arith.index_cast %get3A_1704 : i32 to index
          %get3A_1707 = arith.index_cast %add3A_1703 : i32 to index
          %get3A_1708 = tpu.vector_load %arg7[%get3A_1705, %get3A_1706, %get3A_1707] {strides = array<i32>} : memref<12x16x256xf32, #tpu.memory_space<vmem>>, vector<16xf32>,
          %add3A_1709 = arith.constant 80 : i32
          %add3A_1710 = arith.addi %multiple_of3A_186, %add3A_1709 : i32
          %get3A_1711 = arith.constant 13 : i32
          %get3A_1712 = arith.index_cast %scan3A_321 : i32 to index
          %get3A_1713 = arith.index_cast %get3A_1711 : i32 to index
          %get3A_1714 = arith.index_cast %add3A_1710 : i32 to index
          %get3A_1715 = tpu.vector_load %arg7[%get3A_1712, %get3A_1713, %get3A_1714] {strides = array<i32>} : memref<12x16x256xf32, #tpu.memory_space<vmem>>, vector<16xf32>,
          %add3A_1716 = arith.constant 96 : i32
          %add3A_1717 = arith.addi %multiple_of3A_186, %add3A_1716 : i32
          %get3A_1718 = arith.constant 13 : i32
          %get3A_1719 = arith.index_cast %scan3A_321 : i32 to index
          %get3A_1720 = arith.index_cast %get3A_1718 : i32 to index
          %get3A_1721 = arith.index_cast %add3A_1717 : i32 to index
          %get3A_1722 = tpu.vector_load %arg7[%get3A_1719, %get3A_1720, %get3A_1721] {strides = array<i32>} : memref<12x16x256xf32, #tpu.memory_space<vmem>>, vector<16xf32>,
          %add3A_1723 = arith.constant 112 : i32
          %add3A_1724 = arith.addi %multiple_of3A_186, %add3A_1723 : i32
          %get3A_1725 = arith.constant 13 : i32
          %get3A_1726 = arith.index_cast %scan3A_321 : i32 to index
          %get3A_1727 = arith.index_cast %get3A_1725 : i32 to index
          %get3A_1728 = arith.index_cast %add3A_1724 : i32 to index
          %get3A_1729 = tpu.vector_load %arg7[%get3A_1726, %get3A_1727, %get3A_1728] {strides = array<i32>} : memref<12x16x256xf32, #tpu.memory_space<vmem>>, vector<16xf32>,
          %add3A_1730 = arith.constant 20124 : i32
          %add3A_1731 = arith.addi %add3A_1730, %mul3A_323 : i32
          %add3A_1732 = arith.constant 0 : i32
          %add3A_1733 = arith.addi %add3A_1731, %add3A_1732 : i32
          %swap3A_1734 = arith.index_cast %add3A_1733 : i32 to index
          %swap3A_1735 = tpu.vector_load %arg8[%swap3A_1734] {strides = array<i32>} : memref<24768xf32, #tpu.memory_space<vmem>>, vector<16xf32>,
          tpu.vector_store %arg8[%swap3A_1734], %get3A_1680 {strides = array<i32>} : memref<24768xf32, #tpu.memory_space<vmem>>, vector<16xf32>,
          %add3A_1736 = arith.constant 20124 : i32
          %add3A_1737 = arith.addi %add3A_1736, %mul3A_323 : i32
          %add3A_1738 = arith.constant 16 : i32
          %add3A_1739 = arith.addi %add3A_1737, %add3A_1738 : i32
          %swap3A_1740 = arith.index_cast %add3A_1739 : i32 to index
          %swap3A_1741 = tpu.vector_load %arg8[%swap3A_1740] {strides = array<i32>} : memref<24768xf32, #tpu.memory_space<vmem>>, vector<16xf32>,
          tpu.vector_store %arg8[%swap3A_1740], %get3A_1687 {strides = array<i32>} : memref<24768xf32, #tpu.memory_space<vmem>>, vector<16xf32>,
          %add3A_1742 = arith.constant 20124 : i32
          %add3A_1743 = arith.addi %add3A_1742, %mul3A_323 : i32
          %add3A_1744 = arith.constant 32 : i32
          %add3A_1745 = arith.addi %add3A_1743, %add3A_1744 : i32
          %swap3A_1746 = arith.index_cast %add3A_1745 : i32 to index
          %swap3A_1747 = tpu.vector_load %arg8[%swap3A_1746] {strides = array<i32>} : memref<24768xf32, #tpu.memory_space<vmem>>, vector<16xf32>,
          tpu.vector_store %arg8[%swap3A_1746], %get3A_1694 {strides = array<i32>} : memref<24768xf32, #tpu.memory_space<vmem>>, vector<16xf32>,
          %add3A_1748 = arith.constant 20124 : i32
          %add3A_1749 = arith.addi %add3A_1748, %mul3A_323 : i32
          %add3A_1750 = arith.constant 48 : i32
          %add3A_1751 = arith.addi %add3A_1749, %add3A_1750 : i32
          %swap3A_1752 = arith.index_cast %add3A_1751 : i32 to index
          %swap3A_1753 = tpu.vector_load %arg8[%swap3A_1752] {strides = array<i32>} : memref<24768xf32, #tpu.memory_space<vmem>>, vector<16xf32>,
          tpu.vector_store %arg8[%swap3A_1752], %get3A_1701 {strides = array<i32>} : memref<24768xf32, #tpu.memory_space<vmem>>, vector<16xf32>,
          %add3A_1754 = arith.constant 20124 : i32
          %add3A_1755 = arith.addi %add3A_1754, %mul3A_323 : i32
          %add3A_1756 = arith.constant 64 : i32
          %add3A_1757 = arith.addi %add3A_1755, %add3A_1756 : i32
          %swap3A_1758 = arith.index_cast %add3A_1757 : i32 to index
          %swap3A_1759 = tpu.vector_load %arg8[%swap3A_1758] {strides = array<i32>} : memref<24768xf32, #tpu.memory_space<vmem>>, vector<16xf32>,
          tpu.vector_store %arg8[%swap3A_1758], %get3A_1708 {strides = array<i32>} : memref<24768xf32, #tpu.memory_space<vmem>>, vector<16xf32>,
          %add3A_1760 = arith.constant 20124 : i32
          %add3A_1761 = arith.addi %add3A_1760, %mul3A_323 : i32
          %add3A_1762 = arith.constant 80 : i32
          %add3A_1763 = arith.addi %add3A_1761, %add3A_1762 : i32
          %swap3A_1764 = arith.index_cast %add3A_1763 : i32 to index
          %swap3A_1765 = tpu.vector_load %arg8[%swap3A_1764] {strides = array<i32>} : memref<24768xf32, #tpu.memory_space<vmem>>, vector<16xf32>,
          tpu.vector_store %arg8[%swap3A_1764], %get3A_1715 {strides = array<i32>} : memref<24768xf32, #tpu.memory_space<vmem>>, vector<16xf32>,
          %add3A_1766 = arith.constant 20124 : i32
          %add3A_1767 = arith.addi %add3A_1766, %mul3A_323 : i32
          %add3A_1768 = arith.constant 96 : i32
          %add3A_1769 = arith.addi %add3A_1767, %add3A_1768 : i32
          %swap3A_1770 = arith.index_cast %add3A_1769 : i32 to index
          %swap3A_1771 = tpu.vector_load %arg8[%swap3A_1770] {strides = array<i32>} : memref<24768xf32, #tpu.memory_space<vmem>>, vector<16xf32>,
          tpu.vector_store %arg8[%swap3A_1770], %get3A_1722 {strides = array<i32>} : memref<24768xf32, #tpu.memory_space<vmem>>, vector<16xf32>,
          %add3A_1772 = arith.constant 20124 : i32
          %add3A_1773 = arith.addi %add3A_1772, %mul3A_323 : i32
          %add3A_1774 = arith.constant 112 : i32
          %add3A_1775 = arith.addi %add3A_1773, %add3A_1774 : i32
          %swap3A_1776 = arith.index_cast %add3A_1775 : i32 to index
          %swap3A_1777 = tpu.vector_load %arg8[%swap3A_1776] {strides = array<i32>} : memref<24768xf32, #tpu.memory_space<vmem>>, vector<16xf32>,
          tpu.vector_store %arg8[%swap3A_1776], %get3A_1729 {strides = array<i32>} : memref<24768xf32, #tpu.memory_space<vmem>>, vector<16xf32>,
          %add3A_1778 = arith.constant 0 : i32
          %add3A_1779 = arith.addi %multiple_of3A_186, %add3A_1778 : i32
          %get3A_1780 = arith.constant 14 : i32
          %get3A_1781 = arith.index_cast %scan3A_321 : i32 to index
          %get3A_1782 = arith.index_cast %get3A_1780 : i32 to index
          %get3A_1783 = arith.index_cast %add3A_1779 : i32 to index
          %get3A_1784 = tpu.vector_load %arg7[%get3A_1781, %get3A_1782, %get3A_1783] {strides = array<i32>} : memref<12x16x256xf32, #tpu.memory_space<vmem>>, vector<16xf32>,
          %add3A_1785 = arith.constant 16 : i32
          %add3A_1786 = arith.addi %multiple_of3A_186, %add3A_1785 : i32
          %get3A_1787 = arith.constant 14 : i32
          %get3A_1788 = arith.index_cast %scan3A_321 : i32 to index
          %get3A_1789 = arith.index_cast %get3A_1787 : i32 to index
          %get3A_1790 = arith.index_cast %add3A_1786 : i32 to index
          %get3A_1791 = tpu.vector_load %arg7[%get3A_1788, %get3A_1789, %get3A_1790] {strides = array<i32>} : memref<12x16x256xf32, #tpu.memory_space<vmem>>, vector<16xf32>,
          %add3A_1792 = arith.constant 32 : i32
          %add3A_1793 = arith.addi %multiple_of3A_186, %add3A_1792 : i32
          %get3A_1794 = arith.constant 14 : i32
          %get3A_1795 = arith.index_cast %scan3A_321 : i32 to index
          %get3A_1796 = arith.index_cast %get3A_1794 : i32 to index
          %get3A_1797 = arith.index_cast %add3A_1793 : i32 to index
          %get3A_1798 = tpu.vector_load %arg7[%get3A_1795, %get3A_1796, %get3A_1797] {strides = array<i32>} : memref<12x16x256xf32, #tpu.memory_space<vmem>>, vector<16xf32>,
          %add3A_1799 = arith.constant 48 : i32
          %add3A_1800 = arith.addi %multiple_of3A_186, %add3A_1799 : i32
          %get3A_1801 = arith.constant 14 : i32
          %get3A_1802 = arith.index_cast %scan3A_321 : i32 to index
          %get3A_1803 = arith.index_cast %get3A_1801 : i32 to index
          %get3A_1804 = arith.index_cast %add3A_1800 : i32 to index
          %get3A_1805 = tpu.vector_load %arg7[%get3A_1802, %get3A_1803, %get3A_1804] {strides = array<i32>} : memref<12x16x256xf32, #tpu.memory_space<vmem>>, vector<16xf32>,
          %add3A_1806 = arith.constant 64 : i32
          %add3A_1807 = arith.addi %multiple_of3A_186, %add3A_1806 : i32
          %get3A_1808 = arith.constant 14 : i32
          %get3A_1809 = arith.index_cast %scan3A_321 : i32 to index
          %get3A_1810 = arith.index_cast %get3A_1808 : i32 to index
          %get3A_1811 = arith.index_cast %add3A_1807 : i32 to index
          %get3A_1812 = tpu.vector_load %arg7[%get3A_1809, %get3A_1810, %get3A_1811] {strides = array<i32>} : memref<12x16x256xf32, #tpu.memory_space<vmem>>, vector<16xf32>,
          %add3A_1813 = arith.constant 80 : i32
          %add3A_1814 = arith.addi %multiple_of3A_186, %add3A_1813 : i32
          %get3A_1815 = arith.constant 14 : i32
          %get3A_1816 = arith.index_cast %scan3A_321 : i32 to index
          %get3A_1817 = arith.index_cast %get3A_1815 : i32 to index
          %get3A_1818 = arith.index_cast %add3A_1814 : i32 to index
          %get3A_1819 = tpu.vector_load %arg7[%get3A_1816, %get3A_1817, %get3A_1818] {strides = array<i32>} : memref<12x16x256xf32, #tpu.memory_space<vmem>>, vector<16xf32>,
          %add3A_1820 = arith.constant 96 : i32
          %add3A_1821 = arith.addi %multiple_of3A_186, %add3A_1820 : i32
          %get3A_1822 = arith.constant 14 : i32
          %get3A_1823 = arith.index_cast %scan3A_321 : i32 to index
          %get3A_1824 = arith.index_cast %get3A_1822 : i32 to index
          %get3A_1825 = arith.index_cast %add3A_1821 : i32 to index
          %get3A_1826 = tpu.vector_load %arg7[%get3A_1823, %get3A_1824, %get3A_1825] {strides = array<i32>} : memref<12x16x256xf32, #tpu.memory_space<vmem>>, vector<16xf32>,
          %add3A_1827 = arith.constant 112 : i32
          %add3A_1828 = arith.addi %multiple_of3A_186, %add3A_1827 : i32
          %get3A_1829 = arith.constant 14 : i32
          %get3A_1830 = arith.index_cast %scan3A_321 : i32 to index
          %get3A_1831 = arith.index_cast %get3A_1829 : i32 to index
          %get3A_1832 = arith.index_cast %add3A_1828 : i32 to index
          %get3A_1833 = tpu.vector_load %arg7[%get3A_1830, %get3A_1831, %get3A_1832] {strides = array<i32>} : memref<12x16x256xf32, #tpu.memory_space<vmem>>, vector<16xf32>,
          %add3A_1834 = arith.constant 21672 : i32
          %add3A_1835 = arith.addi %add3A_1834, %mul3A_323 : i32
          %add3A_1836 = arith.constant 0 : i32
          %add3A_1837 = arith.addi %add3A_1835, %add3A_1836 : i32
          %swap3A_1838 = arith.index_cast %add3A_1837 : i32 to index
          %swap3A_1839 = tpu.vector_load %arg8[%swap3A_1838] {strides = array<i32>} : memref<24768xf32, #tpu.memory_space<vmem>>, vector<16xf32>,
          tpu.vector_store %arg8[%swap3A_1838], %get3A_1784 {strides = array<i32>} : memref<24768xf32, #tpu.memory_space<vmem>>, vector<16xf32>,
          %add3A_1840 = arith.constant 21672 : i32
          %add3A_1841 = arith.addi %add3A_1840, %mul3A_323 : i32
          %add3A_1842 = arith.constant 16 : i32
          %add3A_1843 = arith.addi %add3A_1841, %add3A_1842 : i32
          %swap3A_1844 = arith.index_cast %add3A_1843 : i32 to index
          %swap3A_1845 = tpu.vector_load %arg8[%swap3A_1844] {strides = array<i32>} : memref<24768xf32, #tpu.memory_space<vmem>>, vector<16xf32>,
          tpu.vector_store %arg8[%swap3A_1844], %get3A_1791 {strides = array<i32>} : memref<24768xf32, #tpu.memory_space<vmem>>, vector<16xf32>,
          %add3A_1846 = arith.constant 21672 : i32
          %add3A_1847 = arith.addi %add3A_1846, %mul3A_323 : i32
          %add3A_1848 = arith.constant 32 : i32
          %add3A_1849 = arith.addi %add3A_1847, %add3A_1848 : i32
          %swap3A_1850 = arith.index_cast %add3A_1849 : i32 to index
          %swap3A_1851 = tpu.vector_load %arg8[%swap3A_1850] {strides = array<i32>} : memref<24768xf32, #tpu.memory_space<vmem>>, vector<16xf32>,
          tpu.vector_store %arg8[%swap3A_1850], %get3A_1798 {strides = array<i32>} : memref<24768xf32, #tpu.memory_space<vmem>>, vector<16xf32>,
          %add3A_1852 = arith.constant 21672 : i32
          %add3A_1853 = arith.addi %add3A_1852, %mul3A_323 : i32
          %add3A_1854 = arith.constant 48 : i32
          %add3A_1855 = arith.addi %add3A_1853, %add3A_1854 : i32
          %swap3A_1856 = arith.index_cast %add3A_1855 : i32 to index
          %swap3A_1857 = tpu.vector_load %arg8[%swap3A_1856] {strides = array<i32>} : memref<24768xf32, #tpu.memory_space<vmem>>, vector<16xf32>,
          tpu.vector_store %arg8[%swap3A_1856], %get3A_1805 {strides = array<i32>} : memref<24768xf32, #tpu.memory_space<vmem>>, vector<16xf32>,
          %add3A_1858 = arith.constant 21672 : i32
          %add3A_1859 = arith.addi %add3A_1858, %mul3A_323 : i32
          %add3A_1860 = arith.constant 64 : i32
          %add3A_1861 = arith.addi %add3A_1859, %add3A_1860 : i32
          %swap3A_1862 = arith.index_cast %add3A_1861 : i32 to index
          %swap3A_1863 = tpu.vector_load %arg8[%swap3A_1862] {strides = array<i32>} : memref<24768xf32, #tpu.memory_space<vmem>>, vector<16xf32>,
          tpu.vector_store %arg8[%swap3A_1862], %get3A_1812 {strides = array<i32>} : memref<24768xf32, #tpu.memory_space<vmem>>, vector<16xf32>,
          %add3A_1864 = arith.constant 21672 : i32
          %add3A_1865 = arith.addi %add3A_1864, %mul3A_323 : i32
          %add3A_1866 = arith.constant 80 : i32
          %add3A_1867 = arith.addi %add3A_1865, %add3A_1866 : i32
          %swap3A_1868 = arith.index_cast %add3A_1867 : i32 to index
          %swap3A_1869 = tpu.vector_load %arg8[%swap3A_1868] {strides = array<i32>} : memref<24768xf32, #tpu.memory_space<vmem>>, vector<16xf32>,
          tpu.vector_store %arg8[%swap3A_1868], %get3A_1819 {strides = array<i32>} : memref<24768xf32, #tpu.memory_space<vmem>>, vector<16xf32>,
          %add3A_1870 = arith.constant 21672 : i32
          %add3A_1871 = arith.addi %add3A_1870, %mul3A_323 : i32
          %add3A_1872 = arith.constant 96 : i32
          %add3A_1873 = arith.addi %add3A_1871, %add3A_1872 : i32
          %swap3A_1874 = arith.index_cast %add3A_1873 : i32 to index
          %swap3A_1875 = tpu.vector_load %arg8[%swap3A_1874] {strides = array<i32>} : memref<24768xf32, #tpu.memory_space<vmem>>, vector<16xf32>,
          tpu.vector_store %arg8[%swap3A_1874], %get3A_1826 {strides = array<i32>} : memref<24768xf32, #tpu.memory_space<vmem>>, vector<16xf32>,
          %add3A_1876 = arith.constant 21672 : i32
          %add3A_1877 = arith.addi %add3A_1876, %mul3A_323 : i32
          %add3A_1878 = arith.constant 112 : i32
          %add3A_1879 = arith.addi %add3A_1877, %add3A_1878 : i32
          %swap3A_1880 = arith.index_cast %add3A_1879 : i32 to index
          %swap3A_1881 = tpu.vector_load %arg8[%swap3A_1880] {strides = array<i32>} : memref<24768xf32, #tpu.memory_space<vmem>>, vector<16xf32>,
          tpu.vector_store %arg8[%swap3A_1880], %get3A_1833 {strides = array<i32>} : memref<24768xf32, #tpu.memory_space<vmem>>, vector<16xf32>,
          %add3A_1882 = arith.constant 0 : i32
          %add3A_1883 = arith.addi %multiple_of3A_186, %add3A_1882 : i32
          %get3A_1884 = arith.constant 15 : i32
          %get3A_1885 = arith.index_cast %scan3A_321 : i32 to index
          %get3A_1886 = arith.index_cast %get3A_1884 : i32 to index
          %get3A_1887 = arith.index_cast %add3A_1883 : i32 to index
          %get3A_1888 = tpu.vector_load %arg7[%get3A_1885, %get3A_1886, %get3A_1887] {strides = array<i32>} : memref<12x16x256xf32, #tpu.memory_space<vmem>>, vector<16xf32>,
          %add3A_1889 = arith.constant 16 : i32
          %add3A_1890 = arith.addi %multiple_of3A_186, %add3A_1889 : i32
          %get3A_1891 = arith.constant 15 : i32
          %get3A_1892 = arith.index_cast %scan3A_321 : i32 to index
          %get3A_1893 = arith.index_cast %get3A_1891 : i32 to index
          %get3A_1894 = arith.index_cast %add3A_1890 : i32 to index
          %get3A_1895 = tpu.vector_load %arg7[%get3A_1892, %get3A_1893, %get3A_1894] {strides = array<i32>} : memref<12x16x256xf32, #tpu.memory_space<vmem>>, vector<16xf32>,
          %add3A_1896 = arith.constant 32 : i32
          %add3A_1897 = arith.addi %multiple_of3A_186, %add3A_1896 : i32
          %get3A_1898 = arith.constant 15 : i32
          %get3A_1899 = arith.index_cast %scan3A_321 : i32 to index
          %get3A_1900 = arith.index_cast %get3A_1898 : i32 to index
          %get3A_1901 = arith.index_cast %add3A_1897 : i32 to index
          %get3A_1902 = tpu.vector_load %arg7[%get3A_1899, %get3A_1900, %get3A_1901] {strides = array<i32>} : memref<12x16x256xf32, #tpu.memory_space<vmem>>, vector<16xf32>,
          %add3A_1903 = arith.constant 48 : i32
          %add3A_1904 = arith.addi %multiple_of3A_186, %add3A_1903 : i32
          %get3A_1905 = arith.constant 15 : i32
          %get3A_1906 = arith.index_cast %scan3A_321 : i32 to index
          %get3A_1907 = arith.index_cast %get3A_1905 : i32 to index
          %get3A_1908 = arith.index_cast %add3A_1904 : i32 to index
          %get3A_1909 = tpu.vector_load %arg7[%get3A_1906, %get3A_1907, %get3A_1908] {strides = array<i32>} : memref<12x16x256xf32, #tpu.memory_space<vmem>>, vector<16xf32>,
          %add3A_1910 = arith.constant 64 : i32
          %add3A_1911 = arith.addi %multiple_of3A_186, %add3A_1910 : i32
          %get3A_1912 = arith.constant 15 : i32
          %get3A_1913 = arith.index_cast %scan3A_321 : i32 to index
          %get3A_1914 = arith.index_cast %get3A_1912 : i32 to index
          %get3A_1915 = arith.index_cast %add3A_1911 : i32 to index
          %get3A_1916 = tpu.vector_load %arg7[%get3A_1913, %get3A_1914, %get3A_1915] {strides = array<i32>} : memref<12x16x256xf32, #tpu.memory_space<vmem>>, vector<16xf32>,
          %add3A_1917 = arith.constant 80 : i32
          %add3A_1918 = arith.addi %multiple_of3A_186, %add3A_1917 : i32
          %get3A_1919 = arith.constant 15 : i32
          %get3A_1920 = arith.index_cast %scan3A_321 : i32 to index
          %get3A_1921 = arith.index_cast %get3A_1919 : i32 to index
          %get3A_1922 = arith.index_cast %add3A_1918 : i32 to index
          %get3A_1923 = tpu.vector_load %arg7[%get3A_1920, %get3A_1921, %get3A_1922] {strides = array<i32>} : memref<12x16x256xf32, #tpu.memory_space<vmem>>, vector<16xf32>,
          %add3A_1924 = arith.constant 96 : i32
          %add3A_1925 = arith.addi %multiple_of3A_186, %add3A_1924 : i32
          %get3A_1926 = arith.constant 15 : i32
          %get3A_1927 = arith.index_cast %scan3A_321 : i32 to index
          %get3A_1928 = arith.index_cast %get3A_1926 : i32 to index
          %get3A_1929 = arith.index_cast %add3A_1925 : i32 to index
          %get3A_1930 = tpu.vector_load %arg7[%get3A_1927, %get3A_1928, %get3A_1929] {strides = array<i32>} : memref<12x16x256xf32, #tpu.memory_space<vmem>>, vector<16xf32>,
          %add3A_1931 = arith.constant 112 : i32
          %add3A_1932 = arith.addi %multiple_of3A_186, %add3A_1931 : i32
          %get3A_1933 = arith.constant 15 : i32
          %get3A_1934 = arith.index_cast %scan3A_321 : i32 to index
          %get3A_1935 = arith.index_cast %get3A_1933 : i32 to index
          %get3A_1936 = arith.index_cast %add3A_1932 : i32 to index
          %get3A_1937 = tpu.vector_load %arg7[%get3A_1934, %get3A_1935, %get3A_1936] {strides = array<i32>} : memref<12x16x256xf32, #tpu.memory_space<vmem>>, vector<16xf32>,
          %add3A_1938 = arith.constant 23220 : i32
          %add3A_1939 = arith.addi %add3A_1938, %mul3A_323 : i32
          %add3A_1940 = arith.constant 0 : i32
          %add3A_1941 = arith.addi %add3A_1939, %add3A_1940 : i32
          %swap3A_1942 = arith.index_cast %add3A_1941 : i32 to index
          %swap3A_1943 = tpu.vector_load %arg8[%swap3A_1942] {strides = array<i32>} : memref<24768xf32, #tpu.memory_space<vmem>>, vector<16xf32>,
          tpu.vector_store %arg8[%swap3A_1942], %get3A_1888 {strides = array<i32>} : memref<24768xf32, #tpu.memory_space<vmem>>, vector<16xf32>,
          %add3A_1944 = arith.constant 23220 : i32
          %add3A_1945 = arith.addi %add3A_1944, %mul3A_323 : i32
          %add3A_1946 = arith.constant 16 : i32
          %add3A_1947 = arith.addi %add3A_1945, %add3A_1946 : i32
          %swap3A_1948 = arith.index_cast %add3A_1947 : i32 to index
          %swap3A_1949 = tpu.vector_load %arg8[%swap3A_1948] {strides = array<i32>} : memref<24768xf32, #tpu.memory_space<vmem>>, vector<16xf32>,
          tpu.vector_store %arg8[%swap3A_1948], %get3A_1895 {strides = array<i32>} : memref<24768xf32, #tpu.memory_space<vmem>>, vector<16xf32>,
          %add3A_1950 = arith.constant 23220 : i32
          %add3A_1951 = arith.addi %add3A_1950, %mul3A_323 : i32
          %add3A_1952 = arith.constant 32 : i32
          %add3A_1953 = arith.addi %add3A_1951, %add3A_1952 : i32
          %swap3A_1954 = arith.index_cast %add3A_1953 : i32 to index
          %swap3A_1955 = tpu.vector_load %arg8[%swap3A_1954] {strides = array<i32>} : memref<24768xf32, #tpu.memory_space<vmem>>, vector<16xf32>,
          tpu.vector_store %arg8[%swap3A_1954], %get3A_1902 {strides = array<i32>} : memref<24768xf32, #tpu.memory_space<vmem>>, vector<16xf32>,
          %add3A_1956 = arith.constant 23220 : i32
          %add3A_1957 = arith.addi %add3A_1956, %mul3A_323 : i32
          %add3A_1958 = arith.constant 48 : i32
          %add3A_1959 = arith.addi %add3A_1957, %add3A_1958 : i32
          %swap3A_1960 = arith.index_cast %add3A_1959 : i32 to index
          %swap3A_1961 = tpu.vector_load %arg8[%swap3A_1960] {strides = array<i32>} : memref<24768xf32, #tpu.memory_space<vmem>>, vector<16xf32>,
          tpu.vector_store %arg8[%swap3A_1960], %get3A_1909 {strides = array<i32>} : memref<24768xf32, #tpu.memory_space<vmem>>, vector<16xf32>,
          %add3A_1962 = arith.constant 23220 : i32
          %add3A_1963 = arith.addi %add3A_1962, %mul3A_323 : i32
          %add3A_1964 = arith.constant 64 : i32
          %add3A_1965 = arith.addi %add3A_1963, %add3A_1964 : i32
          %swap3A_1966 = arith.index_cast %add3A_1965 : i32 to index
          %swap3A_1967 = tpu.vector_load %arg8[%swap3A_1966] {strides = array<i32>} : memref<24768xf32, #tpu.memory_space<vmem>>, vector<16xf32>,
          tpu.vector_store %arg8[%swap3A_1966], %get3A_1916 {strides = array<i32>} : memref<24768xf32, #tpu.memory_space<vmem>>, vector<16xf32>,
          %add3A_1968 = arith.constant 23220 : i32
          %add3A_1969 = arith.addi %add3A_1968, %mul3A_323 : i32
          %add3A_1970 = arith.constant 80 : i32
          %add3A_1971 = arith.addi %add3A_1969, %add3A_1970 : i32
          %swap3A_1972 = arith.index_cast %add3A_1971 : i32 to index
          %swap3A_1973 = tpu.vector_load %arg8[%swap3A_1972] {strides = array<i32>} : memref<24768xf32, #tpu.memory_space<vmem>>, vector<16xf32>,
          tpu.vector_store %arg8[%swap3A_1972], %get3A_1923 {strides = array<i32>} : memref<24768xf32, #tpu.memory_space<vmem>>, vector<16xf32>,
          %add3A_1974 = arith.constant 23220 : i32
          %add3A_1975 = arith.addi %add3A_1974, %mul3A_323 : i32
          %add3A_1976 = arith.constant 96 : i32
          %add3A_1977 = arith.addi %add3A_1975, %add3A_1976 : i32
          %swap3A_1978 = arith.index_cast %add3A_1977 : i32 to index
          %swap3A_1979 = tpu.vector_load %arg8[%swap3A_1978] {strides = array<i32>} : memref<24768xf32, #tpu.memory_space<vmem>>, vector<16xf32>,
          tpu.vector_store %arg8[%swap3A_1978], %get3A_1930 {strides = array<i32>} : memref<24768xf32, #tpu.memory_space<vmem>>, vector<16xf32>,
          %add3A_1980 = arith.constant 23220 : i32
          %add3A_1981 = arith.addi %add3A_1980, %mul3A_323 : i32
          %add3A_1982 = arith.constant 112 : i32
          %add3A_1983 = arith.addi %add3A_1981, %add3A_1982 : i32
          %swap3A_1984 = arith.index_cast %add3A_1983 : i32 to index
          %swap3A_1985 = tpu.vector_load %arg8[%swap3A_1984] {strides = array<i32>} : memref<24768xf32, #tpu.memory_space<vmem>>, vector<16xf32>,
          tpu.vector_store %arg8[%swap3A_1984], %get3A_1937 {strides = array<i32>} : memref<24768xf32, #tpu.memory_space<vmem>>, vector<16xf32>,
        }
        %scan3A_238 = arith.constant 6 : i32
        %lt3A_239 = arith.constant 300 : i32
        %lt3A_240 = arith.cmpi slt, %add3A_189, %lt3A_239 : i32
        %convert_element_type3A_241 = arith.extui %lt3A_240 : i1 to i32
        %cond3A_242 = arith.constant 0 : i32
        %cond3A_243 = arith.cmpi ne, %convert_element_type3A_241, %cond3A_242 : i32
        scf.if %cond3A_243 {
          %mul3A_321 = arith.constant 100 : i32
          %mul3A_322 = arith.muli %add3A_189, %mul3A_321 : i32
          %jit3A_323 = arith.constant 128 : i32
          %div3A_324 = arith.divsi %mul3A_322, %jit3A_323 : i32
          %sign3A_325 = arith.constant 0 : i32
          %sign3A_326 = arith.cmpi sgt, %mul3A_322, %sign3A_325 : i32
          %sign3A_327 = arith.extui %sign3A_326 : i1 to i32
          %sign3A_328 = arith.constant 0 : i32
          %sign3A_329 = arith.cmpi slt, %mul3A_322, %sign3A_328 : i32
          %sign3A_330 = arith.extui %sign3A_329 : i1 to i32
          %sign3A_331 = arith.subi %sign3A_327, %sign3A_330 : i32
          %sign3A_332 = arith.constant 0 : i32
          %sign3A_333 = arith.cmpi sgt, %jit3A_323, %sign3A_332 : i32
          %sign3A_334 = arith.extui %sign3A_333 : i1 to i32
          %sign3A_335 = arith.constant 0 : i32
          %sign3A_336 = arith.cmpi slt, %jit3A_323, %sign3A_335 : i32
          %sign3A_337 = arith.extui %sign3A_336 : i1 to i32
          %sign3A_338 = arith.subi %sign3A_334, %sign3A_337 : i32
          %ne3A_339 = arith.cmpi ne, %sign3A_331, %sign3A_338 : i32
          %rem3A_340 = arith.remsi %mul3A_322, %jit3A_323 : i32
          %ne3A_341 = arith.constant 0 : i32
          %ne3A_342 = arith.cmpi ne, %rem3A_340, %ne3A_341 : i32
          %and3A_343 = arith.andi %ne3A_339, %ne3A_342 : i1
          %sub3A_344 = arith.constant 1 : i32
          %sub3A_345 = arith.subi %div3A_324, %sub3A_344 : i32
          %select_n3A_346 = arith.select %and3A_343, %sub3A_345, %div3A_324 : i32
          %mul3A_347 = arith.constant 128 : i32
          %mul3A_348 = arith.muli %select_n3A_346, %mul3A_347 : i32
          %multiple_of3A_349 = tpu.assume_multiple %mul3A_348, 128 : i32
          %dma_start3A_350 = arith.constant 0 : i32
          %dma_start3A_351 = arith.constant 0 : i32
          %dma_start3A_352 = arith.constant 0 : i32
          %dma_start3A_353 = tpu.memref_slice %arg7[%dma_start3A_350, %dma_start3A_351, %dma_start3A_352] : memref<12x16x256xf32, #tpu.memory_space<vmem>> -> memref<6x16x256xf32, #tpu.memory_space<vmem>>
          %dma_start3A_354 = arith.constant 0 : i32
          %dma_start3A_355 = arith.constant 0 : i32
          %dma_start3A_356 = tpu.memref_slice %arg2[%dma_start3A_354, %dma_start3A_355, %multiple_of3A_349] : memref<12x16x30000xf32, #tpu.memory_space<hbm>> -> memref<6x16x256xf32, #tpu.memory_space<hbm>>
          %dma_start3A_357 = arith.constant 0 : i32
          %dma_start3A_358 = arith.constant 0 : i32
          %dma_start3A_359 = arith.constant 0 : i32
          %dma_start3A_360 = tpu.memref_slice %arg7[%dma_start3A_357, %dma_start3A_358, %dma_start3A_359] : memref<12x16x256xf32, #tpu.memory_space<vmem>> -> memref<6x16x256xf32, #tpu.memory_space<vmem>>
          %dma_start3A_361 = arith.constant 0 : i32
          %dma_start3A_362 = arith.constant 0 : i32
          %dma_start3A_363 = tpu.memref_slice %arg2[%dma_start3A_361, %dma_start3A_362, %multiple_of3A_349] : memref<12x16x30000xf32, #tpu.memory_space<hbm>> -> memref<6x16x256xf32, #tpu.memory_space<hbm>>
          tpu.enqueue_dma source(%dma_start3A_363 : memref<6x16x256xf32, #tpu.memory_space<hbm>>) target(%dma_start3A_360 : memref<6x16x256xf32, #tpu.memory_space<vmem>>) target_semaphore(%arg12 : memref<!tpu.dma_semaphore, #tpu.memory_space<semaphore_mem>>)
        } else {
        }
        %mul3A_244 = arith.constant 100 : i32
        %mul3A_245 = arith.muli %add3A_123, %mul3A_244 : i32
        %jit3A_246 = arith.constant 128 : i32
        %div3A_247 = arith.divsi %mul3A_245, %jit3A_246 : i32
        %sign3A_248 = arith.constant 0 : i32
        %sign3A_249 = arith.cmpi sgt, %mul3A_245, %sign3A_248 : i32
        %sign3A_250 = arith.extui %sign3A_249 : i1 to i32
        %sign3A_251 = arith.constant 0 : i32
        %sign3A_252 = arith.cmpi slt, %mul3A_245, %sign3A_251 : i32
        %sign3A_253 = arith.extui %sign3A_252 : i1 to i32
        %sign3A_254 = arith.subi %sign3A_250, %sign3A_253 : i32
        %sign3A_255 = arith.constant 0 : i32
        %sign3A_256 = arith.cmpi sgt, %jit3A_246, %sign3A_255 : i32
        %sign3A_257 = arith.extui %sign3A_256 : i1 to i32
        %sign3A_258 = arith.constant 0 : i32
        %sign3A_259 = arith.cmpi slt, %jit3A_246, %sign3A_258 : i32
        %sign3A_260 = arith.extui %sign3A_259 : i1 to i32
        %sign3A_261 = arith.subi %sign3A_257, %sign3A_260 : i32
        %ne3A_262 = arith.cmpi ne, %sign3A_254, %sign3A_261 : i32
        %rem3A_263 = arith.remsi %mul3A_245, %jit3A_246 : i32
        %ne3A_264 = arith.constant 0 : i32
        %ne3A_265 = arith.cmpi ne, %rem3A_263, %ne3A_264 : i32
        %and3A_266 = arith.andi %ne3A_262, %ne3A_265 : i1
        %sub3A_267 = arith.constant 1 : i32
        %sub3A_268 = arith.subi %div3A_247, %sub3A_267 : i32
        %select_n3A_269 = arith.select %and3A_266, %sub3A_268, %div3A_247 : i32
        %mul3A_270 = arith.constant 128 : i32
        %mul3A_271 = arith.muli %select_n3A_269, %mul3A_270 : i32
        %multiple_of3A_272 = tpu.assume_multiple %mul3A_271, 128 : i32
        %dma_wait3A_273 = arith.constant 6 : i32
        %dma_wait3A_274 = arith.constant 0 : i32
        %dma_wait3A_275 = arith.constant 0 : i32
        %dma_wait3A_276 = tpu.memref_slice %arg7[%dma_wait3A_273, %dma_wait3A_274, %dma_wait3A_275] : memref<12x16x256xf32, #tpu.memory_space<vmem>> -> memref<6x16x256xf32, #tpu.memory_space<vmem>>
        %dma_wait3A_277 = arith.constant 6 : i32
        %dma_wait3A_278 = arith.constant 0 : i32
        %dma_wait3A_279 = tpu.memref_slice %arg2[%dma_wait3A_277, %dma_wait3A_278, %multiple_of3A_272] : memref<12x16x30000xf32, #tpu.memory_space<hbm>> -> memref<6x16x256xf32, #tpu.memory_space<hbm>>
        %dma_wait3A_280 = arith.constant 6 : i32
        %dma_wait3A_281 = arith.constant 0 : i32
        %dma_wait3A_282 = arith.constant 0 : i32
        %dma_wait3A_283 = tpu.memref_slice %arg7[%dma_wait3A_280, %dma_wait3A_281, %dma_wait3A_282] : memref<12x16x256xf32, #tpu.memory_space<vmem>> -> memref<6x16x256xf32, #tpu.memory_space<vmem>>
        %dma_wait3A_284 = arith.constant 6 : i32
        %dma_wait3A_285 = arith.constant 0 : i32
        %dma_wait3A_286 = tpu.memref_slice %arg2[%dma_wait3A_284, %dma_wait3A_285, %multiple_of3A_272] : memref<12x16x30000xf32, #tpu.memory_space<hbm>> -> memref<6x16x256xf32, #tpu.memory_space<hbm>>
        tpu.wait_dma2 semaphore(%arg13 : memref<!tpu.dma_semaphore, #tpu.memory_space<semaphore_mem>>) src(%dma_wait3A_286 : memref<6x16x256xf32, #tpu.memory_space<hbm>>) dst(%dma_wait3A_283 : memref<6x16x256xf32, #tpu.memory_space<vmem>>)
        %scan3A_287 = arith.constant 0 : i32
        %scan3A_288 = arith.constant 6 : i32
        %scan3A_289 = arith.constant 6 : i32
        %scan3A_290 = arith.addi %scan3A_288, %scan3A_289 : i32
        %scan3A_291 = arith.constant 1 : i32
        scf.for %scan3A_321 = %scan3A_288 to %scan3A_290 step %scan3A_291  : i32 {
          %mul3A_322 = arith.constant 129 : i32
          %mul3A_323 = arith.muli %scan3A_321, %mul3A_322 : i32
          %add3A_324 = arith.constant 0 : i32
          %add3A_325 = arith.addi %multiple_of3A_186, %add3A_324 : i32
          %get3A = arith.constant 0 : i32
          %get3A_326 = arith.index_cast %scan3A_321 : i32 to index
          %get3A_327 = arith.index_cast %get3A : i32 to index
          %get3A_328 = arith.index_cast %add3A_325 : i32 to index
          %get3A_329 = tpu.vector_load %arg7[%get3A_326, %get3A_327, %get3A_328] {strides = array<i32>} : memref<12x16x256xf32, #tpu.memory_space<vmem>>, vector<16xf32>,
          %add3A_330 = arith.constant 16 : i32
          %add3A_331 = arith.addi %multiple_of3A_186, %add3A_330 : i32
          %get3A_332 = arith.constant 0 : i32
          %get3A_333 = arith.index_cast %scan3A_321 : i32 to index
          %get3A_334 = arith.index_cast %get3A_332 : i32 to index
          %get3A_335 = arith.index_cast %add3A_331 : i32 to index
          %get3A_336 = tpu.vector_load %arg7[%get3A_333, %get3A_334, %get3A_335] {strides = array<i32>} : memref<12x16x256xf32, #tpu.memory_space<vmem>>, vector<16xf32>,
          %add3A_337 = arith.constant 32 : i32
          %add3A_338 = arith.addi %multiple_of3A_186, %add3A_337 : i32
          %get3A_339 = arith.constant 0 : i32
          %get3A_340 = arith.index_cast %scan3A_321 : i32 to index
          %get3A_341 = arith.index_cast %get3A_339 : i32 to index
          %get3A_342 = arith.index_cast %add3A_338 : i32 to index
          %get3A_343 = tpu.vector_load %arg7[%get3A_340, %get3A_341, %get3A_342] {strides = array<i32>} : memref<12x16x256xf32, #tpu.memory_space<vmem>>, vector<16xf32>,
          %add3A_344 = arith.constant 48 : i32
          %add3A_345 = arith.addi %multiple_of3A_186, %add3A_344 : i32
          %get3A_346 = arith.constant 0 : i32
          %get3A_347 = arith.index_cast %scan3A_321 : i32 to index
          %get3A_348 = arith.index_cast %get3A_346 : i32 to index
          %get3A_349 = arith.index_cast %add3A_345 : i32 to index
          %get3A_350 = tpu.vector_load %arg7[%get3A_347, %get3A_348, %get3A_349] {strides = array<i32>} : memref<12x16x256xf32, #tpu.memory_space<vmem>>, vector<16xf32>,
          %add3A_351 = arith.constant 64 : i32
          %add3A_352 = arith.addi %multiple_of3A_186, %add3A_351 : i32
          %get3A_353 = arith.constant 0 : i32
          %get3A_354 = arith.index_cast %scan3A_321 : i32 to index
          %get3A_355 = arith.index_cast %get3A_353 : i32 to index
          %get3A_356 = arith.index_cast %add3A_352 : i32 to index
          %get3A_357 = tpu.vector_load %arg7[%get3A_354, %get3A_355, %get3A_356] {strides = array<i32>} : memref<12x16x256xf32, #tpu.memory_space<vmem>>, vector<16xf32>,
          %add3A_358 = arith.constant 80 : i32
          %add3A_359 = arith.addi %multiple_of3A_186, %add3A_358 : i32
          %get3A_360 = arith.constant 0 : i32
          %get3A_361 = arith.index_cast %scan3A_321 : i32 to index
          %get3A_362 = arith.index_cast %get3A_360 : i32 to index
          %get3A_363 = arith.index_cast %add3A_359 : i32 to index
          %get3A_364 = tpu.vector_load %arg7[%get3A_361, %get3A_362, %get3A_363] {strides = array<i32>} : memref<12x16x256xf32, #tpu.memory_space<vmem>>, vector<16xf32>,
          %add3A_365 = arith.constant 96 : i32
          %add3A_366 = arith.addi %multiple_of3A_186, %add3A_365 : i32
          %get3A_367 = arith.constant 0 : i32
          %get3A_368 = arith.index_cast %scan3A_321 : i32 to index
          %get3A_369 = arith.index_cast %get3A_367 : i32 to index
          %get3A_370 = arith.index_cast %add3A_366 : i32 to index
          %get3A_371 = tpu.vector_load %arg7[%get3A_368, %get3A_369, %get3A_370] {strides = array<i32>} : memref<12x16x256xf32, #tpu.memory_space<vmem>>, vector<16xf32>,
          %add3A_372 = arith.constant 112 : i32
          %add3A_373 = arith.addi %multiple_of3A_186, %add3A_372 : i32
          %get3A_374 = arith.constant 0 : i32
          %get3A_375 = arith.index_cast %scan3A_321 : i32 to index
          %get3A_376 = arith.index_cast %get3A_374 : i32 to index
          %get3A_377 = arith.index_cast %add3A_373 : i32 to index
          %get3A_378 = tpu.vector_load %arg7[%get3A_375, %get3A_376, %get3A_377] {strides = array<i32>} : memref<12x16x256xf32, #tpu.memory_space<vmem>>, vector<16xf32>,
          %add3A_379 = arith.constant 0 : i32
          %add3A_380 = arith.addi %add3A_379, %mul3A_323 : i32
          %add3A_381 = arith.constant 0 : i32
          %add3A_382 = arith.addi %add3A_380, %add3A_381 : i32
          %swap3A = arith.index_cast %add3A_382 : i32 to index
          %swap3A_383 = tpu.vector_load %arg8[%swap3A] {strides = array<i32>} : memref<24768xf32, #tpu.memory_space<vmem>>, vector<16xf32>,
          tpu.vector_store %arg8[%swap3A], %get3A_329 {strides = array<i32>} : memref<24768xf32, #tpu.memory_space<vmem>>, vector<16xf32>,
          %add3A_384 = arith.constant 0 : i32
          %add3A_385 = arith.addi %add3A_384, %mul3A_323 : i32
          %add3A_386 = arith.constant 16 : i32
          %add3A_387 = arith.addi %add3A_385, %add3A_386 : i32
          %swap3A_388 = arith.index_cast %add3A_387 : i32 to index
          %swap3A_389 = tpu.vector_load %arg8[%swap3A_388] {strides = array<i32>} : memref<24768xf32, #tpu.memory_space<vmem>>, vector<16xf32>,
          tpu.vector_store %arg8[%swap3A_388], %get3A_336 {strides = array<i32>} : memref<24768xf32, #tpu.memory_space<vmem>>, vector<16xf32>,
          %add3A_390 = arith.constant 0 : i32
          %add3A_391 = arith.addi %add3A_390, %mul3A_323 : i32
          %add3A_392 = arith.constant 32 : i32
          %add3A_393 = arith.addi %add3A_391, %add3A_392 : i32
          %swap3A_394 = arith.index_cast %add3A_393 : i32 to index
          %swap3A_395 = tpu.vector_load %arg8[%swap3A_394] {strides = array<i32>} : memref<24768xf32, #tpu.memory_space<vmem>>, vector<16xf32>,
          tpu.vector_store %arg8[%swap3A_394], %get3A_343 {strides = array<i32>} : memref<24768xf32, #tpu.memory_space<vmem>>, vector<16xf32>,
          %add3A_396 = arith.constant 0 : i32
          %add3A_397 = arith.addi %add3A_396, %mul3A_323 : i32
          %add3A_398 = arith.constant 48 : i32
          %add3A_399 = arith.addi %add3A_397, %add3A_398 : i32
          %swap3A_400 = arith.index_cast %add3A_399 : i32 to index
          %swap3A_401 = tpu.vector_load %arg8[%swap3A_400] {strides = array<i32>} : memref<24768xf32, #tpu.memory_space<vmem>>, vector<16xf32>,
          tpu.vector_store %arg8[%swap3A_400], %get3A_350 {strides = array<i32>} : memref<24768xf32, #tpu.memory_space<vmem>>, vector<16xf32>,
          %add3A_402 = arith.constant 0 : i32
          %add3A_403 = arith.addi %add3A_402, %mul3A_323 : i32
          %add3A_404 = arith.constant 64 : i32
          %add3A_405 = arith.addi %add3A_403, %add3A_404 : i32
          %swap3A_406 = arith.index_cast %add3A_405 : i32 to index
          %swap3A_407 = tpu.vector_load %arg8[%swap3A_406] {strides = array<i32>} : memref<24768xf32, #tpu.memory_space<vmem>>, vector<16xf32>,
          tpu.vector_store %arg8[%swap3A_406], %get3A_357 {strides = array<i32>} : memref<24768xf32, #tpu.memory_space<vmem>>, vector<16xf32>,
          %add3A_408 = arith.constant 0 : i32
          %add3A_409 = arith.addi %add3A_408, %mul3A_323 : i32
          %add3A_410 = arith.constant 80 : i32
          %add3A_411 = arith.addi %add3A_409, %add3A_410 : i32
          %swap3A_412 = arith.index_cast %add3A_411 : i32 to index
          %swap3A_413 = tpu.vector_load %arg8[%swap3A_412] {strides = array<i32>} : memref<24768xf32, #tpu.memory_space<vmem>>, vector<16xf32>,
          tpu.vector_store %arg8[%swap3A_412], %get3A_364 {strides = array<i32>} : memref<24768xf32, #tpu.memory_space<vmem>>, vector<16xf32>,
          %add3A_414 = arith.constant 0 : i32
          %add3A_415 = arith.addi %add3A_414, %mul3A_323 : i32
          %add3A_416 = arith.constant 96 : i32
          %add3A_417 = arith.addi %add3A_415, %add3A_416 : i32
          %swap3A_418 = arith.index_cast %add3A_417 : i32 to index
          %swap3A_419 = tpu.vector_load %arg8[%swap3A_418] {strides = array<i32>} : memref<24768xf32, #tpu.memory_space<vmem>>, vector<16xf32>,
          tpu.vector_store %arg8[%swap3A_418], %get3A_371 {strides = array<i32>} : memref<24768xf32, #tpu.memory_space<vmem>>, vector<16xf32>,
          %add3A_420 = arith.constant 0 : i32
          %add3A_421 = arith.addi %add3A_420, %mul3A_323 : i32
          %add3A_422 = arith.constant 112 : i32
          %add3A_423 = arith.addi %add3A_421, %add3A_422 : i32
          %swap3A_424 = arith.index_cast %add3A_423 : i32 to index
          %swap3A_425 = tpu.vector_load %arg8[%swap3A_424] {strides = array<i32>} : memref<24768xf32, #tpu.memory_space<vmem>>, vector<16xf32>,
          tpu.vector_store %arg8[%swap3A_424], %get3A_378 {strides = array<i32>} : memref<24768xf32, #tpu.memory_space<vmem>>, vector<16xf32>,
          %add3A_426 = arith.constant 0 : i32
          %add3A_427 = arith.addi %multiple_of3A_186, %add3A_426 : i32
          %get3A_428 = arith.constant 1 : i32
          %get3A_429 = arith.index_cast %scan3A_321 : i32 to index
          %get3A_430 = arith.index_cast %get3A_428 : i32 to index
          %get3A_431 = arith.index_cast %add3A_427 : i32 to index
          %get3A_432 = tpu.vector_load %arg7[%get3A_429, %get3A_430, %get3A_431] {strides = array<i32>} : memref<12x16x256xf32, #tpu.memory_space<vmem>>, vector<16xf32>,
          %add3A_433 = arith.constant 16 : i32
          %add3A_434 = arith.addi %multiple_of3A_186, %add3A_433 : i32
          %get3A_435 = arith.constant 1 : i32
          %get3A_436 = arith.index_cast %scan3A_321 : i32 to index
          %get3A_437 = arith.index_cast %get3A_435 : i32 to index
          %get3A_438 = arith.index_cast %add3A_434 : i32 to index
          %get3A_439 = tpu.vector_load %arg7[%get3A_436, %get3A_437, %get3A_438] {strides = array<i32>} : memref<12x16x256xf32, #tpu.memory_space<vmem>>, vector<16xf32>,
          %add3A_440 = arith.constant 32 : i32
          %add3A_441 = arith.addi %multiple_of3A_186, %add3A_440 : i32
          %get3A_442 = arith.constant 1 : i32
          %get3A_443 = arith.index_cast %scan3A_321 : i32 to index
          %get3A_444 = arith.index_cast %get3A_442 : i32 to index
          %get3A_445 = arith.index_cast %add3A_441 : i32 to index
          %get3A_446 = tpu.vector_load %arg7[%get3A_443, %get3A_444, %get3A_445] {strides = array<i32>} : memref<12x16x256xf32, #tpu.memory_space<vmem>>, vector<16xf32>,
          %add3A_447 = arith.constant 48 : i32
          %add3A_448 = arith.addi %multiple_of3A_186, %add3A_447 : i32
          %get3A_449 = arith.constant 1 : i32
          %get3A_450 = arith.index_cast %scan3A_321 : i32 to index
          %get3A_451 = arith.index_cast %get3A_449 : i32 to index
          %get3A_452 = arith.index_cast %add3A_448 : i32 to index
          %get3A_453 = tpu.vector_load %arg7[%get3A_450, %get3A_451, %get3A_452] {strides = array<i32>} : memref<12x16x256xf32, #tpu.memory_space<vmem>>, vector<16xf32>,
          %add3A_454 = arith.constant 64 : i32
          %add3A_455 = arith.addi %multiple_of3A_186, %add3A_454 : i32
          %get3A_456 = arith.constant 1 : i32
          %get3A_457 = arith.index_cast %scan3A_321 : i32 to index
          %get3A_458 = arith.index_cast %get3A_456 : i32 to index
          %get3A_459 = arith.index_cast %add3A_455 : i32 to index
          %get3A_460 = tpu.vector_load %arg7[%get3A_457, %get3A_458, %get3A_459] {strides = array<i32>} : memref<12x16x256xf32, #tpu.memory_space<vmem>>, vector<16xf32>,
          %add3A_461 = arith.constant 80 : i32
          %add3A_462 = arith.addi %multiple_of3A_186, %add3A_461 : i32
          %get3A_463 = arith.constant 1 : i32
          %get3A_464 = arith.index_cast %scan3A_321 : i32 to index
          %get3A_465 = arith.index_cast %get3A_463 : i32 to index
          %get3A_466 = arith.index_cast %add3A_462 : i32 to index
          %get3A_467 = tpu.vector_load %arg7[%get3A_464, %get3A_465, %get3A_466] {strides = array<i32>} : memref<12x16x256xf32, #tpu.memory_space<vmem>>, vector<16xf32>,
          %add3A_468 = arith.constant 96 : i32
          %add3A_469 = arith.addi %multiple_of3A_186, %add3A_468 : i32
          %get3A_470 = arith.constant 1 : i32
          %get3A_471 = arith.index_cast %scan3A_321 : i32 to index
          %get3A_472 = arith.index_cast %get3A_470 : i32 to index
          %get3A_473 = arith.index_cast %add3A_469 : i32 to index
          %get3A_474 = tpu.vector_load %arg7[%get3A_471, %get3A_472, %get3A_473] {strides = array<i32>} : memref<12x16x256xf32, #tpu.memory_space<vmem>>, vector<16xf32>,
          %add3A_475 = arith.constant 112 : i32
          %add3A_476 = arith.addi %multiple_of3A_186, %add3A_475 : i32
          %get3A_477 = arith.constant 1 : i32
          %get3A_478 = arith.index_cast %scan3A_321 : i32 to index
          %get3A_479 = arith.index_cast %get3A_477 : i32 to index
          %get3A_480 = arith.index_cast %add3A_476 : i32 to index
          %get3A_481 = tpu.vector_load %arg7[%get3A_478, %get3A_479, %get3A_480] {strides = array<i32>} : memref<12x16x256xf32, #tpu.memory_space<vmem>>, vector<16xf32>,
          %add3A_482 = arith.constant 1548 : i32
          %add3A_483 = arith.addi %add3A_482, %mul3A_323 : i32
          %add3A_484 = arith.constant 0 : i32
          %add3A_485 = arith.addi %add3A_483, %add3A_484 : i32
          %swap3A_486 = arith.index_cast %add3A_485 : i32 to index
          %swap3A_487 = tpu.vector_load %arg8[%swap3A_486] {strides = array<i32>} : memref<24768xf32, #tpu.memory_space<vmem>>, vector<16xf32>,
          tpu.vector_store %arg8[%swap3A_486], %get3A_432 {strides = array<i32>} : memref<24768xf32, #tpu.memory_space<vmem>>, vector<16xf32>,
          %add3A_488 = arith.constant 1548 : i32
          %add3A_489 = arith.addi %add3A_488, %mul3A_323 : i32
          %add3A_490 = arith.constant 16 : i32
          %add3A_491 = arith.addi %add3A_489, %add3A_490 : i32
          %swap3A_492 = arith.index_cast %add3A_491 : i32 to index
          %swap3A_493 = tpu.vector_load %arg8[%swap3A_492] {strides = array<i32>} : memref<24768xf32, #tpu.memory_space<vmem>>, vector<16xf32>,
          tpu.vector_store %arg8[%swap3A_492], %get3A_439 {strides = array<i32>} : memref<24768xf32, #tpu.memory_space<vmem>>, vector<16xf32>,
          %add3A_494 = arith.constant 1548 : i32
          %add3A_495 = arith.addi %add3A_494, %mul3A_323 : i32
          %add3A_496 = arith.constant 32 : i32
          %add3A_497 = arith.addi %add3A_495, %add3A_496 : i32
          %swap3A_498 = arith.index_cast %add3A_497 : i32 to index
          %swap3A_499 = tpu.vector_load %arg8[%swap3A_498] {strides = array<i32>} : memref<24768xf32, #tpu.memory_space<vmem>>, vector<16xf32>,
          tpu.vector_store %arg8[%swap3A_498], %get3A_446 {strides = array<i32>} : memref<24768xf32, #tpu.memory_space<vmem>>, vector<16xf32>,
          %add3A_500 = arith.constant 1548 : i32
          %add3A_501 = arith.addi %add3A_500, %mul3A_323 : i32
          %add3A_502 = arith.constant 48 : i32
          %add3A_503 = arith.addi %add3A_501, %add3A_502 : i32
          %swap3A_504 = arith.index_cast %add3A_503 : i32 to index
          %swap3A_505 = tpu.vector_load %arg8[%swap3A_504] {strides = array<i32>} : memref<24768xf32, #tpu.memory_space<vmem>>, vector<16xf32>,
          tpu.vector_store %arg8[%swap3A_504], %get3A_453 {strides = array<i32>} : memref<24768xf32, #tpu.memory_space<vmem>>, vector<16xf32>,
          %add3A_506 = arith.constant 1548 : i32
          %add3A_507 = arith.addi %add3A_506, %mul3A_323 : i32
          %add3A_508 = arith.constant 64 : i32
          %add3A_509 = arith.addi %add3A_507, %add3A_508 : i32
          %swap3A_510 = arith.index_cast %add3A_509 : i32 to index
          %swap3A_511 = tpu.vector_load %arg8[%swap3A_510] {strides = array<i32>} : memref<24768xf32, #tpu.memory_space<vmem>>, vector<16xf32>,
          tpu.vector_store %arg8[%swap3A_510], %get3A_460 {strides = array<i32>} : memref<24768xf32, #tpu.memory_space<vmem>>, vector<16xf32>,
          %add3A_512 = arith.constant 1548 : i32
          %add3A_513 = arith.addi %add3A_512, %mul3A_323 : i32
          %add3A_514 = arith.constant 80 : i32
          %add3A_515 = arith.addi %add3A_513, %add3A_514 : i32
          %swap3A_516 = arith.index_cast %add3A_515 : i32 to index
          %swap3A_517 = tpu.vector_load %arg8[%swap3A_516] {strides = array<i32>} : memref<24768xf32, #tpu.memory_space<vmem>>, vector<16xf32>,
          tpu.vector_store %arg8[%swap3A_516], %get3A_467 {strides = array<i32>} : memref<24768xf32, #tpu.memory_space<vmem>>, vector<16xf32>,
          %add3A_518 = arith.constant 1548 : i32
          %add3A_519 = arith.addi %add3A_518, %mul3A_323 : i32
          %add3A_520 = arith.constant 96 : i32
          %add3A_521 = arith.addi %add3A_519, %add3A_520 : i32
          %swap3A_522 = arith.index_cast %add3A_521 : i32 to index
          %swap3A_523 = tpu.vector_load %arg8[%swap3A_522] {strides = array<i32>} : memref<24768xf32, #tpu.memory_space<vmem>>, vector<16xf32>,
          tpu.vector_store %arg8[%swap3A_522], %get3A_474 {strides = array<i32>} : memref<24768xf32, #tpu.memory_space<vmem>>, vector<16xf32>,
          %add3A_524 = arith.constant 1548 : i32
          %add3A_525 = arith.addi %add3A_524, %mul3A_323 : i32
          %add3A_526 = arith.constant 112 : i32
          %add3A_527 = arith.addi %add3A_525, %add3A_526 : i32
          %swap3A_528 = arith.index_cast %add3A_527 : i32 to index
          %swap3A_529 = tpu.vector_load %arg8[%swap3A_528] {strides = array<i32>} : memref<24768xf32, #tpu.memory_space<vmem>>, vector<16xf32>,
          tpu.vector_store %arg8[%swap3A_528], %get3A_481 {strides = array<i32>} : memref<24768xf32, #tpu.memory_space<vmem>>, vector<16xf32>,
          %add3A_530 = arith.constant 0 : i32
          %add3A_531 = arith.addi %multiple_of3A_186, %add3A_530 : i32
          %get3A_532 = arith.constant 2 : i32
          %get3A_533 = arith.index_cast %scan3A_321 : i32 to index
          %get3A_534 = arith.index_cast %get3A_532 : i32 to index
          %get3A_535 = arith.index_cast %add3A_531 : i32 to index
          %get3A_536 = tpu.vector_load %arg7[%get3A_533, %get3A_534, %get3A_535] {strides = array<i32>} : memref<12x16x256xf32, #tpu.memory_space<vmem>>, vector<16xf32>,
          %add3A_537 = arith.constant 16 : i32
          %add3A_538 = arith.addi %multiple_of3A_186, %add3A_537 : i32
          %get3A_539 = arith.constant 2 : i32
          %get3A_540 = arith.index_cast %scan3A_321 : i32 to index
          %get3A_541 = arith.index_cast %get3A_539 : i32 to index
          %get3A_542 = arith.index_cast %add3A_538 : i32 to index
          %get3A_543 = tpu.vector_load %arg7[%get3A_540, %get3A_541, %get3A_542] {strides = array<i32>} : memref<12x16x256xf32, #tpu.memory_space<vmem>>, vector<16xf32>,
          %add3A_544 = arith.constant 32 : i32
          %add3A_545 = arith.addi %multiple_of3A_186, %add3A_544 : i32
          %get3A_546 = arith.constant 2 : i32
          %get3A_547 = arith.index_cast %scan3A_321 : i32 to index
          %get3A_548 = arith.index_cast %get3A_546 : i32 to index
          %get3A_549 = arith.index_cast %add3A_545 : i32 to index
          %get3A_550 = tpu.vector_load %arg7[%get3A_547, %get3A_548, %get3A_549] {strides = array<i32>} : memref<12x16x256xf32, #tpu.memory_space<vmem>>, vector<16xf32>,
          %add3A_551 = arith.constant 48 : i32
          %add3A_552 = arith.addi %multiple_of3A_186, %add3A_551 : i32
          %get3A_553 = arith.constant 2 : i32
          %get3A_554 = arith.index_cast %scan3A_321 : i32 to index
          %get3A_555 = arith.index_cast %get3A_553 : i32 to index
          %get3A_556 = arith.index_cast %add3A_552 : i32 to index
          %get3A_557 = tpu.vector_load %arg7[%get3A_554, %get3A_555, %get3A_556] {strides = array<i32>} : memref<12x16x256xf32, #tpu.memory_space<vmem>>, vector<16xf32>,
          %add3A_558 = arith.constant 64 : i32
          %add3A_559 = arith.addi %multiple_of3A_186, %add3A_558 : i32
          %get3A_560 = arith.constant 2 : i32
          %get3A_561 = arith.index_cast %scan3A_321 : i32 to index
          %get3A_562 = arith.index_cast %get3A_560 : i32 to index
          %get3A_563 = arith.index_cast %add3A_559 : i32 to index
          %get3A_564 = tpu.vector_load %arg7[%get3A_561, %get3A_562, %get3A_563] {strides = array<i32>} : memref<12x16x256xf32, #tpu.memory_space<vmem>>, vector<16xf32>,
          %add3A_565 = arith.constant 80 : i32
          %add3A_566 = arith.addi %multiple_of3A_186, %add3A_565 : i32
          %get3A_567 = arith.constant 2 : i32
          %get3A_568 = arith.index_cast %scan3A_321 : i32 to index
          %get3A_569 = arith.index_cast %get3A_567 : i32 to index
          %get3A_570 = arith.index_cast %add3A_566 : i32 to index
          %get3A_571 = tpu.vector_load %arg7[%get3A_568, %get3A_569, %get3A_570] {strides = array<i32>} : memref<12x16x256xf32, #tpu.memory_space<vmem>>, vector<16xf32>,
          %add3A_572 = arith.constant 96 : i32
          %add3A_573 = arith.addi %multiple_of3A_186, %add3A_572 : i32
          %get3A_574 = arith.constant 2 : i32
          %get3A_575 = arith.index_cast %scan3A_321 : i32 to index
          %get3A_576 = arith.index_cast %get3A_574 : i32 to index
          %get3A_577 = arith.index_cast %add3A_573 : i32 to index
          %get3A_578 = tpu.vector_load %arg7[%get3A_575, %get3A_576, %get3A_577] {strides = array<i32>} : memref<12x16x256xf32, #tpu.memory_space<vmem>>, vector<16xf32>,
          %add3A_579 = arith.constant 112 : i32
          %add3A_580 = arith.addi %multiple_of3A_186, %add3A_579 : i32
          %get3A_581 = arith.constant 2 : i32
          %get3A_582 = arith.index_cast %scan3A_321 : i32 to index
          %get3A_583 = arith.index_cast %get3A_581 : i32 to index
          %get3A_584 = arith.index_cast %add3A_580 : i32 to index
          %get3A_585 = tpu.vector_load %arg7[%get3A_582, %get3A_583, %get3A_584] {strides = array<i32>} : memref<12x16x256xf32, #tpu.memory_space<vmem>>, vector<16xf32>,
          %add3A_586 = arith.constant 3096 : i32
          %add3A_587 = arith.addi %add3A_586, %mul3A_323 : i32
          %add3A_588 = arith.constant 0 : i32
          %add3A_589 = arith.addi %add3A_587, %add3A_588 : i32
          %swap3A_590 = arith.index_cast %add3A_589 : i32 to index
          %swap3A_591 = tpu.vector_load %arg8[%swap3A_590] {strides = array<i32>} : memref<24768xf32, #tpu.memory_space<vmem>>, vector<16xf32>,
          tpu.vector_store %arg8[%swap3A_590], %get3A_536 {strides = array<i32>} : memref<24768xf32, #tpu.memory_space<vmem>>, vector<16xf32>,
          %add3A_592 = arith.constant 3096 : i32
          %add3A_593 = arith.addi %add3A_592, %mul3A_323 : i32
          %add3A_594 = arith.constant 16 : i32
          %add3A_595 = arith.addi %add3A_593, %add3A_594 : i32
          %swap3A_596 = arith.index_cast %add3A_595 : i32 to index
          %swap3A_597 = tpu.vector_load %arg8[%swap3A_596] {strides = array<i32>} : memref<24768xf32, #tpu.memory_space<vmem>>, vector<16xf32>,
          tpu.vector_store %arg8[%swap3A_596], %get3A_543 {strides = array<i32>} : memref<24768xf32, #tpu.memory_space<vmem>>, vector<16xf32>,
          %add3A_598 = arith.constant 3096 : i32
          %add3A_599 = arith.addi %add3A_598, %mul3A_323 : i32
          %add3A_600 = arith.constant 32 : i32
          %add3A_601 = arith.addi %add3A_599, %add3A_600 : i32
          %swap3A_602 = arith.index_cast %add3A_601 : i32 to index
          %swap3A_603 = tpu.vector_load %arg8[%swap3A_602] {strides = array<i32>} : memref<24768xf32, #tpu.memory_space<vmem>>, vector<16xf32>,
          tpu.vector_store %arg8[%swap3A_602], %get3A_550 {strides = array<i32>} : memref<24768xf32, #tpu.memory_space<vmem>>, vector<16xf32>,
          %add3A_604 = arith.constant 3096 : i32
          %add3A_605 = arith.addi %add3A_604, %mul3A_323 : i32
          %add3A_606 = arith.constant 48 : i32
          %add3A_607 = arith.addi %add3A_605, %add3A_606 : i32
          %swap3A_608 = arith.index_cast %add3A_607 : i32 to index
          %swap3A_609 = tpu.vector_load %arg8[%swap3A_608] {strides = array<i32>} : memref<24768xf32, #tpu.memory_space<vmem>>, vector<16xf32>,
          tpu.vector_store %arg8[%swap3A_608], %get3A_557 {strides = array<i32>} : memref<24768xf32, #tpu.memory_space<vmem>>, vector<16xf32>,
          %add3A_610 = arith.constant 3096 : i32
          %add3A_611 = arith.addi %add3A_610, %mul3A_323 : i32
          %add3A_612 = arith.constant 64 : i32
          %add3A_613 = arith.addi %add3A_611, %add3A_612 : i32
          %swap3A_614 = arith.index_cast %add3A_613 : i32 to index
          %swap3A_615 = tpu.vector_load %arg8[%swap3A_614] {strides = array<i32>} : memref<24768xf32, #tpu.memory_space<vmem>>, vector<16xf32>,
          tpu.vector_store %arg8[%swap3A_614], %get3A_564 {strides = array<i32>} : memref<24768xf32, #tpu.memory_space<vmem>>, vector<16xf32>,
          %add3A_616 = arith.constant 3096 : i32
          %add3A_617 = arith.addi %add3A_616, %mul3A_323 : i32
          %add3A_618 = arith.constant 80 : i32
          %add3A_619 = arith.addi %add3A_617, %add3A_618 : i32
          %swap3A_620 = arith.index_cast %add3A_619 : i32 to index
          %swap3A_621 = tpu.vector_load %arg8[%swap3A_620] {strides = array<i32>} : memref<24768xf32, #tpu.memory_space<vmem>>, vector<16xf32>,
          tpu.vector_store %arg8[%swap3A_620], %get3A_571 {strides = array<i32>} : memref<24768xf32, #tpu.memory_space<vmem>>, vector<16xf32>,
          %add3A_622 = arith.constant 3096 : i32
          %add3A_623 = arith.addi %add3A_622, %mul3A_323 : i32
          %add3A_624 = arith.constant 96 : i32
          %add3A_625 = arith.addi %add3A_623, %add3A_624 : i32
          %swap3A_626 = arith.index_cast %add3A_625 : i32 to index
          %swap3A_627 = tpu.vector_load %arg8[%swap3A_626] {strides = array<i32>} : memref<24768xf32, #tpu.memory_space<vmem>>, vector<16xf32>,
          tpu.vector_store %arg8[%swap3A_626], %get3A_578 {strides = array<i32>} : memref<24768xf32, #tpu.memory_space<vmem>>, vector<16xf32>,
          %add3A_628 = arith.constant 3096 : i32
          %add3A_629 = arith.addi %add3A_628, %mul3A_323 : i32
          %add3A_630 = arith.constant 112 : i32
          %add3A_631 = arith.addi %add3A_629, %add3A_630 : i32
          %swap3A_632 = arith.index_cast %add3A_631 : i32 to index
          %swap3A_633 = tpu.vector_load %arg8[%swap3A_632] {strides = array<i32>} : memref<24768xf32, #tpu.memory_space<vmem>>, vector<16xf32>,
          tpu.vector_store %arg8[%swap3A_632], %get3A_585 {strides = array<i32>} : memref<24768xf32, #tpu.memory_space<vmem>>, vector<16xf32>,
          %add3A_634 = arith.constant 0 : i32
          %add3A_635 = arith.addi %multiple_of3A_186, %add3A_634 : i32
          %get3A_636 = arith.constant 3 : i32
          %get3A_637 = arith.index_cast %scan3A_321 : i32 to index
          %get3A_638 = arith.index_cast %get3A_636 : i32 to index
          %get3A_639 = arith.index_cast %add3A_635 : i32 to index
          %get3A_640 = tpu.vector_load %arg7[%get3A_637, %get3A_638, %get3A_639] {strides = array<i32>} : memref<12x16x256xf32, #tpu.memory_space<vmem>>, vector<16xf32>,
          %add3A_641 = arith.constant 16 : i32
          %add3A_642 = arith.addi %multiple_of3A_186, %add3A_641 : i32
          %get3A_643 = arith.constant 3 : i32
          %get3A_644 = arith.index_cast %scan3A_321 : i32 to index
          %get3A_645 = arith.index_cast %get3A_643 : i32 to index
          %get3A_646 = arith.index_cast %add3A_642 : i32 to index
          %get3A_647 = tpu.vector_load %arg7[%get3A_644, %get3A_645, %get3A_646] {strides = array<i32>} : memref<12x16x256xf32, #tpu.memory_space<vmem>>, vector<16xf32>,
          %add3A_648 = arith.constant 32 : i32
          %add3A_649 = arith.addi %multiple_of3A_186, %add3A_648 : i32
          %get3A_650 = arith.constant 3 : i32
          %get3A_651 = arith.index_cast %scan3A_321 : i32 to index
          %get3A_652 = arith.index_cast %get3A_650 : i32 to index
          %get3A_653 = arith.index_cast %add3A_649 : i32 to index
          %get3A_654 = tpu.vector_load %arg7[%get3A_651, %get3A_652, %get3A_653] {strides = array<i32>} : memref<12x16x256xf32, #tpu.memory_space<vmem>>, vector<16xf32>,
          %add3A_655 = arith.constant 48 : i32
          %add3A_656 = arith.addi %multiple_of3A_186, %add3A_655 : i32
          %get3A_657 = arith.constant 3 : i32
          %get3A_658 = arith.index_cast %scan3A_321 : i32 to index
          %get3A_659 = arith.index_cast %get3A_657 : i32 to index
          %get3A_660 = arith.index_cast %add3A_656 : i32 to index
          %get3A_661 = tpu.vector_load %arg7[%get3A_658, %get3A_659, %get3A_660] {strides = array<i32>} : memref<12x16x256xf32, #tpu.memory_space<vmem>>, vector<16xf32>,
          %add3A_662 = arith.constant 64 : i32
          %add3A_663 = arith.addi %multiple_of3A_186, %add3A_662 : i32
          %get3A_664 = arith.constant 3 : i32
          %get3A_665 = arith.index_cast %scan3A_321 : i32 to index
          %get3A_666 = arith.index_cast %get3A_664 : i32 to index
          %get3A_667 = arith.index_cast %add3A_663 : i32 to index
          %get3A_668 = tpu.vector_load %arg7[%get3A_665, %get3A_666, %get3A_667] {strides = array<i32>} : memref<12x16x256xf32, #tpu.memory_space<vmem>>, vector<16xf32>,
          %add3A_669 = arith.constant 80 : i32
          %add3A_670 = arith.addi %multiple_of3A_186, %add3A_669 : i32
          %get3A_671 = arith.constant 3 : i32
          %get3A_672 = arith.index_cast %scan3A_321 : i32 to index
          %get3A_673 = arith.index_cast %get3A_671 : i32 to index
          %get3A_674 = arith.index_cast %add3A_670 : i32 to index
          %get3A_675 = tpu.vector_load %arg7[%get3A_672, %get3A_673, %get3A_674] {strides = array<i32>} : memref<12x16x256xf32, #tpu.memory_space<vmem>>, vector<16xf32>,
          %add3A_676 = arith.constant 96 : i32
          %add3A_677 = arith.addi %multiple_of3A_186, %add3A_676 : i32
          %get3A_678 = arith.constant 3 : i32
          %get3A_679 = arith.index_cast %scan3A_321 : i32 to index
          %get3A_680 = arith.index_cast %get3A_678 : i32 to index
          %get3A_681 = arith.index_cast %add3A_677 : i32 to index
          %get3A_682 = tpu.vector_load %arg7[%get3A_679, %get3A_680, %get3A_681] {strides = array<i32>} : memref<12x16x256xf32, #tpu.memory_space<vmem>>, vector<16xf32>,
          %add3A_683 = arith.constant 112 : i32
          %add3A_684 = arith.addi %multiple_of3A_186, %add3A_683 : i32
          %get3A_685 = arith.constant 3 : i32
          %get3A_686 = arith.index_cast %scan3A_321 : i32 to index
          %get3A_687 = arith.index_cast %get3A_685 : i32 to index
          %get3A_688 = arith.index_cast %add3A_684 : i32 to index
          %get3A_689 = tpu.vector_load %arg7[%get3A_686, %get3A_687, %get3A_688] {strides = array<i32>} : memref<12x16x256xf32, #tpu.memory_space<vmem>>, vector<16xf32>,
          %add3A_690 = arith.constant 4644 : i32
          %add3A_691 = arith.addi %add3A_690, %mul3A_323 : i32
          %add3A_692 = arith.constant 0 : i32
          %add3A_693 = arith.addi %add3A_691, %add3A_692 : i32
          %swap3A_694 = arith.index_cast %add3A_693 : i32 to index
          %swap3A_695 = tpu.vector_load %arg8[%swap3A_694] {strides = array<i32>} : memref<24768xf32, #tpu.memory_space<vmem>>, vector<16xf32>,
          tpu.vector_store %arg8[%swap3A_694], %get3A_640 {strides = array<i32>} : memref<24768xf32, #tpu.memory_space<vmem>>, vector<16xf32>,
          %add3A_696 = arith.constant 4644 : i32
          %add3A_697 = arith.addi %add3A_696, %mul3A_323 : i32
          %add3A_698 = arith.constant 16 : i32
          %add3A_699 = arith.addi %add3A_697, %add3A_698 : i32
          %swap3A_700 = arith.index_cast %add3A_699 : i32 to index
          %swap3A_701 = tpu.vector_load %arg8[%swap3A_700] {strides = array<i32>} : memref<24768xf32, #tpu.memory_space<vmem>>, vector<16xf32>,
          tpu.vector_store %arg8[%swap3A_700], %get3A_647 {strides = array<i32>} : memref<24768xf32, #tpu.memory_space<vmem>>, vector<16xf32>,
          %add3A_702 = arith.constant 4644 : i32
          %add3A_703 = arith.addi %add3A_702, %mul3A_323 : i32
          %add3A_704 = arith.constant 32 : i32
          %add3A_705 = arith.addi %add3A_703, %add3A_704 : i32
          %swap3A_706 = arith.index_cast %add3A_705 : i32 to index
          %swap3A_707 = tpu.vector_load %arg8[%swap3A_706] {strides = array<i32>} : memref<24768xf32, #tpu.memory_space<vmem>>, vector<16xf32>,
          tpu.vector_store %arg8[%swap3A_706], %get3A_654 {strides = array<i32>} : memref<24768xf32, #tpu.memory_space<vmem>>, vector<16xf32>,
          %add3A_708 = arith.constant 4644 : i32
          %add3A_709 = arith.addi %add3A_708, %mul3A_323 : i32
          %add3A_710 = arith.constant 48 : i32
          %add3A_711 = arith.addi %add3A_709, %add3A_710 : i32
          %swap3A_712 = arith.index_cast %add3A_711 : i32 to index
          %swap3A_713 = tpu.vector_load %arg8[%swap3A_712] {strides = array<i32>} : memref<24768xf32, #tpu.memory_space<vmem>>, vector<16xf32>,
          tpu.vector_store %arg8[%swap3A_712], %get3A_661 {strides = array<i32>} : memref<24768xf32, #tpu.memory_space<vmem>>, vector<16xf32>,
          %add3A_714 = arith.constant 4644 : i32
          %add3A_715 = arith.addi %add3A_714, %mul3A_323 : i32
          %add3A_716 = arith.constant 64 : i32
          %add3A_717 = arith.addi %add3A_715, %add3A_716 : i32
          %swap3A_718 = arith.index_cast %add3A_717 : i32 to index
          %swap3A_719 = tpu.vector_load %arg8[%swap3A_718] {strides = array<i32>} : memref<24768xf32, #tpu.memory_space<vmem>>, vector<16xf32>,
          tpu.vector_store %arg8[%swap3A_718], %get3A_668 {strides = array<i32>} : memref<24768xf32, #tpu.memory_space<vmem>>, vector<16xf32>,
          %add3A_720 = arith.constant 4644 : i32
          %add3A_721 = arith.addi %add3A_720, %mul3A_323 : i32
          %add3A_722 = arith.constant 80 : i32
          %add3A_723 = arith.addi %add3A_721, %add3A_722 : i32
          %swap3A_724 = arith.index_cast %add3A_723 : i32 to index
          %swap3A_725 = tpu.vector_load %arg8[%swap3A_724] {strides = array<i32>} : memref<24768xf32, #tpu.memory_space<vmem>>, vector<16xf32>,
          tpu.vector_store %arg8[%swap3A_724], %get3A_675 {strides = array<i32>} : memref<24768xf32, #tpu.memory_space<vmem>>, vector<16xf32>,
          %add3A_726 = arith.constant 4644 : i32
          %add3A_727 = arith.addi %add3A_726, %mul3A_323 : i32
          %add3A_728 = arith.constant 96 : i32
          %add3A_729 = arith.addi %add3A_727, %add3A_728 : i32
          %swap3A_730 = arith.index_cast %add3A_729 : i32 to index
          %swap3A_731 = tpu.vector_load %arg8[%swap3A_730] {strides = array<i32>} : memref<24768xf32, #tpu.memory_space<vmem>>, vector<16xf32>,
          tpu.vector_store %arg8[%swap3A_730], %get3A_682 {strides = array<i32>} : memref<24768xf32, #tpu.memory_space<vmem>>, vector<16xf32>,
          %add3A_732 = arith.constant 4644 : i32
          %add3A_733 = arith.addi %add3A_732, %mul3A_323 : i32
          %add3A_734 = arith.constant 112 : i32
          %add3A_735 = arith.addi %add3A_733, %add3A_734 : i32
          %swap3A_736 = arith.index_cast %add3A_735 : i32 to index
          %swap3A_737 = tpu.vector_load %arg8[%swap3A_736] {strides = array<i32>} : memref<24768xf32, #tpu.memory_space<vmem>>, vector<16xf32>,
          tpu.vector_store %arg8[%swap3A_736], %get3A_689 {strides = array<i32>} : memref<24768xf32, #tpu.memory_space<vmem>>, vector<16xf32>,
          %add3A_738 = arith.constant 0 : i32
          %add3A_739 = arith.addi %multiple_of3A_186, %add3A_738 : i32
          %get3A_740 = arith.constant 4 : i32
          %get3A_741 = arith.index_cast %scan3A_321 : i32 to index
          %get3A_742 = arith.index_cast %get3A_740 : i32 to index
          %get3A_743 = arith.index_cast %add3A_739 : i32 to index
          %get3A_744 = tpu.vector_load %arg7[%get3A_741, %get3A_742, %get3A_743] {strides = array<i32>} : memref<12x16x256xf32, #tpu.memory_space<vmem>>, vector<16xf32>,
          %add3A_745 = arith.constant 16 : i32
          %add3A_746 = arith.addi %multiple_of3A_186, %add3A_745 : i32
          %get3A_747 = arith.constant 4 : i32
          %get3A_748 = arith.index_cast %scan3A_321 : i32 to index
          %get3A_749 = arith.index_cast %get3A_747 : i32 to index
          %get3A_750 = arith.index_cast %add3A_746 : i32 to index
          %get3A_751 = tpu.vector_load %arg7[%get3A_748, %get3A_749, %get3A_750] {strides = array<i32>} : memref<12x16x256xf32, #tpu.memory_space<vmem>>, vector<16xf32>,
          %add3A_752 = arith.constant 32 : i32
          %add3A_753 = arith.addi %multiple_of3A_186, %add3A_752 : i32
          %get3A_754 = arith.constant 4 : i32
          %get3A_755 = arith.index_cast %scan3A_321 : i32 to index
          %get3A_756 = arith.index_cast %get3A_754 : i32 to index
          %get3A_757 = arith.index_cast %add3A_753 : i32 to index
          %get3A_758 = tpu.vector_load %arg7[%get3A_755, %get3A_756, %get3A_757] {strides = array<i32>} : memref<12x16x256xf32, #tpu.memory_space<vmem>>, vector<16xf32>,
          %add3A_759 = arith.constant 48 : i32
          %add3A_760 = arith.addi %multiple_of3A_186, %add3A_759 : i32
          %get3A_761 = arith.constant 4 : i32
          %get3A_762 = arith.index_cast %scan3A_321 : i32 to index
          %get3A_763 = arith.index_cast %get3A_761 : i32 to index
          %get3A_764 = arith.index_cast %add3A_760 : i32 to index
          %get3A_765 = tpu.vector_load %arg7[%get3A_762, %get3A_763, %get3A_764] {strides = array<i32>} : memref<12x16x256xf32, #tpu.memory_space<vmem>>, vector<16xf32>,
          %add3A_766 = arith.constant 64 : i32
          %add3A_767 = arith.addi %multiple_of3A_186, %add3A_766 : i32
          %get3A_768 = arith.constant 4 : i32
          %get3A_769 = arith.index_cast %scan3A_321 : i32 to index
          %get3A_770 = arith.index_cast %get3A_768 : i32 to index
          %get3A_771 = arith.index_cast %add3A_767 : i32 to index
          %get3A_772 = tpu.vector_load %arg7[%get3A_769, %get3A_770, %get3A_771] {strides = array<i32>} : memref<12x16x256xf32, #tpu.memory_space<vmem>>, vector<16xf32>,
          %add3A_773 = arith.constant 80 : i32
          %add3A_774 = arith.addi %multiple_of3A_186, %add3A_773 : i32
          %get3A_775 = arith.constant 4 : i32
          %get3A_776 = arith.index_cast %scan3A_321 : i32 to index
          %get3A_777 = arith.index_cast %get3A_775 : i32 to index
          %get3A_778 = arith.index_cast %add3A_774 : i32 to index
          %get3A_779 = tpu.vector_load %arg7[%get3A_776, %get3A_777, %get3A_778] {strides = array<i32>} : memref<12x16x256xf32, #tpu.memory_space<vmem>>, vector<16xf32>,
          %add3A_780 = arith.constant 96 : i32
          %add3A_781 = arith.addi %multiple_of3A_186, %add3A_780 : i32
          %get3A_782 = arith.constant 4 : i32
          %get3A_783 = arith.index_cast %scan3A_321 : i32 to index
          %get3A_784 = arith.index_cast %get3A_782 : i32 to index
          %get3A_785 = arith.index_cast %add3A_781 : i32 to index
          %get3A_786 = tpu.vector_load %arg7[%get3A_783, %get3A_784, %get3A_785] {strides = array<i32>} : memref<12x16x256xf32, #tpu.memory_space<vmem>>, vector<16xf32>,
          %add3A_787 = arith.constant 112 : i32
          %add3A_788 = arith.addi %multiple_of3A_186, %add3A_787 : i32
          %get3A_789 = arith.constant 4 : i32
          %get3A_790 = arith.index_cast %scan3A_321 : i32 to index
          %get3A_791 = arith.index_cast %get3A_789 : i32 to index
          %get3A_792 = arith.index_cast %add3A_788 : i32 to index
          %get3A_793 = tpu.vector_load %arg7[%get3A_790, %get3A_791, %get3A_792] {strides = array<i32>} : memref<12x16x256xf32, #tpu.memory_space<vmem>>, vector<16xf32>,
          %add3A_794 = arith.constant 6192 : i32
          %add3A_795 = arith.addi %add3A_794, %mul3A_323 : i32
          %add3A_796 = arith.constant 0 : i32
          %add3A_797 = arith.addi %add3A_795, %add3A_796 : i32
          %swap3A_798 = arith.index_cast %add3A_797 : i32 to index
          %swap3A_799 = tpu.vector_load %arg8[%swap3A_798] {strides = array<i32>} : memref<24768xf32, #tpu.memory_space<vmem>>, vector<16xf32>,
          tpu.vector_store %arg8[%swap3A_798], %get3A_744 {strides = array<i32>} : memref<24768xf32, #tpu.memory_space<vmem>>, vector<16xf32>,
          %add3A_800 = arith.constant 6192 : i32
          %add3A_801 = arith.addi %add3A_800, %mul3A_323 : i32
          %add3A_802 = arith.constant 16 : i32
          %add3A_803 = arith.addi %add3A_801, %add3A_802 : i32
          %swap3A_804 = arith.index_cast %add3A_803 : i32 to index
          %swap3A_805 = tpu.vector_load %arg8[%swap3A_804] {strides = array<i32>} : memref<24768xf32, #tpu.memory_space<vmem>>, vector<16xf32>,
          tpu.vector_store %arg8[%swap3A_804], %get3A_751 {strides = array<i32>} : memref<24768xf32, #tpu.memory_space<vmem>>, vector<16xf32>,
          %add3A_806 = arith.constant 6192 : i32
          %add3A_807 = arith.addi %add3A_806, %mul3A_323 : i32
          %add3A_808 = arith.constant 32 : i32
          %add3A_809 = arith.addi %add3A_807, %add3A_808 : i32
          %swap3A_810 = arith.index_cast %add3A_809 : i32 to index
          %swap3A_811 = tpu.vector_load %arg8[%swap3A_810] {strides = array<i32>} : memref<24768xf32, #tpu.memory_space<vmem>>, vector<16xf32>,
          tpu.vector_store %arg8[%swap3A_810], %get3A_758 {strides = array<i32>} : memref<24768xf32, #tpu.memory_space<vmem>>, vector<16xf32>,
          %add3A_812 = arith.constant 6192 : i32
          %add3A_813 = arith.addi %add3A_812, %mul3A_323 : i32
          %add3A_814 = arith.constant 48 : i32
          %add3A_815 = arith.addi %add3A_813, %add3A_814 : i32
          %swap3A_816 = arith.index_cast %add3A_815 : i32 to index
          %swap3A_817 = tpu.vector_load %arg8[%swap3A_816] {strides = array<i32>} : memref<24768xf32, #tpu.memory_space<vmem>>, vector<16xf32>,
          tpu.vector_store %arg8[%swap3A_816], %get3A_765 {strides = array<i32>} : memref<24768xf32, #tpu.memory_space<vmem>>, vector<16xf32>,
          %add3A_818 = arith.constant 6192 : i32
          %add3A_819 = arith.addi %add3A_818, %mul3A_323 : i32
          %add3A_820 = arith.constant 64 : i32
          %add3A_821 = arith.addi %add3A_819, %add3A_820 : i32
          %swap3A_822 = arith.index_cast %add3A_821 : i32 to index
          %swap3A_823 = tpu.vector_load %arg8[%swap3A_822] {strides = array<i32>} : memref<24768xf32, #tpu.memory_space<vmem>>, vector<16xf32>,
          tpu.vector_store %arg8[%swap3A_822], %get3A_772 {strides = array<i32>} : memref<24768xf32, #tpu.memory_space<vmem>>, vector<16xf32>,
          %add3A_824 = arith.constant 6192 : i32
          %add3A_825 = arith.addi %add3A_824, %mul3A_323 : i32
          %add3A_826 = arith.constant 80 : i32
          %add3A_827 = arith.addi %add3A_825, %add3A_826 : i32
          %swap3A_828 = arith.index_cast %add3A_827 : i32 to index
          %swap3A_829 = tpu.vector_load %arg8[%swap3A_828] {strides = array<i32>} : memref<24768xf32, #tpu.memory_space<vmem>>, vector<16xf32>,
          tpu.vector_store %arg8[%swap3A_828], %get3A_779 {strides = array<i32>} : memref<24768xf32, #tpu.memory_space<vmem>>, vector<16xf32>,
          %add3A_830 = arith.constant 6192 : i32
          %add3A_831 = arith.addi %add3A_830, %mul3A_323 : i32
          %add3A_832 = arith.constant 96 : i32
          %add3A_833 = arith.addi %add3A_831, %add3A_832 : i32
          %swap3A_834 = arith.index_cast %add3A_833 : i32 to index
          %swap3A_835 = tpu.vector_load %arg8[%swap3A_834] {strides = array<i32>} : memref<24768xf32, #tpu.memory_space<vmem>>, vector<16xf32>,
          tpu.vector_store %arg8[%swap3A_834], %get3A_786 {strides = array<i32>} : memref<24768xf32, #tpu.memory_space<vmem>>, vector<16xf32>,
          %add3A_836 = arith.constant 6192 : i32
          %add3A_837 = arith.addi %add3A_836, %mul3A_323 : i32
          %add3A_838 = arith.constant 112 : i32
          %add3A_839 = arith.addi %add3A_837, %add3A_838 : i32
          %swap3A_840 = arith.index_cast %add3A_839 : i32 to index
          %swap3A_841 = tpu.vector_load %arg8[%swap3A_840] {strides = array<i32>} : memref<24768xf32, #tpu.memory_space<vmem>>, vector<16xf32>,
          tpu.vector_store %arg8[%swap3A_840], %get3A_793 {strides = array<i32>} : memref<24768xf32, #tpu.memory_space<vmem>>, vector<16xf32>,
          %add3A_842 = arith.constant 0 : i32
          %add3A_843 = arith.addi %multiple_of3A_186, %add3A_842 : i32
          %get3A_844 = arith.constant 5 : i32
          %get3A_845 = arith.index_cast %scan3A_321 : i32 to index
          %get3A_846 = arith.index_cast %get3A_844 : i32 to index
          %get3A_847 = arith.index_cast %add3A_843 : i32 to index
          %get3A_848 = tpu.vector_load %arg7[%get3A_845, %get3A_846, %get3A_847] {strides = array<i32>} : memref<12x16x256xf32, #tpu.memory_space<vmem>>, vector<16xf32>,
          %add3A_849 = arith.constant 16 : i32
          %add3A_850 = arith.addi %multiple_of3A_186, %add3A_849 : i32
          %get3A_851 = arith.constant 5 : i32
          %get3A_852 = arith.index_cast %scan3A_321 : i32 to index
          %get3A_853 = arith.index_cast %get3A_851 : i32 to index
          %get3A_854 = arith.index_cast %add3A_850 : i32 to index
          %get3A_855 = tpu.vector_load %arg7[%get3A_852, %get3A_853, %get3A_854] {strides = array<i32>} : memref<12x16x256xf32, #tpu.memory_space<vmem>>, vector<16xf32>,
          %add3A_856 = arith.constant 32 : i32
          %add3A_857 = arith.addi %multiple_of3A_186, %add3A_856 : i32
          %get3A_858 = arith.constant 5 : i32
          %get3A_859 = arith.index_cast %scan3A_321 : i32 to index
          %get3A_860 = arith.index_cast %get3A_858 : i32 to index
          %get3A_861 = arith.index_cast %add3A_857 : i32 to index
          %get3A_862 = tpu.vector_load %arg7[%get3A_859, %get3A_860, %get3A_861] {strides = array<i32>} : memref<12x16x256xf32, #tpu.memory_space<vmem>>, vector<16xf32>,
          %add3A_863 = arith.constant 48 : i32
          %add3A_864 = arith.addi %multiple_of3A_186, %add3A_863 : i32
          %get3A_865 = arith.constant 5 : i32
          %get3A_866 = arith.index_cast %scan3A_321 : i32 to index
          %get3A_867 = arith.index_cast %get3A_865 : i32 to index
          %get3A_868 = arith.index_cast %add3A_864 : i32 to index
          %get3A_869 = tpu.vector_load %arg7[%get3A_866, %get3A_867, %get3A_868] {strides = array<i32>} : memref<12x16x256xf32, #tpu.memory_space<vmem>>, vector<16xf32>,
          %add3A_870 = arith.constant 64 : i32
          %add3A_871 = arith.addi %multiple_of3A_186, %add3A_870 : i32
          %get3A_872 = arith.constant 5 : i32
          %get3A_873 = arith.index_cast %scan3A_321 : i32 to index
          %get3A_874 = arith.index_cast %get3A_872 : i32 to index
          %get3A_875 = arith.index_cast %add3A_871 : i32 to index
          %get3A_876 = tpu.vector_load %arg7[%get3A_873, %get3A_874, %get3A_875] {strides = array<i32>} : memref<12x16x256xf32, #tpu.memory_space<vmem>>, vector<16xf32>,
          %add3A_877 = arith.constant 80 : i32
          %add3A_878 = arith.addi %multiple_of3A_186, %add3A_877 : i32
          %get3A_879 = arith.constant 5 : i32
          %get3A_880 = arith.index_cast %scan3A_321 : i32 to index
          %get3A_881 = arith.index_cast %get3A_879 : i32 to index
          %get3A_882 = arith.index_cast %add3A_878 : i32 to index
          %get3A_883 = tpu.vector_load %arg7[%get3A_880, %get3A_881, %get3A_882] {strides = array<i32>} : memref<12x16x256xf32, #tpu.memory_space<vmem>>, vector<16xf32>,
          %add3A_884 = arith.constant 96 : i32
          %add3A_885 = arith.addi %multiple_of3A_186, %add3A_884 : i32
          %get3A_886 = arith.constant 5 : i32
          %get3A_887 = arith.index_cast %scan3A_321 : i32 to index
          %get3A_888 = arith.index_cast %get3A_886 : i32 to index
          %get3A_889 = arith.index_cast %add3A_885 : i32 to index
          %get3A_890 = tpu.vector_load %arg7[%get3A_887, %get3A_888, %get3A_889] {strides = array<i32>} : memref<12x16x256xf32, #tpu.memory_space<vmem>>, vector<16xf32>,
          %add3A_891 = arith.constant 112 : i32
          %add3A_892 = arith.addi %multiple_of3A_186, %add3A_891 : i32
          %get3A_893 = arith.constant 5 : i32
          %get3A_894 = arith.index_cast %scan3A_321 : i32 to index
          %get3A_895 = arith.index_cast %get3A_893 : i32 to index
          %get3A_896 = arith.index_cast %add3A_892 : i32 to index
          %get3A_897 = tpu.vector_load %arg7[%get3A_894, %get3A_895, %get3A_896] {strides = array<i32>} : memref<12x16x256xf32, #tpu.memory_space<vmem>>, vector<16xf32>,
          %add3A_898 = arith.constant 7740 : i32
          %add3A_899 = arith.addi %add3A_898, %mul3A_323 : i32
          %add3A_900 = arith.constant 0 : i32
          %add3A_901 = arith.addi %add3A_899, %add3A_900 : i32
          %swap3A_902 = arith.index_cast %add3A_901 : i32 to index
          %swap3A_903 = tpu.vector_load %arg8[%swap3A_902] {strides = array<i32>} : memref<24768xf32, #tpu.memory_space<vmem>>, vector<16xf32>,
          tpu.vector_store %arg8[%swap3A_902], %get3A_848 {strides = array<i32>} : memref<24768xf32, #tpu.memory_space<vmem>>, vector<16xf32>,
          %add3A_904 = arith.constant 7740 : i32
          %add3A_905 = arith.addi %add3A_904, %mul3A_323 : i32
          %add3A_906 = arith.constant 16 : i32
          %add3A_907 = arith.addi %add3A_905, %add3A_906 : i32
          %swap3A_908 = arith.index_cast %add3A_907 : i32 to index
          %swap3A_909 = tpu.vector_load %arg8[%swap3A_908] {strides = array<i32>} : memref<24768xf32, #tpu.memory_space<vmem>>, vector<16xf32>,
          tpu.vector_store %arg8[%swap3A_908], %get3A_855 {strides = array<i32>} : memref<24768xf32, #tpu.memory_space<vmem>>, vector<16xf32>,
          %add3A_910 = arith.constant 7740 : i32
          %add3A_911 = arith.addi %add3A_910, %mul3A_323 : i32
          %add3A_912 = arith.constant 32 : i32
          %add3A_913 = arith.addi %add3A_911, %add3A_912 : i32
          %swap3A_914 = arith.index_cast %add3A_913 : i32 to index
          %swap3A_915 = tpu.vector_load %arg8[%swap3A_914] {strides = array<i32>} : memref<24768xf32, #tpu.memory_space<vmem>>, vector<16xf32>,
          tpu.vector_store %arg8[%swap3A_914], %get3A_862 {strides = array<i32>} : memref<24768xf32, #tpu.memory_space<vmem>>, vector<16xf32>,
          %add3A_916 = arith.constant 7740 : i32
          %add3A_917 = arith.addi %add3A_916, %mul3A_323 : i32
          %add3A_918 = arith.constant 48 : i32
          %add3A_919 = arith.addi %add3A_917, %add3A_918 : i32
          %swap3A_920 = arith.index_cast %add3A_919 : i32 to index
          %swap3A_921 = tpu.vector_load %arg8[%swap3A_920] {strides = array<i32>} : memref<24768xf32, #tpu.memory_space<vmem>>, vector<16xf32>,
          tpu.vector_store %arg8[%swap3A_920], %get3A_869 {strides = array<i32>} : memref<24768xf32, #tpu.memory_space<vmem>>, vector<16xf32>,
          %add3A_922 = arith.constant 7740 : i32
          %add3A_923 = arith.addi %add3A_922, %mul3A_323 : i32
          %add3A_924 = arith.constant 64 : i32
          %add3A_925 = arith.addi %add3A_923, %add3A_924 : i32
          %swap3A_926 = arith.index_cast %add3A_925 : i32 to index
          %swap3A_927 = tpu.vector_load %arg8[%swap3A_926] {strides = array<i32>} : memref<24768xf32, #tpu.memory_space<vmem>>, vector<16xf32>,
          tpu.vector_store %arg8[%swap3A_926], %get3A_876 {strides = array<i32>} : memref<24768xf32, #tpu.memory_space<vmem>>, vector<16xf32>,
          %add3A_928 = arith.constant 7740 : i32
          %add3A_929 = arith.addi %add3A_928, %mul3A_323 : i32
          %add3A_930 = arith.constant 80 : i32
          %add3A_931 = arith.addi %add3A_929, %add3A_930 : i32
          %swap3A_932 = arith.index_cast %add3A_931 : i32 to index
          %swap3A_933 = tpu.vector_load %arg8[%swap3A_932] {strides = array<i32>} : memref<24768xf32, #tpu.memory_space<vmem>>, vector<16xf32>,
          tpu.vector_store %arg8[%swap3A_932], %get3A_883 {strides = array<i32>} : memref<24768xf32, #tpu.memory_space<vmem>>, vector<16xf32>,
          %add3A_934 = arith.constant 7740 : i32
          %add3A_935 = arith.addi %add3A_934, %mul3A_323 : i32
          %add3A_936 = arith.constant 96 : i32
          %add3A_937 = arith.addi %add3A_935, %add3A_936 : i32
          %swap3A_938 = arith.index_cast %add3A_937 : i32 to index
          %swap3A_939 = tpu.vector_load %arg8[%swap3A_938] {strides = array<i32>} : memref<24768xf32, #tpu.memory_space<vmem>>, vector<16xf32>,
          tpu.vector_store %arg8[%swap3A_938], %get3A_890 {strides = array<i32>} : memref<24768xf32, #tpu.memory_space<vmem>>, vector<16xf32>,
          %add3A_940 = arith.constant 7740 : i32
          %add3A_941 = arith.addi %add3A_940, %mul3A_323 : i32
          %add3A_942 = arith.constant 112 : i32
          %add3A_943 = arith.addi %add3A_941, %add3A_942 : i32
          %swap3A_944 = arith.index_cast %add3A_943 : i32 to index
          %swap3A_945 = tpu.vector_load %arg8[%swap3A_944] {strides = array<i32>} : memref<24768xf32, #tpu.memory_space<vmem>>, vector<16xf32>,
          tpu.vector_store %arg8[%swap3A_944], %get3A_897 {strides = array<i32>} : memref<24768xf32, #tpu.memory_space<vmem>>, vector<16xf32>,
          %add3A_946 = arith.constant 0 : i32
          %add3A_947 = arith.addi %multiple_of3A_186, %add3A_946 : i32
          %get3A_948 = arith.constant 6 : i32
          %get3A_949 = arith.index_cast %scan3A_321 : i32 to index
          %get3A_950 = arith.index_cast %get3A_948 : i32 to index
          %get3A_951 = arith.index_cast %add3A_947 : i32 to index
          %get3A_952 = tpu.vector_load %arg7[%get3A_949, %get3A_950, %get3A_951] {strides = array<i32>} : memref<12x16x256xf32, #tpu.memory_space<vmem>>, vector<16xf32>,
          %add3A_953 = arith.constant 16 : i32
          %add3A_954 = arith.addi %multiple_of3A_186, %add3A_953 : i32
          %get3A_955 = arith.constant 6 : i32
          %get3A_956 = arith.index_cast %scan3A_321 : i32 to index
          %get3A_957 = arith.index_cast %get3A_955 : i32 to index
          %get3A_958 = arith.index_cast %add3A_954 : i32 to index
          %get3A_959 = tpu.vector_load %arg7[%get3A_956, %get3A_957, %get3A_958] {strides = array<i32>} : memref<12x16x256xf32, #tpu.memory_space<vmem>>, vector<16xf32>,
          %add3A_960 = arith.constant 32 : i32
          %add3A_961 = arith.addi %multiple_of3A_186, %add3A_960 : i32
          %get3A_962 = arith.constant 6 : i32
          %get3A_963 = arith.index_cast %scan3A_321 : i32 to index
          %get3A_964 = arith.index_cast %get3A_962 : i32 to index
          %get3A_965 = arith.index_cast %add3A_961 : i32 to index
          %get3A_966 = tpu.vector_load %arg7[%get3A_963, %get3A_964, %get3A_965] {strides = array<i32>} : memref<12x16x256xf32, #tpu.memory_space<vmem>>, vector<16xf32>,
          %add3A_967 = arith.constant 48 : i32
          %add3A_968 = arith.addi %multiple_of3A_186, %add3A_967 : i32
          %get3A_969 = arith.constant 6 : i32
          %get3A_970 = arith.index_cast %scan3A_321 : i32 to index
          %get3A_971 = arith.index_cast %get3A_969 : i32 to index
          %get3A_972 = arith.index_cast %add3A_968 : i32 to index
          %get3A_973 = tpu.vector_load %arg7[%get3A_970, %get3A_971, %get3A_972] {strides = array<i32>} : memref<12x16x256xf32, #tpu.memory_space<vmem>>, vector<16xf32>,
          %add3A_974 = arith.constant 64 : i32
          %add3A_975 = arith.addi %multiple_of3A_186, %add3A_974 : i32
          %get3A_976 = arith.constant 6 : i32
          %get3A_977 = arith.index_cast %scan3A_321 : i32 to index
          %get3A_978 = arith.index_cast %get3A_976 : i32 to index
          %get3A_979 = arith.index_cast %add3A_975 : i32 to index
          %get3A_980 = tpu.vector_load %arg7[%get3A_977, %get3A_978, %get3A_979] {strides = array<i32>} : memref<12x16x256xf32, #tpu.memory_space<vmem>>, vector<16xf32>,
          %add3A_981 = arith.constant 80 : i32
          %add3A_982 = arith.addi %multiple_of3A_186, %add3A_981 : i32
          %get3A_983 = arith.constant 6 : i32
          %get3A_984 = arith.index_cast %scan3A_321 : i32 to index
          %get3A_985 = arith.index_cast %get3A_983 : i32 to index
          %get3A_986 = arith.index_cast %add3A_982 : i32 to index
          %get3A_987 = tpu.vector_load %arg7[%get3A_984, %get3A_985, %get3A_986] {strides = array<i32>} : memref<12x16x256xf32, #tpu.memory_space<vmem>>, vector<16xf32>,
          %add3A_988 = arith.constant 96 : i32
          %add3A_989 = arith.addi %multiple_of3A_186, %add3A_988 : i32
          %get3A_990 = arith.constant 6 : i32
          %get3A_991 = arith.index_cast %scan3A_321 : i32 to index
          %get3A_992 = arith.index_cast %get3A_990 : i32 to index
          %get3A_993 = arith.index_cast %add3A_989 : i32 to index
          %get3A_994 = tpu.vector_load %arg7[%get3A_991, %get3A_992, %get3A_993] {strides = array<i32>} : memref<12x16x256xf32, #tpu.memory_space<vmem>>, vector<16xf32>,
          %add3A_995 = arith.constant 112 : i32
          %add3A_996 = arith.addi %multiple_of3A_186, %add3A_995 : i32
          %get3A_997 = arith.constant 6 : i32
          %get3A_998 = arith.index_cast %scan3A_321 : i32 to index
          %get3A_999 = arith.index_cast %get3A_997 : i32 to index
          %get3A_1000 = arith.index_cast %add3A_996 : i32 to index
          %get3A_1001 = tpu.vector_load %arg7[%get3A_998, %get3A_999, %get3A_1000] {strides = array<i32>} : memref<12x16x256xf32, #tpu.memory_space<vmem>>, vector<16xf32>,
          %add3A_1002 = arith.constant 9288 : i32
          %add3A_1003 = arith.addi %add3A_1002, %mul3A_323 : i32
          %add3A_1004 = arith.constant 0 : i32
          %add3A_1005 = arith.addi %add3A_1003, %add3A_1004 : i32
          %swap3A_1006 = arith.index_cast %add3A_1005 : i32 to index
          %swap3A_1007 = tpu.vector_load %arg8[%swap3A_1006] {strides = array<i32>} : memref<24768xf32, #tpu.memory_space<vmem>>, vector<16xf32>,
          tpu.vector_store %arg8[%swap3A_1006], %get3A_952 {strides = array<i32>} : memref<24768xf32, #tpu.memory_space<vmem>>, vector<16xf32>,
          %add3A_1008 = arith.constant 9288 : i32
          %add3A_1009 = arith.addi %add3A_1008, %mul3A_323 : i32
          %add3A_1010 = arith.constant 16 : i32
          %add3A_1011 = arith.addi %add3A_1009, %add3A_1010 : i32
          %swap3A_1012 = arith.index_cast %add3A_1011 : i32 to index
          %swap3A_1013 = tpu.vector_load %arg8[%swap3A_1012] {strides = array<i32>} : memref<24768xf32, #tpu.memory_space<vmem>>, vector<16xf32>,
          tpu.vector_store %arg8[%swap3A_1012], %get3A_959 {strides = array<i32>} : memref<24768xf32, #tpu.memory_space<vmem>>, vector<16xf32>,
          %add3A_1014 = arith.constant 9288 : i32
          %add3A_1015 = arith.addi %add3A_1014, %mul3A_323 : i32
          %add3A_1016 = arith.constant 32 : i32
          %add3A_1017 = arith.addi %add3A_1015, %add3A_1016 : i32
          %swap3A_1018 = arith.index_cast %add3A_1017 : i32 to index
          %swap3A_1019 = tpu.vector_load %arg8[%swap3A_1018] {strides = array<i32>} : memref<24768xf32, #tpu.memory_space<vmem>>, vector<16xf32>,
          tpu.vector_store %arg8[%swap3A_1018], %get3A_966 {strides = array<i32>} : memref<24768xf32, #tpu.memory_space<vmem>>, vector<16xf32>,
          %add3A_1020 = arith.constant 9288 : i32
          %add3A_1021 = arith.addi %add3A_1020, %mul3A_323 : i32
          %add3A_1022 = arith.constant 48 : i32
          %add3A_1023 = arith.addi %add3A_1021, %add3A_1022 : i32
          %swap3A_1024 = arith.index_cast %add3A_1023 : i32 to index
          %swap3A_1025 = tpu.vector_load %arg8[%swap3A_1024] {strides = array<i32>} : memref<24768xf32, #tpu.memory_space<vmem>>, vector<16xf32>,
          tpu.vector_store %arg8[%swap3A_1024], %get3A_973 {strides = array<i32>} : memref<24768xf32, #tpu.memory_space<vmem>>, vector<16xf32>,
          %add3A_1026 = arith.constant 9288 : i32
          %add3A_1027 = arith.addi %add3A_1026, %mul3A_323 : i32
          %add3A_1028 = arith.constant 64 : i32
          %add3A_1029 = arith.addi %add3A_1027, %add3A_1028 : i32
          %swap3A_1030 = arith.index_cast %add3A_1029 : i32 to index
          %swap3A_1031 = tpu.vector_load %arg8[%swap3A_1030] {strides = array<i32>} : memref<24768xf32, #tpu.memory_space<vmem>>, vector<16xf32>,
          tpu.vector_store %arg8[%swap3A_1030], %get3A_980 {strides = array<i32>} : memref<24768xf32, #tpu.memory_space<vmem>>, vector<16xf32>,
          %add3A_1032 = arith.constant 9288 : i32
          %add3A_1033 = arith.addi %add3A_1032, %mul3A_323 : i32
          %add3A_1034 = arith.constant 80 : i32
          %add3A_1035 = arith.addi %add3A_1033, %add3A_1034 : i32
          %swap3A_1036 = arith.index_cast %add3A_1035 : i32 to index
          %swap3A_1037 = tpu.vector_load %arg8[%swap3A_1036] {strides = array<i32>} : memref<24768xf32, #tpu.memory_space<vmem>>, vector<16xf32>,
          tpu.vector_store %arg8[%swap3A_1036], %get3A_987 {strides = array<i32>} : memref<24768xf32, #tpu.memory_space<vmem>>, vector<16xf32>,
          %add3A_1038 = arith.constant 9288 : i32
          %add3A_1039 = arith.addi %add3A_1038, %mul3A_323 : i32
          %add3A_1040 = arith.constant 96 : i32
          %add3A_1041 = arith.addi %add3A_1039, %add3A_1040 : i32
          %swap3A_1042 = arith.index_cast %add3A_1041 : i32 to index
          %swap3A_1043 = tpu.vector_load %arg8[%swap3A_1042] {strides = array<i32>} : memref<24768xf32, #tpu.memory_space<vmem>>, vector<16xf32>,
          tpu.vector_store %arg8[%swap3A_1042], %get3A_994 {strides = array<i32>} : memref<24768xf32, #tpu.memory_space<vmem>>, vector<16xf32>,
          %add3A_1044 = arith.constant 9288 : i32
          %add3A_1045 = arith.addi %add3A_1044, %mul3A_323 : i32
          %add3A_1046 = arith.constant 112 : i32
          %add3A_1047 = arith.addi %add3A_1045, %add3A_1046 : i32
          %swap3A_1048 = arith.index_cast %add3A_1047 : i32 to index
          %swap3A_1049 = tpu.vector_load %arg8[%swap3A_1048] {strides = array<i32>} : memref<24768xf32, #tpu.memory_space<vmem>>, vector<16xf32>,
          tpu.vector_store %arg8[%swap3A_1048], %get3A_1001 {strides = array<i32>} : memref<24768xf32, #tpu.memory_space<vmem>>, vector<16xf32>,
          %add3A_1050 = arith.constant 0 : i32
          %add3A_1051 = arith.addi %multiple_of3A_186, %add3A_1050 : i32
          %get3A_1052 = arith.constant 7 : i32
          %get3A_1053 = arith.index_cast %scan3A_321 : i32 to index
          %get3A_1054 = arith.index_cast %get3A_1052 : i32 to index
          %get3A_1055 = arith.index_cast %add3A_1051 : i32 to index
          %get3A_1056 = tpu.vector_load %arg7[%get3A_1053, %get3A_1054, %get3A_1055] {strides = array<i32>} : memref<12x16x256xf32, #tpu.memory_space<vmem>>, vector<16xf32>,
          %add3A_1057 = arith.constant 16 : i32
          %add3A_1058 = arith.addi %multiple_of3A_186, %add3A_1057 : i32
          %get3A_1059 = arith.constant 7 : i32
          %get3A_1060 = arith.index_cast %scan3A_321 : i32 to index
          %get3A_1061 = arith.index_cast %get3A_1059 : i32 to index
          %get3A_1062 = arith.index_cast %add3A_1058 : i32 to index
          %get3A_1063 = tpu.vector_load %arg7[%get3A_1060, %get3A_1061, %get3A_1062] {strides = array<i32>} : memref<12x16x256xf32, #tpu.memory_space<vmem>>, vector<16xf32>,
          %add3A_1064 = arith.constant 32 : i32
          %add3A_1065 = arith.addi %multiple_of3A_186, %add3A_1064 : i32
          %get3A_1066 = arith.constant 7 : i32
          %get3A_1067 = arith.index_cast %scan3A_321 : i32 to index
          %get3A_1068 = arith.index_cast %get3A_1066 : i32 to index
          %get3A_1069 = arith.index_cast %add3A_1065 : i32 to index
          %get3A_1070 = tpu.vector_load %arg7[%get3A_1067, %get3A_1068, %get3A_1069] {strides = array<i32>} : memref<12x16x256xf32, #tpu.memory_space<vmem>>, vector<16xf32>,
          %add3A_1071 = arith.constant 48 : i32
          %add3A_1072 = arith.addi %multiple_of3A_186, %add3A_1071 : i32
          %get3A_1073 = arith.constant 7 : i32
          %get3A_1074 = arith.index_cast %scan3A_321 : i32 to index
          %get3A_1075 = arith.index_cast %get3A_1073 : i32 to index
          %get3A_1076 = arith.index_cast %add3A_1072 : i32 to index
          %get3A_1077 = tpu.vector_load %arg7[%get3A_1074, %get3A_1075, %get3A_1076] {strides = array<i32>} : memref<12x16x256xf32, #tpu.memory_space<vmem>>, vector<16xf32>,
          %add3A_1078 = arith.constant 64 : i32
          %add3A_1079 = arith.addi %multiple_of3A_186, %add3A_1078 : i32
          %get3A_1080 = arith.constant 7 : i32
          %get3A_1081 = arith.index_cast %scan3A_321 : i32 to index
          %get3A_1082 = arith.index_cast %get3A_1080 : i32 to index
          %get3A_1083 = arith.index_cast %add3A_1079 : i32 to index
          %get3A_1084 = tpu.vector_load %arg7[%get3A_1081, %get3A_1082, %get3A_1083] {strides = array<i32>} : memref<12x16x256xf32, #tpu.memory_space<vmem>>, vector<16xf32>,
          %add3A_1085 = arith.constant 80 : i32
          %add3A_1086 = arith.addi %multiple_of3A_186, %add3A_1085 : i32
          %get3A_1087 = arith.constant 7 : i32
          %get3A_1088 = arith.index_cast %scan3A_321 : i32 to index
          %get3A_1089 = arith.index_cast %get3A_1087 : i32 to index
          %get3A_1090 = arith.index_cast %add3A_1086 : i32 to index
          %get3A_1091 = tpu.vector_load %arg7[%get3A_1088, %get3A_1089, %get3A_1090] {strides = array<i32>} : memref<12x16x256xf32, #tpu.memory_space<vmem>>, vector<16xf32>,
          %add3A_1092 = arith.constant 96 : i32
          %add3A_1093 = arith.addi %multiple_of3A_186, %add3A_1092 : i32
          %get3A_1094 = arith.constant 7 : i32
          %get3A_1095 = arith.index_cast %scan3A_321 : i32 to index
          %get3A_1096 = arith.index_cast %get3A_1094 : i32 to index
          %get3A_1097 = arith.index_cast %add3A_1093 : i32 to index
          %get3A_1098 = tpu.vector_load %arg7[%get3A_1095, %get3A_1096, %get3A_1097] {strides = array<i32>} : memref<12x16x256xf32, #tpu.memory_space<vmem>>, vector<16xf32>,
          %add3A_1099 = arith.constant 112 : i32
          %add3A_1100 = arith.addi %multiple_of3A_186, %add3A_1099 : i32
          %get3A_1101 = arith.constant 7 : i32
          %get3A_1102 = arith.index_cast %scan3A_321 : i32 to index
          %get3A_1103 = arith.index_cast %get3A_1101 : i32 to index
          %get3A_1104 = arith.index_cast %add3A_1100 : i32 to index
          %get3A_1105 = tpu.vector_load %arg7[%get3A_1102, %get3A_1103, %get3A_1104] {strides = array<i32>} : memref<12x16x256xf32, #tpu.memory_space<vmem>>, vector<16xf32>,
          %add3A_1106 = arith.constant 10836 : i32
          %add3A_1107 = arith.addi %add3A_1106, %mul3A_323 : i32
          %add3A_1108 = arith.constant 0 : i32
          %add3A_1109 = arith.addi %add3A_1107, %add3A_1108 : i32
          %swap3A_1110 = arith.index_cast %add3A_1109 : i32 to index
          %swap3A_1111 = tpu.vector_load %arg8[%swap3A_1110] {strides = array<i32>} : memref<24768xf32, #tpu.memory_space<vmem>>, vector<16xf32>,
          tpu.vector_store %arg8[%swap3A_1110], %get3A_1056 {strides = array<i32>} : memref<24768xf32, #tpu.memory_space<vmem>>, vector<16xf32>,
          %add3A_1112 = arith.constant 10836 : i32
          %add3A_1113 = arith.addi %add3A_1112, %mul3A_323 : i32
          %add3A_1114 = arith.constant 16 : i32
          %add3A_1115 = arith.addi %add3A_1113, %add3A_1114 : i32
          %swap3A_1116 = arith.index_cast %add3A_1115 : i32 to index
          %swap3A_1117 = tpu.vector_load %arg8[%swap3A_1116] {strides = array<i32>} : memref<24768xf32, #tpu.memory_space<vmem>>, vector<16xf32>,
          tpu.vector_store %arg8[%swap3A_1116], %get3A_1063 {strides = array<i32>} : memref<24768xf32, #tpu.memory_space<vmem>>, vector<16xf32>,
          %add3A_1118 = arith.constant 10836 : i32
          %add3A_1119 = arith.addi %add3A_1118, %mul3A_323 : i32
          %add3A_1120 = arith.constant 32 : i32
          %add3A_1121 = arith.addi %add3A_1119, %add3A_1120 : i32
          %swap3A_1122 = arith.index_cast %add3A_1121 : i32 to index
          %swap3A_1123 = tpu.vector_load %arg8[%swap3A_1122] {strides = array<i32>} : memref<24768xf32, #tpu.memory_space<vmem>>, vector<16xf32>,
          tpu.vector_store %arg8[%swap3A_1122], %get3A_1070 {strides = array<i32>} : memref<24768xf32, #tpu.memory_space<vmem>>, vector<16xf32>,
          %add3A_1124 = arith.constant 10836 : i32
          %add3A_1125 = arith.addi %add3A_1124, %mul3A_323 : i32
          %add3A_1126 = arith.constant 48 : i32
          %add3A_1127 = arith.addi %add3A_1125, %add3A_1126 : i32
          %swap3A_1128 = arith.index_cast %add3A_1127 : i32 to index
          %swap3A_1129 = tpu.vector_load %arg8[%swap3A_1128] {strides = array<i32>} : memref<24768xf32, #tpu.memory_space<vmem>>, vector<16xf32>,
          tpu.vector_store %arg8[%swap3A_1128], %get3A_1077 {strides = array<i32>} : memref<24768xf32, #tpu.memory_space<vmem>>, vector<16xf32>,
          %add3A_1130 = arith.constant 10836 : i32
          %add3A_1131 = arith.addi %add3A_1130, %mul3A_323 : i32
          %add3A_1132 = arith.constant 64 : i32
          %add3A_1133 = arith.addi %add3A_1131, %add3A_1132 : i32
          %swap3A_1134 = arith.index_cast %add3A_1133 : i32 to index
          %swap3A_1135 = tpu.vector_load %arg8[%swap3A_1134] {strides = array<i32>} : memref<24768xf32, #tpu.memory_space<vmem>>, vector<16xf32>,
          tpu.vector_store %arg8[%swap3A_1134], %get3A_1084 {strides = array<i32>} : memref<24768xf32, #tpu.memory_space<vmem>>, vector<16xf32>,
          %add3A_1136 = arith.constant 10836 : i32
          %add3A_1137 = arith.addi %add3A_1136, %mul3A_323 : i32
          %add3A_1138 = arith.constant 80 : i32
          %add3A_1139 = arith.addi %add3A_1137, %add3A_1138 : i32
          %swap3A_1140 = arith.index_cast %add3A_1139 : i32 to index
          %swap3A_1141 = tpu.vector_load %arg8[%swap3A_1140] {strides = array<i32>} : memref<24768xf32, #tpu.memory_space<vmem>>, vector<16xf32>,
          tpu.vector_store %arg8[%swap3A_1140], %get3A_1091 {strides = array<i32>} : memref<24768xf32, #tpu.memory_space<vmem>>, vector<16xf32>,
          %add3A_1142 = arith.constant 10836 : i32
          %add3A_1143 = arith.addi %add3A_1142, %mul3A_323 : i32
          %add3A_1144 = arith.constant 96 : i32
          %add3A_1145 = arith.addi %add3A_1143, %add3A_1144 : i32
          %swap3A_1146 = arith.index_cast %add3A_1145 : i32 to index
          %swap3A_1147 = tpu.vector_load %arg8[%swap3A_1146] {strides = array<i32>} : memref<24768xf32, #tpu.memory_space<vmem>>, vector<16xf32>,
          tpu.vector_store %arg8[%swap3A_1146], %get3A_1098 {strides = array<i32>} : memref<24768xf32, #tpu.memory_space<vmem>>, vector<16xf32>,
          %add3A_1148 = arith.constant 10836 : i32
          %add3A_1149 = arith.addi %add3A_1148, %mul3A_323 : i32
          %add3A_1150 = arith.constant 112 : i32
          %add3A_1151 = arith.addi %add3A_1149, %add3A_1150 : i32
          %swap3A_1152 = arith.index_cast %add3A_1151 : i32 to index
          %swap3A_1153 = tpu.vector_load %arg8[%swap3A_1152] {strides = array<i32>} : memref<24768xf32, #tpu.memory_space<vmem>>, vector<16xf32>,
          tpu.vector_store %arg8[%swap3A_1152], %get3A_1105 {strides = array<i32>} : memref<24768xf32, #tpu.memory_space<vmem>>, vector<16xf32>,
          %add3A_1154 = arith.constant 0 : i32
          %add3A_1155 = arith.addi %multiple_of3A_186, %add3A_1154 : i32
          %get3A_1156 = arith.constant 8 : i32
          %get3A_1157 = arith.index_cast %scan3A_321 : i32 to index
          %get3A_1158 = arith.index_cast %get3A_1156 : i32 to index
          %get3A_1159 = arith.index_cast %add3A_1155 : i32 to index
          %get3A_1160 = tpu.vector_load %arg7[%get3A_1157, %get3A_1158, %get3A_1159] {strides = array<i32>} : memref<12x16x256xf32, #tpu.memory_space<vmem>>, vector<16xf32>,
          %add3A_1161 = arith.constant 16 : i32
          %add3A_1162 = arith.addi %multiple_of3A_186, %add3A_1161 : i32
          %get3A_1163 = arith.constant 8 : i32
          %get3A_1164 = arith.index_cast %scan3A_321 : i32 to index
          %get3A_1165 = arith.index_cast %get3A_1163 : i32 to index
          %get3A_1166 = arith.index_cast %add3A_1162 : i32 to index
          %get3A_1167 = tpu.vector_load %arg7[%get3A_1164, %get3A_1165, %get3A_1166] {strides = array<i32>} : memref<12x16x256xf32, #tpu.memory_space<vmem>>, vector<16xf32>,
          %add3A_1168 = arith.constant 32 : i32
          %add3A_1169 = arith.addi %multiple_of3A_186, %add3A_1168 : i32
          %get3A_1170 = arith.constant 8 : i32
          %get3A_1171 = arith.index_cast %scan3A_321 : i32 to index
          %get3A_1172 = arith.index_cast %get3A_1170 : i32 to index
          %get3A_1173 = arith.index_cast %add3A_1169 : i32 to index
          %get3A_1174 = tpu.vector_load %arg7[%get3A_1171, %get3A_1172, %get3A_1173] {strides = array<i32>} : memref<12x16x256xf32, #tpu.memory_space<vmem>>, vector<16xf32>,
          %add3A_1175 = arith.constant 48 : i32
          %add3A_1176 = arith.addi %multiple_of3A_186, %add3A_1175 : i32
          %get3A_1177 = arith.constant 8 : i32
          %get3A_1178 = arith.index_cast %scan3A_321 : i32 to index
          %get3A_1179 = arith.index_cast %get3A_1177 : i32 to index
          %get3A_1180 = arith.index_cast %add3A_1176 : i32 to index
          %get3A_1181 = tpu.vector_load %arg7[%get3A_1178, %get3A_1179, %get3A_1180] {strides = array<i32>} : memref<12x16x256xf32, #tpu.memory_space<vmem>>, vector<16xf32>,
          %add3A_1182 = arith.constant 64 : i32
          %add3A_1183 = arith.addi %multiple_of3A_186, %add3A_1182 : i32
          %get3A_1184 = arith.constant 8 : i32
          %get3A_1185 = arith.index_cast %scan3A_321 : i32 to index
          %get3A_1186 = arith.index_cast %get3A_1184 : i32 to index
          %get3A_1187 = arith.index_cast %add3A_1183 : i32 to index
          %get3A_1188 = tpu.vector_load %arg7[%get3A_1185, %get3A_1186, %get3A_1187] {strides = array<i32>} : memref<12x16x256xf32, #tpu.memory_space<vmem>>, vector<16xf32>,
          %add3A_1189 = arith.constant 80 : i32
          %add3A_1190 = arith.addi %multiple_of3A_186, %add3A_1189 : i32
          %get3A_1191 = arith.constant 8 : i32
          %get3A_1192 = arith.index_cast %scan3A_321 : i32 to index
          %get3A_1193 = arith.index_cast %get3A_1191 : i32 to index
          %get3A_1194 = arith.index_cast %add3A_1190 : i32 to index
          %get3A_1195 = tpu.vector_load %arg7[%get3A_1192, %get3A_1193, %get3A_1194] {strides = array<i32>} : memref<12x16x256xf32, #tpu.memory_space<vmem>>, vector<16xf32>,
          %add3A_1196 = arith.constant 96 : i32
          %add3A_1197 = arith.addi %multiple_of3A_186, %add3A_1196 : i32
          %get3A_1198 = arith.constant 8 : i32
          %get3A_1199 = arith.index_cast %scan3A_321 : i32 to index
          %get3A_1200 = arith.index_cast %get3A_1198 : i32 to index
          %get3A_1201 = arith.index_cast %add3A_1197 : i32 to index
          %get3A_1202 = tpu.vector_load %arg7[%get3A_1199, %get3A_1200, %get3A_1201] {strides = array<i32>} : memref<12x16x256xf32, #tpu.memory_space<vmem>>, vector<16xf32>,
          %add3A_1203 = arith.constant 112 : i32
          %add3A_1204 = arith.addi %multiple_of3A_186, %add3A_1203 : i32
          %get3A_1205 = arith.constant 8 : i32
          %get3A_1206 = arith.index_cast %scan3A_321 : i32 to index
          %get3A_1207 = arith.index_cast %get3A_1205 : i32 to index
          %get3A_1208 = arith.index_cast %add3A_1204 : i32 to index
          %get3A_1209 = tpu.vector_load %arg7[%get3A_1206, %get3A_1207, %get3A_1208] {strides = array<i32>} : memref<12x16x256xf32, #tpu.memory_space<vmem>>, vector<16xf32>,
          %add3A_1210 = arith.constant 12384 : i32
          %add3A_1211 = arith.addi %add3A_1210, %mul3A_323 : i32
          %add3A_1212 = arith.constant 0 : i32
          %add3A_1213 = arith.addi %add3A_1211, %add3A_1212 : i32
          %swap3A_1214 = arith.index_cast %add3A_1213 : i32 to index
          %swap3A_1215 = tpu.vector_load %arg8[%swap3A_1214] {strides = array<i32>} : memref<24768xf32, #tpu.memory_space<vmem>>, vector<16xf32>,
          tpu.vector_store %arg8[%swap3A_1214], %get3A_1160 {strides = array<i32>} : memref<24768xf32, #tpu.memory_space<vmem>>, vector<16xf32>,
          %add3A_1216 = arith.constant 12384 : i32
          %add3A_1217 = arith.addi %add3A_1216, %mul3A_323 : i32
          %add3A_1218 = arith.constant 16 : i32
          %add3A_1219 = arith.addi %add3A_1217, %add3A_1218 : i32
          %swap3A_1220 = arith.index_cast %add3A_1219 : i32 to index
          %swap3A_1221 = tpu.vector_load %arg8[%swap3A_1220] {strides = array<i32>} : memref<24768xf32, #tpu.memory_space<vmem>>, vector<16xf32>,
          tpu.vector_store %arg8[%swap3A_1220], %get3A_1167 {strides = array<i32>} : memref<24768xf32, #tpu.memory_space<vmem>>, vector<16xf32>,
          %add3A_1222 = arith.constant 12384 : i32
          %add3A_1223 = arith.addi %add3A_1222, %mul3A_323 : i32
          %add3A_1224 = arith.constant 32 : i32
          %add3A_1225 = arith.addi %add3A_1223, %add3A_1224 : i32
          %swap3A_1226 = arith.index_cast %add3A_1225 : i32 to index
          %swap3A_1227 = tpu.vector_load %arg8[%swap3A_1226] {strides = array<i32>} : memref<24768xf32, #tpu.memory_space<vmem>>, vector<16xf32>,
          tpu.vector_store %arg8[%swap3A_1226], %get3A_1174 {strides = array<i32>} : memref<24768xf32, #tpu.memory_space<vmem>>, vector<16xf32>,
          %add3A_1228 = arith.constant 12384 : i32
          %add3A_1229 = arith.addi %add3A_1228, %mul3A_323 : i32
          %add3A_1230 = arith.constant 48 : i32
          %add3A_1231 = arith.addi %add3A_1229, %add3A_1230 : i32
          %swap3A_1232 = arith.index_cast %add3A_1231 : i32 to index
          %swap3A_1233 = tpu.vector_load %arg8[%swap3A_1232] {strides = array<i32>} : memref<24768xf32, #tpu.memory_space<vmem>>, vector<16xf32>,
          tpu.vector_store %arg8[%swap3A_1232], %get3A_1181 {strides = array<i32>} : memref<24768xf32, #tpu.memory_space<vmem>>, vector<16xf32>,
          %add3A_1234 = arith.constant 12384 : i32
          %add3A_1235 = arith.addi %add3A_1234, %mul3A_323 : i32
          %add3A_1236 = arith.constant 64 : i32
          %add3A_1237 = arith.addi %add3A_1235, %add3A_1236 : i32
          %swap3A_1238 = arith.index_cast %add3A_1237 : i32 to index
          %swap3A_1239 = tpu.vector_load %arg8[%swap3A_1238] {strides = array<i32>} : memref<24768xf32, #tpu.memory_space<vmem>>, vector<16xf32>,
          tpu.vector_store %arg8[%swap3A_1238], %get3A_1188 {strides = array<i32>} : memref<24768xf32, #tpu.memory_space<vmem>>, vector<16xf32>,
          %add3A_1240 = arith.constant 12384 : i32
          %add3A_1241 = arith.addi %add3A_1240, %mul3A_323 : i32
          %add3A_1242 = arith.constant 80 : i32
          %add3A_1243 = arith.addi %add3A_1241, %add3A_1242 : i32
          %swap3A_1244 = arith.index_cast %add3A_1243 : i32 to index
          %swap3A_1245 = tpu.vector_load %arg8[%swap3A_1244] {strides = array<i32>} : memref<24768xf32, #tpu.memory_space<vmem>>, vector<16xf32>,
          tpu.vector_store %arg8[%swap3A_1244], %get3A_1195 {strides = array<i32>} : memref<24768xf32, #tpu.memory_space<vmem>>, vector<16xf32>,
          %add3A_1246 = arith.constant 12384 : i32
          %add3A_1247 = arith.addi %add3A_1246, %mul3A_323 : i32
          %add3A_1248 = arith.constant 96 : i32
          %add3A_1249 = arith.addi %add3A_1247, %add3A_1248 : i32
          %swap3A_1250 = arith.index_cast %add3A_1249 : i32 to index
          %swap3A_1251 = tpu.vector_load %arg8[%swap3A_1250] {strides = array<i32>} : memref<24768xf32, #tpu.memory_space<vmem>>, vector<16xf32>,
          tpu.vector_store %arg8[%swap3A_1250], %get3A_1202 {strides = array<i32>} : memref<24768xf32, #tpu.memory_space<vmem>>, vector<16xf32>,
          %add3A_1252 = arith.constant 12384 : i32
          %add3A_1253 = arith.addi %add3A_1252, %mul3A_323 : i32
          %add3A_1254 = arith.constant 112 : i32
          %add3A_1255 = arith.addi %add3A_1253, %add3A_1254 : i32
          %swap3A_1256 = arith.index_cast %add3A_1255 : i32 to index
          %swap3A_1257 = tpu.vector_load %arg8[%swap3A_1256] {strides = array<i32>} : memref<24768xf32, #tpu.memory_space<vmem>>, vector<16xf32>,
          tpu.vector_store %arg8[%swap3A_1256], %get3A_1209 {strides = array<i32>} : memref<24768xf32, #tpu.memory_space<vmem>>, vector<16xf32>,
          %add3A_1258 = arith.constant 0 : i32
          %add3A_1259 = arith.addi %multiple_of3A_186, %add3A_1258 : i32
          %get3A_1260 = arith.constant 9 : i32
          %get3A_1261 = arith.index_cast %scan3A_321 : i32 to index
          %get3A_1262 = arith.index_cast %get3A_1260 : i32 to index
          %get3A_1263 = arith.index_cast %add3A_1259 : i32 to index
          %get3A_1264 = tpu.vector_load %arg7[%get3A_1261, %get3A_1262, %get3A_1263] {strides = array<i32>} : memref<12x16x256xf32, #tpu.memory_space<vmem>>, vector<16xf32>,
          %add3A_1265 = arith.constant 16 : i32
          %add3A_1266 = arith.addi %multiple_of3A_186, %add3A_1265 : i32
          %get3A_1267 = arith.constant 9 : i32
          %get3A_1268 = arith.index_cast %scan3A_321 : i32 to index
          %get3A_1269 = arith.index_cast %get3A_1267 : i32 to index
          %get3A_1270 = arith.index_cast %add3A_1266 : i32 to index
          %get3A_1271 = tpu.vector_load %arg7[%get3A_1268, %get3A_1269, %get3A_1270] {strides = array<i32>} : memref<12x16x256xf32, #tpu.memory_space<vmem>>, vector<16xf32>,
          %add3A_1272 = arith.constant 32 : i32
          %add3A_1273 = arith.addi %multiple_of3A_186, %add3A_1272 : i32
          %get3A_1274 = arith.constant 9 : i32
          %get3A_1275 = arith.index_cast %scan3A_321 : i32 to index
          %get3A_1276 = arith.index_cast %get3A_1274 : i32 to index
          %get3A_1277 = arith.index_cast %add3A_1273 : i32 to index
          %get3A_1278 = tpu.vector_load %arg7[%get3A_1275, %get3A_1276, %get3A_1277] {strides = array<i32>} : memref<12x16x256xf32, #tpu.memory_space<vmem>>, vector<16xf32>,
          %add3A_1279 = arith.constant 48 : i32
          %add3A_1280 = arith.addi %multiple_of3A_186, %add3A_1279 : i32
          %get3A_1281 = arith.constant 9 : i32
          %get3A_1282 = arith.index_cast %scan3A_321 : i32 to index
          %get3A_1283 = arith.index_cast %get3A_1281 : i32 to index
          %get3A_1284 = arith.index_cast %add3A_1280 : i32 to index
          %get3A_1285 = tpu.vector_load %arg7[%get3A_1282, %get3A_1283, %get3A_1284] {strides = array<i32>} : memref<12x16x256xf32, #tpu.memory_space<vmem>>, vector<16xf32>,
          %add3A_1286 = arith.constant 64 : i32
          %add3A_1287 = arith.addi %multiple_of3A_186, %add3A_1286 : i32
          %get3A_1288 = arith.constant 9 : i32
          %get3A_1289 = arith.index_cast %scan3A_321 : i32 to index
          %get3A_1290 = arith.index_cast %get3A_1288 : i32 to index
          %get3A_1291 = arith.index_cast %add3A_1287 : i32 to index
          %get3A_1292 = tpu.vector_load %arg7[%get3A_1289, %get3A_1290, %get3A_1291] {strides = array<i32>} : memref<12x16x256xf32, #tpu.memory_space<vmem>>, vector<16xf32>,
          %add3A_1293 = arith.constant 80 : i32
          %add3A_1294 = arith.addi %multiple_of3A_186, %add3A_1293 : i32
          %get3A_1295 = arith.constant 9 : i32
          %get3A_1296 = arith.index_cast %scan3A_321 : i32 to index
          %get3A_1297 = arith.index_cast %get3A_1295 : i32 to index
          %get3A_1298 = arith.index_cast %add3A_1294 : i32 to index
          %get3A_1299 = tpu.vector_load %arg7[%get3A_1296, %get3A_1297, %get3A_1298] {strides = array<i32>} : memref<12x16x256xf32, #tpu.memory_space<vmem>>, vector<16xf32>,
          %add3A_1300 = arith.constant 96 : i32
          %add3A_1301 = arith.addi %multiple_of3A_186, %add3A_1300 : i32
          %get3A_1302 = arith.constant 9 : i32
          %get3A_1303 = arith.index_cast %scan3A_321 : i32 to index
          %get3A_1304 = arith.index_cast %get3A_1302 : i32 to index
          %get3A_1305 = arith.index_cast %add3A_1301 : i32 to index
          %get3A_1306 = tpu.vector_load %arg7[%get3A_1303, %get3A_1304, %get3A_1305] {strides = array<i32>} : memref<12x16x256xf32, #tpu.memory_space<vmem>>, vector<16xf32>,
          %add3A_1307 = arith.constant 112 : i32
          %add3A_1308 = arith.addi %multiple_of3A_186, %add3A_1307 : i32
          %get3A_1309 = arith.constant 9 : i32
          %get3A_1310 = arith.index_cast %scan3A_321 : i32 to index
          %get3A_1311 = arith.index_cast %get3A_1309 : i32 to index
          %get3A_1312 = arith.index_cast %add3A_1308 : i32 to index
          %get3A_1313 = tpu.vector_load %arg7[%get3A_1310, %get3A_1311, %get3A_1312] {strides = array<i32>} : memref<12x16x256xf32, #tpu.memory_space<vmem>>, vector<16xf32>,
          %add3A_1314 = arith.constant 13932 : i32
          %add3A_1315 = arith.addi %add3A_1314, %mul3A_323 : i32
          %add3A_1316 = arith.constant 0 : i32
          %add3A_1317 = arith.addi %add3A_1315, %add3A_1316 : i32
          %swap3A_1318 = arith.index_cast %add3A_1317 : i32 to index
          %swap3A_1319 = tpu.vector_load %arg8[%swap3A_1318] {strides = array<i32>} : memref<24768xf32, #tpu.memory_space<vmem>>, vector<16xf32>,
          tpu.vector_store %arg8[%swap3A_1318], %get3A_1264 {strides = array<i32>} : memref<24768xf32, #tpu.memory_space<vmem>>, vector<16xf32>,
          %add3A_1320 = arith.constant 13932 : i32
          %add3A_1321 = arith.addi %add3A_1320, %mul3A_323 : i32
          %add3A_1322 = arith.constant 16 : i32
          %add3A_1323 = arith.addi %add3A_1321, %add3A_1322 : i32
          %swap3A_1324 = arith.index_cast %add3A_1323 : i32 to index
          %swap3A_1325 = tpu.vector_load %arg8[%swap3A_1324] {strides = array<i32>} : memref<24768xf32, #tpu.memory_space<vmem>>, vector<16xf32>,
          tpu.vector_store %arg8[%swap3A_1324], %get3A_1271 {strides = array<i32>} : memref<24768xf32, #tpu.memory_space<vmem>>, vector<16xf32>,
          %add3A_1326 = arith.constant 13932 : i32
          %add3A_1327 = arith.addi %add3A_1326, %mul3A_323 : i32
          %add3A_1328 = arith.constant 32 : i32
          %add3A_1329 = arith.addi %add3A_1327, %add3A_1328 : i32
          %swap3A_1330 = arith.index_cast %add3A_1329 : i32 to index
          %swap3A_1331 = tpu.vector_load %arg8[%swap3A_1330] {strides = array<i32>} : memref<24768xf32, #tpu.memory_space<vmem>>, vector<16xf32>,
          tpu.vector_store %arg8[%swap3A_1330], %get3A_1278 {strides = array<i32>} : memref<24768xf32, #tpu.memory_space<vmem>>, vector<16xf32>,
          %add3A_1332 = arith.constant 13932 : i32
          %add3A_1333 = arith.addi %add3A_1332, %mul3A_323 : i32
          %add3A_1334 = arith.constant 48 : i32
          %add3A_1335 = arith.addi %add3A_1333, %add3A_1334 : i32
          %swap3A_1336 = arith.index_cast %add3A_1335 : i32 to index
          %swap3A_1337 = tpu.vector_load %arg8[%swap3A_1336] {strides = array<i32>} : memref<24768xf32, #tpu.memory_space<vmem>>, vector<16xf32>,
          tpu.vector_store %arg8[%swap3A_1336], %get3A_1285 {strides = array<i32>} : memref<24768xf32, #tpu.memory_space<vmem>>, vector<16xf32>,
          %add3A_1338 = arith.constant 13932 : i32
          %add3A_1339 = arith.addi %add3A_1338, %mul3A_323 : i32
          %add3A_1340 = arith.constant 64 : i32
          %add3A_1341 = arith.addi %add3A_1339, %add3A_1340 : i32
          %swap3A_1342 = arith.index_cast %add3A_1341 : i32 to index
          %swap3A_1343 = tpu.vector_load %arg8[%swap3A_1342] {strides = array<i32>} : memref<24768xf32, #tpu.memory_space<vmem>>, vector<16xf32>,
          tpu.vector_store %arg8[%swap3A_1342], %get3A_1292 {strides = array<i32>} : memref<24768xf32, #tpu.memory_space<vmem>>, vector<16xf32>,
          %add3A_1344 = arith.constant 13932 : i32
          %add3A_1345 = arith.addi %add3A_1344, %mul3A_323 : i32
          %add3A_1346 = arith.constant 80 : i32
          %add3A_1347 = arith.addi %add3A_1345, %add3A_1346 : i32
          %swap3A_1348 = arith.index_cast %add3A_1347 : i32 to index
          %swap3A_1349 = tpu.vector_load %arg8[%swap3A_1348] {strides = array<i32>} : memref<24768xf32, #tpu.memory_space<vmem>>, vector<16xf32>,
          tpu.vector_store %arg8[%swap3A_1348], %get3A_1299 {strides = array<i32>} : memref<24768xf32, #tpu.memory_space<vmem>>, vector<16xf32>,
          %add3A_1350 = arith.constant 13932 : i32
          %add3A_1351 = arith.addi %add3A_1350, %mul3A_323 : i32
          %add3A_1352 = arith.constant 96 : i32
          %add3A_1353 = arith.addi %add3A_1351, %add3A_1352 : i32
          %swap3A_1354 = arith.index_cast %add3A_1353 : i32 to index
          %swap3A_1355 = tpu.vector_load %arg8[%swap3A_1354] {strides = array<i32>} : memref<24768xf32, #tpu.memory_space<vmem>>, vector<16xf32>,
          tpu.vector_store %arg8[%swap3A_1354], %get3A_1306 {strides = array<i32>} : memref<24768xf32, #tpu.memory_space<vmem>>, vector<16xf32>,
          %add3A_1356 = arith.constant 13932 : i32
          %add3A_1357 = arith.addi %add3A_1356, %mul3A_323 : i32
          %add3A_1358 = arith.constant 112 : i32
          %add3A_1359 = arith.addi %add3A_1357, %add3A_1358 : i32
          %swap3A_1360 = arith.index_cast %add3A_1359 : i32 to index
          %swap3A_1361 = tpu.vector_load %arg8[%swap3A_1360] {strides = array<i32>} : memref<24768xf32, #tpu.memory_space<vmem>>, vector<16xf32>,
          tpu.vector_store %arg8[%swap3A_1360], %get3A_1313 {strides = array<i32>} : memref<24768xf32, #tpu.memory_space<vmem>>, vector<16xf32>,
          %add3A_1362 = arith.constant 0 : i32
          %add3A_1363 = arith.addi %multiple_of3A_186, %add3A_1362 : i32
          %get3A_1364 = arith.constant 10 : i32
          %get3A_1365 = arith.index_cast %scan3A_321 : i32 to index
          %get3A_1366 = arith.index_cast %get3A_1364 : i32 to index
          %get3A_1367 = arith.index_cast %add3A_1363 : i32 to index
          %get3A_1368 = tpu.vector_load %arg7[%get3A_1365, %get3A_1366, %get3A_1367] {strides = array<i32>} : memref<12x16x256xf32, #tpu.memory_space<vmem>>, vector<16xf32>,
          %add3A_1369 = arith.constant 16 : i32
          %add3A_1370 = arith.addi %multiple_of3A_186, %add3A_1369 : i32
          %get3A_1371 = arith.constant 10 : i32
          %get3A_1372 = arith.index_cast %scan3A_321 : i32 to index
          %get3A_1373 = arith.index_cast %get3A_1371 : i32 to index
          %get3A_1374 = arith.index_cast %add3A_1370 : i32 to index
          %get3A_1375 = tpu.vector_load %arg7[%get3A_1372, %get3A_1373, %get3A_1374] {strides = array<i32>} : memref<12x16x256xf32, #tpu.memory_space<vmem>>, vector<16xf32>,
          %add3A_1376 = arith.constant 32 : i32
          %add3A_1377 = arith.addi %multiple_of3A_186, %add3A_1376 : i32
          %get3A_1378 = arith.constant 10 : i32
          %get3A_1379 = arith.index_cast %scan3A_321 : i32 to index
          %get3A_1380 = arith.index_cast %get3A_1378 : i32 to index
          %get3A_1381 = arith.index_cast %add3A_1377 : i32 to index
          %get3A_1382 = tpu.vector_load %arg7[%get3A_1379, %get3A_1380, %get3A_1381] {strides = array<i32>} : memref<12x16x256xf32, #tpu.memory_space<vmem>>, vector<16xf32>,
          %add3A_1383 = arith.constant 48 : i32
          %add3A_1384 = arith.addi %multiple_of3A_186, %add3A_1383 : i32
          %get3A_1385 = arith.constant 10 : i32
          %get3A_1386 = arith.index_cast %scan3A_321 : i32 to index
          %get3A_1387 = arith.index_cast %get3A_1385 : i32 to index
          %get3A_1388 = arith.index_cast %add3A_1384 : i32 to index
          %get3A_1389 = tpu.vector_load %arg7[%get3A_1386, %get3A_1387, %get3A_1388] {strides = array<i32>} : memref<12x16x256xf32, #tpu.memory_space<vmem>>, vector<16xf32>,
          %add3A_1390 = arith.constant 64 : i32
          %add3A_1391 = arith.addi %multiple_of3A_186, %add3A_1390 : i32
          %get3A_1392 = arith.constant 10 : i32
          %get3A_1393 = arith.index_cast %scan3A_321 : i32 to index
          %get3A_1394 = arith.index_cast %get3A_1392 : i32 to index
          %get3A_1395 = arith.index_cast %add3A_1391 : i32 to index
          %get3A_1396 = tpu.vector_load %arg7[%get3A_1393, %get3A_1394, %get3A_1395] {strides = array<i32>} : memref<12x16x256xf32, #tpu.memory_space<vmem>>, vector<16xf32>,
          %add3A_1397 = arith.constant 80 : i32
          %add3A_1398 = arith.addi %multiple_of3A_186, %add3A_1397 : i32
          %get3A_1399 = arith.constant 10 : i32
          %get3A_1400 = arith.index_cast %scan3A_321 : i32 to index
          %get3A_1401 = arith.index_cast %get3A_1399 : i32 to index
          %get3A_1402 = arith.index_cast %add3A_1398 : i32 to index
          %get3A_1403 = tpu.vector_load %arg7[%get3A_1400, %get3A_1401, %get3A_1402] {strides = array<i32>} : memref<12x16x256xf32, #tpu.memory_space<vmem>>, vector<16xf32>,
          %add3A_1404 = arith.constant 96 : i32
          %add3A_1405 = arith.addi %multiple_of3A_186, %add3A_1404 : i32
          %get3A_1406 = arith.constant 10 : i32
          %get3A_1407 = arith.index_cast %scan3A_321 : i32 to index
          %get3A_1408 = arith.index_cast %get3A_1406 : i32 to index
          %get3A_1409 = arith.index_cast %add3A_1405 : i32 to index
          %get3A_1410 = tpu.vector_load %arg7[%get3A_1407, %get3A_1408, %get3A_1409] {strides = array<i32>} : memref<12x16x256xf32, #tpu.memory_space<vmem>>, vector<16xf32>,
          %add3A_1411 = arith.constant 112 : i32
          %add3A_1412 = arith.addi %multiple_of3A_186, %add3A_1411 : i32
          %get3A_1413 = arith.constant 10 : i32
          %get3A_1414 = arith.index_cast %scan3A_321 : i32 to index
          %get3A_1415 = arith.index_cast %get3A_1413 : i32 to index
          %get3A_1416 = arith.index_cast %add3A_1412 : i32 to index
          %get3A_1417 = tpu.vector_load %arg7[%get3A_1414, %get3A_1415, %get3A_1416] {strides = array<i32>} : memref<12x16x256xf32, #tpu.memory_space<vmem>>, vector<16xf32>,
          %add3A_1418 = arith.constant 15480 : i32
          %add3A_1419 = arith.addi %add3A_1418, %mul3A_323 : i32
          %add3A_1420 = arith.constant 0 : i32
          %add3A_1421 = arith.addi %add3A_1419, %add3A_1420 : i32
          %swap3A_1422 = arith.index_cast %add3A_1421 : i32 to index
          %swap3A_1423 = tpu.vector_load %arg8[%swap3A_1422] {strides = array<i32>} : memref<24768xf32, #tpu.memory_space<vmem>>, vector<16xf32>,
          tpu.vector_store %arg8[%swap3A_1422], %get3A_1368 {strides = array<i32>} : memref<24768xf32, #tpu.memory_space<vmem>>, vector<16xf32>,
          %add3A_1424 = arith.constant 15480 : i32
          %add3A_1425 = arith.addi %add3A_1424, %mul3A_323 : i32
          %add3A_1426 = arith.constant 16 : i32
          %add3A_1427 = arith.addi %add3A_1425, %add3A_1426 : i32
          %swap3A_1428 = arith.index_cast %add3A_1427 : i32 to index
          %swap3A_1429 = tpu.vector_load %arg8[%swap3A_1428] {strides = array<i32>} : memref<24768xf32, #tpu.memory_space<vmem>>, vector<16xf32>,
          tpu.vector_store %arg8[%swap3A_1428], %get3A_1375 {strides = array<i32>} : memref<24768xf32, #tpu.memory_space<vmem>>, vector<16xf32>,
          %add3A_1430 = arith.constant 15480 : i32
          %add3A_1431 = arith.addi %add3A_1430, %mul3A_323 : i32
          %add3A_1432 = arith.constant 32 : i32
          %add3A_1433 = arith.addi %add3A_1431, %add3A_1432 : i32
          %swap3A_1434 = arith.index_cast %add3A_1433 : i32 to index
          %swap3A_1435 = tpu.vector_load %arg8[%swap3A_1434] {strides = array<i32>} : memref<24768xf32, #tpu.memory_space<vmem>>, vector<16xf32>,
          tpu.vector_store %arg8[%swap3A_1434], %get3A_1382 {strides = array<i32>} : memref<24768xf32, #tpu.memory_space<vmem>>, vector<16xf32>,
          %add3A_1436 = arith.constant 15480 : i32
          %add3A_1437 = arith.addi %add3A_1436, %mul3A_323 : i32
          %add3A_1438 = arith.constant 48 : i32
          %add3A_1439 = arith.addi %add3A_1437, %add3A_1438 : i32
          %swap3A_1440 = arith.index_cast %add3A_1439 : i32 to index
          %swap3A_1441 = tpu.vector_load %arg8[%swap3A_1440] {strides = array<i32>} : memref<24768xf32, #tpu.memory_space<vmem>>, vector<16xf32>,
          tpu.vector_store %arg8[%swap3A_1440], %get3A_1389 {strides = array<i32>} : memref<24768xf32, #tpu.memory_space<vmem>>, vector<16xf32>,
          %add3A_1442 = arith.constant 15480 : i32
          %add3A_1443 = arith.addi %add3A_1442, %mul3A_323 : i32
          %add3A_1444 = arith.constant 64 : i32
          %add3A_1445 = arith.addi %add3A_1443, %add3A_1444 : i32
          %swap3A_1446 = arith.index_cast %add3A_1445 : i32 to index
          %swap3A_1447 = tpu.vector_load %arg8[%swap3A_1446] {strides = array<i32>} : memref<24768xf32, #tpu.memory_space<vmem>>, vector<16xf32>,
          tpu.vector_store %arg8[%swap3A_1446], %get3A_1396 {strides = array<i32>} : memref<24768xf32, #tpu.memory_space<vmem>>, vector<16xf32>,
          %add3A_1448 = arith.constant 15480 : i32
          %add3A_1449 = arith.addi %add3A_1448, %mul3A_323 : i32
          %add3A_1450 = arith.constant 80 : i32
          %add3A_1451 = arith.addi %add3A_1449, %add3A_1450 : i32
          %swap3A_1452 = arith.index_cast %add3A_1451 : i32 to index
          %swap3A_1453 = tpu.vector_load %arg8[%swap3A_1452] {strides = array<i32>} : memref<24768xf32, #tpu.memory_space<vmem>>, vector<16xf32>,
          tpu.vector_store %arg8[%swap3A_1452], %get3A_1403 {strides = array<i32>} : memref<24768xf32, #tpu.memory_space<vmem>>, vector<16xf32>,
          %add3A_1454 = arith.constant 15480 : i32
          %add3A_1455 = arith.addi %add3A_1454, %mul3A_323 : i32
          %add3A_1456 = arith.constant 96 : i32
          %add3A_1457 = arith.addi %add3A_1455, %add3A_1456 : i32
          %swap3A_1458 = arith.index_cast %add3A_1457 : i32 to index
          %swap3A_1459 = tpu.vector_load %arg8[%swap3A_1458] {strides = array<i32>} : memref<24768xf32, #tpu.memory_space<vmem>>, vector<16xf32>,
          tpu.vector_store %arg8[%swap3A_1458], %get3A_1410 {strides = array<i32>} : memref<24768xf32, #tpu.memory_space<vmem>>, vector<16xf32>,
          %add3A_1460 = arith.constant 15480 : i32
          %add3A_1461 = arith.addi %add3A_1460, %mul3A_323 : i32
          %add3A_1462 = arith.constant 112 : i32
          %add3A_1463 = arith.addi %add3A_1461, %add3A_1462 : i32
          %swap3A_1464 = arith.index_cast %add3A_1463 : i32 to index
          %swap3A_1465 = tpu.vector_load %arg8[%swap3A_1464] {strides = array<i32>} : memref<24768xf32, #tpu.memory_space<vmem>>, vector<16xf32>,
          tpu.vector_store %arg8[%swap3A_1464], %get3A_1417 {strides = array<i32>} : memref<24768xf32, #tpu.memory_space<vmem>>, vector<16xf32>,
          %add3A_1466 = arith.constant 0 : i32
          %add3A_1467 = arith.addi %multiple_of3A_186, %add3A_1466 : i32
          %get3A_1468 = arith.constant 11 : i32
          %get3A_1469 = arith.index_cast %scan3A_321 : i32 to index
          %get3A_1470 = arith.index_cast %get3A_1468 : i32 to index
          %get3A_1471 = arith.index_cast %add3A_1467 : i32 to index
          %get3A_1472 = tpu.vector_load %arg7[%get3A_1469, %get3A_1470, %get3A_1471] {strides = array<i32>} : memref<12x16x256xf32, #tpu.memory_space<vmem>>, vector<16xf32>,
          %add3A_1473 = arith.constant 16 : i32
          %add3A_1474 = arith.addi %multiple_of3A_186, %add3A_1473 : i32
          %get3A_1475 = arith.constant 11 : i32
          %get3A_1476 = arith.index_cast %scan3A_321 : i32 to index
          %get3A_1477 = arith.index_cast %get3A_1475 : i32 to index
          %get3A_1478 = arith.index_cast %add3A_1474 : i32 to index
          %get3A_1479 = tpu.vector_load %arg7[%get3A_1476, %get3A_1477, %get3A_1478] {strides = array<i32>} : memref<12x16x256xf32, #tpu.memory_space<vmem>>, vector<16xf32>,
          %add3A_1480 = arith.constant 32 : i32
          %add3A_1481 = arith.addi %multiple_of3A_186, %add3A_1480 : i32
          %get3A_1482 = arith.constant 11 : i32
          %get3A_1483 = arith.index_cast %scan3A_321 : i32 to index
          %get3A_1484 = arith.index_cast %get3A_1482 : i32 to index
          %get3A_1485 = arith.index_cast %add3A_1481 : i32 to index
          %get3A_1486 = tpu.vector_load %arg7[%get3A_1483, %get3A_1484, %get3A_1485] {strides = array<i32>} : memref<12x16x256xf32, #tpu.memory_space<vmem>>, vector<16xf32>,
          %add3A_1487 = arith.constant 48 : i32
          %add3A_1488 = arith.addi %multiple_of3A_186, %add3A_1487 : i32
          %get3A_1489 = arith.constant 11 : i32
          %get3A_1490 = arith.index_cast %scan3A_321 : i32 to index
          %get3A_1491 = arith.index_cast %get3A_1489 : i32 to index
          %get3A_1492 = arith.index_cast %add3A_1488 : i32 to index
          %get3A_1493 = tpu.vector_load %arg7[%get3A_1490, %get3A_1491, %get3A_1492] {strides = array<i32>} : memref<12x16x256xf32, #tpu.memory_space<vmem>>, vector<16xf32>,
          %add3A_1494 = arith.constant 64 : i32
          %add3A_1495 = arith.addi %multiple_of3A_186, %add3A_1494 : i32
          %get3A_1496 = arith.constant 11 : i32
          %get3A_1497 = arith.index_cast %scan3A_321 : i32 to index
          %get3A_1498 = arith.index_cast %get3A_1496 : i32 to index
          %get3A_1499 = arith.index_cast %add3A_1495 : i32 to index
          %get3A_1500 = tpu.vector_load %arg7[%get3A_1497, %get3A_1498, %get3A_1499] {strides = array<i32>} : memref<12x16x256xf32, #tpu.memory_space<vmem>>, vector<16xf32>,
          %add3A_1501 = arith.constant 80 : i32
          %add3A_1502 = arith.addi %multiple_of3A_186, %add3A_1501 : i32
          %get3A_1503 = arith.constant 11 : i32
          %get3A_1504 = arith.index_cast %scan3A_321 : i32 to index
          %get3A_1505 = arith.index_cast %get3A_1503 : i32 to index
          %get3A_1506 = arith.index_cast %add3A_1502 : i32 to index
          %get3A_1507 = tpu.vector_load %arg7[%get3A_1504, %get3A_1505, %get3A_1506] {strides = array<i32>} : memref<12x16x256xf32, #tpu.memory_space<vmem>>, vector<16xf32>,
          %add3A_1508 = arith.constant 96 : i32
          %add3A_1509 = arith.addi %multiple_of3A_186, %add3A_1508 : i32
          %get3A_1510 = arith.constant 11 : i32
          %get3A_1511 = arith.index_cast %scan3A_321 : i32 to index
          %get3A_1512 = arith.index_cast %get3A_1510 : i32 to index
          %get3A_1513 = arith.index_cast %add3A_1509 : i32 to index
          %get3A_1514 = tpu.vector_load %arg7[%get3A_1511, %get3A_1512, %get3A_1513] {strides = array<i32>} : memref<12x16x256xf32, #tpu.memory_space<vmem>>, vector<16xf32>,
          %add3A_1515 = arith.constant 112 : i32
          %add3A_1516 = arith.addi %multiple_of3A_186, %add3A_1515 : i32
          %get3A_1517 = arith.constant 11 : i32
          %get3A_1518 = arith.index_cast %scan3A_321 : i32 to index
          %get3A_1519 = arith.index_cast %get3A_1517 : i32 to index
          %get3A_1520 = arith.index_cast %add3A_1516 : i32 to index
          %get3A_1521 = tpu.vector_load %arg7[%get3A_1518, %get3A_1519, %get3A_1520] {strides = array<i32>} : memref<12x16x256xf32, #tpu.memory_space<vmem>>, vector<16xf32>,
          %add3A_1522 = arith.constant 17028 : i32
          %add3A_1523 = arith.addi %add3A_1522, %mul3A_323 : i32
          %add3A_1524 = arith.constant 0 : i32
          %add3A_1525 = arith.addi %add3A_1523, %add3A_1524 : i32
          %swap3A_1526 = arith.index_cast %add3A_1525 : i32 to index
          %swap3A_1527 = tpu.vector_load %arg8[%swap3A_1526] {strides = array<i32>} : memref<24768xf32, #tpu.memory_space<vmem>>, vector<16xf32>,
          tpu.vector_store %arg8[%swap3A_1526], %get3A_1472 {strides = array<i32>} : memref<24768xf32, #tpu.memory_space<vmem>>, vector<16xf32>,
          %add3A_1528 = arith.constant 17028 : i32
          %add3A_1529 = arith.addi %add3A_1528, %mul3A_323 : i32
          %add3A_1530 = arith.constant 16 : i32
          %add3A_1531 = arith.addi %add3A_1529, %add3A_1530 : i32
          %swap3A_1532 = arith.index_cast %add3A_1531 : i32 to index
          %swap3A_1533 = tpu.vector_load %arg8[%swap3A_1532] {strides = array<i32>} : memref<24768xf32, #tpu.memory_space<vmem>>, vector<16xf32>,
          tpu.vector_store %arg8[%swap3A_1532], %get3A_1479 {strides = array<i32>} : memref<24768xf32, #tpu.memory_space<vmem>>, vector<16xf32>,
          %add3A_1534 = arith.constant 17028 : i32
          %add3A_1535 = arith.addi %add3A_1534, %mul3A_323 : i32
          %add3A_1536 = arith.constant 32 : i32
          %add3A_1537 = arith.addi %add3A_1535, %add3A_1536 : i32
          %swap3A_1538 = arith.index_cast %add3A_1537 : i32 to index
          %swap3A_1539 = tpu.vector_load %arg8[%swap3A_1538] {strides = array<i32>} : memref<24768xf32, #tpu.memory_space<vmem>>, vector<16xf32>,
          tpu.vector_store %arg8[%swap3A_1538], %get3A_1486 {strides = array<i32>} : memref<24768xf32, #tpu.memory_space<vmem>>, vector<16xf32>,
          %add3A_1540 = arith.constant 17028 : i32
          %add3A_1541 = arith.addi %add3A_1540, %mul3A_323 : i32
          %add3A_1542 = arith.constant 48 : i32
          %add3A_1543 = arith.addi %add3A_1541, %add3A_1542 : i32
          %swap3A_1544 = arith.index_cast %add3A_1543 : i32 to index
          %swap3A_1545 = tpu.vector_load %arg8[%swap3A_1544] {strides = array<i32>} : memref<24768xf32, #tpu.memory_space<vmem>>, vector<16xf32>,
          tpu.vector_store %arg8[%swap3A_1544], %get3A_1493 {strides = array<i32>} : memref<24768xf32, #tpu.memory_space<vmem>>, vector<16xf32>,
          %add3A_1546 = arith.constant 17028 : i32
          %add3A_1547 = arith.addi %add3A_1546, %mul3A_323 : i32
          %add3A_1548 = arith.constant 64 : i32
          %add3A_1549 = arith.addi %add3A_1547, %add3A_1548 : i32
          %swap3A_1550 = arith.index_cast %add3A_1549 : i32 to index
          %swap3A_1551 = tpu.vector_load %arg8[%swap3A_1550] {strides = array<i32>} : memref<24768xf32, #tpu.memory_space<vmem>>, vector<16xf32>,
          tpu.vector_store %arg8[%swap3A_1550], %get3A_1500 {strides = array<i32>} : memref<24768xf32, #tpu.memory_space<vmem>>, vector<16xf32>,
          %add3A_1552 = arith.constant 17028 : i32
          %add3A_1553 = arith.addi %add3A_1552, %mul3A_323 : i32
          %add3A_1554 = arith.constant 80 : i32
          %add3A_1555 = arith.addi %add3A_1553, %add3A_1554 : i32
          %swap3A_1556 = arith.index_cast %add3A_1555 : i32 to index
          %swap3A_1557 = tpu.vector_load %arg8[%swap3A_1556] {strides = array<i32>} : memref<24768xf32, #tpu.memory_space<vmem>>, vector<16xf32>,
          tpu.vector_store %arg8[%swap3A_1556], %get3A_1507 {strides = array<i32>} : memref<24768xf32, #tpu.memory_space<vmem>>, vector<16xf32>,
          %add3A_1558 = arith.constant 17028 : i32
          %add3A_1559 = arith.addi %add3A_1558, %mul3A_323 : i32
          %add3A_1560 = arith.constant 96 : i32
          %add3A_1561 = arith.addi %add3A_1559, %add3A_1560 : i32
          %swap3A_1562 = arith.index_cast %add3A_1561 : i32 to index
          %swap3A_1563 = tpu.vector_load %arg8[%swap3A_1562] {strides = array<i32>} : memref<24768xf32, #tpu.memory_space<vmem>>, vector<16xf32>,
          tpu.vector_store %arg8[%swap3A_1562], %get3A_1514 {strides = array<i32>} : memref<24768xf32, #tpu.memory_space<vmem>>, vector<16xf32>,
          %add3A_1564 = arith.constant 17028 : i32
          %add3A_1565 = arith.addi %add3A_1564, %mul3A_323 : i32
          %add3A_1566 = arith.constant 112 : i32
          %add3A_1567 = arith.addi %add3A_1565, %add3A_1566 : i32
          %swap3A_1568 = arith.index_cast %add3A_1567 : i32 to index
          %swap3A_1569 = tpu.vector_load %arg8[%swap3A_1568] {strides = array<i32>} : memref<24768xf32, #tpu.memory_space<vmem>>, vector<16xf32>,
          tpu.vector_store %arg8[%swap3A_1568], %get3A_1521 {strides = array<i32>} : memref<24768xf32, #tpu.memory_space<vmem>>, vector<16xf32>,
          %add3A_1570 = arith.constant 0 : i32
          %add3A_1571 = arith.addi %multiple_of3A_186, %add3A_1570 : i32
          %get3A_1572 = arith.constant 12 : i32
          %get3A_1573 = arith.index_cast %scan3A_321 : i32 to index
          %get3A_1574 = arith.index_cast %get3A_1572 : i32 to index
          %get3A_1575 = arith.index_cast %add3A_1571 : i32 to index
          %get3A_1576 = tpu.vector_load %arg7[%get3A_1573, %get3A_1574, %get3A_1575] {strides = array<i32>} : memref<12x16x256xf32, #tpu.memory_space<vmem>>, vector<16xf32>,
          %add3A_1577 = arith.constant 16 : i32
          %add3A_1578 = arith.addi %multiple_of3A_186, %add3A_1577 : i32
          %get3A_1579 = arith.constant 12 : i32
          %get3A_1580 = arith.index_cast %scan3A_321 : i32 to index
          %get3A_1581 = arith.index_cast %get3A_1579 : i32 to index
          %get3A_1582 = arith.index_cast %add3A_1578 : i32 to index
          %get3A_1583 = tpu.vector_load %arg7[%get3A_1580, %get3A_1581, %get3A_1582] {strides = array<i32>} : memref<12x16x256xf32, #tpu.memory_space<vmem>>, vector<16xf32>,
          %add3A_1584 = arith.constant 32 : i32
          %add3A_1585 = arith.addi %multiple_of3A_186, %add3A_1584 : i32
          %get3A_1586 = arith.constant 12 : i32
          %get3A_1587 = arith.index_cast %scan3A_321 : i32 to index
          %get3A_1588 = arith.index_cast %get3A_1586 : i32 to index
          %get3A_1589 = arith.index_cast %add3A_1585 : i32 to index
          %get3A_1590 = tpu.vector_load %arg7[%get3A_1587, %get3A_1588, %get3A_1589] {strides = array<i32>} : memref<12x16x256xf32, #tpu.memory_space<vmem>>, vector<16xf32>,
          %add3A_1591 = arith.constant 48 : i32
          %add3A_1592 = arith.addi %multiple_of3A_186, %add3A_1591 : i32
          %get3A_1593 = arith.constant 12 : i32
          %get3A_1594 = arith.index_cast %scan3A_321 : i32 to index
          %get3A_1595 = arith.index_cast %get3A_1593 : i32 to index
          %get3A_1596 = arith.index_cast %add3A_1592 : i32 to index
          %get3A_1597 = tpu.vector_load %arg7[%get3A_1594, %get3A_1595, %get3A_1596] {strides = array<i32>} : memref<12x16x256xf32, #tpu.memory_space<vmem>>, vector<16xf32>,
          %add3A_1598 = arith.constant 64 : i32
          %add3A_1599 = arith.addi %multiple_of3A_186, %add3A_1598 : i32
          %get3A_1600 = arith.constant 12 : i32
          %get3A_1601 = arith.index_cast %scan3A_321 : i32 to index
          %get3A_1602 = arith.index_cast %get3A_1600 : i32 to index
          %get3A_1603 = arith.index_cast %add3A_1599 : i32 to index
          %get3A_1604 = tpu.vector_load %arg7[%get3A_1601, %get3A_1602, %get3A_1603] {strides = array<i32>} : memref<12x16x256xf32, #tpu.memory_space<vmem>>, vector<16xf32>,
          %add3A_1605 = arith.constant 80 : i32
          %add3A_1606 = arith.addi %multiple_of3A_186, %add3A_1605 : i32
          %get3A_1607 = arith.constant 12 : i32
          %get3A_1608 = arith.index_cast %scan3A_321 : i32 to index
          %get3A_1609 = arith.index_cast %get3A_1607 : i32 to index
          %get3A_1610 = arith.index_cast %add3A_1606 : i32 to index
          %get3A_1611 = tpu.vector_load %arg7[%get3A_1608, %get3A_1609, %get3A_1610] {strides = array<i32>} : memref<12x16x256xf32, #tpu.memory_space<vmem>>, vector<16xf32>,
          %add3A_1612 = arith.constant 96 : i32
          %add3A_1613 = arith.addi %multiple_of3A_186, %add3A_1612 : i32
          %get3A_1614 = arith.constant 12 : i32
          %get3A_1615 = arith.index_cast %scan3A_321 : i32 to index
          %get3A_1616 = arith.index_cast %get3A_1614 : i32 to index
          %get3A_1617 = arith.index_cast %add3A_1613 : i32 to index
          %get3A_1618 = tpu.vector_load %arg7[%get3A_1615, %get3A_1616, %get3A_1617] {strides = array<i32>} : memref<12x16x256xf32, #tpu.memory_space<vmem>>, vector<16xf32>,
          %add3A_1619 = arith.constant 112 : i32
          %add3A_1620 = arith.addi %multiple_of3A_186, %add3A_1619 : i32
          %get3A_1621 = arith.constant 12 : i32
          %get3A_1622 = arith.index_cast %scan3A_321 : i32 to index
          %get3A_1623 = arith.index_cast %get3A_1621 : i32 to index
          %get3A_1624 = arith.index_cast %add3A_1620 : i32 to index
          %get3A_1625 = tpu.vector_load %arg7[%get3A_1622, %get3A_1623, %get3A_1624] {strides = array<i32>} : memref<12x16x256xf32, #tpu.memory_space<vmem>>, vector<16xf32>,
          %add3A_1626 = arith.constant 18576 : i32
          %add3A_1627 = arith.addi %add3A_1626, %mul3A_323 : i32
          %add3A_1628 = arith.constant 0 : i32
          %add3A_1629 = arith.addi %add3A_1627, %add3A_1628 : i32
          %swap3A_1630 = arith.index_cast %add3A_1629 : i32 to index
          %swap3A_1631 = tpu.vector_load %arg8[%swap3A_1630] {strides = array<i32>} : memref<24768xf32, #tpu.memory_space<vmem>>, vector<16xf32>,
          tpu.vector_store %arg8[%swap3A_1630], %get3A_1576 {strides = array<i32>} : memref<24768xf32, #tpu.memory_space<vmem>>, vector<16xf32>,
          %add3A_1632 = arith.constant 18576 : i32
          %add3A_1633 = arith.addi %add3A_1632, %mul3A_323 : i32
          %add3A_1634 = arith.constant 16 : i32
          %add3A_1635 = arith.addi %add3A_1633, %add3A_1634 : i32
          %swap3A_1636 = arith.index_cast %add3A_1635 : i32 to index
          %swap3A_1637 = tpu.vector_load %arg8[%swap3A_1636] {strides = array<i32>} : memref<24768xf32, #tpu.memory_space<vmem>>, vector<16xf32>,
          tpu.vector_store %arg8[%swap3A_1636], %get3A_1583 {strides = array<i32>} : memref<24768xf32, #tpu.memory_space<vmem>>, vector<16xf32>,
          %add3A_1638 = arith.constant 18576 : i32
          %add3A_1639 = arith.addi %add3A_1638, %mul3A_323 : i32
          %add3A_1640 = arith.constant 32 : i32
          %add3A_1641 = arith.addi %add3A_1639, %add3A_1640 : i32
          %swap3A_1642 = arith.index_cast %add3A_1641 : i32 to index
          %swap3A_1643 = tpu.vector_load %arg8[%swap3A_1642] {strides = array<i32>} : memref<24768xf32, #tpu.memory_space<vmem>>, vector<16xf32>,
          tpu.vector_store %arg8[%swap3A_1642], %get3A_1590 {strides = array<i32>} : memref<24768xf32, #tpu.memory_space<vmem>>, vector<16xf32>,
          %add3A_1644 = arith.constant 18576 : i32
          %add3A_1645 = arith.addi %add3A_1644, %mul3A_323 : i32
          %add3A_1646 = arith.constant 48 : i32
          %add3A_1647 = arith.addi %add3A_1645, %add3A_1646 : i32
          %swap3A_1648 = arith.index_cast %add3A_1647 : i32 to index
          %swap3A_1649 = tpu.vector_load %arg8[%swap3A_1648] {strides = array<i32>} : memref<24768xf32, #tpu.memory_space<vmem>>, vector<16xf32>,
          tpu.vector_store %arg8[%swap3A_1648], %get3A_1597 {strides = array<i32>} : memref<24768xf32, #tpu.memory_space<vmem>>, vector<16xf32>,
          %add3A_1650 = arith.constant 18576 : i32
          %add3A_1651 = arith.addi %add3A_1650, %mul3A_323 : i32
          %add3A_1652 = arith.constant 64 : i32
          %add3A_1653 = arith.addi %add3A_1651, %add3A_1652 : i32
          %swap3A_1654 = arith.index_cast %add3A_1653 : i32 to index
          %swap3A_1655 = tpu.vector_load %arg8[%swap3A_1654] {strides = array<i32>} : memref<24768xf32, #tpu.memory_space<vmem>>, vector<16xf32>,
          tpu.vector_store %arg8[%swap3A_1654], %get3A_1604 {strides = array<i32>} : memref<24768xf32, #tpu.memory_space<vmem>>, vector<16xf32>,
          %add3A_1656 = arith.constant 18576 : i32
          %add3A_1657 = arith.addi %add3A_1656, %mul3A_323 : i32
          %add3A_1658 = arith.constant 80 : i32
          %add3A_1659 = arith.addi %add3A_1657, %add3A_1658 : i32
          %swap3A_1660 = arith.index_cast %add3A_1659 : i32 to index
          %swap3A_1661 = tpu.vector_load %arg8[%swap3A_1660] {strides = array<i32>} : memref<24768xf32, #tpu.memory_space<vmem>>, vector<16xf32>,
          tpu.vector_store %arg8[%swap3A_1660], %get3A_1611 {strides = array<i32>} : memref<24768xf32, #tpu.memory_space<vmem>>, vector<16xf32>,
          %add3A_1662 = arith.constant 18576 : i32
          %add3A_1663 = arith.addi %add3A_1662, %mul3A_323 : i32
          %add3A_1664 = arith.constant 96 : i32
          %add3A_1665 = arith.addi %add3A_1663, %add3A_1664 : i32
          %swap3A_1666 = arith.index_cast %add3A_1665 : i32 to index
          %swap3A_1667 = tpu.vector_load %arg8[%swap3A_1666] {strides = array<i32>} : memref<24768xf32, #tpu.memory_space<vmem>>, vector<16xf32>,
          tpu.vector_store %arg8[%swap3A_1666], %get3A_1618 {strides = array<i32>} : memref<24768xf32, #tpu.memory_space<vmem>>, vector<16xf32>,
          %add3A_1668 = arith.constant 18576 : i32
          %add3A_1669 = arith.addi %add3A_1668, %mul3A_323 : i32
          %add3A_1670 = arith.constant 112 : i32
          %add3A_1671 = arith.addi %add3A_1669, %add3A_1670 : i32
          %swap3A_1672 = arith.index_cast %add3A_1671 : i32 to index
          %swap3A_1673 = tpu.vector_load %arg8[%swap3A_1672] {strides = array<i32>} : memref<24768xf32, #tpu.memory_space<vmem>>, vector<16xf32>,
          tpu.vector_store %arg8[%swap3A_1672], %get3A_1625 {strides = array<i32>} : memref<24768xf32, #tpu.memory_space<vmem>>, vector<16xf32>,
          %add3A_1674 = arith.constant 0 : i32
          %add3A_1675 = arith.addi %multiple_of3A_186, %add3A_1674 : i32
          %get3A_1676 = arith.constant 13 : i32
          %get3A_1677 = arith.index_cast %scan3A_321 : i32 to index
          %get3A_1678 = arith.index_cast %get3A_1676 : i32 to index
          %get3A_1679 = arith.index_cast %add3A_1675 : i32 to index
          %get3A_1680 = tpu.vector_load %arg7[%get3A_1677, %get3A_1678, %get3A_1679] {strides = array<i32>} : memref<12x16x256xf32, #tpu.memory_space<vmem>>, vector<16xf32>,
          %add3A_1681 = arith.constant 16 : i32
          %add3A_1682 = arith.addi %multiple_of3A_186, %add3A_1681 : i32
          %get3A_1683 = arith.constant 13 : i32
          %get3A_1684 = arith.index_cast %scan3A_321 : i32 to index
          %get3A_1685 = arith.index_cast %get3A_1683 : i32 to index
          %get3A_1686 = arith.index_cast %add3A_1682 : i32 to index
          %get3A_1687 = tpu.vector_load %arg7[%get3A_1684, %get3A_1685, %get3A_1686] {strides = array<i32>} : memref<12x16x256xf32, #tpu.memory_space<vmem>>, vector<16xf32>,
          %add3A_1688 = arith.constant 32 : i32
          %add3A_1689 = arith.addi %multiple_of3A_186, %add3A_1688 : i32
          %get3A_1690 = arith.constant 13 : i32
          %get3A_1691 = arith.index_cast %scan3A_321 : i32 to index
          %get3A_1692 = arith.index_cast %get3A_1690 : i32 to index
          %get3A_1693 = arith.index_cast %add3A_1689 : i32 to index
          %get3A_1694 = tpu.vector_load %arg7[%get3A_1691, %get3A_1692, %get3A_1693] {strides = array<i32>} : memref<12x16x256xf32, #tpu.memory_space<vmem>>, vector<16xf32>,
          %add3A_1695 = arith.constant 48 : i32
          %add3A_1696 = arith.addi %multiple_of3A_186, %add3A_1695 : i32
          %get3A_1697 = arith.constant 13 : i32
          %get3A_1698 = arith.index_cast %scan3A_321 : i32 to index
          %get3A_1699 = arith.index_cast %get3A_1697 : i32 to index
          %get3A_1700 = arith.index_cast %add3A_1696 : i32 to index
          %get3A_1701 = tpu.vector_load %arg7[%get3A_1698, %get3A_1699, %get3A_1700] {strides = array<i32>} : memref<12x16x256xf32, #tpu.memory_space<vmem>>, vector<16xf32>,
          %add3A_1702 = arith.constant 64 : i32
          %add3A_1703 = arith.addi %multiple_of3A_186, %add3A_1702 : i32
          %get3A_1704 = arith.constant 13 : i32
          %get3A_1705 = arith.index_cast %scan3A_321 : i32 to index
          %get3A_1706 = arith.index_cast %get3A_1704 : i32 to index
          %get3A_1707 = arith.index_cast %add3A_1703 : i32 to index
          %get3A_1708 = tpu.vector_load %arg7[%get3A_1705, %get3A_1706, %get3A_1707] {strides = array<i32>} : memref<12x16x256xf32, #tpu.memory_space<vmem>>, vector<16xf32>,
          %add3A_1709 = arith.constant 80 : i32
          %add3A_1710 = arith.addi %multiple_of3A_186, %add3A_1709 : i32
          %get3A_1711 = arith.constant 13 : i32
          %get3A_1712 = arith.index_cast %scan3A_321 : i32 to index
          %get3A_1713 = arith.index_cast %get3A_1711 : i32 to index
          %get3A_1714 = arith.index_cast %add3A_1710 : i32 to index
          %get3A_1715 = tpu.vector_load %arg7[%get3A_1712, %get3A_1713, %get3A_1714] {strides = array<i32>} : memref<12x16x256xf32, #tpu.memory_space<vmem>>, vector<16xf32>,
          %add3A_1716 = arith.constant 96 : i32
          %add3A_1717 = arith.addi %multiple_of3A_186, %add3A_1716 : i32
          %get3A_1718 = arith.constant 13 : i32
          %get3A_1719 = arith.index_cast %scan3A_321 : i32 to index
          %get3A_1720 = arith.index_cast %get3A_1718 : i32 to index
          %get3A_1721 = arith.index_cast %add3A_1717 : i32 to index
          %get3A_1722 = tpu.vector_load %arg7[%get3A_1719, %get3A_1720, %get3A_1721] {strides = array<i32>} : memref<12x16x256xf32, #tpu.memory_space<vmem>>, vector<16xf32>,
          %add3A_1723 = arith.constant 112 : i32
          %add3A_1724 = arith.addi %multiple_of3A_186, %add3A_1723 : i32
          %get3A_1725 = arith.constant 13 : i32
          %get3A_1726 = arith.index_cast %scan3A_321 : i32 to index
          %get3A_1727 = arith.index_cast %get3A_1725 : i32 to index
          %get3A_1728 = arith.index_cast %add3A_1724 : i32 to index
          %get3A_1729 = tpu.vector_load %arg7[%get3A_1726, %get3A_1727, %get3A_1728] {strides = array<i32>} : memref<12x16x256xf32, #tpu.memory_space<vmem>>, vector<16xf32>,
          %add3A_1730 = arith.constant 20124 : i32
          %add3A_1731 = arith.addi %add3A_1730, %mul3A_323 : i32
          %add3A_1732 = arith.constant 0 : i32
          %add3A_1733 = arith.addi %add3A_1731, %add3A_1732 : i32
          %swap3A_1734 = arith.index_cast %add3A_1733 : i32 to index
          %swap3A_1735 = tpu.vector_load %arg8[%swap3A_1734] {strides = array<i32>} : memref<24768xf32, #tpu.memory_space<vmem>>, vector<16xf32>,
          tpu.vector_store %arg8[%swap3A_1734], %get3A_1680 {strides = array<i32>} : memref<24768xf32, #tpu.memory_space<vmem>>, vector<16xf32>,
          %add3A_1736 = arith.constant 20124 : i32
          %add3A_1737 = arith.addi %add3A_1736, %mul3A_323 : i32
          %add3A_1738 = arith.constant 16 : i32
          %add3A_1739 = arith.addi %add3A_1737, %add3A_1738 : i32
          %swap3A_1740 = arith.index_cast %add3A_1739 : i32 to index
          %swap3A_1741 = tpu.vector_load %arg8[%swap3A_1740] {strides = array<i32>} : memref<24768xf32, #tpu.memory_space<vmem>>, vector<16xf32>,
          tpu.vector_store %arg8[%swap3A_1740], %get3A_1687 {strides = array<i32>} : memref<24768xf32, #tpu.memory_space<vmem>>, vector<16xf32>,
          %add3A_1742 = arith.constant 20124 : i32
          %add3A_1743 = arith.addi %add3A_1742, %mul3A_323 : i32
          %add3A_1744 = arith.constant 32 : i32
          %add3A_1745 = arith.addi %add3A_1743, %add3A_1744 : i32
          %swap3A_1746 = arith.index_cast %add3A_1745 : i32 to index
          %swap3A_1747 = tpu.vector_load %arg8[%swap3A_1746] {strides = array<i32>} : memref<24768xf32, #tpu.memory_space<vmem>>, vector<16xf32>,
          tpu.vector_store %arg8[%swap3A_1746], %get3A_1694 {strides = array<i32>} : memref<24768xf32, #tpu.memory_space<vmem>>, vector<16xf32>,
          %add3A_1748 = arith.constant 20124 : i32
          %add3A_1749 = arith.addi %add3A_1748, %mul3A_323 : i32
          %add3A_1750 = arith.constant 48 : i32
          %add3A_1751 = arith.addi %add3A_1749, %add3A_1750 : i32
          %swap3A_1752 = arith.index_cast %add3A_1751 : i32 to index
          %swap3A_1753 = tpu.vector_load %arg8[%swap3A_1752] {strides = array<i32>} : memref<24768xf32, #tpu.memory_space<vmem>>, vector<16xf32>,
          tpu.vector_store %arg8[%swap3A_1752], %get3A_1701 {strides = array<i32>} : memref<24768xf32, #tpu.memory_space<vmem>>, vector<16xf32>,
          %add3A_1754 = arith.constant 20124 : i32
          %add3A_1755 = arith.addi %add3A_1754, %mul3A_323 : i32
          %add3A_1756 = arith.constant 64 : i32
          %add3A_1757 = arith.addi %add3A_1755, %add3A_1756 : i32
          %swap3A_1758 = arith.index_cast %add3A_1757 : i32 to index
          %swap3A_1759 = tpu.vector_load %arg8[%swap3A_1758] {strides = array<i32>} : memref<24768xf32, #tpu.memory_space<vmem>>, vector<16xf32>,
          tpu.vector_store %arg8[%swap3A_1758], %get3A_1708 {strides = array<i32>} : memref<24768xf32, #tpu.memory_space<vmem>>, vector<16xf32>,
          %add3A_1760 = arith.constant 20124 : i32
          %add3A_1761 = arith.addi %add3A_1760, %mul3A_323 : i32
          %add3A_1762 = arith.constant 80 : i32
          %add3A_1763 = arith.addi %add3A_1761, %add3A_1762 : i32
          %swap3A_1764 = arith.index_cast %add3A_1763 : i32 to index
          %swap3A_1765 = tpu.vector_load %arg8[%swap3A_1764] {strides = array<i32>} : memref<24768xf32, #tpu.memory_space<vmem>>, vector<16xf32>,
          tpu.vector_store %arg8[%swap3A_1764], %get3A_1715 {strides = array<i32>} : memref<24768xf32, #tpu.memory_space<vmem>>, vector<16xf32>,
          %add3A_1766 = arith.constant 20124 : i32
          %add3A_1767 = arith.addi %add3A_1766, %mul3A_323 : i32
          %add3A_1768 = arith.constant 96 : i32
          %add3A_1769 = arith.addi %add3A_1767, %add3A_1768 : i32
          %swap3A_1770 = arith.index_cast %add3A_1769 : i32 to index
          %swap3A_1771 = tpu.vector_load %arg8[%swap3A_1770] {strides = array<i32>} : memref<24768xf32, #tpu.memory_space<vmem>>, vector<16xf32>,
          tpu.vector_store %arg8[%swap3A_1770], %get3A_1722 {strides = array<i32>} : memref<24768xf32, #tpu.memory_space<vmem>>, vector<16xf32>,
          %add3A_1772 = arith.constant 20124 : i32
          %add3A_1773 = arith.addi %add3A_1772, %mul3A_323 : i32
          %add3A_1774 = arith.constant 112 : i32
          %add3A_1775 = arith.addi %add3A_1773, %add3A_1774 : i32
          %swap3A_1776 = arith.index_cast %add3A_1775 : i32 to index
          %swap3A_1777 = tpu.vector_load %arg8[%swap3A_1776] {strides = array<i32>} : memref<24768xf32, #tpu.memory_space<vmem>>, vector<16xf32>,
          tpu.vector_store %arg8[%swap3A_1776], %get3A_1729 {strides = array<i32>} : memref<24768xf32, #tpu.memory_space<vmem>>, vector<16xf32>,
          %add3A_1778 = arith.constant 0 : i32
          %add3A_1779 = arith.addi %multiple_of3A_186, %add3A_1778 : i32
          %get3A_1780 = arith.constant 14 : i32
          %get3A_1781 = arith.index_cast %scan3A_321 : i32 to index
          %get3A_1782 = arith.index_cast %get3A_1780 : i32 to index
          %get3A_1783 = arith.index_cast %add3A_1779 : i32 to index
          %get3A_1784 = tpu.vector_load %arg7[%get3A_1781, %get3A_1782, %get3A_1783] {strides = array<i32>} : memref<12x16x256xf32, #tpu.memory_space<vmem>>, vector<16xf32>,
          %add3A_1785 = arith.constant 16 : i32
          %add3A_1786 = arith.addi %multiple_of3A_186, %add3A_1785 : i32
          %get3A_1787 = arith.constant 14 : i32
          %get3A_1788 = arith.index_cast %scan3A_321 : i32 to index
          %get3A_1789 = arith.index_cast %get3A_1787 : i32 to index
          %get3A_1790 = arith.index_cast %add3A_1786 : i32 to index
          %get3A_1791 = tpu.vector_load %arg7[%get3A_1788, %get3A_1789, %get3A_1790] {strides = array<i32>} : memref<12x16x256xf32, #tpu.memory_space<vmem>>, vector<16xf32>,
          %add3A_1792 = arith.constant 32 : i32
          %add3A_1793 = arith.addi %multiple_of3A_186, %add3A_1792 : i32
          %get3A_1794 = arith.constant 14 : i32
          %get3A_1795 = arith.index_cast %scan3A_321 : i32 to index
          %get3A_1796 = arith.index_cast %get3A_1794 : i32 to index
          %get3A_1797 = arith.index_cast %add3A_1793 : i32 to index
          %get3A_1798 = tpu.vector_load %arg7[%get3A_1795, %get3A_1796, %get3A_1797] {strides = array<i32>} : memref<12x16x256xf32, #tpu.memory_space<vmem>>, vector<16xf32>,
          %add3A_1799 = arith.constant 48 : i32
          %add3A_1800 = arith.addi %multiple_of3A_186, %add3A_1799 : i32
          %get3A_1801 = arith.constant 14 : i32
          %get3A_1802 = arith.index_cast %scan3A_321 : i32 to index
          %get3A_1803 = arith.index_cast %get3A_1801 : i32 to index
          %get3A_1804 = arith.index_cast %add3A_1800 : i32 to index
          %get3A_1805 = tpu.vector_load %arg7[%get3A_1802, %get3A_1803, %get3A_1804] {strides = array<i32>} : memref<12x16x256xf32, #tpu.memory_space<vmem>>, vector<16xf32>,
          %add3A_1806 = arith.constant 64 : i32
          %add3A_1807 = arith.addi %multiple_of3A_186, %add3A_1806 : i32
          %get3A_1808 = arith.constant 14 : i32
          %get3A_1809 = arith.index_cast %scan3A_321 : i32 to index
          %get3A_1810 = arith.index_cast %get3A_1808 : i32 to index
          %get3A_1811 = arith.index_cast %add3A_1807 : i32 to index
          %get3A_1812 = tpu.vector_load %arg7[%get3A_1809, %get3A_1810, %get3A_1811] {strides = array<i32>} : memref<12x16x256xf32, #tpu.memory_space<vmem>>, vector<16xf32>,
          %add3A_1813 = arith.constant 80 : i32
          %add3A_1814 = arith.addi %multiple_of3A_186, %add3A_1813 : i32
          %get3A_1815 = arith.constant 14 : i32
          %get3A_1816 = arith.index_cast %scan3A_321 : i32 to index
          %get3A_1817 = arith.index_cast %get3A_1815 : i32 to index
          %get3A_1818 = arith.index_cast %add3A_1814 : i32 to index
          %get3A_1819 = tpu.vector_load %arg7[%get3A_1816, %get3A_1817, %get3A_1818] {strides = array<i32>} : memref<12x16x256xf32, #tpu.memory_space<vmem>>, vector<16xf32>,
          %add3A_1820 = arith.constant 96 : i32
          %add3A_1821 = arith.addi %multiple_of3A_186, %add3A_1820 : i32
          %get3A_1822 = arith.constant 14 : i32
          %get3A_1823 = arith.index_cast %scan3A_321 : i32 to index
          %get3A_1824 = arith.index_cast %get3A_1822 : i32 to index
          %get3A_1825 = arith.index_cast %add3A_1821 : i32 to index
          %get3A_1826 = tpu.vector_load %arg7[%get3A_1823, %get3A_1824, %get3A_1825] {strides = array<i32>} : memref<12x16x256xf32, #tpu.memory_space<vmem>>, vector<16xf32>,
          %add3A_1827 = arith.constant 112 : i32
          %add3A_1828 = arith.addi %multiple_of3A_186, %add3A_1827 : i32
          %get3A_1829 = arith.constant 14 : i32
          %get3A_1830 = arith.index_cast %scan3A_321 : i32 to index
          %get3A_1831 = arith.index_cast %get3A_1829 : i32 to index
          %get3A_1832 = arith.index_cast %add3A_1828 : i32 to index
          %get3A_1833 = tpu.vector_load %arg7[%get3A_1830, %get3A_1831, %get3A_1832] {strides = array<i32>} : memref<12x16x256xf32, #tpu.memory_space<vmem>>, vector<16xf32>,
          %add3A_1834 = arith.constant 21672 : i32
          %add3A_1835 = arith.addi %add3A_1834, %mul3A_323 : i32
          %add3A_1836 = arith.constant 0 : i32
          %add3A_1837 = arith.addi %add3A_1835, %add3A_1836 : i32
          %swap3A_1838 = arith.index_cast %add3A_1837 : i32 to index
          %swap3A_1839 = tpu.vector_load %arg8[%swap3A_1838] {strides = array<i32>} : memref<24768xf32, #tpu.memory_space<vmem>>, vector<16xf32>,
          tpu.vector_store %arg8[%swap3A_1838], %get3A_1784 {strides = array<i32>} : memref<24768xf32, #tpu.memory_space<vmem>>, vector<16xf32>,
          %add3A_1840 = arith.constant 21672 : i32
          %add3A_1841 = arith.addi %add3A_1840, %mul3A_323 : i32
          %add3A_1842 = arith.constant 16 : i32
          %add3A_1843 = arith.addi %add3A_1841, %add3A_1842 : i32
          %swap3A_1844 = arith.index_cast %add3A_1843 : i32 to index
          %swap3A_1845 = tpu.vector_load %arg8[%swap3A_1844] {strides = array<i32>} : memref<24768xf32, #tpu.memory_space<vmem>>, vector<16xf32>,
          tpu.vector_store %arg8[%swap3A_1844], %get3A_1791 {strides = array<i32>} : memref<24768xf32, #tpu.memory_space<vmem>>, vector<16xf32>,
          %add3A_1846 = arith.constant 21672 : i32
          %add3A_1847 = arith.addi %add3A_1846, %mul3A_323 : i32
          %add3A_1848 = arith.constant 32 : i32
          %add3A_1849 = arith.addi %add3A_1847, %add3A_1848 : i32
          %swap3A_1850 = arith.index_cast %add3A_1849 : i32 to index
          %swap3A_1851 = tpu.vector_load %arg8[%swap3A_1850] {strides = array<i32>} : memref<24768xf32, #tpu.memory_space<vmem>>, vector<16xf32>,
          tpu.vector_store %arg8[%swap3A_1850], %get3A_1798 {strides = array<i32>} : memref<24768xf32, #tpu.memory_space<vmem>>, vector<16xf32>,
          %add3A_1852 = arith.constant 21672 : i32
          %add3A_1853 = arith.addi %add3A_1852, %mul3A_323 : i32
          %add3A_1854 = arith.constant 48 : i32
          %add3A_1855 = arith.addi %add3A_1853, %add3A_1854 : i32
          %swap3A_1856 = arith.index_cast %add3A_1855 : i32 to index
          %swap3A_1857 = tpu.vector_load %arg8[%swap3A_1856] {strides = array<i32>} : memref<24768xf32, #tpu.memory_space<vmem>>, vector<16xf32>,
          tpu.vector_store %arg8[%swap3A_1856], %get3A_1805 {strides = array<i32>} : memref<24768xf32, #tpu.memory_space<vmem>>, vector<16xf32>,
          %add3A_1858 = arith.constant 21672 : i32
          %add3A_1859 = arith.addi %add3A_1858, %mul3A_323 : i32
          %add3A_1860 = arith.constant 64 : i32
          %add3A_1861 = arith.addi %add3A_1859, %add3A_1860 : i32
          %swap3A_1862 = arith.index_cast %add3A_1861 : i32 to index
          %swap3A_1863 = tpu.vector_load %arg8[%swap3A_1862] {strides = array<i32>} : memref<24768xf32, #tpu.memory_space<vmem>>, vector<16xf32>,
          tpu.vector_store %arg8[%swap3A_1862], %get3A_1812 {strides = array<i32>} : memref<24768xf32, #tpu.memory_space<vmem>>, vector<16xf32>,
          %add3A_1864 = arith.constant 21672 : i32
          %add3A_1865 = arith.addi %add3A_1864, %mul3A_323 : i32
          %add3A_1866 = arith.constant 80 : i32
          %add3A_1867 = arith.addi %add3A_1865, %add3A_1866 : i32
          %swap3A_1868 = arith.index_cast %add3A_1867 : i32 to index
          %swap3A_1869 = tpu.vector_load %arg8[%swap3A_1868] {strides = array<i32>} : memref<24768xf32, #tpu.memory_space<vmem>>, vector<16xf32>,
          tpu.vector_store %arg8[%swap3A_1868], %get3A_1819 {strides = array<i32>} : memref<24768xf32, #tpu.memory_space<vmem>>, vector<16xf32>,
          %add3A_1870 = arith.constant 21672 : i32
          %add3A_1871 = arith.addi %add3A_1870, %mul3A_323 : i32
          %add3A_1872 = arith.constant 96 : i32
          %add3A_1873 = arith.addi %add3A_1871, %add3A_1872 : i32
          %swap3A_1874 = arith.index_cast %add3A_1873 : i32 to index
          %swap3A_1875 = tpu.vector_load %arg8[%swap3A_1874] {strides = array<i32>} : memref<24768xf32, #tpu.memory_space<vmem>>, vector<16xf32>,
          tpu.vector_store %arg8[%swap3A_1874], %get3A_1826 {strides = array<i32>} : memref<24768xf32, #tpu.memory_space<vmem>>, vector<16xf32>,
          %add3A_1876 = arith.constant 21672 : i32
          %add3A_1877 = arith.addi %add3A_1876, %mul3A_323 : i32
          %add3A_1878 = arith.constant 112 : i32
          %add3A_1879 = arith.addi %add3A_1877, %add3A_1878 : i32
          %swap3A_1880 = arith.index_cast %add3A_1879 : i32 to index
          %swap3A_1881 = tpu.vector_load %arg8[%swap3A_1880] {strides = array<i32>} : memref<24768xf32, #tpu.memory_space<vmem>>, vector<16xf32>,
          tpu.vector_store %arg8[%swap3A_1880], %get3A_1833 {strides = array<i32>} : memref<24768xf32, #tpu.memory_space<vmem>>, vector<16xf32>,
          %add3A_1882 = arith.constant 0 : i32
          %add3A_1883 = arith.addi %multiple_of3A_186, %add3A_1882 : i32
          %get3A_1884 = arith.constant 15 : i32
          %get3A_1885 = arith.index_cast %scan3A_321 : i32 to index
          %get3A_1886 = arith.index_cast %get3A_1884 : i32 to index
          %get3A_1887 = arith.index_cast %add3A_1883 : i32 to index
          %get3A_1888 = tpu.vector_load %arg7[%get3A_1885, %get3A_1886, %get3A_1887] {strides = array<i32>} : memref<12x16x256xf32, #tpu.memory_space<vmem>>, vector<16xf32>,
          %add3A_1889 = arith.constant 16 : i32
          %add3A_1890 = arith.addi %multiple_of3A_186, %add3A_1889 : i32
          %get3A_1891 = arith.constant 15 : i32
          %get3A_1892 = arith.index_cast %scan3A_321 : i32 to index
          %get3A_1893 = arith.index_cast %get3A_1891 : i32 to index
          %get3A_1894 = arith.index_cast %add3A_1890 : i32 to index
          %get3A_1895 = tpu.vector_load %arg7[%get3A_1892, %get3A_1893, %get3A_1894] {strides = array<i32>} : memref<12x16x256xf32, #tpu.memory_space<vmem>>, vector<16xf32>,
          %add3A_1896 = arith.constant 32 : i32
          %add3A_1897 = arith.addi %multiple_of3A_186, %add3A_1896 : i32
          %get3A_1898 = arith.constant 15 : i32
          %get3A_1899 = arith.index_cast %scan3A_321 : i32 to index
          %get3A_1900 = arith.index_cast %get3A_1898 : i32 to index
          %get3A_1901 = arith.index_cast %add3A_1897 : i32 to index
          %get3A_1902 = tpu.vector_load %arg7[%get3A_1899, %get3A_1900, %get3A_1901] {strides = array<i32>} : memref<12x16x256xf32, #tpu.memory_space<vmem>>, vector<16xf32>,
          %add3A_1903 = arith.constant 48 : i32
          %add3A_1904 = arith.addi %multiple_of3A_186, %add3A_1903 : i32
          %get3A_1905 = arith.constant 15 : i32
          %get3A_1906 = arith.index_cast %scan3A_321 : i32 to index
          %get3A_1907 = arith.index_cast %get3A_1905 : i32 to index
          %get3A_1908 = arith.index_cast %add3A_1904 : i32 to index
          %get3A_1909 = tpu.vector_load %arg7[%get3A_1906, %get3A_1907, %get3A_1908] {strides = array<i32>} : memref<12x16x256xf32, #tpu.memory_space<vmem>>, vector<16xf32>,
          %add3A_1910 = arith.constant 64 : i32
          %add3A_1911 = arith.addi %multiple_of3A_186, %add3A_1910 : i32
          %get3A_1912 = arith.constant 15 : i32
          %get3A_1913 = arith.index_cast %scan3A_321 : i32 to index
          %get3A_1914 = arith.index_cast %get3A_1912 : i32 to index
          %get3A_1915 = arith.index_cast %add3A_1911 : i32 to index
          %get3A_1916 = tpu.vector_load %arg7[%get3A_1913, %get3A_1914, %get3A_1915] {strides = array<i32>} : memref<12x16x256xf32, #tpu.memory_space<vmem>>, vector<16xf32>,
          %add3A_1917 = arith.constant 80 : i32
          %add3A_1918 = arith.addi %multiple_of3A_186, %add3A_1917 : i32
          %get3A_1919 = arith.constant 15 : i32
          %get3A_1920 = arith.index_cast %scan3A_321 : i32 to index
          %get3A_1921 = arith.index_cast %get3A_1919 : i32 to index
          %get3A_1922 = arith.index_cast %add3A_1918 : i32 to index
          %get3A_1923 = tpu.vector_load %arg7[%get3A_1920, %get3A_1921, %get3A_1922] {strides = array<i32>} : memref<12x16x256xf32, #tpu.memory_space<vmem>>, vector<16xf32>,
          %add3A_1924 = arith.constant 96 : i32
          %add3A_1925 = arith.addi %multiple_of3A_186, %add3A_1924 : i32
          %get3A_1926 = arith.constant 15 : i32
          %get3A_1927 = arith.index_cast %scan3A_321 : i32 to index
          %get3A_1928 = arith.index_cast %get3A_1926 : i32 to index
          %get3A_1929 = arith.index_cast %add3A_1925 : i32 to index
          %get3A_1930 = tpu.vector_load %arg7[%get3A_1927, %get3A_1928, %get3A_1929] {strides = array<i32>} : memref<12x16x256xf32, #tpu.memory_space<vmem>>, vector<16xf32>,
          %add3A_1931 = arith.constant 112 : i32
          %add3A_1932 = arith.addi %multiple_of3A_186, %add3A_1931 : i32
          %get3A_1933 = arith.constant 15 : i32
          %get3A_1934 = arith.index_cast %scan3A_321 : i32 to index
          %get3A_1935 = arith.index_cast %get3A_1933 : i32 to index
          %get3A_1936 = arith.index_cast %add3A_1932 : i32 to index
          %get3A_1937 = tpu.vector_load %arg7[%get3A_1934, %get3A_1935, %get3A_1936] {strides = array<i32>} : memref<12x16x256xf32, #tpu.memory_space<vmem>>, vector<16xf32>,
          %add3A_1938 = arith.constant 23220 : i32
          %add3A_1939 = arith.addi %add3A_1938, %mul3A_323 : i32
          %add3A_1940 = arith.constant 0 : i32
          %add3A_1941 = arith.addi %add3A_1939, %add3A_1940 : i32
          %swap3A_1942 = arith.index_cast %add3A_1941 : i32 to index
          %swap3A_1943 = tpu.vector_load %arg8[%swap3A_1942] {strides = array<i32>} : memref<24768xf32, #tpu.memory_space<vmem>>, vector<16xf32>,
          tpu.vector_store %arg8[%swap3A_1942], %get3A_1888 {strides = array<i32>} : memref<24768xf32, #tpu.memory_space<vmem>>, vector<16xf32>,
          %add3A_1944 = arith.constant 23220 : i32
          %add3A_1945 = arith.addi %add3A_1944, %mul3A_323 : i32
          %add3A_1946 = arith.constant 16 : i32
          %add3A_1947 = arith.addi %add3A_1945, %add3A_1946 : i32
          %swap3A_1948 = arith.index_cast %add3A_1947 : i32 to index
          %swap3A_1949 = tpu.vector_load %arg8[%swap3A_1948] {strides = array<i32>} : memref<24768xf32, #tpu.memory_space<vmem>>, vector<16xf32>,
          tpu.vector_store %arg8[%swap3A_1948], %get3A_1895 {strides = array<i32>} : memref<24768xf32, #tpu.memory_space<vmem>>, vector<16xf32>,
          %add3A_1950 = arith.constant 23220 : i32
          %add3A_1951 = arith.addi %add3A_1950, %mul3A_323 : i32
          %add3A_1952 = arith.constant 32 : i32
          %add3A_1953 = arith.addi %add3A_1951, %add3A_1952 : i32
          %swap3A_1954 = arith.index_cast %add3A_1953 : i32 to index
          %swap3A_1955 = tpu.vector_load %arg8[%swap3A_1954] {strides = array<i32>} : memref<24768xf32, #tpu.memory_space<vmem>>, vector<16xf32>,
          tpu.vector_store %arg8[%swap3A_1954], %get3A_1902 {strides = array<i32>} : memref<24768xf32, #tpu.memory_space<vmem>>, vector<16xf32>,
          %add3A_1956 = arith.constant 23220 : i32
          %add3A_1957 = arith.addi %add3A_1956, %mul3A_323 : i32
          %add3A_1958 = arith.constant 48 : i32
          %add3A_1959 = arith.addi %add3A_1957, %add3A_1958 : i32
          %swap3A_1960 = arith.index_cast %add3A_1959 : i32 to index
          %swap3A_1961 = tpu.vector_load %arg8[%swap3A_1960] {strides = array<i32>} : memref<24768xf32, #tpu.memory_space<vmem>>, vector<16xf32>,
          tpu.vector_store %arg8[%swap3A_1960], %get3A_1909 {strides = array<i32>} : memref<24768xf32, #tpu.memory_space<vmem>>, vector<16xf32>,
          %add3A_1962 = arith.constant 23220 : i32
          %add3A_1963 = arith.addi %add3A_1962, %mul3A_323 : i32
          %add3A_1964 = arith.constant 64 : i32
          %add3A_1965 = arith.addi %add3A_1963, %add3A_1964 : i32
          %swap3A_1966 = arith.index_cast %add3A_1965 : i32 to index
          %swap3A_1967 = tpu.vector_load %arg8[%swap3A_1966] {strides = array<i32>} : memref<24768xf32, #tpu.memory_space<vmem>>, vector<16xf32>,
          tpu.vector_store %arg8[%swap3A_1966], %get3A_1916 {strides = array<i32>} : memref<24768xf32, #tpu.memory_space<vmem>>, vector<16xf32>,
          %add3A_1968 = arith.constant 23220 : i32
          %add3A_1969 = arith.addi %add3A_1968, %mul3A_323 : i32
          %add3A_1970 = arith.constant 80 : i32
          %add3A_1971 = arith.addi %add3A_1969, %add3A_1970 : i32
          %swap3A_1972 = arith.index_cast %add3A_1971 : i32 to index
          %swap3A_1973 = tpu.vector_load %arg8[%swap3A_1972] {strides = array<i32>} : memref<24768xf32, #tpu.memory_space<vmem>>, vector<16xf32>,
          tpu.vector_store %arg8[%swap3A_1972], %get3A_1923 {strides = array<i32>} : memref<24768xf32, #tpu.memory_space<vmem>>, vector<16xf32>,
          %add3A_1974 = arith.constant 23220 : i32
          %add3A_1975 = arith.addi %add3A_1974, %mul3A_323 : i32
          %add3A_1976 = arith.constant 96 : i32
          %add3A_1977 = arith.addi %add3A_1975, %add3A_1976 : i32
          %swap3A_1978 = arith.index_cast %add3A_1977 : i32 to index
          %swap3A_1979 = tpu.vector_load %arg8[%swap3A_1978] {strides = array<i32>} : memref<24768xf32, #tpu.memory_space<vmem>>, vector<16xf32>,
          tpu.vector_store %arg8[%swap3A_1978], %get3A_1930 {strides = array<i32>} : memref<24768xf32, #tpu.memory_space<vmem>>, vector<16xf32>,
          %add3A_1980 = arith.constant 23220 : i32
          %add3A_1981 = arith.addi %add3A_1980, %mul3A_323 : i32
          %add3A_1982 = arith.constant 112 : i32
          %add3A_1983 = arith.addi %add3A_1981, %add3A_1982 : i32
          %swap3A_1984 = arith.index_cast %add3A_1983 : i32 to index
          %swap3A_1985 = tpu.vector_load %arg8[%swap3A_1984] {strides = array<i32>} : memref<24768xf32, #tpu.memory_space<vmem>>, vector<16xf32>,
          tpu.vector_store %arg8[%swap3A_1984], %get3A_1937 {strides = array<i32>} : memref<24768xf32, #tpu.memory_space<vmem>>, vector<16xf32>,
        }
        %scan3A_292 = arith.constant 6 : i32
        %lt3A_293 = arith.constant 300 : i32
        %lt3A_294 = arith.cmpi slt, %add3A_189, %lt3A_293 : i32
        %convert_element_type3A_295 = arith.extui %lt3A_294 : i1 to i32
        %cond3A_296 = arith.constant 0 : i32
        %cond3A_297 = arith.cmpi ne, %convert_element_type3A_295, %cond3A_296 : i32
        scf.if %cond3A_297 {
          %mul3A_321 = arith.constant 100 : i32
          %mul3A_322 = arith.muli %add3A_189, %mul3A_321 : i32
          %jit3A_323 = arith.constant 128 : i32
          %div3A_324 = arith.divsi %mul3A_322, %jit3A_323 : i32
          %sign3A_325 = arith.constant 0 : i32
          %sign3A_326 = arith.cmpi sgt, %mul3A_322, %sign3A_325 : i32
          %sign3A_327 = arith.extui %sign3A_326 : i1 to i32
          %sign3A_328 = arith.constant 0 : i32
          %sign3A_329 = arith.cmpi slt, %mul3A_322, %sign3A_328 : i32
          %sign3A_330 = arith.extui %sign3A_329 : i1 to i32
          %sign3A_331 = arith.subi %sign3A_327, %sign3A_330 : i32
          %sign3A_332 = arith.constant 0 : i32
          %sign3A_333 = arith.cmpi sgt, %jit3A_323, %sign3A_332 : i32
          %sign3A_334 = arith.extui %sign3A_333 : i1 to i32
          %sign3A_335 = arith.constant 0 : i32
          %sign3A_336 = arith.cmpi slt, %jit3A_323, %sign3A_335 : i32
          %sign3A_337 = arith.extui %sign3A_336 : i1 to i32
          %sign3A_338 = arith.subi %sign3A_334, %sign3A_337 : i32
          %ne3A_339 = arith.cmpi ne, %sign3A_331, %sign3A_338 : i32
          %rem3A_340 = arith.remsi %mul3A_322, %jit3A_323 : i32
          %ne3A_341 = arith.constant 0 : i32
          %ne3A_342 = arith.cmpi ne, %rem3A_340, %ne3A_341 : i32
          %and3A_343 = arith.andi %ne3A_339, %ne3A_342 : i1
          %sub3A_344 = arith.constant 1 : i32
          %sub3A_345 = arith.subi %div3A_324, %sub3A_344 : i32
          %select_n3A_346 = arith.select %and3A_343, %sub3A_345, %div3A_324 : i32
          %mul3A_347 = arith.constant 128 : i32
          %mul3A_348 = arith.muli %select_n3A_346, %mul3A_347 : i32
          %multiple_of3A_349 = tpu.assume_multiple %mul3A_348, 128 : i32
          %dma_start3A_350 = arith.constant 6 : i32
          %dma_start3A_351 = arith.constant 0 : i32
          %dma_start3A_352 = arith.constant 0 : i32
          %dma_start3A_353 = tpu.memref_slice %arg7[%dma_start3A_350, %dma_start3A_351, %dma_start3A_352] : memref<12x16x256xf32, #tpu.memory_space<vmem>> -> memref<6x16x256xf32, #tpu.memory_space<vmem>>
          %dma_start3A_354 = arith.constant 6 : i32
          %dma_start3A_355 = arith.constant 0 : i32
          %dma_start3A_356 = tpu.memref_slice %arg2[%dma_start3A_354, %dma_start3A_355, %multiple_of3A_349] : memref<12x16x30000xf32, #tpu.memory_space<hbm>> -> memref<6x16x256xf32, #tpu.memory_space<hbm>>
          %dma_start3A_357 = arith.constant 6 : i32
          %dma_start3A_358 = arith.constant 0 : i32
          %dma_start3A_359 = arith.constant 0 : i32
          %dma_start3A_360 = tpu.memref_slice %arg7[%dma_start3A_357, %dma_start3A_358, %dma_start3A_359] : memref<12x16x256xf32, #tpu.memory_space<vmem>> -> memref<6x16x256xf32, #tpu.memory_space<vmem>>
          %dma_start3A_361 = arith.constant 6 : i32
          %dma_start3A_362 = arith.constant 0 : i32
          %dma_start3A_363 = tpu.memref_slice %arg2[%dma_start3A_361, %dma_start3A_362, %multiple_of3A_349] : memref<12x16x30000xf32, #tpu.memory_space<hbm>> -> memref<6x16x256xf32, #tpu.memory_space<hbm>>
          tpu.enqueue_dma source(%dma_start3A_363 : memref<6x16x256xf32, #tpu.memory_space<hbm>>) target(%dma_start3A_360 : memref<6x16x256xf32, #tpu.memory_space<vmem>>) target_semaphore(%arg13 : memref<!tpu.dma_semaphore, #tpu.memory_space<semaphore_mem>>)
        } else {
        }
        %ge3A = arith.constant 32 : i32
        %ge3A_298 = arith.cmpi sge, %add3A_123, %ge3A : i32
        %convert_element_type3A_299 = arith.extui %ge3A_298 : i1 to i32
        %cond3A_300 = arith.constant 0 : i32
        %cond3A_301 = arith.cmpi ne, %convert_element_type3A_299, %cond3A_300 : i32
        scf.if %cond3A_301 {
          %sub3A_321 = arith.constant 32 : i32
          %sub3A_322 = arith.subi %add3A_123, %sub3A_321 : i32
          %dma_wait3A_323 = arith.constant 0 : i32
          %dma_wait3A_324 = arith.constant 0 : i32
          %dma_wait3A_325 = tpu.memref_slice %arg5[%sub3A_322, %dma_wait3A_323, %dma_wait3A_324] : memref<300x16x1200xf32, #tpu.memory_space<hbm>> -> memref<1x16x1200xf32, #tpu.memory_space<hbm>>
          %dma_wait3A_326 = tpu.memref_squeeze %dma_wait3A_325 : memref<1x16x1200xf32, #tpu.memory_space<hbm>> -> memref<16x1200xf32, #tpu.memory_space<hbm>>
          %dma_wait3A_327 = arith.constant 0 : i32
          %dma_wait3A_328 = arith.constant 0 : i32
          %dma_wait3A_329 = tpu.memref_slice %arg5[%sub3A_322, %dma_wait3A_327, %dma_wait3A_328] : memref<300x16x1200xf32, #tpu.memory_space<hbm>> -> memref<1x16x1200xf32, #tpu.memory_space<hbm>>
          %dma_wait3A_330 = tpu.memref_squeeze %dma_wait3A_329 : memref<1x16x1200xf32, #tpu.memory_space<hbm>> -> memref<16x1200xf32, #tpu.memory_space<hbm>>
          tpu.wait_dma2 semaphore(%arg14 : memref<!tpu.dma_semaphore, #tpu.memory_space<semaphore_mem>>) src(%arg9 : memref<16x1200xf32, #tpu.memory_space<vmem>>) dst(%dma_wait3A_330 : memref<16x1200xf32, #tpu.memory_space<hbm>>)
        } else {
        }
        %mul3A_302 = arith.constant 0 : i32
        %mul3A_303 = vector.broadcast %mul3A_302 : i32 to vector<16xi32>
        %mul3A_304 = arith.muli %iota3A, %mul3A_303 : vector<16xi32>
        %add3A_305 = vector.broadcast %sub3A_187 : i32 to vector<16xi32>
        %add3A_306 = arith.addi %mul3A_304, %add3A_305 : vector<16xi32>
        %scan3A_307 = arith.constant 0 : i32
        %scan3A_308 = arith.constant 0 : i32
        %scan3A_309 = arith.constant 75 : i32
        %scan3A_310 = arith.addi %scan3A_308, %scan3A_309 : i32
        %scan3A_311 = arith.constant 1 : i32
        scf.for %scan3A_321 = %scan3A_308 to %scan3A_310 step %scan3A_311  : i32 {
          %mul3A_322 = arith.constant 16 : i32
          %mul3A_323 = arith.muli %mul3A_322, %scan3A_321 : i32
          %get3A = arith.index_cast %mul3A_323 : i32 to index
          %get3A_324 = tpu.vector_load %arg10[%get3A] {strides = array<i32>} : memref<1200xi32, #tpu.memory_space<vmem>>, vector<16xi32>,
          %add3A_325 = arith.addi %get3A_324, %add3A_306 : vector<16xi32>
          %add3A_326 = arith.constant 0 : i32
          %add3A_327 = vector.broadcast %add3A_326 : i32 to vector<16xi32>
          %add3A_328 = arith.addi %add3A_325, %add3A_327 : vector<16xi32>
          %gather3A = tpu.vector_load_idx %arg8[%add3A_328] : memref<24768xf32, #tpu.memory_space<vmem>>[vector<16xi32>], vector<16xf32>,
          %add3A_329 = arith.constant 1548 : i32
          %add3A_330 = vector.broadcast %add3A_329 : i32 to vector<16xi32>
          %add3A_331 = arith.addi %add3A_325, %add3A_330 : vector<16xi32>
          %gather3A_332 = tpu.vector_load_idx %arg8[%add3A_331] : memref<24768xf32, #tpu.memory_space<vmem>>[vector<16xi32>], vector<16xf32>,
          %add3A_333 = arith.constant 3096 : i32
          %add3A_334 = vector.broadcast %add3A_333 : i32 to vector<16xi32>
          %add3A_335 = arith.addi %add3A_325, %add3A_334 : vector<16xi32>
          %gather3A_336 = tpu.vector_load_idx %arg8[%add3A_335] : memref<24768xf32, #tpu.memory_space<vmem>>[vector<16xi32>], vector<16xf32>,
          %add3A_337 = arith.constant 4644 : i32
          %add3A_338 = vector.broadcast %add3A_337 : i32 to vector<16xi32>
          %add3A_339 = arith.addi %add3A_325, %add3A_338 : vector<16xi32>
          %gather3A_340 = tpu.vector_load_idx %arg8[%add3A_339] : memref<24768xf32, #tpu.memory_space<vmem>>[vector<16xi32>], vector<16xf32>,
          %add3A_341 = arith.constant 6192 : i32
          %add3A_342 = vector.broadcast %add3A_341 : i32 to vector<16xi32>
          %add3A_343 = arith.addi %add3A_325, %add3A_342 : vector<16xi32>
          %gather3A_344 = tpu.vector_load_idx %arg8[%add3A_343] : memref<24768xf32, #tpu.memory_space<vmem>>[vector<16xi32>], vector<16xf32>,
          %add3A_345 = arith.constant 7740 : i32
          %add3A_346 = vector.broadcast %add3A_345 : i32 to vector<16xi32>
          %add3A_347 = arith.addi %add3A_325, %add3A_346 : vector<16xi32>
          %gather3A_348 = tpu.vector_load_idx %arg8[%add3A_347] : memref<24768xf32, #tpu.memory_space<vmem>>[vector<16xi32>], vector<16xf32>,
          %add3A_349 = arith.constant 9288 : i32
          %add3A_350 = vector.broadcast %add3A_349 : i32 to vector<16xi32>
          %add3A_351 = arith.addi %add3A_325, %add3A_350 : vector<16xi32>
          %gather3A_352 = tpu.vector_load_idx %arg8[%add3A_351] : memref<24768xf32, #tpu.memory_space<vmem>>[vector<16xi32>], vector<16xf32>,
          %add3A_353 = arith.constant 10836 : i32
          %add3A_354 = vector.broadcast %add3A_353 : i32 to vector<16xi32>
          %add3A_355 = arith.addi %add3A_325, %add3A_354 : vector<16xi32>
          %gather3A_356 = tpu.vector_load_idx %arg8[%add3A_355] : memref<24768xf32, #tpu.memory_space<vmem>>[vector<16xi32>], vector<16xf32>,
          %add3A_357 = arith.constant 12384 : i32
          %add3A_358 = vector.broadcast %add3A_357 : i32 to vector<16xi32>
          %add3A_359 = arith.addi %add3A_325, %add3A_358 : vector<16xi32>
          %gather3A_360 = tpu.vector_load_idx %arg8[%add3A_359] : memref<24768xf32, #tpu.memory_space<vmem>>[vector<16xi32>], vector<16xf32>,
          %add3A_361 = arith.constant 13932 : i32
          %add3A_362 = vector.broadcast %add3A_361 : i32 to vector<16xi32>
          %add3A_363 = arith.addi %add3A_325, %add3A_362 : vector<16xi32>
          %gather3A_364 = tpu.vector_load_idx %arg8[%add3A_363] : memref<24768xf32, #tpu.memory_space<vmem>>[vector<16xi32>], vector<16xf32>,
          %add3A_365 = arith.constant 15480 : i32
          %add3A_366 = vector.broadcast %add3A_365 : i32 to vector<16xi32>
          %add3A_367 = arith.addi %add3A_325, %add3A_366 : vector<16xi32>
          %gather3A_368 = tpu.vector_load_idx %arg8[%add3A_367] : memref<24768xf32, #tpu.memory_space<vmem>>[vector<16xi32>], vector<16xf32>,
          %add3A_369 = arith.constant 17028 : i32
          %add3A_370 = vector.broadcast %add3A_369 : i32 to vector<16xi32>
          %add3A_371 = arith.addi %add3A_325, %add3A_370 : vector<16xi32>
          %gather3A_372 = tpu.vector_load_idx %arg8[%add3A_371] : memref<24768xf32, #tpu.memory_space<vmem>>[vector<16xi32>], vector<16xf32>,
          %add3A_373 = arith.constant 18576 : i32
          %add3A_374 = vector.broadcast %add3A_373 : i32 to vector<16xi32>
          %add3A_375 = arith.addi %add3A_325, %add3A_374 : vector<16xi32>
          %gather3A_376 = tpu.vector_load_idx %arg8[%add3A_375] : memref<24768xf32, #tpu.memory_space<vmem>>[vector<16xi32>], vector<16xf32>,
          %add3A_377 = arith.constant 20124 : i32
          %add3A_378 = vector.broadcast %add3A_377 : i32 to vector<16xi32>
          %add3A_379 = arith.addi %add3A_325, %add3A_378 : vector<16xi32>
          %gather3A_380 = tpu.vector_load_idx %arg8[%add3A_379] : memref<24768xf32, #tpu.memory_space<vmem>>[vector<16xi32>], vector<16xf32>,
          %add3A_381 = arith.constant 21672 : i32
          %add3A_382 = vector.broadcast %add3A_381 : i32 to vector<16xi32>
          %add3A_383 = arith.addi %add3A_325, %add3A_382 : vector<16xi32>
          %gather3A_384 = tpu.vector_load_idx %arg8[%add3A_383] : memref<24768xf32, #tpu.memory_space<vmem>>[vector<16xi32>], vector<16xf32>,
          %add3A_385 = arith.constant 23220 : i32
          %add3A_386 = vector.broadcast %add3A_385 : i32 to vector<16xi32>
          %add3A_387 = arith.addi %add3A_325, %add3A_386 : vector<16xi32>
          %gather3A_388 = tpu.vector_load_idx %arg8[%add3A_387] : memref<24768xf32, #tpu.memory_space<vmem>>[vector<16xi32>], vector<16xf32>,
          %mul3A_389 = arith.constant 16 : i32
          %mul3A_390 = arith.muli %mul3A_389, %scan3A_321 : i32
          %swap3A = arith.constant 0 : i32
          %swap3A_391 = arith.index_cast %swap3A : i32 to index
          %swap3A_392 = arith.index_cast %mul3A_390 : i32 to index
          %swap3A_393 = tpu.vector_load %arg9[%swap3A_391, %swap3A_392] {strides = array<i32>} : memref<16x1200xf32, #tpu.memory_space<vmem>>, vector<16xf32>,
          tpu.vector_store %arg9[%swap3A_391, %swap3A_392], %gather3A {strides = array<i32>} : memref<16x1200xf32, #tpu.memory_space<vmem>>, vector<16xf32>,
          %mul3A_394 = arith.constant 16 : i32
          %mul3A_395 = arith.muli %mul3A_394, %scan3A_321 : i32
          %swap3A_396 = arith.constant 1 : i32
          %swap3A_397 = arith.index_cast %swap3A_396 : i32 to index
          %swap3A_398 = arith.index_cast %mul3A_395 : i32 to index
          %swap3A_399 = tpu.vector_load %arg9[%swap3A_397, %swap3A_398] {strides = array<i32>} : memref<16x1200xf32, #tpu.memory_space<vmem>>, vector<16xf32>,
          tpu.vector_store %arg9[%swap3A_397, %swap3A_398], %gather3A_332 {strides = array<i32>} : memref<16x1200xf32, #tpu.memory_space<vmem>>, vector<16xf32>,
          %mul3A_400 = arith.constant 16 : i32
          %mul3A_401 = arith.muli %mul3A_400, %scan3A_321 : i32
          %swap3A_402 = arith.constant 2 : i32
          %swap3A_403 = arith.index_cast %swap3A_402 : i32 to index
          %swap3A_404 = arith.index_cast %mul3A_401 : i32 to index
          %swap3A_405 = tpu.vector_load %arg9[%swap3A_403, %swap3A_404] {strides = array<i32>} : memref<16x1200xf32, #tpu.memory_space<vmem>>, vector<16xf32>,
          tpu.vector_store %arg9[%swap3A_403, %swap3A_404], %gather3A_336 {strides = array<i32>} : memref<16x1200xf32, #tpu.memory_space<vmem>>, vector<16xf32>,
          %mul3A_406 = arith.constant 16 : i32
          %mul3A_407 = arith.muli %mul3A_406, %scan3A_321 : i32
          %swap3A_408 = arith.constant 3 : i32
          %swap3A_409 = arith.index_cast %swap3A_408 : i32 to index
          %swap3A_410 = arith.index_cast %mul3A_407 : i32 to index
          %swap3A_411 = tpu.vector_load %arg9[%swap3A_409, %swap3A_410] {strides = array<i32>} : memref<16x1200xf32, #tpu.memory_space<vmem>>, vector<16xf32>,
          tpu.vector_store %arg9[%swap3A_409, %swap3A_410], %gather3A_340 {strides = array<i32>} : memref<16x1200xf32, #tpu.memory_space<vmem>>, vector<16xf32>,
          %mul3A_412 = arith.constant 16 : i32
          %mul3A_413 = arith.muli %mul3A_412, %scan3A_321 : i32
          %swap3A_414 = arith.constant 4 : i32
          %swap3A_415 = arith.index_cast %swap3A_414 : i32 to index
          %swap3A_416 = arith.index_cast %mul3A_413 : i32 to index
          %swap3A_417 = tpu.vector_load %arg9[%swap3A_415, %swap3A_416] {strides = array<i32>} : memref<16x1200xf32, #tpu.memory_space<vmem>>, vector<16xf32>,
          tpu.vector_store %arg9[%swap3A_415, %swap3A_416], %gather3A_344 {strides = array<i32>} : memref<16x1200xf32, #tpu.memory_space<vmem>>, vector<16xf32>,
          %mul3A_418 = arith.constant 16 : i32
          %mul3A_419 = arith.muli %mul3A_418, %scan3A_321 : i32
          %swap3A_420 = arith.constant 5 : i32
          %swap3A_421 = arith.index_cast %swap3A_420 : i32 to index
          %swap3A_422 = arith.index_cast %mul3A_419 : i32 to index
          %swap3A_423 = tpu.vector_load %arg9[%swap3A_421, %swap3A_422] {strides = array<i32>} : memref<16x1200xf32, #tpu.memory_space<vmem>>, vector<16xf32>,
          tpu.vector_store %arg9[%swap3A_421, %swap3A_422], %gather3A_348 {strides = array<i32>} : memref<16x1200xf32, #tpu.memory_space<vmem>>, vector<16xf32>,
          %mul3A_424 = arith.constant 16 : i32
          %mul3A_425 = arith.muli %mul3A_424, %scan3A_321 : i32
          %swap3A_426 = arith.constant 6 : i32
          %swap3A_427 = arith.index_cast %swap3A_426 : i32 to index
          %swap3A_428 = arith.index_cast %mul3A_425 : i32 to index
          %swap3A_429 = tpu.vector_load %arg9[%swap3A_427, %swap3A_428] {strides = array<i32>} : memref<16x1200xf32, #tpu.memory_space<vmem>>, vector<16xf32>,
          tpu.vector_store %arg9[%swap3A_427, %swap3A_428], %gather3A_352 {strides = array<i32>} : memref<16x1200xf32, #tpu.memory_space<vmem>>, vector<16xf32>,
          %mul3A_430 = arith.constant 16 : i32
          %mul3A_431 = arith.muli %mul3A_430, %scan3A_321 : i32
          %swap3A_432 = arith.constant 7 : i32
          %swap3A_433 = arith.index_cast %swap3A_432 : i32 to index
          %swap3A_434 = arith.index_cast %mul3A_431 : i32 to index
          %swap3A_435 = tpu.vector_load %arg9[%swap3A_433, %swap3A_434] {strides = array<i32>} : memref<16x1200xf32, #tpu.memory_space<vmem>>, vector<16xf32>,
          tpu.vector_store %arg9[%swap3A_433, %swap3A_434], %gather3A_356 {strides = array<i32>} : memref<16x1200xf32, #tpu.memory_space<vmem>>, vector<16xf32>,
          %mul3A_436 = arith.constant 16 : i32
          %mul3A_437 = arith.muli %mul3A_436, %scan3A_321 : i32
          %swap3A_438 = arith.constant 8 : i32
          %swap3A_439 = arith.index_cast %swap3A_438 : i32 to index
          %swap3A_440 = arith.index_cast %mul3A_437 : i32 to index
          %swap3A_441 = tpu.vector_load %arg9[%swap3A_439, %swap3A_440] {strides = array<i32>} : memref<16x1200xf32, #tpu.memory_space<vmem>>, vector<16xf32>,
          tpu.vector_store %arg9[%swap3A_439, %swap3A_440], %gather3A_360 {strides = array<i32>} : memref<16x1200xf32, #tpu.memory_space<vmem>>, vector<16xf32>,
          %mul3A_442 = arith.constant 16 : i32
          %mul3A_443 = arith.muli %mul3A_442, %scan3A_321 : i32
          %swap3A_444 = arith.constant 9 : i32
          %swap3A_445 = arith.index_cast %swap3A_444 : i32 to index
          %swap3A_446 = arith.index_cast %mul3A_443 : i32 to index
          %swap3A_447 = tpu.vector_load %arg9[%swap3A_445, %swap3A_446] {strides = array<i32>} : memref<16x1200xf32, #tpu.memory_space<vmem>>, vector<16xf32>,
          tpu.vector_store %arg9[%swap3A_445, %swap3A_446], %gather3A_364 {strides = array<i32>} : memref<16x1200xf32, #tpu.memory_space<vmem>>, vector<16xf32>,
          %mul3A_448 = arith.constant 16 : i32
          %mul3A_449 = arith.muli %mul3A_448, %scan3A_321 : i32
          %swap3A_450 = arith.constant 10 : i32
          %swap3A_451 = arith.index_cast %swap3A_450 : i32 to index
          %swap3A_452 = arith.index_cast %mul3A_449 : i32 to index
          %swap3A_453 = tpu.vector_load %arg9[%swap3A_451, %swap3A_452] {strides = array<i32>} : memref<16x1200xf32, #tpu.memory_space<vmem>>, vector<16xf32>,
          tpu.vector_store %arg9[%swap3A_451, %swap3A_452], %gather3A_368 {strides = array<i32>} : memref<16x1200xf32, #tpu.memory_space<vmem>>, vector<16xf32>,
          %mul3A_454 = arith.constant 16 : i32
          %mul3A_455 = arith.muli %mul3A_454, %scan3A_321 : i32
          %swap3A_456 = arith.constant 11 : i32
          %swap3A_457 = arith.index_cast %swap3A_456 : i32 to index
          %swap3A_458 = arith.index_cast %mul3A_455 : i32 to index
          %swap3A_459 = tpu.vector_load %arg9[%swap3A_457, %swap3A_458] {strides = array<i32>} : memref<16x1200xf32, #tpu.memory_space<vmem>>, vector<16xf32>,
          tpu.vector_store %arg9[%swap3A_457, %swap3A_458], %gather3A_372 {strides = array<i32>} : memref<16x1200xf32, #tpu.memory_space<vmem>>, vector<16xf32>,
          %mul3A_460 = arith.constant 16 : i32
          %mul3A_461 = arith.muli %mul3A_460, %scan3A_321 : i32
          %swap3A_462 = arith.constant 12 : i32
          %swap3A_463 = arith.index_cast %swap3A_462 : i32 to index
          %swap3A_464 = arith.index_cast %mul3A_461 : i32 to index
          %swap3A_465 = tpu.vector_load %arg9[%swap3A_463, %swap3A_464] {strides = array<i32>} : memref<16x1200xf32, #tpu.memory_space<vmem>>, vector<16xf32>,
          tpu.vector_store %arg9[%swap3A_463, %swap3A_464], %gather3A_376 {strides = array<i32>} : memref<16x1200xf32, #tpu.memory_space<vmem>>, vector<16xf32>,
          %mul3A_466 = arith.constant 16 : i32
          %mul3A_467 = arith.muli %mul3A_466, %scan3A_321 : i32
          %swap3A_468 = arith.constant 13 : i32
          %swap3A_469 = arith.index_cast %swap3A_468 : i32 to index
          %swap3A_470 = arith.index_cast %mul3A_467 : i32 to index
          %swap3A_471 = tpu.vector_load %arg9[%swap3A_469, %swap3A_470] {strides = array<i32>} : memref<16x1200xf32, #tpu.memory_space<vmem>>, vector<16xf32>,
          tpu.vector_store %arg9[%swap3A_469, %swap3A_470], %gather3A_380 {strides = array<i32>} : memref<16x1200xf32, #tpu.memory_space<vmem>>, vector<16xf32>,
          %mul3A_472 = arith.constant 16 : i32
          %mul3A_473 = arith.muli %mul3A_472, %scan3A_321 : i32
          %swap3A_474 = arith.constant 14 : i32
          %swap3A_475 = arith.index_cast %swap3A_474 : i32 to index
          %swap3A_476 = arith.index_cast %mul3A_473 : i32 to index
          %swap3A_477 = tpu.vector_load %arg9[%swap3A_475, %swap3A_476] {strides = array<i32>} : memref<16x1200xf32, #tpu.memory_space<vmem>>, vector<16xf32>,
          tpu.vector_store %arg9[%swap3A_475, %swap3A_476], %gather3A_384 {strides = array<i32>} : memref<16x1200xf32, #tpu.memory_space<vmem>>, vector<16xf32>,
          %mul3A_478 = arith.constant 16 : i32
          %mul3A_479 = arith.muli %mul3A_478, %scan3A_321 : i32
          %swap3A_480 = arith.constant 15 : i32
          %swap3A_481 = arith.index_cast %swap3A_480 : i32 to index
          %swap3A_482 = arith.index_cast %mul3A_479 : i32 to index
          %swap3A_483 = tpu.vector_load %arg9[%swap3A_481, %swap3A_482] {strides = array<i32>} : memref<16x1200xf32, #tpu.memory_space<vmem>>, vector<16xf32>,
          tpu.vector_store %arg9[%swap3A_481, %swap3A_482], %gather3A_388 {strides = array<i32>} : memref<16x1200xf32, #tpu.memory_space<vmem>>, vector<16xf32>,
        }
        %scan3A_312 = arith.constant 75 : i32
        %dma_start3A_313 = arith.constant 0 : i32
        %dma_start3A_314 = arith.constant 0 : i32
        %dma_start3A_315 = tpu.memref_slice %arg5[%add3A_123, %dma_start3A_313, %dma_start3A_314] : memref<300x16x1200xf32, #tpu.memory_space<hbm>> -> memref<1x16x1200xf32, #tpu.memory_space<hbm>>
        %dma_start3A_316 = tpu.memref_squeeze %dma_start3A_315 : memref<1x16x1200xf32, #tpu.memory_space<hbm>> -> memref<16x1200xf32, #tpu.memory_space<hbm>>
        %dma_start3A_317 = arith.constant 0 : i32
        %dma_start3A_318 = arith.constant 0 : i32
        %dma_start3A_319 = tpu.memref_slice %arg5[%add3A_123, %dma_start3A_317, %dma_start3A_318] : memref<300x16x1200xf32, #tpu.memory_space<hbm>> -> memref<1x16x1200xf32, #tpu.memory_space<hbm>>
        %dma_start3A_320 = tpu.memref_squeeze %dma_start3A_319 : memref<1x16x1200xf32, #tpu.memory_space<hbm>> -> memref<16x1200xf32, #tpu.memory_space<hbm>>
        tpu.enqueue_dma source(%arg9 : memref<16x1200xf32, #tpu.memory_space<vmem>>) target(%dma_start3A_320 : memref<16x1200xf32, #tpu.memory_space<hbm>>) target_semaphore(%arg14 : memref<!tpu.dma_semaphore, #tpu.memory_space<semaphore_mem>>)
      } else {
      }
    }
    %scan3A_83 = arith.constant 10 : i32
    %sub3A_84 = arith.constant 299 : i32
    %sub3A_85 = arith.subi %sub3A_84, %add3A : i32
    %jit3A_86 = arith.constant 32 : i32
    %div3A_87 = arith.divsi %sub3A_85, %jit3A_86 : i32
    %sign3A_88 = arith.constant 0 : i32
    %sign3A_89 = arith.cmpi sgt, %sub3A_85, %sign3A_88 : i32
    %sign3A_90 = arith.extui %sign3A_89 : i1 to i32
    %sign3A_91 = arith.constant 0 : i32
    %sign3A_92 = arith.cmpi slt, %sub3A_85, %sign3A_91 : i32
    %sign3A_93 = arith.extui %sign3A_92 : i1 to i32
    %sign3A_94 = arith.subi %sign3A_90, %sign3A_93 : i32
    %sign3A_95 = arith.constant 0 : i32
    %sign3A_96 = arith.cmpi sgt, %jit3A_86, %sign3A_95 : i32
    %sign3A_97 = arith.extui %sign3A_96 : i1 to i32
    %sign3A_98 = arith.constant 0 : i32
    %sign3A_99 = arith.cmpi slt, %jit3A_86, %sign3A_98 : i32
    %sign3A_100 = arith.extui %sign3A_99 : i1 to i32
    %sign3A_101 = arith.subi %sign3A_97, %sign3A_100 : i32
    %ne3A_102 = arith.cmpi ne, %sign3A_94, %sign3A_101 : i32
    %rem3A_103 = arith.remsi %sub3A_85, %jit3A_86 : i32
    %ne3A_104 = arith.constant 0 : i32
    %ne3A_105 = arith.cmpi ne, %rem3A_103, %ne3A_104 : i32
    %and3A_106 = arith.andi %ne3A_102, %ne3A_105 : i1
    %sub3A_107 = arith.constant 1 : i32
    %sub3A_108 = arith.subi %div3A_87, %sub3A_107 : i32
    %select_n3A_109 = arith.select %and3A_106, %sub3A_108, %div3A_87 : i32
    %mul3A_110 = arith.constant 32 : i32
    %mul3A_111 = arith.muli %mul3A_110, %select_n3A_109 : i32
    %add3A_112 = arith.addi %add3A, %mul3A_111 : i32
    %dma_wait3A = arith.constant 0 : i32
    %dma_wait3A_113 = arith.constant 0 : i32
    %dma_wait3A_114 = tpu.memref_slice %arg5[%add3A_112, %dma_wait3A, %dma_wait3A_113] : memref<300x16x1200xf32, #tpu.memory_space<hbm>> -> memref<1x16x1200xf32, #tpu.memory_space<hbm>>
    %dma_wait3A_115 = tpu.memref_squeeze %dma_wait3A_114 : memref<1x16x1200xf32, #tpu.memory_space<hbm>> -> memref<16x1200xf32, #tpu.memory_space<hbm>>
    %dma_wait3A_116 = arith.constant 0 : i32
    %dma_wait3A_117 = arith.constant 0 : i32
    %dma_wait3A_118 = tpu.memref_slice %arg5[%add3A_112, %dma_wait3A_116, %dma_wait3A_117] : memref<300x16x1200xf32, #tpu.memory_space<hbm>> -> memref<1x16x1200xf32, #tpu.memory_space<hbm>>
    %dma_wait3A_119 = tpu.memref_squeeze %dma_wait3A_118 : memref<1x16x1200xf32, #tpu.memory_space<hbm>> -> memref<16x1200xf32, #tpu.memory_space<hbm>>
    tpu.wait_dma2 semaphore(%arg14 : memref<!tpu.dma_semaphore, #tpu.memory_space<semaphore_mem>>) src(%arg9 : memref<16x1200xf32, #tpu.memory_space<vmem>>) dst(%dma_wait3A_119 : memref<16x1200xf32, #tpu.memory_space<hbm>>)
    return
  }
}

</mosaic_0001>

<sc_bundles>
// kernel: kernel.3.cloned.1.call-start
scs
__scs_entry_jumppad:
0x0: {  	(pc) =	sbr.rel $0x88, $3  }
0x1: {  	(tag) =	ssettag $0x0;
	lr =	simm.s32 $0x1  }
0x2: {  	[smem:$0x3F9F] =	sst lr;
	_ =	strace $0xD0000000  }
0x3: {  	_ = 	snop  }
0x4: {  	_ = 	snop  }
0x5: {  	_ = 	snop  }
0x6: {  	_ = 	snop  }
0x7: {  	_ = 	snop  }
__scs_overlays_trampoline_lowered:
0x8: {  	[smem:$0x3FAE] =	sst s0  }
0x9: {  	[smem:$0x3FAF] =	sst s1  }
0xa: {  	[smem:$0x3FB0] =	sst s2  }
0xb: {  	[smem:$0x3FB1] =	sst s3  }
0xc: {  	[smem:$0x3FB2] =	sst s4  }
0xd: {  	[smem:$0x3FB3] =	sst s5  }
0xe: {  	[smem:$0x3FB4] =	sst s6  }
0xf: {  	[smem:$0x3FB5] =	sst s7  }
0x10: {  	[smem:$0x3FB6] =	sst s8  }
0x11: {  	[smem:$0x3FB7] =	sst s9;
	s0 =	simm.s32 @!p0 $0x0  }
0x12: {  	s1 =	sld [smem:$0x3F9D];
	s0 =	simm.s32 @p0 $0x1  }
0x13: {  	[smem:$0x3FB8] =	sst s0;
	s0 =	simm.s32 @!p1 $0x0  }
0x14: {  	s2 =	sld [smem:$0x3F9C];
	s0 =	simm.s32 @p1 $0x1  }
0x15: {  	[smem:$0x3FB9] =	sst s0;
	s0 =	simm.s32 @!p2 $0x0  }
0x16: {  	s3 =	sld [smem:$0x3FDB];
	s0 =	simm.s32 @p2 $0x1  }
0x17: {  	s4 =	simm.s32 $0x1BF5;
	[smem:$0x3FBB] =	sst s0  }
0x18: {  	s0 =	sld [smem:$0x3F9E];
	_ =	swait.ge [sflag:s4], $0x0  }
0x19: {  	s7 =	sld [smem:$0x3F9F]  }
0x1a: {  	s8 =	sadd.s32 $0xFFFFE003, lr  }
0x1b: {  	s9 =	sadd.s32 $0xFFFFFEF7, lr;
	s5 =	simm.s32 $0xFFFFFFFF;
	p2 =	slt.u32 s8, $0xFFFFF086  }
0x1c: {  	p1 =	slt.u32 s9, $0xF7A;
	s5 =	simm.s32 @!p2 $0x0  }
0x1d: {  	s5 =	simm.s32 @p1 $0x1;
	p0 =	seq.s32 s7, s2  }
0x1e: {  	s7 =	smul.u32 @!p0 $0xF7A, s2;
	p2 =	seq.s32 @!p0 s5, $0x0  }
0x1f: {  	s9 =	smul.u32 $0xF7A, s1;
	s8 =	simm.s32 @!p0 $0x1BF5;
	p2 =	por !p2, p0  }
0x20: {  	[sflag:s8] =	ssyncset.s32 @!p0 $0xFFFFF086;
	s6 =	sadd.s32 @!p0 s3, s7;
	s7 =	simm.s32 @!p0 $0x108  }
0x21: {  	s3 =	sadd.s32 s3, s9;
	s6 =	sadd.s32 @!p0 $0x88, s6;
	s7 =	simm.s32 @p2 $0x1082  }
0x22: {  	[simem:s7], [sflag:s8] =	dma.local @!p0 [hbm:s6], $0xF7A  }
0x23: {  	s9 =	sor.u32 $0xD0000000, s2;
	s6 =	simm.s32 $0x108;
	_ =	swait.ge @!p0 [sflag:s8], $0x0  }
0x24: {  	s3 =	sadd.s32 $0x88, s3;
	s6 =	simm.s32 @!p1 $0x1082;
	[sflag:s4] =	ssyncset.s32 $0xFFFFF086  }
0x25: {  	[simem:s6], [sflag:s4] =	dma.local [hbm:s3], $0xF7A  }
0x26: {  	[smem:$0x3F9F] =	sst s1;
	(tag) =	ssettag s2;
	_ =	strace s9  }
0x27: {  	s1 =	sld [smem:$0x3FAF]  }
0x28: {  	s2 =	sld [smem:$0x3FB0]  }
0x29: {  	s4 =	sld [smem:$0x3FB2]  }
0x2a: {  	p0 =	seq.s32 s5, $0x0;
	s5 =	sld [smem:$0x3FB3]  }
0x2b: {  	s6 =	sld [smem:$0x3FB4]  }
0x2c: {  	s7 =	sld [smem:$0x3FB5]  }
0x2d: {  	s3 =	simm.s32 $0x108;
	s8 =	sld [smem:$0x3FB6]  }
0x2e: {  	s3 =	simm.s32 @!p0 $0x1082;
	s9 =	sld [smem:$0x3FB7]  }
0x2f: {  	lr =	sadd.s32 s0, s3;
	s0 =	sld [smem:$0x3FAE]  }
0x30: {  	s3 =	sld [smem:$0x3FB1]  }
0x31: {  	[smem:$0x3FBA] =	sst s10  }
0x32: {  	s10 =	sld [smem:$0x3FB8];
	_ =	sdelay $0x3  }
0x33: {  	p0 =	seq.s32 s10, $0x1;
	s10 =	sld [smem:$0x3FBA];
	_ =	sdelay $0x3  }
0x34: {  	[smem:$0x3FBA] =	sst s10  }
0x35: {  	s10 =	sld [smem:$0x3FB9];
	_ =	sdelay $0x3  }
0x36: {  	p1 =	seq.s32 s10, $0x1;
	s10 =	sld [smem:$0x3FBA];
	_ =	sdelay $0x3  }
0x37: {  	[smem:$0x3FBA] =	sst s10  }
0x38: {  	s10 =	sld [smem:$0x3FBB]  }
0x39: {  	_ = 	snop;
	(pc) =	sbr.ind lr, $3  }
0x3a: {  	_ = 	snop  }
0x3b: {  	_ = 	snop  }
0x3c: {  	p2 =	seq.s32 s10, $0x1;
	s10 =	sld [smem:$0x3FBA]  }
0x3d: {  	_ =	shalt  }
0x3e: {  	_ =	shalt  }
0x3f: {  	_ =	shalt  }
0x40: {  	_ =	shalt  }
0x41: {  	_ =	shalt  }
0x42: {  	_ =	shalt  }
0x43: {  	_ =	shalt  }
0x44: {  	_ =	shalt  }
0x45: {  	_ =	shalt  }
0x46: {  	_ =	shalt  }
0x47: {  	_ =	shalt  }
0x48: {  	_ =	shalt  }
0x49: {  	_ =	shalt  }
0x4a: {  	_ =	shalt  }
0x4b: {  	_ =	shalt  }
0x4c: {  	_ =	shalt  }
0x4d: {  	_ =	shalt  }
0x4e: {  	_ =	shalt  }
0x4f: {  	_ =	shalt  }
0x50: {  	_ =	shalt  }
0x51: {  	_ =	shalt  }
0x52: {  	_ =	shalt  }
0x53: {  	_ =	shalt  }
0x54: {  	_ =	shalt  }
0x55: {  	_ =	shalt  }
0x56: {  	_ =	shalt  }
0x57: {  	_ =	shalt  }
0x58: {  	_ =	shalt  }
0x59: {  	_ =	shalt  }
0x5a: {  	_ =	shalt  }
0x5b: {  	_ =	shalt  }
0x5c: {  	_ =	shalt  }
0x5d: {  	_ =	shalt  }
0x5e: {  	_ =	shalt  }
0x5f: {  	_ =	shalt  }
0x60: {  	_ =	shalt  }
0x61: {  	_ =	shalt  }
0x62: {  	_ =	shalt  }
0x63: {  	_ =	shalt  }
0x64: {  	_ =	shalt  }
0x65: {  	_ =	shalt  }
0x66: {  	_ =	shalt  }
0x67: {  	_ =	shalt  }
0x68: {  	_ =	shalt  }
0x69: {  	_ =	shalt  }
0x6a: {  	_ =	shalt  }
0x6b: {  	_ =	shalt  }
0x6c: {  	_ =	shalt  }
0x6d: {  	_ =	shalt  }
0x6e: {  	_ =	shalt  }
0x6f: {  	_ =	shalt  }
0x70: {  	_ =	shalt  }
0x71: {  	_ =	shalt  }
0x72: {  	_ =	shalt  }
0x73: {  	_ =	shalt  }
0x74: {  	_ =	shalt  }
0x75: {  	_ =	shalt  }
0x76: {  	_ =	shalt  }
0x77: {  	_ =	shalt  }
0x78: {  	_ =	shalt  }
0x79: {  	_ =	shalt  }
0x7a: {  	_ =	shalt  }
0x7b: {  	_ =	shalt  }
0x7c: {  	_ =	shalt  }
0x7d: {  	_ =	shalt  }
0x7e: {  	_ =	shalt  }
0x7f: {  	_ =	shalt  }
0x80: {  	_ =	shalt  }
0x81: {  	_ =	shalt  }
0x82: {  	_ =	shalt  }
0x83: {  	_ =	shalt  }
0x84: {  	_ =	shalt  }
0x85: {  	_ =	shalt  }
0x86: {  	_ =	shalt  }
0x87: {  	_ =	shalt  }
.Lfunc_end0:
.L_simem_size_0:
called_computation_lowered:
.L_overlay_start_0:
0x88: {  	s2 =	sld [smem:$0x3FD9]  }
0x89: {  	s3 =	sld [smem:$0x3FFE];
	_ =	sdelay $0x1  }
0x8a: {  	s1 =	srdreg.scid  }
0x8b: {  	s0 =	sand.u32 $0x1, s1  }
0x8c: {  	s14 =	sshll.u32 s0, $0xA;
	s2 =	sadd.s32 s3, s2  }
0x8d: {  	s2 =	sadd.s32 s2, s14  }
0x8e: {  	[smem:$0x3FC6] =	sst s2  }
0x8f: {  	_ = 	snop  }
0x90: {  	s2 =	sld [smem:$0x3FD0];
	_ =	sdelay $0x1  }
0x91: {  	s15 =	sld [smem:$0x3FC9]  }
0x92: {  	s5 =	simm.s32 $0xA;
	s6 =	simm.s32 $0x10;
	s4 =	sld [smem:$0x3FC8]  }
0x93: {  	[smem:s6], [sflag:s5] =	dma.local [hbm:s2], $0x1  }
0x94: {  	_ =	swait.eq [sflag:s5], $0x1  }
0x95: {  	[sflag:s5] =	ssyncset.done $0x0  }
0x96: {  	s16 =	sld [smem:$0x10];
	[sflag:s5] =	ssyncadd.s32 $0xFFFFFFFF  }
0x97: {  	s17 =	sld [smem:$0x11];
	(tm) =	ssettm $0x1  }
0x98: {  	s18 =	sld [smem:$0x3FFB];
	_ =	sdelay $0x3  }
0x99: {  	_ =	strace s18  }
0x9a: {  	s6 =	sld [smem:$0x3FFC];
	_ =	sdelay $0x3  }
0x9b: {  	_ =	strace s6  }
0x9c: {  	s6 =	sld [smem:$0x3FFD];
	_ =	sdelay $0x3  }
0x9d: {  	_ =	strace s6  }
0x9e: {  	_ =	strace $0x8FFFFFFF  }
0x9f: {  	s19 =	sld [smem:$0x3FDB];
	_ =	sdelay $0x1  }
0xa0: {  	s7 =	simm.s32 $_scs_section_size  }
0xa1: {  	s8 =	simm.s32 $_size__tile_overlayer_lowered;
	s9 =	simm.s32 $_tile_overlayer_lowered  }
0xa2: {  	s22 =	simm.s32 $0x1BFF;
	s21 =	sshll.u32 s9, $0x1;
	s6 =	sadd.s32 s7, s19  }
0xa3: {  	s10 =	simm.s32 $0x0;
	s20 =	sshll.u32 s8, $0x1;
	s8 =	sadd.s32 s21, s6  }
0xa4: {  	[timem:s10], [sflag:s22] =	dma.local [hbm:s8], s20  }
0xa5: {  	_ =	swait.ge [sflag:s22], s20  }
0xa6: {  	s7 =	ssub.s32 $0x0, s20;
	[sflag:s22] =	ssyncset.done $0x0  }
0xa7: {  	[sflag:s22] =	ssyncadd.s32 s7;
	_ =	sdelay $0x1  }
0xa8: {  	s23 =	simm.s32 $0x1B8B  }
0xa9: {  	_ =	swait.ge [sflag:s23], $0x1  }
0xaa: {  	[sflag:s23] =	ssyncset.done $0x0  }
0xab: {  	s25 =	simm.s32 $0x1B8E;
	s24 =	sld [smem:$0x3FFE];
	[sflag:s23] =	ssyncadd.s32 $0xFFFFFFFF  }
0xac: {  	s26 =	simm.s32 $execute0_lowered;
	[smem:$0x3FD2] =	sst s25  }
0xad: {  	s8 =	sshll.u32 s26, $0x1;
	_ =	strace $0x80000046;
	[dreg:$0x1] =	wrdreg $0xFFFFFFFF  }
0xae: {  	s28 =	simm.s32 $_size_execute0_lowered;
	s6 =	sadd.s32 s6, s8;
	[dreg:$0x0] =	wrdreg $0x0  }
0xaf: {  	s8 =	sshll.u32 s28, $0x1;
	[dreg:$0x2] =	wrdreg s6  }
0xb0: {  	[dreg:$0x3] =	wrdreg s8  }
0xb1: {  	[dreg:$0x4] =	wrdreg $0xC0  }
0xb2: {  	_ =	task [dreg:s10], $0x5FFFF  }
0xb3: {  	[dreg:$0x1] =	wrdreg $0xFFFFFFFF  }
0xb4: {  	[dreg:$0x0] =	wrdreg $0x60  }
0xb5: {  	[dreg:$0x2] =	wrdreg s15  }
0xb6: {  	[dreg:$0x3] =	wrdreg s4  }
0xb7: {  	[dreg:$0x4] =	wrdreg s24  }
0xb8: {  	[dreg:$0x5] =	wrdreg s16  }
0xb9: {  	[dreg:$0x6] =	wrdreg s17  }
0xba: {  	[dreg:$0x7] =	wrdreg $0x9  }
0xbb: {  	_ =	task.clear_ibuf [dreg:s10], $0x8FFFF;
	_ =	strace $0x90000046  }
0xbc: {  	s29 =	simm.s32 $0x9;
	_ =	strace $0x80000048  }
0xbd: {  	_ =	swait.ge [sflag:s29], $0x1  }
0xbe: {  	[sflag:s29] =	ssyncadd.s32 $0xFFFFFFFF  }
0xbf: {  	_ =	strace $0x90000048  }
0xc0: {  	_ =	sfence  }
0xc1: {  	s30 =	sld [smem:$0x0];
	_ =	sdelay $0x2  }
0xc2: {  	s31 =	sshll.u32 s1, $0xD;
	s1 =	sshrl.u32 s1, $0x2  }
0xc3: {  	s3 =	sand.u32 $0x4000, s31;
	s1 =	sadd.s32 s1, s30  }
0xc4: {  	s0 =	sor.u32 s3, s0;
	s1 =	sshll.u32 s1, $0x11  }
0xc5: {  	s0 =	sor.u32 s1, s0  }
0xc6: {  	s0 =	sadd.s32 $0x8F2B, s0  }
0xc7: {  	[sflag:s0] =	ssyncadd.remote.s32 $0x1  }
0xc8: {  	_ =	sfence.sel $0xFFFF  }
0xc9: {  	[dreg:$0x0] =	wrdreg $0xFFFFFFFF;
	(pc) =	sbr.abs _section_cstart, $3  }
0xca: {  	[dreg:$0x1] =	wrdreg $0xFFFFFFFF  }
0xcb: {  	_ =	task.clear_ibuf [dreg:s10], $0x2FFFF;
	_ =	strace $0x9FFFFFFF  }
0xcc: {  	(tm) =	ssettm $0x7FFFFFFF  }
0xcd: {  	_ =	shalt  }
tec
execute0_lowered:
.L_overlay_start_1:
0x0: {  	(tag) =	ssettag $0x1  }
0x1: {  	s6 =	rddreg [dreg:$0x0]  }
0x2: {  	s0 =	srdreg.scid;
	s2 =	rddreg [dreg:$0x2]  }
0x3: {  	s3 =	stileid.u32;
	s21 =	rddreg [dreg:$0x3]  }
0x4: {  	s4 =	simm.s32 $0x0;
	s0 =	sand.u32 $0x1, s0;
	s3 =	sshll.u32 s3, $0x1  }
0x5: {  	s1 =	simm.s32 $0x0;
	s18 =	simm.s32 $0x1;
	s5 =	sor.u32 s0, s3  }
0x6: {  	v0 =	vimm.s32 $0xECA86420;
	vm0 =	vcmask $0xB08;
	vm1 =	vcmask $0x1310;
	[smem:$0x7FF] =	sst s4;
	s0 =	ssub.s32 $0x2, s0;
	s3 =	smul.u32 $0x320, s5  }
0x7: {  	vm2 =	vcmask $0x1B18;
	vm3 =	vcmask $0x300;
	vm4 =	vcmask $0x2320;
	s2 =	sadd.s32 $0x800, s2;
	_ =	strace $0x80000047;
	s30 =	sshrl.u32 s0, $0x1  }
.Ltmp0:
0x8: {  	vm5 =	vcmask $0x2B28;
	vm6 =	vcmask $0x3330;
	vm7 =	vcmask $0x3B38;
	s0 =	ssub.s32 s0, s30;
	s3 =	sand.u32 $0x7C00, s3;
	(pc) =	sbr.rel .LBB2_1-.Ltmp0, $4  }
0x9: {  	v1 =	vlaneseq.u32;
	vm8 =	vmmov $0xff;
	vm9 =	vcmask $0x704;
	[dreg:$0x6] =	wrdreg s2;
	s0 =	smax.u32 s0, $0x1;
	s3 =	sshrl.u32 s3, $0x3  }
0xa: {  	vm10 =	vcmask $0xF0C;
	vm11 =	vcmask $0x1714;
	s19 =	simm.s32 $0x2;
	v0 =	vunpack.c.l.s4.s8 v0;
	[dreg:$0x9] =	wrdreg s0;
	s31 =	sadd.s32 s6, s3  }
0xb: {  	vm12 =	vcmask $0x1F1C;
	s20 =	simm.s32 $0xC000;
	vm13 =	vcmask $0x2724;
	vm14 =	vcmask $0x2F2C;
	[dreg:$0x7] =	wrdreg s31;
	s2 =	sadd.s32 $0x58200, s31  }
0xc: {  	vm15 =	vcmask $0x3734;
	v1 =	vmul.u32 $0x2, v1;
	v0 =	vunpack.c.0.s8.s32 v0;
	p0 =	sne.s32 s5, $0x0;
	s3 =	simm.s32 $0x0;
	[dreg:$0x8] =	wrdreg s2  }
.LBB2_13:
0xd: {  	s2 =	simm.s32 $0x3  }
0xe: {  	_ =	swait.ge [sflag:s2], $0x5000  }
0xf: {  	s3 =	rddreg [dreg:$0xa]  }
0x10: {  	s0 =	rddreg [dreg:$0x9];
	s3 =	sadd.s32 $0x1, s3  }
0x11: {  	p1 =	sne.s32 s3, s0  }
.Ltmp1:
0x12: {  	_ = 	snop;
	(pc) =	sbr.rel @!p1 .LBB2_14-.Ltmp1, $3  }
0x13: {  	_ =	sdelay $0x1  }
0x14: {  	[sflag:s2] =	ssyncset.done $0x0  }
0x15: {  	[sflag:s2] =	ssyncadd.s32 $0xFFFFB000  }
.LBB2_1:
0x16: {  	[dreg:$0xa] =	wrdreg s3  }
0x17: {  	s0 =	rddreg [dreg:$0x6]  }
.Ltmp2:
0x18: {  	s2 =	simm.s32 $0x17100;
	s31 =	simm.s32 $0x4;
	(pc) =	sbr.rel @p0 .LBB2_3-.Ltmp2, $4  }
0x19: {  	[tilespmem:s2], [sflag:$0x4] =	stream.linear.gather [hbm4b:s0+s1], $0x500, $0x38;
	[tilespmem:$0x17680] =	vst v63  }
0x1a: {  	_ =	swait.ge [sflag:s31], $0x500  }
0x1b: {  	[sflag:s31] =	ssyncset.done $0x0  }
0x1c: {  	[sflag:s31] =	ssyncadd.s32 $0xFFFFFB00  }
0x1d: {  	s0 =	rddreg [dreg:$0x1]  }
0x1e: {  	s2 =	simm.s32 $0x0;
	s1 =	simm.s32 $0x17600;
	s30 =	simm.s32 $0x4  }
0x1f: {  	[tilespmem:s1], [sflag:$0x4] =	stream.linear.gather [hbm4b:s0+s2], $0x80, $0x38;
	[tilespmem:$0x17680] =	vst v63  }
0x20: {  	_ =	swait.ge [sflag:s30], $0x80  }
0x21: {  	[sflag:s30] =	ssyncset.done $0x0  }
0x22: {  	[sflag:s30] =	ssyncadd.s32 $0xFFFFFF80  }
0x23: {  	v2 =	vld [tilespmem:$0x17600];
	_ =	sdelay $0x4  }
0x24: {  	(v2sf) =	vpush v2, $0xD;
	_ =	sdelay $0x1  }
0x25: {  	(v2sf) =	vpush v2, $0xC;
	_ =	sdelay $0x1  }
0x26: {  	(v2sf) =	vpush v2, $0xE;
	_ =	sdelay $0x1  }
0x27: {  	(v2sf) =	vpush v2, $0xF;
	_ =	sdelay $0x1  }
0x28: {  	(v2sf) =	vpush v2, $0x9;
	_ =	sdelay $0x1  }
0x29: {  	(v2sf) =	vpush v2, $0x8;
	_ =	sdelay $0x1  }
0x2a: {  	(v2sf) =	vpush v2, $0xA;
	_ =	sdelay $0x1  }
0x2b: {  	(v2sf) =	vpush v2, $0xB  }
0x2c: {  	s31 =	spop (v2sf)  }
0x2d: {  	(v2sf) =	vpush v2, $0x0;
	s1 =	smulhi.u32 $0x51EB851F, s31;
	s0 =	sshra.s32 s31, $0x1F  }
0x2e: {  	(v2sf) =	vpush v2, $0x1;
	s3 =	spop (v2sf);
	s0 =	smul.u32 $0x51EB851F, s0  }
0x2f: {  	s4 =	smulhi.u32 $0x51EB851F, s3;
	s3 =	sshra.s32 s3, $0x1F  }
0x30: {  	(v2sf) =	vpush v2, $0x2;
	s6 =	spop (v2sf);
	s3 =	smul.u32 $0x51EB851F, s3  }
0x31: {  	(v2sf) =	vpush v2, $0x3;
	s9 =	smulhi.u32 $0x51EB851F, s6;
	s6 =	sshra.s32 s6, $0x1F  }
0x32: {  	(v2sf) =	vpush v2, $0x4;
	s8 =	spop (v2sf);
	s6 =	smul.u32 $0x51EB851F, s6  }
0x33: {  	(v2sf) =	vpush v2, $0x5;
	s13 =	smulhi.u32 $0x51EB851F, s8;
	s8 =	sshra.s32 s8, $0x1F  }
0x34: {  	(v2sf) =	vpush v2, $0x6;
	s10 =	spop (v2sf);
	s8 =	smul.u32 $0x51EB851F, s8  }
0x35: {  	(v2sf) =	vpush v2, $0x7;
	s14 =	smulhi.u32 $0x51EB851F, s10;
	s10 =	sshra.s32 s10, $0x1F  }
0x36: {  	s2 =	sadd.s32 s0, s1;
	s11 =	spop (v2sf);
	s10 =	smul.u32 $0x51EB851F, s10  }
0x37: {  	s4 =	sadd.s32 s3, s4;
	s22 =	smulhi.u32 $0x51EB851F, s11;
	s11 =	sshra.s32 s11, $0x1F  }
0x38: {  	s12 =	spop (v2sf);
	s21 =	sshrl.u32 s4, $0x1F;
	s11 =	smul.u32 $0x51EB851F, s11  }
0x39: {  	s3 =	sadd.s32 s6, s9;
	s25 =	smulhi.u32 $0x51EB851F, s12;
	s12 =	sshra.s32 s12, $0x1F  }
0x3a: {  	s4 =	sshra.s32 s4, $0x5;
	s15 =	spop (v2sf);
	s28 =	smul.u32 $0x51EB851F, s12  }
0x3b: {  	s0 =	sadd.s32 s8, s13;
	s30 =	smulhi.u32 $0x51EB851F, s15;
	s15 =	sshra.s32 s15, $0x1F  }
0x3c: {  	s16 =	spop (v2sf);
	s10 =	sadd.s32 s10, s14;
	s15 =	smul.u32 $0x51EB851F, s15  }
0x3d: {  	s17 =	spop (v2sf);
	s31 =	smulhi.u32 $0x51EB851F, s16;
	s7 =	sshra.s32 s16, $0x1F  }
0x3e: {  	s16 =	sshrl.u32 s2, $0x1F;
	s11 =	sadd.s32 s11, s22;
	s7 =	smul.u32 $0x51EB851F, s7  }
0x3f: {  	s23 =	spop (v2sf);
	s9 =	smulhi.u32 $0x51EB851F, s17;
	s1 =	sshra.s32 s17, $0x1F  }
0x40: {  	s17 =	sshrl.u32 s3, $0x1F;
	s24 =	spop (v2sf);
	s1 =	smul.u32 $0x51EB851F, s1  }
0x41: {  	s14 =	smulhi.u32 $0x51EB851F, s23;
	s8 =	sshra.s32 s23, $0x1F;
	s26 =	spop (v2sf)  }
0x42: {  	s22 =	smul.u32 $0x51EB851F, s8;
	s8 =	sadd.s32 s28, s25;
	s29 =	spop (v2sf)  }
0x43: {  	s25 =	smulhi.u32 $0x51EB851F, s24;
	s24 =	sshra.s32 s24, $0x1F;
	s12 =	spop (v2sf)  }
0x44: {  	s6 =	sadd.s32 s15, s30;
	s15 =	smul.u32 $0x51EB851F, s24;
	s30 =	spop (v2sf)  }
0x45: {  	s23 =	sshrl.u32 s0, $0x1F;
	s28 =	smulhi.u32 $0x51EB851F, s30;
	s24 =	sshra.s32 s30, $0x1F  }
0x46: {  	s7 =	sadd.s32 s7, s31;
	s13 =	sadd.s32 s1, s9;
	s1 =	smul.u32 $0x51EB851F, s24  }
0x47: {  	s31 =	sshra.s32 s26, $0x1F;
	s14 =	sadd.s32 s22, s14;
	s22 =	smulhi.u32 $0x51EB851F, s26  }
0x48: {  	v3 =	vmov s21;
	s26 =	sshrl.u32 s11, $0x1F;
	s11 =	sshra.s32 s11, $0x5;
	s9 =	sadd.s32 s1, s28  }
0x49: {  	v3 =	vsel vm0, s16, v3;
	s15 =	sadd.s32 s15, s25;
	s25 =	sshrl.u32 s13, $0x1F;
	s1 =	sshra.s32 s9, $0x1F  }
0x4a: {  	v3 =	vsel vm1, s17, v3;
	s17 =	sshrl.u32 s14, $0x1F;
	s24 =	smul.u32 $0x51EB851F, s31;
	s31 =	sshra.s32 s7, $0x5;
	v2 =	vmov s1  }
0x4b: {  	s16 =	smulhi.u32 $0x51EB851F, s29;
	s1 =	sshrl.u32 s7, $0x1F;
	s7 =	sshra.s32 s7, $0x1F;
	v2 =	vsel vm3, s31, v2  }
0x4c: {  	v5 =	vmov s26;
	s26 =	sshra.s32 s15, $0x5;
	s30 =	sshrl.u32 s10, $0x1F;
	v4 =	vmov s1;
	s1 =	sshra.s32 s13, $0x5;
	v2 =	vsel vm9, s7, v2  }
0x4d: {  	s10 =	sshra.s32 s10, $0x5;
	s31 =	sshra.s32 s29, $0x1F;
	s13 =	sshra.s32 s13, $0x1F;
	v2 =	vsel vm0, s1, v2  }
0x4e: {  	v63 =	vmov s4;
	v3 =	vsel vm2, s23, v3;
	s28 =	sshrl.u32 s8, $0x1F;
	s29 =	smul.u32 $0x51EB851F, s31;
	s1 =	sshra.s32 s14, $0x5;
	v2 =	vsel vm10, s13, v2  }
0x4f: {  	v6 =	vmov s11;
	v5 =	vsel vm0, s30, v5;
	s31 =	smulhi.u32 $0x51EB851F, s12;
	s12 =	sshra.s32 s12, $0x1F;
	s14 =	sshra.s32 s14, $0x1F;
	v2 =	vsel vm1, s1, v2  }
0x50: {  	v6 =	vsel vm0, s10, v6;
	s22 =	sadd.s32 s24, s22;
	s24 =	sshrl.u32 s6, $0x1F;
	v5 =	vsel vm1, s28, v5;
	s12 =	smul.u32 $0x51EB851F, s12;
	v2 =	vsel vm11, s14, v2  }
0x51: {  	v5 =	vsel vm2, s24, v5;
	v4 =	vnsel vm3, $0x0, v4;
	s23 =	sadd.s32 s29, s16;
	s29 =	sshra.s32 s15, $0x1F;
	v2 =	vsel vm2, s26, v2  }
0x52: {  	s2 =	sshra.s32 s2, $0x5;
	v3 =	vcombine.low v5, v3;
	v4 =	vsel vm0, s25, v4;
	s12 =	sadd.s32 s12, s31;
	s31 =	sshra.s32 s22, $0x5;
	v2 =	vsel vm12, s29, v2  }
0x53: {  	v5 =	vsel vm0, s2, v63;
	v4 =	vsel vm1, s17, v4;
	s13 =	sshrl.u32 s15, $0x1F;
	s15 =	sshra.s32 s3, $0x5;
	s1 =	sshra.s32 s22, $0x1F;
	v2 =	vsel vm4, s31, v2  }
0x54: {  	s25 =	sshrl.u32 s22, $0x1F;
	s16 =	sshra.s32 s8, $0x5;
	v4 =	vsel vm2, s13, v4;
	v5 =	vsel vm1, s15, v5;
	s14 =	sshra.s32 s23, $0x5;
	v2 =	vsel vm13, s1, v2  }
0x55: {  	s0 =	sshra.s32 s0, $0x5;
	s17 =	sshra.s32 s23, $0x1F;
	v6 =	vsel vm1, s16, v6;
	s22 =	sshra.s32 s6, $0x5;
	v4 =	vsel vm4, s25, v4;
	v2 =	vsel vm5, s14, v2  }
0x56: {  	s28 =	sshrl.u32 s23, $0x1F;
	s23 =	sshra.s32 s12, $0x5;
	v5 =	vsel vm2, s0, v5;
	v6 =	vsel vm2, s22, v6;
	v2 =	vsel vm14, s17, v2  }
0x57: {  	s30 =	sshrl.u32 s12, $0x1F;
	s25 =	sshra.s32 s12, $0x1F;
	v4 =	vsel vm5, s28, v4;
	v5 =	vcombine.low v6, v5;
	v2 =	vsel vm6, s23, v2  }
0x58: {  	s24 =	sshrl.u32 s9, $0x1F;
	v3 =	vperm.xlane v3, v0;
	s26 =	sshra.s32 s9, $0x5;
	v4 =	vsel vm6, s30, v4;
	v2 =	vsel vm15, s25, v2  }
0x59: {  	v4 =	vsel vm7, s24, v4;
	v5 =	vperm.xlane v5, v0;
	v2 =	vsel vm7, s26, v2  }
0x5a: {  	v4 =	vperm.xlane v4, v1;
	v2 =	vperm.xlane v2, v1;
	_ =	sdelay $0x1  }
0x5b: {  	v3 =	vsel vm8, v4, v3;
	v2 =	vsel vm8, v2, v5  }
0x5c: {  	s28 =	rddreg [dreg:$0x4];
	v2 =	vadd.s32 v3, v2  }
0x5d: {  	s29 =	simm.s32 $0x17600;
	s30 =	simm.s32 $0x0;
	s31 =	simm.s32 $0x4;
	[tilespmem:$0x17600] =	vst v2  }
0x5e: {  	[hbm4b:s28+s30] =	stream.linear.scatter [tilespmem:s29], [sflag:$0x4], $0x80, $0x38;
	[tilespmem:$0x17680] =	vst v63  }
0x5f: {  	s21 =	rddreg [dreg:$0x3];
	_ =	swait.ge [sflag:s31], $0x80  }
0x60: {  	[sflag:s31] =	ssyncset.done $0x0  }
0x61: {  	s1 =	simm.s32 $0x0;
	[sflag:s31] =	ssyncadd.s32 $0xFFFFFF80  }
.LBB2_3:
.Ltmp3:
0x62: {  	s24 =	simm.s32 $0x0;
	(pc) =	sbr.rel .LBB2_4-.Ltmp3, $4  }
0x63: {  	s0 =	rddreg [dreg:$0x7];
	s2 =	simm.s32 $0x800;
	s3 =	simm.s32 $0x3AC00  }
0x64: {  	[tilespmem:s24], [sflag:$0x1] =	stream.strided.gather [hbm4b:s0+s2], $0x6000, s3, s2, $0x38;
	[tilespmem:$0x17680] =	vst v63  }
0x65: {  	s31 =	rddreg [dreg:$0x8];
	s4 =	simm.s32 $0x6000  }
0x66: {  	[tilespmem:s4], [sflag:$0x2] =	stream.strided.gather [hbm4b:s31+s2], $0x6000, s3, s2, $0x38;
	[tilespmem:$0x17680] =	vst v63  }
.LBB2_12:
0x67: {  	s24 =	sadd.s32 $0x1, s24  }
0x68: {  	p1 =	sne.s32 s24, $0xA  }
.Ltmp4:
0x69: {  	_ = 	snop;
	(pc) =	sbr.rel @!p1 .LBB2_13-.Ltmp4, $1  }
0x6a: {  	_ =	sdelay $0x3  }
.LBB2_4:
0x6b: {  	s0 =	sshll.u32 s24, $0x5  }
0x6c: {  	s25 =	sor.u32 s5, s0  }
0x6d: {  	p1 =	sgt.u32 s25, $0x12B  }
.Ltmp5:
0x6e: {  	_ = 	snop;
	(pc) =	sbr.rel @p1 .LBB2_12-.Ltmp5, $1  }
0x6f: {  	_ =	sdelay $0x3  }
0x70: {  	s6 =	smul.u32 $0x64, s25  }
0x71: {  	_ =	swait.ge [sflag:s18], $0x6000  }
0x72: {  	[sflag:s18] =	ssyncset.done $0x0;
	s26 =	sand.u32 $0x70, s6  }
0x73: {  	[sflag:s18] =	ssyncadd.s32 $0xFFFFA000;
	s0 =	sadd.s32 $0x10, s26;
	s3 =	sadd.s32 $0x20, s26  }
0x74: {  	s11 =	sadd.s32 $0x30, s26;
	s13 =	sadd.s32 $0x40, s26;
	s4 =	sadd.s32 $0x50, s26  }
0x75: {  	s7 =	sadd.s32 $0x60, s26;
	s8 =	sadd.s32 $0x70, s26;
	s2 =	sshll.u32 s0, $0x3  }
0x76: {  	s9 =	sshll.u32 s3, $0x3;
	s12 =	sshll.u32 s11, $0x3;
	s14 =	sshll.u32 s13, $0x3  }
0x77: {  	s15 =	sshll.u32 s4, $0x3;
	s16 =	sshll.u32 s7, $0x3;
	s22 =	sshll.u32 s8, $0x3  }
0x78: {  	s0 =	sor.u32 s0, s2;
	s10 =	sor.u32 s3, s9;
	s2 =	sor.u32 s13, s14  }
0x79: {  	s3 =	sor.u32 s4, s15;
	s17 =	sor.u32 s7, s16;
	s23 =	sor.u32 s8, s22  }
0x7a: {  	s14 =	simm.s32 $0x0;
	s28 =	sand.u32 $0x470, s0;
	s29 =	sand.u32 $0x470, s10  }
0x7b: {  	s0 =	sor.u32 s11, s12;
	s31 =	sand.u32 $0x470, s2;
	s3 =	sand.u32 $0x470, s3  }
0x7c: {  	s2 =	sand.u32 $0x470, s23;
	s30 =	sand.u32 $0x470, s0;
	s0 =	sand.u32 $0x470, s17  }
.LBB2_6:
0x7d: {  	s8 =	sshll.u32 s14, $0xC  }
0x7e: {  	s15 =	sor.u32 s8, s26  }
0x7f: {  	s16 =	sor.u32 s8, s28;
	v2 =	vld [tilespmem:s15+$0x0]  }
0x80: {  	s10 =	sor.u32 s8, s29;
	v3 =	vld [tilespmem:s16+$0x0]  }
0x81: {  	s11 =	sor.u32 s8, s30;
	v4 =	vld [tilespmem:s10+$0x0]  }
0x82: {  	s9 =	sor.u32 s8, s31;
	v5 =	vld [tilespmem:s11+$0x0]  }
0x83: {  	s22 =	sor.u32 s8, s3;
	v6 =	vld [tilespmem:s9+$0x0]  }
0x84: {  	s12 =	smul.u32 $0x81, s14;
	s13 =	sor.u32 s8, s0;
	v7 =	vld [tilespmem:s22+$0x0]  }
0x85: {  	s23 =	sor.u32 s8, s2;
	v8 =	vld [tilespmem:s13+$0x0]  }
0x86: {  	v9 =	vld [tilespmem:s23+$0x0];
	[tilespmem:s12+$0xC000] =	vst v2  }
0x87: {  	[tilespmem:s12+$0xC010] =	vst v3  }
0x88: {  	[tilespmem:s12+$0xC020] =	vst v4  }
0x89: {  	[tilespmem:s12+$0xC030] =	vst v5  }
0x8a: {  	[tilespmem:s12+$0xC040] =	vst v6  }
0x8b: {  	[tilespmem:s12+$0xC050] =	vst v7  }
0x8c: {  	[tilespmem:s12+$0xC060] =	vst v8  }
0x8d: {  	[tilespmem:s12+$0xC070] =	vst v9  }
0x8e: {  	v2 =	vld [tilespmem:s15+$0x80]  }
0x8f: {  	v3 =	vld [tilespmem:s16+$0x80]  }
0x90: {  	v4 =	vld [tilespmem:s10+$0x80]  }
0x91: {  	v5 =	vld [tilespmem:s11+$0x80]  }
0x92: {  	v6 =	vld [tilespmem:s9+$0x80]  }
0x93: {  	v7 =	vld [tilespmem:s22+$0x80]  }
0x94: {  	v8 =	vld [tilespmem:s13+$0x80]  }
0x95: {  	v9 =	vld [tilespmem:s23+$0x80];
	[tilespmem:s12+$0xC60C] =	vst v2  }
0x96: {  	[tilespmem:s12+$0xC61C] =	vst v3  }
0x97: {  	[tilespmem:s12+$0xC62C] =	vst v4  }
0x98: {  	[tilespmem:s12+$0xC63C] =	vst v5  }
0x99: {  	[tilespmem:s12+$0xC64C] =	vst v6  }
0x9a: {  	[tilespmem:s12+$0xC65C] =	vst v7  }
0x9b: {  	[tilespmem:s12+$0xC66C] =	vst v8  }
0x9c: {  	[tilespmem:s12+$0xC67C] =	vst v9  }
0x9d: {  	v2 =	vld [tilespmem:s15+$0x100]  }
0x9e: {  	v3 =	vld [tilespmem:s16+$0x100]  }
0x9f: {  	v4 =	vld [tilespmem:s10+$0x100]  }
0xa0: {  	v5 =	vld [tilespmem:s11+$0x100]  }
0xa1: {  	v6 =	vld [tilespmem:s9+$0x100]  }
0xa2: {  	v7 =	vld [tilespmem:s22+$0x100]  }
0xa3: {  	v8 =	vld [tilespmem:s13+$0x100]  }
0xa4: {  	v9 =	vld [tilespmem:s23+$0x100];
	[tilespmem:s12+$0xCC18] =	vst v2  }
0xa5: {  	[tilespmem:s12+$0xCC28] =	vst v3  }
0xa6: {  	[tilespmem:s12+$0xCC38] =	vst v4  }
0xa7: {  	[tilespmem:s12+$0xCC48] =	vst v5  }
0xa8: {  	[tilespmem:s12+$0xCC58] =	vst v6  }
0xa9: {  	[tilespmem:s12+$0xCC68] =	vst v7  }
0xaa: {  	[tilespmem:s12+$0xCC78] =	vst v8  }
0xab: {  	[tilespmem:s12+$0xCC88] =	vst v9  }
0xac: {  	v2 =	vld [tilespmem:s15+$0x180]  }
0xad: {  	v3 =	vld [tilespmem:s16+$0x180]  }
0xae: {  	v4 =	vld [tilespmem:s10+$0x180]  }
0xaf: {  	v5 =	vld [tilespmem:s11+$0x180]  }
0xb0: {  	v6 =	vld [tilespmem:s9+$0x180]  }
0xb1: {  	v7 =	vld [tilespmem:s22+$0x180]  }
0xb2: {  	v8 =	vld [tilespmem:s13+$0x180]  }
0xb3: {  	v9 =	vld [tilespmem:s23+$0x180];
	[tilespmem:s12+$0xD224] =	vst v2  }
0xb4: {  	[tilespmem:s12+$0xD234] =	vst v3  }
0xb5: {  	[tilespmem:s12+$0xD244] =	vst v4  }
0xb6: {  	[tilespmem:s12+$0xD254] =	vst v5  }
0xb7: {  	[tilespmem:s12+$0xD264] =	vst v6  }
0xb8: {  	[tilespmem:s12+$0xD274] =	vst v7  }
0xb9: {  	[tilespmem:s12+$0xD284] =	vst v8  }
0xba: {  	[tilespmem:s12+$0xD294] =	vst v9  }
0xbb: {  	v2 =	vld [tilespmem:s15+$0x200]  }
0xbc: {  	v3 =	vld [tilespmem:s16+$0x200]  }
0xbd: {  	v4 =	vld [tilespmem:s10+$0x200]  }
0xbe: {  	v5 =	vld [tilespmem:s11+$0x200]  }
0xbf: {  	v6 =	vld [tilespmem:s9+$0x200]  }
0xc0: {  	v7 =	vld [tilespmem:s22+$0x200]  }
0xc1: {  	v8 =	vld [tilespmem:s13+$0x200]  }
0xc2: {  	v9 =	vld [tilespmem:s23+$0x200];
	[tilespmem:s12+$0xD830] =	vst v2  }
0xc3: {  	[tilespmem:s12+$0xD840] =	vst v3  }
0xc4: {  	[tilespmem:s12+$0xD850] =	vst v4  }
0xc5: {  	[tilespmem:s12+$0xD860] =	vst v5  }
0xc6: {  	s17 =	sand.u32 $0x3FF, s12;
	[tilespmem:s12+$0xD870] =	vst v6  }
0xc7: {  	[tilespmem:s17+$0xD880] =	vst v7  }
0xc8: {  	[tilespmem:s12+$0xD890] =	vst v8  }
0xc9: {  	[tilespmem:s12+$0xD8A0] =	vst v9  }
0xca: {  	v2 =	vld [tilespmem:s15+$0x280]  }
0xcb: {  	v3 =	vld [tilespmem:s16+$0x280]  }
0xcc: {  	v4 =	vld [tilespmem:s10+$0x280]  }
0xcd: {  	v5 =	vld [tilespmem:s11+$0x280]  }
0xce: {  	v6 =	vld [tilespmem:s9+$0x280]  }
0xcf: {  	v7 =	vld [tilespmem:s22+$0x280]  }
0xd0: {  	v8 =	vld [tilespmem:s13+$0x280]  }
0xd1: {  	v9 =	vld [tilespmem:s23+$0x280];
	[tilespmem:s12+$0xDE3C] =	vst v2  }
0xd2: {  	[tilespmem:s12+$0xDE4C] =	vst v3  }
0xd3: {  	[tilespmem:s12+$0xDE5C] =	vst v4  }
0xd4: {  	[tilespmem:s12+$0xDE6C] =	vst v5  }
0xd5: {  	[tilespmem:s12+$0xDE7C] =	vst v6  }
0xd6: {  	[tilespmem:s12+$0xDE8C] =	vst v7  }
0xd7: {  	[tilespmem:s12+$0xDE9C] =	vst v8  }
0xd8: {  	[tilespmem:s12+$0xDEAC] =	vst v9  }
0xd9: {  	v2 =	vld [tilespmem:s15+$0x300]  }
0xda: {  	v3 =	vld [tilespmem:s16+$0x300]  }
0xdb: {  	v4 =	vld [tilespmem:s10+$0x300]  }
0xdc: {  	v5 =	vld [tilespmem:s11+$0x300]  }
0xdd: {  	v6 =	vld [tilespmem:s9+$0x300]  }
0xde: {  	v7 =	vld [tilespmem:s22+$0x300]  }
0xdf: {  	v8 =	vld [tilespmem:s13+$0x300]  }
0xe0: {  	v9 =	vld [tilespmem:s23+$0x300];
	[tilespmem:s12+$0xE448] =	vst v2  }
0xe1: {  	[tilespmem:s12+$0xE458] =	vst v3  }
0xe2: {  	[tilespmem:s12+$0xE468] =	vst v4  }
0xe3: {  	[tilespmem:s12+$0xE478] =	vst v5  }
0xe4: {  	[tilespmem:s12+$0xE488] =	vst v6  }
0xe5: {  	[tilespmem:s12+$0xE498] =	vst v7  }
0xe6: {  	[tilespmem:s12+$0xE4A8] =	vst v8  }
0xe7: {  	[tilespmem:s12+$0xE4B8] =	vst v9  }
0xe8: {  	v2 =	vld [tilespmem:s15+$0x380]  }
0xe9: {  	v3 =	vld [tilespmem:s16+$0x380]  }
0xea: {  	v4 =	vld [tilespmem:s10+$0x380]  }
0xeb: {  	v5 =	vld [tilespmem:s11+$0x380]  }
0xec: {  	v6 =	vld [tilespmem:s9+$0x380]  }
0xed: {  	v7 =	vld [tilespmem:s22+$0x380]  }
0xee: {  	v8 =	vld [tilespmem:s13+$0x380]  }
0xef: {  	v9 =	vld [tilespmem:s23+$0x380];
	[tilespmem:s12+$0xEA54] =	vst v2  }
0xf0: {  	[tilespmem:s12+$0xEA64] =	vst v3  }
0xf1: {  	[tilespmem:s12+$0xEA74] =	vst v4  }
0xf2: {  	[tilespmem:s12+$0xEA84] =	vst v5  }
0xf3: {  	[tilespmem:s12+$0xEA94] =	vst v6  }
0xf4: {  	[tilespmem:s12+$0xEAA4] =	vst v7  }
0xf5: {  	s4 =	sor.u32 $0x800, s8;
	[tilespmem:s12+$0xEAB4] =	vst v8  }
0xf6: {  	s8 =	sor.u32 s4, s26;
	[tilespmem:s12+$0xEAC4] =	vst v9  }
0xf7: {  	s11 =	sor.u32 s4, s28;
	v2 =	vld [tilespmem:s8+$0x0]  }
0xf8: {  	s13 =	sor.u32 s4, s29;
	v3 =	vld [tilespmem:s11+$0x0]  }
0xf9: {  	s15 =	sor.u32 s4, s30;
	v4 =	vld [tilespmem:s13+$0x0]  }
0xfa: {  	s16 =	sor.u32 s4, s31;
	v5 =	vld [tilespmem:s15+$0x0]  }
0xfb: {  	s22 =	sor.u32 s4, s3;
	v6 =	vld [tilespmem:s16+$0x0]  }
0xfc: {  	s23 =	sor.u32 s4, s0;
	v7 =	vld [tilespmem:s22+$0x0]  }
0xfd: {  	s4 =	sor.u32 s4, s2;
	v8 =	vld [tilespmem:s23+$0x0]  }
0xfe: {  	v9 =	vld [tilespmem:s4+$0x0];
	[tilespmem:s12+$0xF060] =	vst v2  }
0xff: {  	[tilespmem:s12+$0xF070] =	vst v3  }
0x100: {  	[tilespmem:s17+$0xF080] =	vst v4  }
0x101: {  	[tilespmem:s12+$0xF090] =	vst v5  }
0x102: {  	[tilespmem:s12+$0xF0A0] =	vst v6  }
0x103: {  	[tilespmem:s12+$0xF0B0] =	vst v7  }
0x104: {  	[tilespmem:s12+$0xF0C0] =	vst v8  }
0x105: {  	[tilespmem:s12+$0xF0D0] =	vst v9  }
0x106: {  	v2 =	vld [tilespmem:s8+$0x80]  }
0x107: {  	v3 =	vld [tilespmem:s11+$0x80]  }
0x108: {  	v4 =	vld [tilespmem:s13+$0x80]  }
0x109: {  	v5 =	vld [tilespmem:s15+$0x80]  }
0x10a: {  	v6 =	vld [tilespmem:s16+$0x80]  }
0x10b: {  	v7 =	vld [tilespmem:s22+$0x80]  }
0x10c: {  	v8 =	vld [tilespmem:s23+$0x80]  }
0x10d: {  	v9 =	vld [tilespmem:s4+$0x80];
	[tilespmem:s12+$0xF66C] =	vst v2  }
0x10e: {  	[tilespmem:s12+$0xF67C] =	vst v3  }
0x10f: {  	[tilespmem:s12+$0xF68C] =	vst v4  }
0x110: {  	[tilespmem:s12+$0xF69C] =	vst v5  }
0x111: {  	[tilespmem:s12+$0xF6AC] =	vst v6  }
0x112: {  	[tilespmem:s12+$0xF6BC] =	vst v7  }
0x113: {  	[tilespmem:s12+$0xF6CC] =	vst v8  }
0x114: {  	[tilespmem:s12+$0xF6DC] =	vst v9  }
0x115: {  	v2 =	vld [tilespmem:s8+$0x100]  }
0x116: {  	v3 =	vld [tilespmem:s11+$0x100]  }
0x117: {  	v4 =	vld [tilespmem:s13+$0x100]  }
0x118: {  	v5 =	vld [tilespmem:s15+$0x100]  }
0x119: {  	v6 =	vld [tilespmem:s16+$0x100]  }
0x11a: {  	v7 =	vld [tilespmem:s22+$0x100]  }
0x11b: {  	v8 =	vld [tilespmem:s23+$0x100]  }
0x11c: {  	v9 =	vld [tilespmem:s4+$0x100];
	[tilespmem:s12+$0xFC78] =	vst v2  }
0x11d: {  	[tilespmem:s12+$0xFC88] =	vst v3  }
0x11e: {  	[tilespmem:s12+$0xFC98] =	vst v4  }
0x11f: {  	[tilespmem:s12+$0xFCA8] =	vst v5  }
0x120: {  	[tilespmem:s12+$0xFCB8] =	vst v6  }
0x121: {  	[tilespmem:s12+$0xFCC8] =	vst v7  }
0x122: {  	[tilespmem:s12+$0xFCD8] =	vst v8  }
0x123: {  	[tilespmem:s12+$0xFCE8] =	vst v9  }
0x124: {  	v2 =	vld [tilespmem:s8+$0x180]  }
0x125: {  	v3 =	vld [tilespmem:s11+$0x180]  }
0x126: {  	v4 =	vld [tilespmem:s13+$0x180]  }
0x127: {  	v5 =	vld [tilespmem:s15+$0x180]  }
0x128: {  	v6 =	vld [tilespmem:s16+$0x180]  }
0x129: {  	v7 =	vld [tilespmem:s22+$0x180]  }
0x12a: {  	v8 =	vld [tilespmem:s23+$0x180]  }
0x12b: {  	v9 =	vld [tilespmem:s4+$0x180];
	[tilespmem:s12+$0x10284] =	vst v2  }
0x12c: {  	[tilespmem:s12+$0x10294] =	vst v3  }
0x12d: {  	[tilespmem:s12+$0x102A4] =	vst v4  }
0x12e: {  	[tilespmem:s12+$0x102B4] =	vst v5  }
0x12f: {  	[tilespmem:s12+$0x102C4] =	vst v6  }
0x130: {  	[tilespmem:s12+$0x102D4] =	vst v7  }
0x131: {  	[tilespmem:s12+$0x102E4] =	vst v8  }
0x132: {  	[tilespmem:s12+$0x102F4] =	vst v9  }
0x133: {  	v2 =	vld [tilespmem:s8+$0x200]  }
0x134: {  	v3 =	vld [tilespmem:s11+$0x200]  }
0x135: {  	v4 =	vld [tilespmem:s13+$0x200]  }
0x136: {  	v5 =	vld [tilespmem:s15+$0x200]  }
0x137: {  	v6 =	vld [tilespmem:s16+$0x200]  }
0x138: {  	v7 =	vld [tilespmem:s22+$0x200]  }
0x139: {  	v8 =	vld [tilespmem:s23+$0x200]  }
0x13a: {  	v9 =	vld [tilespmem:s4+$0x200];
	[tilespmem:s12+$0x10890] =	vst v2  }
0x13b: {  	[tilespmem:s12+$0x108A0] =	vst v3  }
0x13c: {  	[tilespmem:s12+$0x108B0] =	vst v4  }
0x13d: {  	[tilespmem:s12+$0x108C0] =	vst v5  }
0x13e: {  	[tilespmem:s12+$0x108D0] =	vst v6  }
0x13f: {  	[tilespmem:s12+$0x108E0] =	vst v7  }
0x140: {  	[tilespmem:s12+$0x108F0] =	vst v8  }
0x141: {  	[tilespmem:s17+$0x10900] =	vst v9  }
0x142: {  	v2 =	vld [tilespmem:s8+$0x280]  }
0x143: {  	v3 =	vld [tilespmem:s11+$0x280]  }
0x144: {  	v4 =	vld [tilespmem:s13+$0x280]  }
0x145: {  	v5 =	vld [tilespmem:s15+$0x280]  }
0x146: {  	v6 =	vld [tilespmem:s16+$0x280]  }
0x147: {  	v7 =	vld [tilespmem:s22+$0x280]  }
0x148: {  	v8 =	vld [tilespmem:s23+$0x280]  }
0x149: {  	v9 =	vld [tilespmem:s4+$0x280];
	[tilespmem:s12+$0x10E9C] =	vst v2  }
0x14a: {  	[tilespmem:s12+$0x10EAC] =	vst v3  }
0x14b: {  	[tilespmem:s12+$0x10EBC] =	vst v4  }
0x14c: {  	[tilespmem:s12+$0x10ECC] =	vst v5  }
0x14d: {  	[tilespmem:s12+$0x10EDC] =	vst v6  }
0x14e: {  	[tilespmem:s12+$0x10EEC] =	vst v7  }
0x14f: {  	[tilespmem:s12+$0x10EFC] =	vst v8  }
0x150: {  	[tilespmem:s12+$0x10F0C] =	vst v9  }
0x151: {  	v2 =	vld [tilespmem:s8+$0x300]  }
0x152: {  	v3 =	vld [tilespmem:s11+$0x300]  }
0x153: {  	v4 =	vld [tilespmem:s13+$0x300]  }
0x154: {  	v5 =	vld [tilespmem:s15+$0x300]  }
0x155: {  	v6 =	vld [tilespmem:s16+$0x300]  }
0x156: {  	v7 =	vld [tilespmem:s22+$0x300]  }
0x157: {  	v8 =	vld [tilespmem:s23+$0x300]  }
0x158: {  	v9 =	vld [tilespmem:s4+$0x300];
	[tilespmem:s12+$0x114A8] =	vst v2  }
0x159: {  	[tilespmem:s12+$0x114B8] =	vst v3  }
0x15a: {  	[tilespmem:s12+$0x114C8] =	vst v4  }
0x15b: {  	[tilespmem:s12+$0x114D8] =	vst v5  }
0x15c: {  	[tilespmem:s12+$0x114E8] =	vst v6  }
0x15d: {  	[tilespmem:s12+$0x114F8] =	vst v7  }
0x15e: {  	[tilespmem:s12+$0x11508] =	vst v8  }
0x15f: {  	[tilespmem:s12+$0x11518] =	vst v9  }
0x160: {  	v2 =	vld [tilespmem:s8+$0x380]  }
0x161: {  	v3 =	vld [tilespmem:s11+$0x380]  }
0x162: {  	v4 =	vld [tilespmem:s13+$0x380]  }
0x163: {  	v5 =	vld [tilespmem:s15+$0x380]  }
0x164: {  	v6 =	vld [tilespmem:s16+$0x380]  }
0x165: {  	v7 =	vld [tilespmem:s22+$0x380]  }
0x166: {  	v8 =	vld [tilespmem:s23+$0x380]  }
0x167: {  	v9 =	vld [tilespmem:s4+$0x380];
	[tilespmem:s12+$0x11AB4] =	vst v2  }
0x168: {  	[tilespmem:s12+$0x11AC4] =	vst v3  }
0x169: {  	p1 =	sne.s32 s14, $0x5;
	[tilespmem:s12+$0x11AD4] =	vst v4  }
.Ltmp6:
0x16a: {  	[tilespmem:s12+$0x11AE4] =	vst v5;
	(pc) =	sbr.rel @p1 .LBB2_6-.Ltmp6, $4  }
0x16b: {  	[tilespmem:s12+$0x11AF4] =	vst v6  }
0x16c: {  	[tilespmem:s12+$0x11B04] =	vst v7  }
0x16d: {  	[tilespmem:s12+$0x11B14] =	vst v8  }
0x16e: {  	s14 =	sadd.s32 $0x1, s14;
	[tilespmem:s12+$0x11B24] =	vst v9  }
0x16f: {  	s14 =	sadd.s32 $0x20, s25;
	p1 =	sgt.u32 s25, $0x10B  }
0x170: {  	s4 =	smul.u32 @!p1 $0x64, s14;
	_ =	sdelay $0x1  }
0x171: {  	s7 =	rddreg [dreg:$0x0];
	s8 =	simm.s32 @!p1 $0x3AC00;
	s4 =	sand.u32 @!p1 $0x1FF80, s4  }
0x172: {  	s9 =	simm.s32 @!p1 $0x0;
	s4 =	sadd.s32 @!p1 s7, s4;
	s7 =	simm.s32 @!p1 $0x800  }
0x173: {  	[tilespmem:s9], [sflag:$0x1] =	stream.strided.gather @!p1 [hbm4b:s4+s7], $0x6000, s8, s7, $0x38;
	[tilespmem:$0x17680] =	vst v63  }
0x174: {  	_ =	swait.ge [sflag:s19], $0x6000  }
0x175: {  	[sflag:s19] =	ssyncset.done $0x0  }
0x176: {  	s6 =	sand.u32 $0xC, s6;
	s12 =	simm.s32 $0x6;
	[sflag:s19] =	ssyncadd.s32 $0xFFFFA000  }
.LBB2_8:
0x177: {  	s15 =	sshll.u32 s12, $0xC  }
0x178: {  	s16 =	sor.u32 s15, s26  }
0x179: {  	s10 =	sor.u32 s15, s28;
	v2 =	vld [tilespmem:s16+$0x0]  }
0x17a: {  	s11 =	sor.u32 s15, s29;
	v3 =	vld [tilespmem:s10+$0x0]  }
0x17b: {  	s9 =	sor.u32 s15, s30;
	v4 =	vld [tilespmem:s11+$0x0]  }
0x17c: {  	s22 =	sor.u32 s15, s31;
	v5 =	vld [tilespmem:s9+$0x0]  }
0x17d: {  	s13 =	sor.u32 s15, s3;
	v6 =	vld [tilespmem:s22+$0x0]  }
0x17e: {  	s17 =	smul.u32 $0x81, s12;
	s23 =	sor.u32 s15, s0;
	v7 =	vld [tilespmem:s13+$0x0]  }
0x17f: {  	s4 =	sor.u32 s15, s2;
	v8 =	vld [tilespmem:s23+$0x0]  }
0x180: {  	v9 =	vld [tilespmem:s4+$0x0];
	[tilespmem:s17+$0xC000] =	vst v2  }
0x181: {  	[tilespmem:s17+$0xC010] =	vst v3  }
0x182: {  	[tilespmem:s17+$0xC020] =	vst v4  }
0x183: {  	[tilespmem:s17+$0xC030] =	vst v5  }
0x184: {  	[tilespmem:s17+$0xC040] =	vst v6  }
0x185: {  	[tilespmem:s17+$0xC050] =	vst v7  }
0x186: {  	[tilespmem:s17+$0xC060] =	vst v8  }
0x187: {  	[tilespmem:s17+$0xC070] =	vst v9  }
0x188: {  	v2 =	vld [tilespmem:s16+$0x80]  }
0x189: {  	v3 =	vld [tilespmem:s10+$0x80]  }
0x18a: {  	v4 =	vld [tilespmem:s11+$0x80]  }
0x18b: {  	v5 =	vld [tilespmem:s9+$0x80]  }
0x18c: {  	v6 =	vld [tilespmem:s22+$0x80]  }
0x18d: {  	v7 =	vld [tilespmem:s13+$0x80]  }
0x18e: {  	v8 =	vld [tilespmem:s23+$0x80]  }
0x18f: {  	v9 =	vld [tilespmem:s4+$0x80];
	[tilespmem:s17+$0xC60C] =	vst v2  }
0x190: {  	[tilespmem:s17+$0xC61C] =	vst v3  }
0x191: {  	[tilespmem:s17+$0xC62C] =	vst v4  }
0x192: {  	[tilespmem:s17+$0xC63C] =	vst v5  }
0x193: {  	[tilespmem:s17+$0xC64C] =	vst v6  }
0x194: {  	[tilespmem:s17+$0xC65C] =	vst v7  }
0x195: {  	[tilespmem:s17+$0xC66C] =	vst v8  }
0x196: {  	[tilespmem:s17+$0xC67C] =	vst v9  }
0x197: {  	v2 =	vld [tilespmem:s16+$0x100]  }
0x198: {  	v3 =	vld [tilespmem:s10+$0x100]  }
0x199: {  	v4 =	vld [tilespmem:s11+$0x100]  }
0x19a: {  	v5 =	vld [tilespmem:s9+$0x100]  }
0x19b: {  	v6 =	vld [tilespmem:s22+$0x100]  }
0x19c: {  	v7 =	vld [tilespmem:s13+$0x100]  }
0x19d: {  	v8 =	vld [tilespmem:s23+$0x100]  }
0x19e: {  	v9 =	vld [tilespmem:s4+$0x100];
	[tilespmem:s17+$0xCC18] =	vst v2  }
0x19f: {  	[tilespmem:s17+$0xCC28] =	vst v3  }
0x1a0: {  	[tilespmem:s17+$0xCC38] =	vst v4  }
0x1a1: {  	[tilespmem:s17+$0xCC48] =	vst v5  }
0x1a2: {  	[tilespmem:s17+$0xCC58] =	vst v6  }
0x1a3: {  	[tilespmem:s17+$0xCC68] =	vst v7  }
0x1a4: {  	[tilespmem:s17+$0xCC78] =	vst v8  }
0x1a5: {  	[tilespmem:s17+$0xCC88] =	vst v9  }
0x1a6: {  	v2 =	vld [tilespmem:s16+$0x180]  }
0x1a7: {  	v3 =	vld [tilespmem:s10+$0x180]  }
0x1a8: {  	v4 =	vld [tilespmem:s11+$0x180]  }
0x1a9: {  	v5 =	vld [tilespmem:s9+$0x180]  }
0x1aa: {  	v6 =	vld [tilespmem:s22+$0x180]  }
0x1ab: {  	v7 =	vld [tilespmem:s13+$0x180]  }
0x1ac: {  	v8 =	vld [tilespmem:s23+$0x180]  }
0x1ad: {  	v9 =	vld [tilespmem:s4+$0x180];
	[tilespmem:s17+$0xD224] =	vst v2  }
0x1ae: {  	[tilespmem:s17+$0xD234] =	vst v3  }
0x1af: {  	[tilespmem:s17+$0xD244] =	vst v4  }
0x1b0: {  	[tilespmem:s17+$0xD254] =	vst v5  }
0x1b1: {  	[tilespmem:s17+$0xD264] =	vst v6  }
0x1b2: {  	[tilespmem:s17+$0xD274] =	vst v7  }
0x1b3: {  	[tilespmem:s17+$0xD284] =	vst v8  }
0x1b4: {  	[tilespmem:s17+$0xD294] =	vst v9  }
0x1b5: {  	v2 =	vld [tilespmem:s16+$0x200]  }
0x1b6: {  	v3 =	vld [tilespmem:s10+$0x200]  }
0x1b7: {  	v4 =	vld [tilespmem:s11+$0x200]  }
0x1b8: {  	v5 =	vld [tilespmem:s9+$0x200]  }
0x1b9: {  	v6 =	vld [tilespmem:s22+$0x200]  }
0x1ba: {  	v7 =	vld [tilespmem:s13+$0x200]  }
0x1bb: {  	v8 =	vld [tilespmem:s23+$0x200]  }
0x1bc: {  	v9 =	vld [tilespmem:s4+$0x200];
	[tilespmem:s17+$0xD830] =	vst v2  }
0x1bd: {  	[tilespmem:s17+$0xD840] =	vst v3  }
0x1be: {  	[tilespmem:s17+$0xD850] =	vst v4  }
0x1bf: {  	[tilespmem:s17+$0xD860] =	vst v5  }
0x1c0: {  	s8 =	sand.u32 $0x7FF, s17;
	[tilespmem:s17+$0xD870] =	vst v6  }
0x1c1: {  	[tilespmem:s8+$0xD880] =	vst v7  }
0x1c2: {  	[tilespmem:s17+$0xD890] =	vst v8  }
0x1c3: {  	[tilespmem:s17+$0xD8A0] =	vst v9  }
0x1c4: {  	v2 =	vld [tilespmem:s16+$0x280]  }
0x1c5: {  	v3 =	vld [tilespmem:s10+$0x280]  }
0x1c6: {  	v4 =	vld [tilespmem:s11+$0x280]  }
0x1c7: {  	v5 =	vld [tilespmem:s9+$0x280]  }
0x1c8: {  	v6 =	vld [tilespmem:s22+$0x280]  }
0x1c9: {  	v7 =	vld [tilespmem:s13+$0x280]  }
0x1ca: {  	v8 =	vld [tilespmem:s23+$0x280]  }
0x1cb: {  	v9 =	vld [tilespmem:s4+$0x280];
	[tilespmem:s17+$0xDE3C] =	vst v2  }
0x1cc: {  	[tilespmem:s17+$0xDE4C] =	vst v3  }
0x1cd: {  	[tilespmem:s17+$0xDE5C] =	vst v4  }
0x1ce: {  	[tilespmem:s17+$0xDE6C] =	vst v5  }
0x1cf: {  	[tilespmem:s17+$0xDE7C] =	vst v6  }
0x1d0: {  	[tilespmem:s17+$0xDE8C] =	vst v7  }
0x1d1: {  	[tilespmem:s17+$0xDE9C] =	vst v8  }
0x1d2: {  	[tilespmem:s17+$0xDEAC] =	vst v9  }
0x1d3: {  	v2 =	vld [tilespmem:s16+$0x300]  }
0x1d4: {  	v3 =	vld [tilespmem:s10+$0x300]  }
0x1d5: {  	v4 =	vld [tilespmem:s11+$0x300]  }
0x1d6: {  	v5 =	vld [tilespmem:s9+$0x300]  }
0x1d7: {  	v6 =	vld [tilespmem:s22+$0x300]  }
0x1d8: {  	v7 =	vld [tilespmem:s13+$0x300]  }
0x1d9: {  	v8 =	vld [tilespmem:s23+$0x300]  }
0x1da: {  	v9 =	vld [tilespmem:s4+$0x300];
	[tilespmem:s17+$0xE448] =	vst v2  }
0x1db: {  	[tilespmem:s17+$0xE458] =	vst v3  }
0x1dc: {  	[tilespmem:s17+$0xE468] =	vst v4  }
0x1dd: {  	[tilespmem:s17+$0xE478] =	vst v5  }
0x1de: {  	[tilespmem:s17+$0xE488] =	vst v6  }
0x1df: {  	[tilespmem:s17+$0xE498] =	vst v7  }
0x1e0: {  	[tilespmem:s17+$0xE4A8] =	vst v8  }
0x1e1: {  	[tilespmem:s17+$0xE4B8] =	vst v9  }
0x1e2: {  	v2 =	vld [tilespmem:s16+$0x380]  }
0x1e3: {  	v3 =	vld [tilespmem:s10+$0x380]  }
0x1e4: {  	v4 =	vld [tilespmem:s11+$0x380]  }
0x1e5: {  	v5 =	vld [tilespmem:s9+$0x380]  }
0x1e6: {  	v6 =	vld [tilespmem:s22+$0x380]  }
0x1e7: {  	v7 =	vld [tilespmem:s13+$0x380]  }
0x1e8: {  	v8 =	vld [tilespmem:s23+$0x380]  }
0x1e9: {  	v9 =	vld [tilespmem:s4+$0x380];
	[tilespmem:s17+$0xEA54] =	vst v2  }
0x1ea: {  	[tilespmem:s17+$0xEA64] =	vst v3  }
0x1eb: {  	[tilespmem:s17+$0xEA74] =	vst v4  }
0x1ec: {  	[tilespmem:s17+$0xEA84] =	vst v5  }
0x1ed: {  	[tilespmem:s17+$0xEA94] =	vst v6  }
0x1ee: {  	[tilespmem:s17+$0xEAA4] =	vst v7  }
0x1ef: {  	s7 =	sor.u32 $0x800, s15;
	[tilespmem:s17+$0xEAB4] =	vst v8  }
0x1f0: {  	s9 =	sor.u32 s7, s26;
	[tilespmem:s17+$0xEAC4] =	vst v9  }
0x1f1: {  	s11 =	sor.u32 s7, s28;
	v2 =	vld [tilespmem:s9+$0x0]  }
0x1f2: {  	s13 =	sor.u32 s7, s29;
	v3 =	vld [tilespmem:s11+$0x0]  }
0x1f3: {  	s16 =	sor.u32 s7, s30;
	v4 =	vld [tilespmem:s13+$0x0]  }
0x1f4: {  	s15 =	sor.u32 s7, s31;
	v5 =	vld [tilespmem:s16+$0x0]  }
0x1f5: {  	s4 =	sor.u32 s7, s3;
	v6 =	vld [tilespmem:s15+$0x0]  }
0x1f6: {  	s22 =	sor.u32 s7, s0;
	v7 =	vld [tilespmem:s4+$0x0]  }
0x1f7: {  	s23 =	sor.u32 s7, s2;
	v8 =	vld [tilespmem:s22+$0x0]  }
0x1f8: {  	v9 =	vld [tilespmem:s23+$0x0];
	[tilespmem:s17+$0xF060] =	vst v2  }
0x1f9: {  	[tilespmem:s17+$0xF070] =	vst v3  }
0x1fa: {  	[tilespmem:s8+$0xF080] =	vst v4  }
0x1fb: {  	[tilespmem:s17+$0xF090] =	vst v5  }
0x1fc: {  	[tilespmem:s17+$0xF0A0] =	vst v6  }
0x1fd: {  	[tilespmem:s17+$0xF0B0] =	vst v7  }
0x1fe: {  	[tilespmem:s17+$0xF0C0] =	vst v8  }
0x1ff: {  	[tilespmem:s17+$0xF0D0] =	vst v9  }
0x200: {  	v2 =	vld [tilespmem:s9+$0x80]  }
0x201: {  	v3 =	vld [tilespmem:s11+$0x80]  }
0x202: {  	v4 =	vld [tilespmem:s13+$0x80]  }
0x203: {  	v5 =	vld [tilespmem:s16+$0x80]  }
0x204: {  	v6 =	vld [tilespmem:s15+$0x80]  }
0x205: {  	v7 =	vld [tilespmem:s4+$0x80]  }
0x206: {  	v8 =	vld [tilespmem:s22+$0x80]  }
0x207: {  	v9 =	vld [tilespmem:s23+$0x80];
	[tilespmem:s17+$0xF66C] =	vst v2  }
0x208: {  	[tilespmem:s17+$0xF67C] =	vst v3  }
0x209: {  	[tilespmem:s17+$0xF68C] =	vst v4  }
0x20a: {  	[tilespmem:s17+$0xF69C] =	vst v5  }
0x20b: {  	[tilespmem:s17+$0xF6AC] =	vst v6  }
0x20c: {  	[tilespmem:s17+$0xF6BC] =	vst v7  }
0x20d: {  	[tilespmem:s17+$0xF6CC] =	vst v8  }
0x20e: {  	[tilespmem:s17+$0xF6DC] =	vst v9  }
0x20f: {  	v2 =	vld [tilespmem:s9+$0x100]  }
0x210: {  	v3 =	vld [tilespmem:s11+$0x100]  }
0x211: {  	v4 =	vld [tilespmem:s13+$0x100]  }
0x212: {  	v5 =	vld [tilespmem:s16+$0x100]  }
0x213: {  	v6 =	vld [tilespmem:s15+$0x100]  }
0x214: {  	v7 =	vld [tilespmem:s4+$0x100]  }
0x215: {  	v8 =	vld [tilespmem:s22+$0x100]  }
0x216: {  	v9 =	vld [tilespmem:s23+$0x100];
	[tilespmem:s17+$0xFC78] =	vst v2  }
0x217: {  	[tilespmem:s17+$0xFC88] =	vst v3  }
0x218: {  	[tilespmem:s17+$0xFC98] =	vst v4  }
0x219: {  	[tilespmem:s17+$0xFCA8] =	vst v5  }
0x21a: {  	[tilespmem:s17+$0xFCB8] =	vst v6  }
0x21b: {  	[tilespmem:s17+$0xFCC8] =	vst v7  }
0x21c: {  	[tilespmem:s17+$0xFCD8] =	vst v8  }
0x21d: {  	[tilespmem:s17+$0xFCE8] =	vst v9  }
0x21e: {  	v2 =	vld [tilespmem:s9+$0x180]  }
0x21f: {  	v3 =	vld [tilespmem:s11+$0x180]  }
0x220: {  	v4 =	vld [tilespmem:s13+$0x180]  }
0x221: {  	v5 =	vld [tilespmem:s16+$0x180]  }
0x222: {  	v6 =	vld [tilespmem:s15+$0x180]  }
0x223: {  	v7 =	vld [tilespmem:s4+$0x180]  }
0x224: {  	v8 =	vld [tilespmem:s22+$0x180]  }
0x225: {  	v9 =	vld [tilespmem:s23+$0x180];
	[tilespmem:s17+$0x10284] =	vst v2  }
0x226: {  	[tilespmem:s17+$0x10294] =	vst v3  }
0x227: {  	[tilespmem:s17+$0x102A4] =	vst v4  }
0x228: {  	[tilespmem:s17+$0x102B4] =	vst v5  }
0x229: {  	[tilespmem:s17+$0x102C4] =	vst v6  }
0x22a: {  	[tilespmem:s17+$0x102D4] =	vst v7  }
0x22b: {  	[tilespmem:s17+$0x102E4] =	vst v8  }
0x22c: {  	[tilespmem:s17+$0x102F4] =	vst v9  }
0x22d: {  	v2 =	vld [tilespmem:s9+$0x200]  }
0x22e: {  	v3 =	vld [tilespmem:s11+$0x200]  }
0x22f: {  	v4 =	vld [tilespmem:s13+$0x200]  }
0x230: {  	v5 =	vld [tilespmem:s16+$0x200]  }
0x231: {  	v6 =	vld [tilespmem:s15+$0x200]  }
0x232: {  	v7 =	vld [tilespmem:s4+$0x200]  }
0x233: {  	v8 =	vld [tilespmem:s22+$0x200]  }
0x234: {  	v9 =	vld [tilespmem:s23+$0x200];
	[tilespmem:s17+$0x10890] =	vst v2  }
0x235: {  	[tilespmem:s17+$0x108A0] =	vst v3  }
0x236: {  	[tilespmem:s17+$0x108B0] =	vst v4  }
0x237: {  	[tilespmem:s17+$0x108C0] =	vst v5  }
0x238: {  	[tilespmem:s17+$0x108D0] =	vst v6  }
0x239: {  	[tilespmem:s17+$0x108E0] =	vst v7  }
0x23a: {  	[tilespmem:s17+$0x108F0] =	vst v8  }
0x23b: {  	[tilespmem:s8+$0x10900] =	vst v9  }
0x23c: {  	v2 =	vld [tilespmem:s9+$0x280]  }
0x23d: {  	v3 =	vld [tilespmem:s11+$0x280]  }
0x23e: {  	v4 =	vld [tilespmem:s13+$0x280]  }
0x23f: {  	v5 =	vld [tilespmem:s16+$0x280]  }
0x240: {  	v6 =	vld [tilespmem:s15+$0x280]  }
0x241: {  	v7 =	vld [tilespmem:s4+$0x280]  }
0x242: {  	v8 =	vld [tilespmem:s22+$0x280]  }
0x243: {  	v9 =	vld [tilespmem:s23+$0x280];
	[tilespmem:s17+$0x10E9C] =	vst v2  }
0x244: {  	[tilespmem:s17+$0x10EAC] =	vst v3  }
0x245: {  	[tilespmem:s17+$0x10EBC] =	vst v4  }
0x246: {  	[tilespmem:s17+$0x10ECC] =	vst v5  }
0x247: {  	[tilespmem:s17+$0x10EDC] =	vst v6  }
0x248: {  	[tilespmem:s17+$0x10EEC] =	vst v7  }
0x249: {  	[tilespmem:s17+$0x10EFC] =	vst v8  }
0x24a: {  	[tilespmem:s17+$0x10F0C] =	vst v9  }
0x24b: {  	v2 =	vld [tilespmem:s9+$0x300]  }
0x24c: {  	v3 =	vld [tilespmem:s11+$0x300]  }
0x24d: {  	v4 =	vld [tilespmem:s13+$0x300]  }
0x24e: {  	v5 =	vld [tilespmem:s16+$0x300]  }
0x24f: {  	v6 =	vld [tilespmem:s15+$0x300]  }
0x250: {  	v7 =	vld [tilespmem:s4+$0x300]  }
0x251: {  	v8 =	vld [tilespmem:s22+$0x300]  }
0x252: {  	v9 =	vld [tilespmem:s23+$0x300];
	[tilespmem:s17+$0x114A8] =	vst v2  }
0x253: {  	[tilespmem:s17+$0x114B8] =	vst v3  }
0x254: {  	[tilespmem:s17+$0x114C8] =	vst v4  }
0x255: {  	[tilespmem:s17+$0x114D8] =	vst v5  }
0x256: {  	[tilespmem:s17+$0x114E8] =	vst v6  }
0x257: {  	[tilespmem:s17+$0x114F8] =	vst v7  }
0x258: {  	[tilespmem:s17+$0x11508] =	vst v8  }
0x259: {  	[tilespmem:s17+$0x11518] =	vst v9  }
0x25a: {  	v2 =	vld [tilespmem:s9+$0x380]  }
0x25b: {  	v3 =	vld [tilespmem:s11+$0x380]  }
0x25c: {  	v4 =	vld [tilespmem:s13+$0x380]  }
0x25d: {  	v5 =	vld [tilespmem:s16+$0x380]  }
0x25e: {  	v6 =	vld [tilespmem:s15+$0x380]  }
0x25f: {  	v7 =	vld [tilespmem:s4+$0x380]  }
0x260: {  	v8 =	vld [tilespmem:s22+$0x380]  }
0x261: {  	v9 =	vld [tilespmem:s23+$0x380];
	[tilespmem:s17+$0x11AB4] =	vst v2  }
0x262: {  	[tilespmem:s17+$0x11AC4] =	vst v3  }
0x263: {  	p2 =	sne.s32 s12, $0xB;
	[tilespmem:s17+$0x11AD4] =	vst v4  }
.Ltmp7:
0x264: {  	[tilespmem:s17+$0x11AE4] =	vst v5;
	(pc) =	sbr.rel @p2 .LBB2_8-.Ltmp7, $4  }
0x265: {  	[tilespmem:s17+$0x11AF4] =	vst v6  }
0x266: {  	[tilespmem:s17+$0x11B04] =	vst v7  }
0x267: {  	[tilespmem:s17+$0x11B14] =	vst v8  }
0x268: {  	s12 =	sadd.s32 $0x1, s12;
	[tilespmem:s17+$0x11B24] =	vst v9  }
0x269: {  	s0 =	smul.u32 @!p1 $0x320, s14;
	_ =	sdelay $0x1  }
0x26a: {  	s0 =	sand.u32 @!p1 $0xFFC00, s0  }
0x26b: {  	s2 =	rddreg [dreg:$0x0];
	s0 =	sshrl.u32 @!p1 s0, $0x3  }
0x26c: {  	s3 =	simm.s32 @!p1 $0x3AC00;
	s0 =	sadd.s32 @!p1 s2, s0  }
0x26d: {  	s4 =	simm.s32 @!p1 $0x6000;
	s2 =	simm.s32 @!p1 $0x800;
	s0 =	sadd.s32 @!p1 $0x58200, s0  }
0x26e: {  	[tilespmem:s4], [sflag:$0x2] =	stream.strided.gather @!p1 [hbm4b:s0+s2], $0x6000, s3, s2, $0x38;
	[tilespmem:$0x17680] =	vst v63  }
0x26f: {  	p1 =	seq.s32 s24, $0x0  }
0x270: {  	s0 =	simm.s32 @!p1 $0x3  }
0x271: {  	_ =	swait.ge @!p1 [sflag:s0], $0x5000  }
0x272: {  	[sflag:s0] =	ssyncset.done @!p1 $0x0  }
0x273: {  	s26 =	simm.s32 $0x17100;
	[sflag:s0] =	ssyncadd.s32 @!p1 $0xFFFFB000  }
0x274: {  	v3 =	vld [tilespmem:s26+$0x0];
	_ =	sdelay $0x3  }
0x275: {  	v2 =	vmov s6  }
0x276: {  	v10 =	vadd.s32 v2, v3  }
0x277: {  	v3 =	vadd.s32 $0xC18, v10  }
0x278: {  	v4 =	vadd.s32 $0x54A8, v10  }
0x279: {  	v6 =	vadd.s32 $0x1830, v10  }
0x27a: {  	v8 =	vadd.s32 $0x4890, v10  }
0x27b: {  	v9 =	vadd.s32 $0x2A54, v10;
	v5 =	vld.idx.msk [tilespmem:v10+s20+$0x0], $0xffff  }
0x27c: {  	v11 =	vadd.s32 $0x60C, v10;
	v7 =	vld.idx.msk [tilespmem:v3+s20+$0x0], $0xffff  }
0x27d: {  	v12 =	vadd.s32 $0x3060, v10;
	v3 =	vld.idx.msk [tilespmem:v4+s20+$0x0], $0xffff  }
0x27e: {  	v13 =	vadd.s32 $0x1E3C, v10;
	v17 =	vld.idx.msk [tilespmem:v6+s20+$0x0], $0xffff  }
0x27f: {  	v15 =	vadd.s32 $0x366C, v10;
	v4 =	vld.idx.msk [tilespmem:v8+s20+$0x0], $0xffff  }
0x280: {  	v16 =	vadd.s32 $0x1224, v10;
	v6 =	vld.idx.msk [tilespmem:v9+s20+$0x0], $0xffff  }
0x281: {  	v18 =	vadd.s32 $0x3C78, v10;
	v14 =	vld.idx.msk [tilespmem:v11+s20+$0x0], $0xffff  }
0x282: {  	v19 =	vadd.s32 $0x4284, v10;
	v8 =	vld.idx.msk [tilespmem:v12+s20+$0x0], $0xffff  }
0x283: {  	v20 =	vadd.s32 $0x5AB4, v10;
	v21 =	vld.idx.msk [tilespmem:v13+s20+$0x0], $0xffff  }
0x284: {  	v22 =	vadd.s32 $0x2448, v10;
	v9 =	vld.idx.msk [tilespmem:v15+s20+$0x0], $0xffff  }
0x285: {  	v13 =	vadd.s32 $0x4E9C, v10;
	v15 =	vld.idx.msk [tilespmem:v16+s20+$0x0], $0xffff  }
0x286: {  	s28 =	simm.s32 $0x0;
	s12 =	simm.s32 $0x1;
	s14 =	simm.s32 $0x80;
	v11 =	vld.idx.msk [tilespmem:v18+s20+$0x0], $0xffff  }
0x287: {  	s10 =	simm.s32 $0x17110;
	s29 =	sand.u32 $0x3C00, s28;
	s2 =	sand.u32 $0x70, s28;
	v12 =	vld.idx.msk [tilespmem:v19+s20+$0x0], $0xffff  }
0x288: {  	s9 =	simm.s32 $0x20;
	s8 =	simm.s32 $0x17110;
	s13 =	sor.u32 s2, s29;
	v10 =	vld.idx.msk [tilespmem:v20+s20+$0x0], $0xffff  }
0x289: {  	s30 =	sand.u32 $0x7, s28;
	s31 =	sand.u32 $0x7, s12;
	s15 =	sadd.s32 $0x12100, s13;
	v16 =	vld.idx.msk [tilespmem:v22+s20+$0x0], $0xffff  }
0x28a: {  	s4 =	sshll.u32 s30, $0x4;
	s3 =	sand.u32 $0x3C00, s14;
	s2 =	sshll.u32 s31, $0x4;
	v13 =	vld.idx.msk [tilespmem:v13+s20+$0x0], $0xffff;
	[tilespmem:s15+$0x280] =	vst v21  }
0x28b: {  	s6 =	sadd.s32 $0x0, s4;
	s2 =	sadd.s32 $0x80, s2;
	s0 =	simm.s32 $0x10;
	[tilespmem:s15+$0x200] =	vst v17  }
.LBB2_10:
0x28c: {  	s14 =	sadd.s32 $0x80, s14  }
0x28d: {  	s12 =	sadd.s32 $0x1, s12;
	s10 =	sadd.s32 $0x10, s10;
	[tilespmem:s15+$0x80] =	vst v14;
	s11 =	smov.u32 s9  }
0x28e: {  	p1 =	sne.s32 s9, $0x4A0;
	s9 =	sadd.s32 $0x10, s9;
	s4 =	sand.u32 $0x3C00, s14;
	[tilespmem:s15+$0x100] =	vst v7  }
0x28f: {  	s7 =	sand.u32 $0x7, s12;
	[tilespmem:s15+$0x180] =	vst v15  }
0x290: {  	s7 =	sshll.u32 s7, $0x4;
	[tilespmem:s15+$0x300] =	vst v16  }
0x291: {  	s15 =	sor.u32 $0x380, s6;
	s6 =	smov.u32 s2;
	s2 =	sadd.s32 s7, s14;
	[tilespmem:s13+$0x12100] =	vst v5  }
0x292: {  	[tilespmem:s15+$0x12100] =	vst v6  }
0x293: {  	[tilespmem:s13+$0x14900] =	vst v8  }
0x294: {  	[tilespmem:s13+$0x14980] =	vst v9  }
0x295: {  	[tilespmem:s13+$0x14A00] =	vst v11  }
0x296: {  	[tilespmem:s13+$0x14A80] =	vst v12  }
0x297: {  	[tilespmem:s13+$0x14B00] =	vst v4  }
0x298: {  	[tilespmem:s13+$0x14B80] =	vst v13  }
0x299: {  	[tilespmem:s13+$0x14C00] =	vst v3  }
0x29a: {  	[tilespmem:s13+$0x14C80] =	vst v10  }
0x29b: {  	v3 =	vld [tilespmem:s8+$0x0];
	s8 =	smov.u32 s10;
	_ =	sdelay $0x4  }
0x29c: {  	v9 =	vadd.s32 v2, v3  }
0x29d: {  	v8 =	vadd.s32 $0x60C, v9;
	v3 =	vadd.s32 $0xC18, v9;
	v4 =	vadd.s32 $0x54A8, v9  }
0x29e: {  	v10 =	vadd.s32 $0x1224, v9;
	v6 =	vadd.s32 $0x1830, v9;
	v11 =	vadd.s32 $0x1E3C, v9  }
0x29f: {  	v12 =	vadd.s32 $0x2A54, v9;
	v13 =	vadd.s32 $0x3060, v9;
	v14 =	vadd.s32 $0x4890, v9  }
0x2a0: {  	v16 =	vadd.s32 $0x2448, v9;
	v15 =	vadd.s32 $0x366C, v9;
	v17 =	vadd.s32 $0x3C78, v9  }
0x2a1: {  	v18 =	vadd.s32 $0x4284, v9;
	v5 =	vld.idx.msk [tilespmem:v9+s20+$0x0], $0xffff  }
0x2a2: {  	v19 =	vadd.s32 $0x5AB4, v9;
	v7 =	vld.idx.msk [tilespmem:v3+s20+$0x0], $0xffff  }
0x2a3: {  	v3 =	vld.idx.msk [tilespmem:v4+s20+$0x0], $0xffff  }
0x2a4: {  	v20 =	vld.idx.msk [tilespmem:v6+s20+$0x0], $0xffff  }
0x2a5: {  	v4 =	vld.idx.msk [tilespmem:v14+s20+$0x0], $0xffff  }
0x2a6: {  	v6 =	vld.idx.msk [tilespmem:v12+s20+$0x0], $0xffff  }
0x2a7: {  	v14 =	vld.idx.msk [tilespmem:v8+s20+$0x0], $0xffff  }
0x2a8: {  	v8 =	vld.idx.msk [tilespmem:v13+s20+$0x0], $0xffff  }
0x2a9: {  	v13 =	vadd.s32 $0x4E9C, v9;
	v21 =	vld.idx.msk [tilespmem:v11+s20+$0x0], $0xffff  }
0x2aa: {  	v9 =	vld.idx.msk [tilespmem:v15+s20+$0x0], $0xffff  }
0x2ab: {  	v15 =	vld.idx.msk [tilespmem:v10+s20+$0x0], $0xffff  }
0x2ac: {  	v11 =	vld.idx.msk [tilespmem:v17+s20+$0x0], $0xffff  }
0x2ad: {  	v12 =	vld.idx.msk [tilespmem:v18+s20+$0x0], $0xffff  }
.Ltmp8:
0x2ae: {  	s7 =	sand.u32 $0x70, s0;
	s0 =	smov.u32 s11;
	v10 =	vld.idx.msk [tilespmem:v19+s20+$0x0], $0xffff;
	(pc) =	sbr.rel @p1 .LBB2_10-.Ltmp8, $4  }
0x2af: {  	s13 =	sor.u32 s7, s3;
	s3 =	smov.u32 s4;
	v13 =	vld.idx.msk [tilespmem:v13+s20+$0x0], $0xffff  }
0x2b0: {  	s15 =	sadd.s32 $0x12100, s13;
	v16 =	vld.idx.msk [tilespmem:v16+s20+$0x0], $0xffff  }
0x2b1: {  	[tilespmem:s15+$0x280] =	vst v21  }
0x2b2: {  	[tilespmem:s15+$0x200] =	vst v20  }
0x2b3: {  	[tilespmem:s15+$0x80] =	vst v14  }
0x2b4: {  	[tilespmem:s15+$0x100] =	vst v7  }
0x2b5: {  	[tilespmem:s15+$0x180] =	vst v15  }
0x2b6: {  	[tilespmem:s13+$0x12100] =	vst v5  }
0x2b7: {  	s4 =	sor.u32 $0x380, s6;
	[tilespmem:s15+$0x300] =	vst v16  }
0x2b8: {  	[tilespmem:s4+$0x12100] =	vst v6  }
0x2b9: {  	[tilespmem:s13+$0x14900] =	vst v8  }
0x2ba: {  	[tilespmem:s13+$0x14980] =	vst v9  }
0x2bb: {  	[tilespmem:s13+$0x14A00] =	vst v11  }
0x2bc: {  	[tilespmem:s13+$0x14A80] =	vst v12  }
0x2bd: {  	[tilespmem:s13+$0x14B00] =	vst v4  }
0x2be: {  	[tilespmem:s13+$0x14B80] =	vst v13  }
0x2bf: {  	[tilespmem:s13+$0x14C00] =	vst v3  }
0x2c0: {  	[tilespmem:s13+$0x14C80] =	vst v10  }
0x2c1: {  	v3 =	vld [tilespmem:s8+$0x0];
	_ =	sdelay $0x4  }
0x2c2: {  	v2 =	vadd.s32 v2, v3  }
0x2c3: {  	v3 =	vadd.s32 $0xC18, v2  }
0x2c4: {  	v52 =	vadd.s32 $0x54A8, v2  }
0x2c5: {  	v53 =	vadd.s32 $0x1830, v2  }
0x2c6: {  	v54 =	vadd.s32 $0x4890, v2  }
0x2c7: {  	v55 =	vadd.s32 $0x2A54, v2;
	v8 =	vld.idx.msk [tilespmem:v2+s20+$0x0], $0xffff  }
0x2c8: {  	v56 =	vadd.s32 $0x60C, v2;
	v3 =	vld.idx.msk [tilespmem:v3+s20+$0x0], $0xffff  }
0x2c9: {  	v57 =	vadd.s32 $0x3060, v2;
	v4 =	vld.idx.msk [tilespmem:v52+s20+$0x0], $0xffff  }
0x2ca: {  	v58 =	vadd.s32 $0x1E3C, v2;
	v5 =	vld.idx.msk [tilespmem:v53+s20+$0x0], $0xffff  }
0x2cb: {  	v59 =	vadd.s32 $0x366C, v2;
	v6 =	vld.idx.msk [tilespmem:v54+s20+$0x0], $0xffff  }
0x2cc: {  	v60 =	vadd.s32 $0x1224, v2;
	v7 =	vld.idx.msk [tilespmem:v55+s20+$0x0], $0xffff  }
0x2cd: {  	v61 =	vadd.s32 $0x3C78, v2;
	v9 =	vld.idx.msk [tilespmem:v56+s20+$0x0], $0xffff  }
0x2ce: {  	v62 =	vadd.s32 $0x4284, v2;
	v10 =	vld.idx.msk [tilespmem:v57+s20+$0x0], $0xffff  }
0x2cf: {  	v63 =	vadd.s32 $0x5AB4, v2;
	v11 =	vld.idx.msk [tilespmem:v58+s20+$0x0], $0xffff  }
0x2d0: {  	v17 =	vadd.s32 $0x4E9C, v2;
	v12 =	vld.idx.msk [tilespmem:v59+s20+$0x0], $0xffff  }
0x2d1: {  	v2 =	vadd.s32 $0x2448, v2;
	v13 =	vld.idx.msk [tilespmem:v60+s20+$0x0], $0xffff  }
0x2d2: {  	v14 =	vld.idx.msk [tilespmem:v61+s20+$0x0], $0xffff  }
0x2d3: {  	v15 =	vld.idx.msk [tilespmem:v62+s20+$0x0], $0xffff  }
0x2d4: {  	s0 =	sand.u32 $0x70, s0;
	v16 =	vld.idx.msk [tilespmem:v63+s20+$0x0], $0xffff  }
0x2d5: {  	s0 =	sor.u32 s0, s3;
	v17 =	vld.idx.msk [tilespmem:v17+s20+$0x0], $0xffff  }
0x2d6: {  	s3 =	sadd.s32 $0x12100, s0;
	v2 =	vld.idx.msk [tilespmem:v2+s20+$0x0], $0xffff;
	[tilespmem:s0+$0x12100] =	vst v8  }
0x2d7: {  	[tilespmem:s3+$0x280] =	vst v11  }
0x2d8: {  	[tilespmem:s3+$0x200] =	vst v5  }
0x2d9: {  	[tilespmem:s3+$0x80] =	vst v9  }
0x2da: {  	[tilespmem:s3+$0x100] =	vst v3  }
0x2db: {  	[tilespmem:s3+$0x180] =	vst v13  }
0x2dc: {  	s2 =	sor.u32 $0x380, s2;
	[tilespmem:s3+$0x300] =	vst v2  }
0x2dd: {  	[tilespmem:s2+$0x12100] =	vst v7  }
0x2de: {  	[tilespmem:s0+$0x14900] =	vst v10  }
0x2df: {  	[tilespmem:s0+$0x14980] =	vst v12  }
0x2e0: {  	[tilespmem:s0+$0x14A00] =	vst v14  }
0x2e1: {  	[tilespmem:s0+$0x14A80] =	vst v15  }
.Ltmp9:
0x2e2: {  	[tilespmem:s0+$0x14B00] =	vst v6;
	(pc) =	sbr.rel .LBB2_12-.Ltmp9, $4  }
0x2e3: {  	s29 =	smul.u32 $0xA00, s25;
	[tilespmem:s0+$0x14B80] =	vst v17  }
0x2e4: {  	[tilespmem:s0+$0x14C00] =	vst v4  }
0x2e5: {  	s31 =	simm.s32 $0x12100;
	s30 =	sadd.s32 s21, s29;
	[tilespmem:s0+$0x14C80] =	vst v16  }
0x2e6: {  	[hbm4b:s30+s1] =	stream.linear.scatter [tilespmem:s31], [sflag:$0x3], $0x5000, $0x38;
	[tilespmem:$0x17680] =	vst v63  }
.LBB2_14:
0x2e7: {  	_ =	sfence.sel $0x180000  }
0x2e8: {  	[bflag:$0x0] =	sbarrier.arrive $0xFFFF  }
0x2e9: {  	_ =	strace $0x90000047  }
0x2ea: {  	s0 =	stileid.u32;
	[bflag:$0x2] =	sbarrier.arrive $0xFFFF  }
0x2eb: {  	p0 =	sne.s32 s0, $0x0;
	s0 =	rddreg [dreg:$0x5]  }
0x2ec: {  	s0 =	sadd.s32 @!p0 $0x100000, s0  }
0x2ed: {  	[sflag:s0] =	ssyncadd.tile.s32 @!p0 $0x1;
	_ =	shalt  }
.Lfunc_end2:
_tile_overlayer_lowered:
.L_overlay_start_2:
0x2ee: {  	(tag) =	ssettag $0x2  }
0x2ef: {  	s0 =	rddreg [dreg:$0x0];
	s2 =	stileid.u32  }
0x2f0: {  	s1 =	rddreg [dreg:$0x1];
	p0 =	sne.s32 s2, $0x0  }
0x2f1: {  	s3 =	rddreg [dreg:$0x2];
	[bflag:$0x3] =	sbarrier.arrive $0xFFFF;
	s2 =	simm.s32 @!p0 $0x1C04  }
0x2f2: {  	[timem:s3], [sflag:s2] =	dma.local @!p0 [hbm:s0], s1  }
0x2f3: {  	s0 =	simm.s32 @!p0 $0x4  }
0x2f4: {  	_ =	swait.ge @!p0 [sflag:s0], s1  }
0x2f5: {  	s1 =	ssub.s32 @!p0 $0x0, s1;
	[sflag:s0] =	ssyncset.done @!p0 $0x0  }
0x2f6: {  	[sflag:s0] =	ssyncadd.s32 @!p0 s1  }
0x2f7: {  	[bflag:$0x3] =	sbarrier.arrive $0xFFFF  }
0x2f8: {  	_ =	shalt  }

</sc_bundles>
